<compile_context>
chip_gen: v7x
topology: tpu7x:2x2x1
jax: 0.10.2.dev20260603
libtpu: 0.0.44.dev20260713+nightly
codegen_flags: <defaults>
</compile_context>

<pallas_src>
import functools

import jax
import jax.numpy as jnp
from jax import lax
from jax.experimental import pallas as pl
from jax.experimental.pallas import tpu as pltpu
from jax.experimental.pallas import tpu_sc as plsc

F32 = jnp.float32
I32 = jnp.int32

N = 10000
NP = 10240
E = 160000
EP = 163840
EMB = 256
NBLK = 1024
NGRID = NP // NBLK
ECH = 128
EROWS = EP // ECH
TPR = EROWS // 16
TPR2 = EROWS // 32

_MESH = plsc.VectorSubcoreMesh(core_axis_name="c", subcore_axis_name="s")


def _zero16():
    return jnp.zeros((16,), F32)


DBASE = EROWS // 32


@functools.partial(
    pl.kernel,
    mesh=_MESH,
    compiler_params=pltpu.CompilerParams(needs_layout_passes=False),
    out_type=jax.ShapeDtypeStruct((2 * NP,), F32),
    scratch_types=[
        pltpu.VMEM_SHARED((NP,), F32),
        pltpu.VMEM((640,), F32),
        pltpu.VMEM((128,), F32),
        pltpu.VMEM((DBASE, ECH), I32),
    ],
)
def _sc_deg(row2d, deg_o, deg_sp, zb, ones, rowv):
    c = lax.axis_index("c")
    s = lax.axis_index("s")
    w = s * 2 + c

    def _fill(i, _):
        zb[pl.ds(i * 16, 16)] = _zero16()
        return 0
    lax.fori_loop(0, 40, _fill, 0)

    def _fill1(i, _):
        ones[pl.ds(i * 16, 16)] = jnp.ones((16,), F32)
        return 0
    lax.fori_loop(0, 8, _fill1, 0)

    pltpu.sync_copy(zb, deg_sp.at[pl.ds(s * 640, 640)])
    plsc.subcore_barrier()

    base = w * DBASE
    pltpu.sync_copy(row2d.at[pl.ds(base, DBASE)], rowv)

    def _deg(j, _):
        pltpu.sync_copy(ones, deg_sp.at[rowv.at[j]], add=True)
        return 0
    lax.fori_loop(0, DBASE, _deg, 0)
    plsc.subcore_barrier()

    pltpu.sync_copy(deg_sp.at[pl.ds(s * 640, 640)],
                    deg_o.at[pl.ds(c * NP + s * 640, 640)])


def _dn_body(deg_ref, dis_ref, sdeg_ref, dinv_ref):
    degp = deg_ref[0] + deg_ref[1] + 1.0
    y = lax.rsqrt(degp)
    dis_ref[...] = y
    sdeg_ref[...] = degp * y
    dinv_ref[...] = y * y


def _deg_norm(deg2):
    return pl.pallas_call(
        _dn_body,
        grid=(1,),
        in_specs=[pl.BlockSpec((2, NP // 128, 128), lambda i: (0, 0, 0))],
        out_specs=[
            pl.BlockSpec((NP // 128, 128), lambda i: (0, 0)),
            pl.BlockSpec((NP // 128, 128), lambda i: (0, 0)),
            pl.BlockSpec((NP // 128, 128), lambda i: (0, 0)),
        ],
        out_shape=[
            jax.ShapeDtypeStruct((NP // 128, 128), F32),
            jax.ShapeDtypeStruct((NP // 128, 128), F32),
            jax.ShapeDtypeStruct((NP // 128, 128), F32),
        ],
    )(deg2)


@functools.partial(
    pl.kernel,
    mesh=_MESH,
    compiler_params=pltpu.CompilerParams(needs_layout_passes=False),
    out_type=jax.ShapeDtypeStruct((2 * NP * 48,), F32),
    scratch_types=[
        pltpu.VMEM_SHARED((NP * 48,), F32),
        pltpu.VMEM((3840,), F32),
        pltpu.VMEM((NP,), F32),
        pltpu.VMEM((TPR2, ECH), I32),
        pltpu.VMEM((TPR2, ECH), I32),
        pltpu.VMEM((TPR2, ECH), I32),
        pltpu.VMEM((TPR2, ECH), I32),
        pltpu.VMEM((TPR2, ECH), I32),
        pltpu.VMEM((128,), F32),
        pltpu.VMEM((8, ECH), I32),
        pltpu.VMEM((128,), F32),
        pltpu.VMEM((8, ECH), I32),
        pltpu.SemaphoreType.DMA,
        pltpu.SemaphoreType.DMA,
    ],
)
def _sc_tbins(row2d, col2d, ea0, ea1, ea2, dis_h,
              t_o, t_sp, zb, disv, rowt, colt, e0v, e1v, e2v,
              vb0, ib0, vb1, ib1, ts0, ts1):
    valbs = (vb0, vb1)
    idxbs = (ib0, ib1)
    tsems = (ts0, ts1)
    c = lax.axis_index("c")
    s = lax.axis_index("s")

    def _fill(i, _):
        zb[pl.ds(i * 16, 16)] = _zero16()
        return 0
    lax.fori_loop(0, 240, _fill, 0)

    def _zt(i, _):
        pltpu.sync_copy(zb, t_sp.at[pl.ds(s * 30720 + i * 3840, 3840)])
        return 0
    lax.fori_loop(0, 8, _zt, 0)
    plsc.subcore_barrier()

    pltpu.sync_copy(dis_h, disv)

    base = c * (EROWS // 2) + s * TPR2
    pltpu.sync_copy(row2d.at[pl.ds(base, TPR2)], rowt)
    pltpu.sync_copy(col2d.at[pl.ds(base, TPR2)], colt)
    pltpu.sync_copy(ea0.at[pl.ds(base, TPR2)], e0v)
    pltpu.sync_copy(ea1.at[pl.ds(base, TPR2)], e1v)
    pltpu.sync_copy(ea2.at[pl.ds(base, TPR2)], e2v)

    def _tchunk(jj, _):
        for b in range(2):
            j = 2 * jj + b
            valb, idxb, tsem = valbs[b], idxbs[b], tsems[b]

            @pl.when(j >= 2)
            def _():
                for f in range(3):
                    pltpu.make_async_copy(valb, t_sp.at[idxb.at[f]],
                                          tsem).wait()

            def _lane(k, _):
                sl = pl.ds(k * 16, 16)
                ridx = rowt.at[j][sl]
                valb[sl] = plsc.load_gather(disv, [ridx])
                cv = colt.at[j][sl] * 48
                idxb[0, sl] = cv + e0v.at[j][sl]
                idxb[1, sl] = cv + 16 + e1v.at[j][sl]
                idxb[2, sl] = cv + 32 + e2v.at[j][sl]
                return 0
            lax.fori_loop(0, 8, _lane, 0)
            for f in range(3):
                pltpu.async_copy(valb, t_sp.at[idxb.at[f]], tsem, add=True)
        return 0
    lax.fori_loop(0, TPR2 // 2, _tchunk, 0)
    for b in range(2):
        for f in range(3):
            pltpu.make_async_copy(valbs[b], t_sp.at[idxbs[b].at[f]],
                                  tsems[b]).wait()
    plsc.subcore_barrier()

    pltpu.sync_copy(t_sp.at[pl.ds(s * 30720, 30720)],
                    t_o.at[pl.ds(c * (NP * 48) + s * 30720, 30720)])


SCH = 64
SROWS = EP // SCH
SPR = SROWS // 16


@functools.partial(
    pl.kernel,
    mesh=_MESH,
    compiler_params=pltpu.CompilerParams(needs_layout_passes=False),
    out_type=jax.ShapeDtypeStruct((2 * NP, 128), F32),
    scratch_types=[
        pltpu.VMEM_SHARED((NP, 128), F32),
        pltpu.VMEM((SPR // 2, SCH), I32),
        pltpu.VMEM((SPR // 2, SCH), I32),
        pltpu.VMEM((SCH, 128), F32),
        pltpu.VMEM((SCH, 128), F32),
        pltpu.VMEM((SCH, 128), F32),
        pltpu.SemaphoreType.DMA,
        pltpu.SemaphoreType.DMA,
        pltpu.SemaphoreType.DMA,
        pltpu.SemaphoreType.DMA,
        pltpu.SemaphoreType.DMA,
        pltpu.SemaphoreType.DMA,
    ],
)
def _sc_spmm(hs2, row2d, col2d, g_o, acc, rowv, colv,
             db0, db1, db2, gs0, gs1, gs2, ss0, ss1, ss2):
    dbufs = (db0, db1, db2)
    gsems = (gs0, gs1, gs2)
    ssems = (ss0, ss1, ss2)
    c = lax.axis_index("c")
    s = lax.axis_index("s")
    hpr = SPR // 2

    def _zl(k, _):
        rr = db0.at[k]

        def _zi(i, _):
            rr[pl.ds(i * 16, 16)] = _zero16()
            return 0
        lax.fori_loop(0, 8, _zi, 0)
        return 0
    lax.fori_loop(0, SCH, _zl, 0)

    def _zacc(i, _):
        pltpu.async_copy(db0, acc.at[pl.ds(s * 640 + i * SCH, SCH)], gs0)
        return 0
    lax.fori_loop(0, 640 // SCH, _zacc, 0)

    def _zw(i, _):
        pltpu.make_async_copy(db0, acc.at[pl.ds(s * 640, SCH)], gs0).wait()
        return 0
    lax.fori_loop(0, 640 // SCH, _zw, 0)
    plsc.subcore_barrier()

    off = c * NP
    for h in range(2):
        base = s * SPR + h * hpr
        pltpu.sync_copy(row2d.at[pl.ds(base, hpr)], rowv)
        pltpu.sync_copy(col2d.at[pl.ds(base, hpr)], colv)

        def _addoff(j, _):
            rr = rowv.at[j]

            def _al(k, _):
                sl = pl.ds(k * 16, 16)
                rr[sl] = rr[sl] + off
                return 0
            lax.fori_loop(0, SCH // 16, _al, 0)
            return 0
        lax.fori_loop(0, hpr, _addoff, 0)

        def _steps(jj, _):
            for b in range(3):
                t = 3 * jj + b
                b2 = (b + 2) % 3

                @pl.when(t < hpr)
                def _():
                    @pl.when(t >= 3)
                    def _():
                        pltpu.make_async_copy(
                            dbufs[b], acc.at[colv.at[t]], ssems[b]).wait()
                    pltpu.async_copy(hs2.at[rowv.at[t]], dbufs[b], gsems[b])

                @pl.when((t >= 1) & (t < hpr + 1))
                def _():
                    pltpu.make_async_copy(
                        hs2.at[rowv.at[jnp.maximum(t - 1, 0)]],
                        dbufs[b2], gsems[b2]).wait()
                    pltpu.async_copy(dbufs[b2],
                                     acc.at[colv.at[jnp.maximum(t - 1, 0)]],
                                     ssems[b2], add=True)
            return 0
        lax.fori_loop(0, (hpr + 1 + 2) // 3, _steps, 0)

        for b in range(3):
            pltpu.make_async_copy(dbufs[b], acc.at[colv.at[hpr - 3 + b]],
                                  ssems[b]).wait()
    plsc.subcore_barrier()

    pltpu.sync_copy(acc.at[pl.ds(s * 640, 640)],
                    g_o.at[pl.ds(c * NP + s * 640, 640)])


def _a0_body(x_ref, af_ref, wt_ref, dis_ref, o_ref):
    xb = x_ref[...]
    oh = jnp.concatenate(
        [(xb[:, f][:, None]
          == lax.broadcasted_iota(I32, (1, 64), 1)).astype(F32)
         for f in range(9)], axis=1)
    h0 = jnp.dot(oh, af_ref[...], preferred_element_type=F32)
    hl = jnp.maximum(jnp.dot(h0, wt_ref[...], preferred_element_type=F32), 0.0)
    hs = hl * dis_ref[...]
    o_ref[0] = hs[:, :128]
    o_ref[1] = hs[:, 128:]


def _atom_layer0(x_p, atom_flat, w0t, dis):
    return pl.pallas_call(
        _a0_body,
        grid=(NGRID,),
        in_specs=[
            pl.BlockSpec((NBLK, 9), lambda i: (i, 0)),
            pl.BlockSpec((576, EMB), lambda i: (0, 0)),
            pl.BlockSpec((EMB, EMB), lambda i: (0, 0)),
            pl.BlockSpec((NBLK, 1), lambda i: (i, 0)),
        ],
        out_specs=pl.BlockSpec((2, NBLK, 128), lambda i: (0, i, 0)),
        out_shape=jax.ShapeDtypeStruct((2, NP, 128), F32),
    )(x_p, atom_flat, w0t, dis)


def _pp_body(t_ref, bf_ref, hs_ref, dis_ref, sdeg_ref, dinv_ref, root_ref,
             o_ref):
    HS = jnp.concatenate([hs_ref[0], hs_ref[1]], axis=1)
    Tb = t_ref[0] + t_ref[1]
    hl = HS * sdeg_ref[...]
    o_ref[...] = (dis_ref[...]
                  * jnp.dot(Tb, bf_ref[...], preferred_element_type=F32)
                  + (hl + root_ref[...]) * dinv_ref[...])


def _pre_partial(t3, bondflat, hs3, dis, sdeg, dinv, root_l):
    return pl.pallas_call(
        _pp_body,
        grid=(NGRID,),
        in_specs=[
            pl.BlockSpec((2, NBLK, 48), lambda i: (0, i, 0)),
            pl.BlockSpec((48, EMB), lambda i: (0, 0)),
            pl.BlockSpec((2, NBLK, 128), lambda i: (0, i, 0)),
            pl.BlockSpec((NBLK, 1), lambda i: (i, 0)),
            pl.BlockSpec((NBLK, 1), lambda i: (i, 0)),
            pl.BlockSpec((NBLK, 1), lambda i: (i, 0)),
            pl.BlockSpec((1, EMB), lambda i: (0, 0)),
        ],
        out_specs=pl.BlockSpec((NBLK, EMB), lambda i: (i, 0)),
        out_shape=jax.ShapeDtypeStruct((NP, EMB), F32),
    )(t3, bondflat, hs3, dis, sdeg, dinv, root_l)


def _lt_phase1(i, g_ref, pp_ref, dis1_ref, pre_sc, sacc):
    G = jnp.concatenate([g_ref[0], g_ref[1]], axis=1)
    pre = dis1_ref[...] * G + pp_ref[...]
    pre_sc[pl.ds(i * NBLK, NBLK), :] = pre
    gid = i * NBLK + lax.broadcasted_iota(I32, (NBLK, 1), 0)
    pm = jnp.where(gid < N, pre, 0.0)

    @pl.when(i == 0)
    def _():
        sacc[...] = jnp.zeros((8, EMB), F32)

    sacc[0:1, :] = sacc[0:1, :] + jnp.sum(pm, axis=0, keepdims=True)
    sacc[1:2, :] = sacc[1:2, :] + jnp.sum(pm * pm, axis=0, keepdims=True)


def _bn_from(sacc):
    mean = sacc[0:1, :] * (1.0 / N)
    var = sacc[1:2, :] * (1.0 / N) - mean * mean
    return mean, lax.rsqrt(var + 1e-5)


def _lt_body(g_ref, pp_ref, dis1_ref, gm_ref, bt_ref, wt_ref, dis2_ref,
             o_ref, pre_sc, sacc):
    i = pl.program_id(0)

    @pl.when(i < NGRID)
    def _():
        _lt_phase1(i, g_ref, pp_ref, dis1_ref, pre_sc, sacc)

    @pl.when(i >= NGRID)
    def _():
        ii = i - NGRID
        pre = pre_sc[pl.ds(ii * NBLK, NBLK), :]
        mean, inv = _bn_from(sacc)
        h = (pre - mean) * inv * gm_ref[...] + bt_ref[...]
        h = jnp.maximum(h, 0.0)
        hl = jnp.maximum(jnp.dot(h, wt_ref[...], preferred_element_type=F32),
                         0.0)
        hs = hl * dis2_ref[...]
        o_ref[0] = hs[:, :128]
        o_ref[1] = hs[:, 128:]


def _c1(i):
    return (0, jnp.minimum(i, NGRID - 1), 0)


def _r1(i):
    return (jnp.minimum(i, NGRID - 1), 0)


_P1_SPECS = [
    pl.BlockSpec((2, NBLK, 128), _c1),
    pl.BlockSpec((NBLK, EMB), _r1),
    pl.BlockSpec((NBLK, 1), _r1),
]


def _layer_tc(g3, pp, dis, gamma_l, beta_l, wt):
    return pl.pallas_call(
        _lt_body,
        grid=(2 * NGRID,),
        in_specs=_P1_SPECS + [
            pl.BlockSpec((1, EMB), lambda i: (0, 0)),
            pl.BlockSpec((1, EMB), lambda i: (0, 0)),
            pl.BlockSpec((EMB, EMB), lambda i: (0, 0)),
            pl.BlockSpec((NBLK, 1), lambda i: (jnp.maximum(i - NGRID, 0), 0)),
        ],
        out_specs=pl.BlockSpec((2, NBLK, 128),
                               lambda i: (0, jnp.maximum(i - NGRID, 0), 0)),
        out_shape=jax.ShapeDtypeStruct((2, NP, 128), F32),
        scratch_shapes=[pltpu.VMEM((NP, EMB), F32), pltpu.VMEM((8, EMB), F32)],
    )(g3, pp, dis, gamma_l, beta_l, wt, dis)


FBLK = 1000


def _ltf_body(g_ref, pp_ref, dis1_ref, gm_ref, bt_ref, o_ref, pre_sc, sacc):
    i = pl.program_id(0)

    @pl.when(i < NGRID)
    def _():
        _lt_phase1(i, g_ref, pp_ref, dis1_ref, pre_sc, sacc)

    @pl.when(i >= NGRID)
    def _():
        ii = i - NGRID
        pre = pre_sc[pl.ds(ii * FBLK, FBLK), :]
        mean, inv = _bn_from(sacc)
        o_ref[...] = (pre - mean) * inv * gm_ref[...] + bt_ref[...]


def _layer_tc_final(g3, pp, dis, gamma_l, beta_l):
    return pl.pallas_call(
        _ltf_body,
        grid=(2 * NGRID,),
        in_specs=_P1_SPECS + [
            pl.BlockSpec((1, EMB), lambda i: (0, 0)),
            pl.BlockSpec((1, EMB), lambda i: (0, 0)),
        ],
        out_specs=pl.BlockSpec((FBLK, EMB),
                               lambda i: (jnp.maximum(i - NGRID, 0), 0)),
        out_shape=jax.ShapeDtypeStruct((N, EMB), F32),
        scratch_shapes=[pltpu.VMEM((NP, EMB), F32), pltpu.VMEM((8, EMB), F32)],
    )(g3, pp, dis, gamma_l, beta_l)


def kernel(x, edge_index, edge_attr, atom_tab, W, root, bond, gamma, beta):
    row = edge_index[0].astype(I32)
    col = edge_index[1].astype(I32)
    pad_e = EP - E
    pad_ids = (N + (jnp.arange(pad_e, dtype=I32) % (NP - N))).astype(I32)
    row2d = jnp.concatenate([row, pad_ids]).reshape(EROWS, ECH)
    col2d = jnp.concatenate([col, pad_ids]).reshape(EROWS, ECH)
    eap = jnp.concatenate(
        [edge_attr.astype(I32), jnp.zeros((pad_e, 3), I32)], axis=0)
    ea0 = eap[:, 0].reshape(EROWS, ECH)
    ea1 = eap[:, 1].reshape(EROWS, ECH)
    ea2 = eap[:, 2].reshape(EROWS, ECH)
    x_p = jnp.concatenate(
        [x.astype(I32), jnp.zeros((NP - N, x.shape[1]), I32)], axis=0)

    atom_flat = atom_tab.reshape(576, EMB)
    wts = [W[l].T for l in range(3)]
    bfs = [bond[l].reshape(48, EMB) for l in range(3)]

    deg2 = _sc_deg(row2d).reshape(2, NP // 128, 128)
    dis, sdeg, dinv = _deg_norm(deg2)
    dis = dis.reshape(NP, 1)
    sdeg = sdeg.reshape(NP, 1)
    dinv = dinv.reshape(NP, 1)
    t_flat = _sc_tbins(row2d, col2d, ea0, ea1, ea2, dis.reshape(NP))
    t3 = t_flat.reshape(2, NP, 48)

    hs3 = _atom_layer0(x_p, atom_flat, wts[0], dis)
    out = None
    for l in range(3):
        g2 = _sc_spmm(hs3.reshape(2 * NP, 128),
                      row2d.reshape(SROWS, SCH), col2d.reshape(SROWS, SCH))
        pp = _pre_partial(t3, bfs[l], hs3, dis, sdeg, dinv, root[l][None, :])
        g3 = g2.reshape(2, NP, 128)
        if l < 2:
            hs3 = _layer_tc(g3, pp, dis, gamma[l][None, :],
                            beta[l][None, :], wts[l + 1])
        else:
            out = _layer_tc_final(g3, pp, dis, gamma[l][None, :],
                                  beta[l][None, :])
    return out

# --- scband reference (transcript-rebuilt; emitter-appended) ---
"""Pipeline reference for scband-gnn-node-21509196218418 (READ-ONLY COPY).

The authoritative reference and input builder live on the scoring server;
editing this copy changes nothing except your own understanding.
"""

import jax, jax.numpy as jnp
import numpy as np

NUM_LAYER = 3
EMB = 256
N_NODES = 10000
N_EDGES = 160000
ATOM_F = 9
ATOM_V = 64
BOND_F = 3
BOND_V = 16


def setup_inputs(seed: int = 0) -> dict:
    key = jax.random.key(seed)
    ks = jax.random.split(key, 9)
    x = jax.random.randint(ks[0], (N_NODES, ATOM_F), 0, ATOM_V)
    edge_index = jax.random.randint(ks[1], (2, N_EDGES), 0, N_NODES)
    edge_attr = jax.random.randint(ks[2], (N_EDGES, BOND_F), 0, BOND_V)
    atom_tab = jax.random.normal(ks[3], (ATOM_F, ATOM_V, EMB), dtype=jnp.float32) * 0.1
    W = jax.random.normal(ks[4], (NUM_LAYER, EMB, EMB), dtype=jnp.float32) * (1.0 / np.sqrt(EMB))
    root = jax.random.normal(ks[5], (NUM_LAYER, EMB), dtype=jnp.float32) * 0.1
    bond = jax.random.normal(ks[6], (NUM_LAYER, BOND_F, BOND_V, EMB), dtype=jnp.float32) * 0.1
    gamma = jnp.ones((NUM_LAYER, EMB), dtype=jnp.float32)
    beta = jnp.zeros((NUM_LAYER, EMB), dtype=jnp.float32)
    return {"x": x, "edge_index": edge_index, "edge_attr": edge_attr,
            "atom_tab": atom_tab, "W": W, "root": root, "bond": bond,
            "gamma": gamma, "beta": beta}


def _forward(x, edge_index, edge_attr, atom_tab, W, root, bond, gamma, beta):
    n = x.shape[0]
    # AtomEncoder: sum of per-feature embedding lookups
    h = jnp.zeros((n, atom_tab.shape[2]), dtype=atom_tab.dtype)
    for f in range(atom_tab.shape[0]):
        h = h + atom_tab[f][x[:, f]]
    row = edge_index[0]
    col = edge_index[1]
    num_layer = W.shape[0]
    for l in range(num_layer):
        # GCNConv
        hl = jax.nn.relu(h @ W[l].T)
        # BondEncoder: sum of per-feature embedding lookups
        ee = jnp.zeros((edge_attr.shape[0], hl.shape[1]), dtype=hl.dtype)
        for f in range(bond.shape[1]):
            ee = ee + bond[l, f][edge_attr[:, f]]
        deg = jax.ops.segment_sum(jnp.ones((row.shape[0],), dtype=hl.dtype), row, num_segments=n) + 1.0
        deg_inv_sqrt = deg ** -0.5
        deg_inv_sqrt = jnp.where(jnp.isinf(deg_inv_sqrt), 0.0, deg_inv_sqrt)
        norm = deg_inv_sqrt[row] * deg_inv_sqrt[col]
        msg = norm[:, None] * (hl[row] + ee)
        aggr = jax.ops.segment_sum(msg, col, num_segments=n)
        out = aggr + (hl + root[l][None, :]) / deg[:, None]
        # BatchNorm1d (training-mode batch statistics, affine with gamma/beta)
        mean = out.mean(axis=0)
        var = out.var(axis=0)
        out = (out - mean) / jnp.sqrt(var + 1e-5) * gamma[l] + beta[l]
        if l < num_layer - 1:
            out = jax.nn.relu(out)
        # dropout omitted (deterministic eval-style reference)
        h = out
    return h


def reference(x, edge_index, edge_attr, atom_tab, W, root, bond, gamma, beta):
    return _forward(x, edge_index, edge_attr, atom_tab, W, root, bond, gamma, beta)

if __name__ == "__main__":
    import jax
    _d = setup_inputs()
    print(jax.jit(kernel)(*tuple(_d.values())))

</pallas_src>

<mosaic_0001>
#map = affine_map<(d0, d1) -> (0, 0)>
module attributes {stable_mosaic.version = 14 : i64} {
  func.func @_sc_spmm(%arg0: i32, %arg1: i32, %arg2: memref<20480x128xf32, #tpu.memory_space<hbm>>, %arg3: memref<2560x64xi32, #tpu.memory_space<hbm>>, %arg4: memref<2560x64xi32, #tpu.memory_space<hbm>>, %arg5: memref<20480x128xf32, #tpu.memory_space<hbm>>, %arg6: memref<10240x128xf32, #tpu.memory_space<vmem_shared>>, %arg7: memref<80x64xi32, #tpu.memory_space<vmem>>, %arg8: memref<80x64xi32, #tpu.memory_space<vmem>>, %arg9: memref<64x128xf32, #tpu.memory_space<vmem>>, %arg10: memref<64x128xf32, #tpu.memory_space<vmem>>, %arg11: memref<64x128xf32, #tpu.memory_space<vmem>>, %arg12: memref<!tpu.dma_semaphore, #tpu.memory_space<semaphore_mem>>, %arg13: memref<!tpu.dma_semaphore, #tpu.memory_space<semaphore_mem>>, %arg14: memref<!tpu.dma_semaphore, #tpu.memory_space<semaphore_mem>>, %arg15: memref<!tpu.dma_semaphore, #tpu.memory_space<semaphore_mem>>, %arg16: memref<!tpu.dma_semaphore, #tpu.memory_space<semaphore_mem>>, %arg17: memref<!tpu.dma_semaphore, #tpu.memory_space<semaphore_mem>>) attributes {dimension_semantics = [#tpu.dimension_semantics<core_parallel>, #tpu.dimension_semantics<subcore_parallel>], iteration_bounds = array<i64: 2, 16>, scalar_prefetch = 0 : i64, scratch_operands = 12 : i64, tpu.core_type = #tpu.core_type<sc_vector_subcore>, window_params = [{transform_indices = #map}, {transform_indices = #map}, {transform_indices = #map}, {transform_indices = #map}]} {
    %scan3A = arith.constant 0 : i32
    %scan3A_0 = arith.constant 0 : i32
    %scan3A_1 = arith.constant 64 : i32
    %scan3A_2 = arith.addi %scan3A_0, %scan3A_1 : i32
    %scan3A_3 = arith.constant 1 : i32
    %scan3A_4 = scf.for %scan3A_105 = %scan3A_0 to %scan3A_2 step %scan3A_3 iter_args(%scan3A_106 = %scan3A) -> (i32)  : i32 {
      %scan3A_107 = arith.constant 0 : i32
      %scan3A_108 = arith.constant 0 : i32
      %scan3A_109 = arith.constant 8 : i32
      %scan3A_110 = arith.addi %scan3A_108, %scan3A_109 : i32
      %scan3A_111 = arith.constant 1 : i32
      %scan3A_112 = scf.for %scan3A_115 = %scan3A_108 to %scan3A_110 step %scan3A_111 iter_args(%scan3A_116 = %scan3A_107) -> (i32)  : i32 {
        %broadcast_in_dim3A = arith.constant 0.000000e+00 : f32
        %broadcast_in_dim3A_117 = vector.broadcast %broadcast_in_dim3A : f32 to vector<16xf32>
        %mul3A_118 = arith.constant 16 : i32
        %mul3A_119 = arith.muli %scan3A_115, %mul3A_118 : i32
        %swap3A = arith.constant 0 : i32
        %swap3A_120 = tpu.memref_slice %arg9[%scan3A_105, %swap3A] : memref<64x128xf32, #tpu.memory_space<vmem>> -> memref<1x128xf32, #tpu.memory_space<vmem>>
        %swap3A_121 = tpu.memref_squeeze %swap3A_120 : memref<1x128xf32, #tpu.memory_space<vmem>> -> memref<128xf32, #tpu.memory_space<vmem>>
        %swap3A_122 = arith.index_cast %mul3A_119 : i32 to index
        %swap3A_123 = tpu.vector_load %swap3A_121[%swap3A_122] {strides = array<i32>} : memref<128xf32, #tpu.memory_space<vmem>>, vector<16xf32>,
        tpu.vector_store %swap3A_121[%swap3A_122], %broadcast_in_dim3A_117 {strides = array<i32>} : memref<128xf32, #tpu.memory_space<vmem>>, vector<16xf32>,
        %scan3A_124 = arith.constant 0 : i32
        scf.yield %scan3A_124 : i32
      }
      %scan3A_113 = arith.constant 8 : i32
      %scan3A_114 = arith.constant 0 : i32
      scf.yield %scan3A_114 : i32
    }
    %scan3A_5 = arith.constant 64 : i32
    %scan3A_6 = arith.constant 0 : i32
    %scan3A_7 = arith.constant 0 : i32
    %scan3A_8 = arith.constant 10 : i32
    %scan3A_9 = arith.addi %scan3A_7, %scan3A_8 : i32
    %scan3A_10 = arith.constant 1 : i32
    %scan3A_11 = scf.for %scan3A_105 = %scan3A_7 to %scan3A_9 step %scan3A_10 iter_args(%scan3A_106 = %scan3A_6) -> (i32)  : i32 {
      %mul3A_107 = arith.constant 640 : i32
      %mul3A_108 = arith.muli %arg1, %mul3A_107 : i32
      %mul3A_109 = arith.constant 64 : i32
      %mul3A_110 = arith.muli %scan3A_105, %mul3A_109 : i32
      %add3A_111 = arith.addi %mul3A_108, %mul3A_110 : i32
      %dma_start3A = arith.constant 0 : i32
      %dma_start3A_112 = tpu.memref_slice %arg6[%add3A_111, %dma_start3A] : memref<10240x128xf32, #tpu.memory_space<vmem_shared>> -> memref<64x128xf32, #tpu.memory_space<vmem_shared>>
      %dma_start3A_113 = arith.constant 0 : i32
      %dma_start3A_114 = tpu.memref_slice %arg6[%add3A_111, %dma_start3A_113] : memref<10240x128xf32, #tpu.memory_space<vmem_shared>> -> memref<64x128xf32, #tpu.memory_space<vmem_shared>>
      tpu.enqueue_dma source(%arg9 : memref<64x128xf32, #tpu.memory_space<vmem>>) target(%dma_start3A_114 : memref<64x128xf32, #tpu.memory_space<vmem_shared>>) target_semaphore(%arg12 : memref<!tpu.dma_semaphore, #tpu.memory_space<semaphore_mem>>)
      %scan3A_115 = arith.constant 0 : i32
      scf.yield %scan3A_115 : i32
    }
    %scan3A_12 = arith.constant 10 : i32
    %scan3A_13 = arith.constant 0 : i32
    %scan3A_14 = arith.constant 0 : i32
    %scan3A_15 = arith.constant 10 : i32
    %scan3A_16 = arith.addi %scan3A_14, %scan3A_15 : i32
    %scan3A_17 = arith.constant 1 : i32
    %scan3A_18 = scf.for %scan3A_105 = %scan3A_14 to %scan3A_16 step %scan3A_17 iter_args(%scan3A_106 = %scan3A_13) -> (i32)  : i32 {
      %mul3A_107 = arith.constant 640 : i32
      %mul3A_108 = arith.muli %arg1, %mul3A_107 : i32
      %dma_wait3A_109 = arith.constant 0 : i32
      %dma_wait3A_110 = tpu.memref_slice %arg6[%mul3A_108, %dma_wait3A_109] : memref<10240x128xf32, #tpu.memory_space<vmem_shared>> -> memref<64x128xf32, #tpu.memory_space<vmem_shared>>
      %dma_wait3A_111 = arith.constant 0 : i32
      %dma_wait3A_112 = tpu.memref_slice %arg6[%mul3A_108, %dma_wait3A_111] : memref<10240x128xf32, #tpu.memory_space<vmem_shared>> -> memref<64x128xf32, #tpu.memory_space<vmem_shared>>
      tpu.wait_dma2 semaphore(%arg12 : memref<!tpu.dma_semaphore, #tpu.memory_space<semaphore_mem>>) src(%arg9 : memref<64x128xf32, #tpu.memory_space<vmem>>) dst(%dma_wait3A_112 : memref<64x128xf32, #tpu.memory_space<vmem_shared>>)
      %scan3A_113 = arith.constant 0 : i32
      scf.yield %scan3A_113 : i32
    }
    %scan3A_19 = arith.constant 10 : i32
    %barrier3A = arith.constant 0 : index
    tpu.barrier barrier_id(%barrier3A)
    %mul3A = arith.constant 10240 : i32
    %mul3A_20 = arith.muli %arg0, %mul3A : i32
    %mul3A_21 = arith.constant 160 : i32
    %mul3A_22 = arith.muli %arg1, %mul3A_21 : i32
    %add3A = arith.constant 0 : i32
    %add3A_23 = arith.addi %mul3A_22, %add3A : i32
    "tpu.region"() ({
      %run_scoped3A = tpu.sem_alloc : memref<!tpu.dma_semaphore, #tpu.memory_space<semaphore_mem>>
      %dma_start3A = arith.constant 0 : i32
      %dma_start3A_105 = tpu.memref_slice %arg3[%add3A_23, %dma_start3A] : memref<2560x64xi32, #tpu.memory_space<hbm>> -> memref<80x64xi32, #tpu.memory_space<hbm>>
      %dma_start3A_106 = arith.constant 0 : i32
      %dma_start3A_107 = tpu.memref_slice %arg3[%add3A_23, %dma_start3A_106] : memref<2560x64xi32, #tpu.memory_space<hbm>> -> memref<80x64xi32, #tpu.memory_space<hbm>>
      tpu.enqueue_dma source(%dma_start3A_107 : memref<80x64xi32, #tpu.memory_space<hbm>>) target(%arg7 : memref<80x64xi32, #tpu.memory_space<vmem>>) target_semaphore(%run_scoped3A : memref<!tpu.dma_semaphore, #tpu.memory_space<semaphore_mem>>)
      %dma_wait3A_108 = arith.constant 0 : i32
      %dma_wait3A_109 = tpu.memref_slice %arg3[%add3A_23, %dma_wait3A_108] : memref<2560x64xi32, #tpu.memory_space<hbm>> -> memref<80x64xi32, #tpu.memory_space<hbm>>
      %dma_wait3A_110 = arith.constant 0 : i32
      %dma_wait3A_111 = tpu.memref_slice %arg3[%add3A_23, %dma_wait3A_110] : memref<2560x64xi32, #tpu.memory_space<hbm>> -> memref<80x64xi32, #tpu.memory_space<hbm>>
      tpu.wait_dma2 semaphore(%run_scoped3A : memref<!tpu.dma_semaphore, #tpu.memory_space<semaphore_mem>>) src(%dma_wait3A_111 : memref<80x64xi32, #tpu.memory_space<hbm>>) dst(%arg7 : memref<80x64xi32, #tpu.memory_space<vmem>>)
      tpu.yield
    }) : () -> ()
    "tpu.region"() ({
      %run_scoped3A = tpu.sem_alloc : memref<!tpu.dma_semaphore, #tpu.memory_space<semaphore_mem>>
      %dma_start3A = arith.constant 0 : i32
      %dma_start3A_105 = tpu.memref_slice %arg4[%add3A_23, %dma_start3A] : memref<2560x64xi32, #tpu.memory_space<hbm>> -> memref<80x64xi32, #tpu.memory_space<hbm>>
      %dma_start3A_106 = arith.constant 0 : i32
      %dma_start3A_107 = tpu.memref_slice %arg4[%add3A_23, %dma_start3A_106] : memref<2560x64xi32, #tpu.memory_space<hbm>> -> memref<80x64xi32, #tpu.memory_space<hbm>>
      tpu.enqueue_dma source(%dma_start3A_107 : memref<80x64xi32, #tpu.memory_space<hbm>>) target(%arg8 : memref<80x64xi32, #tpu.memory_space<vmem>>) target_semaphore(%run_scoped3A : memref<!tpu.dma_semaphore, #tpu.memory_space<semaphore_mem>>)
      %dma_wait3A_108 = arith.constant 0 : i32
      %dma_wait3A_109 = tpu.memref_slice %arg4[%add3A_23, %dma_wait3A_108] : memref<2560x64xi32, #tpu.memory_space<hbm>> -> memref<80x64xi32, #tpu.memory_space<hbm>>
      %dma_wait3A_110 = arith.constant 0 : i32
      %dma_wait3A_111 = tpu.memref_slice %arg4[%add3A_23, %dma_wait3A_110] : memref<2560x64xi32, #tpu.memory_space<hbm>> -> memref<80x64xi32, #tpu.memory_space<hbm>>
      tpu.wait_dma2 semaphore(%run_scoped3A : memref<!tpu.dma_semaphore, #tpu.memory_space<semaphore_mem>>) src(%dma_wait3A_111 : memref<80x64xi32, #tpu.memory_space<hbm>>) dst(%arg8 : memref<80x64xi32, #tpu.memory_space<vmem>>)
      tpu.yield
    }) : () -> ()
    %scan3A_24 = arith.constant 0 : i32
    %scan3A_25 = arith.constant 0 : i32
    %scan3A_26 = arith.constant 80 : i32
    %scan3A_27 = arith.addi %scan3A_25, %scan3A_26 : i32
    %scan3A_28 = arith.constant 1 : i32
    %scan3A_29 = scf.for %scan3A_105 = %scan3A_25 to %scan3A_27 step %scan3A_28 iter_args(%scan3A_106 = %scan3A_24) -> (i32)  : i32 {
      %scan3A_107 = arith.constant 0 : i32
      %scan3A_108 = arith.constant 0 : i32
      %scan3A_109 = arith.constant 4 : i32
      %scan3A_110 = arith.addi %scan3A_108, %scan3A_109 : i32
      %scan3A_111 = arith.constant 1 : i32
      %scan3A_112 = scf.for %scan3A_115 = %scan3A_108 to %scan3A_110 step %scan3A_111 iter_args(%scan3A_116 = %scan3A_107) -> (i32)  : i32 {
        %mul3A_117 = arith.constant 16 : i32
        %mul3A_118 = arith.muli %scan3A_115, %mul3A_117 : i32
        %get3A = arith.constant 0 : i32
        %get3A_119 = tpu.memref_slice %arg7[%scan3A_105, %get3A] : memref<80x64xi32, #tpu.memory_space<vmem>> -> memref<1x64xi32, #tpu.memory_space<vmem>>
        %get3A_120 = tpu.memref_squeeze %get3A_119 : memref<1x64xi32, #tpu.memory_space<vmem>> -> memref<64xi32, #tpu.memory_space<vmem>>
        %get3A_121 = arith.index_cast %mul3A_118 : i32 to index
        %get3A_122 = tpu.vector_load %get3A_120[%get3A_121] {strides = array<i32>} : memref<64xi32, #tpu.memory_space<vmem>>, vector<16xi32>,
        %add3A_123 = vector.broadcast %mul3A_20 : i32 to vector<16xi32>
        %add3A_124 = arith.addi %get3A_122, %add3A_123 : vector<16xi32>
        %swap3A = arith.constant 0 : i32
        %swap3A_125 = tpu.memref_slice %arg7[%scan3A_105, %swap3A] : memref<80x64xi32, #tpu.memory_space<vmem>> -> memref<1x64xi32, #tpu.memory_space<vmem>>
        %swap3A_126 = tpu.memref_squeeze %swap3A_125 : memref<1x64xi32, #tpu.memory_space<vmem>> -> memref<64xi32, #tpu.memory_space<vmem>>
        %swap3A_127 = arith.index_cast %mul3A_118 : i32 to index
        %swap3A_128 = tpu.vector_load %swap3A_126[%swap3A_127] {strides = array<i32>} : memref<64xi32, #tpu.memory_space<vmem>>, vector<16xi32>,
        tpu.vector_store %swap3A_126[%swap3A_127], %add3A_124 {strides = array<i32>} : memref<64xi32, #tpu.memory_space<vmem>>, vector<16xi32>,
        %scan3A_129 = arith.constant 0 : i32
        scf.yield %scan3A_129 : i32
      }
      %scan3A_113 = arith.constant 4 : i32
      %scan3A_114 = arith.constant 0 : i32
      scf.yield %scan3A_114 : i32
    }
    %scan3A_30 = arith.constant 80 : i32
    %scan3A_31 = arith.constant 0 : i32
    %scan3A_32 = arith.constant 0 : i32
    %scan3A_33 = arith.constant 27 : i32
    %scan3A_34 = arith.addi %scan3A_32, %scan3A_33 : i32
    %scan3A_35 = arith.constant 1 : i32
    %scan3A_36 = scf.for %scan3A_105 = %scan3A_32 to %scan3A_34 step %scan3A_35 iter_args(%scan3A_106 = %scan3A_31) -> (i32)  : i32 {
      %mul3A_107 = arith.constant 3 : i32
      %mul3A_108 = arith.muli %mul3A_107, %scan3A_105 : i32
      %add3A_109 = arith.constant 0 : i32
      %add3A_110 = arith.addi %mul3A_108, %add3A_109 : i32
      %lt3A = arith.constant 80 : i32
      %lt3A_111 = arith.cmpi slt, %add3A_110, %lt3A : i32
      %convert_element_type3A = arith.extui %lt3A_111 : i1 to i32
      %cond3A = arith.constant 0 : i32
      %cond3A_112 = arith.cmpi ne, %convert_element_type3A, %cond3A : i32
      scf.if %cond3A_112 {
        %ge3A_154 = arith.constant 3 : i32
        %ge3A_155 = arith.cmpi sge, %add3A_110, %ge3A_154 : i32
        %convert_element_type3A_156 = arith.extui %ge3A_155 : i1 to i32
        %cond3A_157 = arith.constant 0 : i32
        %cond3A_158 = arith.cmpi ne, %convert_element_type3A_156, %cond3A_157 : i32
        scf.if %cond3A_158 {
          %dma_wait3A_164 = arith.constant 0 : i32
          %dma_wait3A_165 = tpu.memref_slice %arg8[%add3A_110, %dma_wait3A_164] : memref<80x64xi32, #tpu.memory_space<vmem>> -> memref<1x64xi32, #tpu.memory_space<vmem>>
          %dma_wait3A_166 = tpu.memref_squeeze %dma_wait3A_165 : memref<1x64xi32, #tpu.memory_space<vmem>> -> memref<64xi32, #tpu.memory_space<vmem>>
          %dma_wait3A_167 = arith.constant 0 : i32
          %dma_wait3A_168 = arith.constant 0 : i32
          %dma_wait3A_169 = tpu.memref_slice %arg6[%dma_wait3A_167, %dma_wait3A_168] : memref<10240x128xf32, #tpu.memory_space<vmem_shared>> -> memref<10240x128xf32, #tpu.memory_space<vmem_shared>>
          tpu.wait_indirect_dma semaphore(%arg15 : memref<!tpu.dma_semaphore, #tpu.memory_space<semaphore_mem>>) src(%arg9 : memref<64x128xf32, #tpu.memory_space<vmem>>) dst(%dma_wait3A_169 : memref<10240x128xf32, #tpu.memory_space<vmem_shared>>)
        } else {
        }
        %dma_start3A = arith.constant 0 : i32
        %dma_start3A_159 = tpu.memref_slice %arg7[%add3A_110, %dma_start3A] : memref<80x64xi32, #tpu.memory_space<vmem>> -> memref<1x64xi32, #tpu.memory_space<vmem>>
        %dma_start3A_160 = tpu.memref_squeeze %dma_start3A_159 : memref<1x64xi32, #tpu.memory_space<vmem>> -> memref<64xi32, #tpu.memory_space<vmem>>
        %dma_start3A_161 = arith.constant 0 : i32
        %dma_start3A_162 = arith.constant 0 : i32
        %dma_start3A_163 = tpu.memref_slice %arg2[%dma_start3A_161, %dma_start3A_162] : memref<20480x128xf32, #tpu.memory_space<hbm>> -> memref<20480x128xf32, #tpu.memory_space<hbm>>
        tpu.enqueue_indirect_dma source(%dma_start3A_163 : memref<20480x128xf32, #tpu.memory_space<hbm>>) target(%arg9 : memref<64x128xf32, #tpu.memory_space<vmem>>) offsets(%dma_start3A_160 : memref<64xi32, #tpu.memory_space<vmem>>) semaphore(%arg12 : memref<!tpu.dma_semaphore, #tpu.memory_space<semaphore_mem>>)
      } else {
      }
      %ge3A = arith.constant 1 : i32
      %ge3A_113 = arith.cmpi sge, %add3A_110, %ge3A : i32
      %lt3A_114 = arith.constant 81 : i32
      %lt3A_115 = arith.cmpi slt, %add3A_110, %lt3A_114 : i32
      %and3A = arith.andi %ge3A_113, %lt3A_115 : i1
      %convert_element_type3A_116 = arith.extui %and3A : i1 to i32
      %cond3A_117 = arith.constant 0 : i32
      %cond3A_118 = arith.cmpi ne, %convert_element_type3A_116, %cond3A_117 : i32
      scf.if %cond3A_118 {
        %sub3A = arith.constant 1 : i32
        %sub3A_154 = arith.subi %add3A_110, %sub3A : i32
        %max3A = arith.constant 0 : i32
        %max3A_155 = arith.maxsi %sub3A_154, %max3A : i32
        %dma_wait3A_156 = arith.constant 0 : i32
        %dma_wait3A_157 = tpu.memref_slice %arg7[%max3A_155, %dma_wait3A_156] : memref<80x64xi32, #tpu.memory_space<vmem>> -> memref<1x64xi32, #tpu.memory_space<vmem>>
        %dma_wait3A_158 = tpu.memref_squeeze %dma_wait3A_157 : memref<1x64xi32, #tpu.memory_space<vmem>> -> memref<64xi32, #tpu.memory_space<vmem>>
        %dma_wait3A_159 = arith.constant 0 : i32
        %dma_wait3A_160 = arith.constant 0 : i32
        %dma_wait3A_161 = tpu.memref_slice %arg2[%dma_wait3A_159, %dma_wait3A_160] : memref<20480x128xf32, #tpu.memory_space<hbm>> -> memref<20480x128xf32, #tpu.memory_space<hbm>>
        tpu.wait_indirect_dma semaphore(%arg14 : memref<!tpu.dma_semaphore, #tpu.memory_space<semaphore_mem>>) src(%dma_wait3A_161 : memref<20480x128xf32, #tpu.memory_space<hbm>>) dst(%arg11 : memref<64x128xf32, #tpu.memory_space<vmem>>)
        %sub3A_162 = arith.constant 1 : i32
        %sub3A_163 = arith.subi %add3A_110, %sub3A_162 : i32
        %max3A_164 = arith.constant 0 : i32
        %max3A_165 = arith.maxsi %sub3A_163, %max3A_164 : i32
        %dma_start3A = arith.constant 0 : i32
        %dma_start3A_166 = tpu.memref_slice %arg8[%max3A_165, %dma_start3A] : memref<80x64xi32, #tpu.memory_space<vmem>> -> memref<1x64xi32, #tpu.memory_space<vmem>>
        %dma_start3A_167 = tpu.memref_squeeze %dma_start3A_166 : memref<1x64xi32, #tpu.memory_space<vmem>> -> memref<64xi32, #tpu.memory_space<vmem>>
        %dma_start3A_168 = arith.constant 0 : i32
        %dma_start3A_169 = arith.constant 0 : i32
        %dma_start3A_170 = tpu.memref_slice %arg6[%dma_start3A_168, %dma_start3A_169] : memref<10240x128xf32, #tpu.memory_space<vmem_shared>> -> memref<10240x128xf32, #tpu.memory_space<vmem_shared>>
        tpu.enqueue_indirect_dma source(%arg11 : memref<64x128xf32, #tpu.memory_space<vmem>>) target(%dma_start3A_170 : memref<10240x128xf32, #tpu.memory_space<vmem_shared>>) offsets(%dma_start3A_167 : memref<64xi32, #tpu.memory_space<vmem>>) semaphore(%arg17 : memref<!tpu.dma_semaphore, #tpu.memory_space<semaphore_mem>>) {add = true}
      } else {
      }
      %mul3A_119 = arith.constant 3 : i32
      %mul3A_120 = arith.muli %mul3A_119, %scan3A_105 : i32
      %add3A_121 = arith.constant 1 : i32
      %add3A_122 = arith.addi %mul3A_120, %add3A_121 : i32
      %lt3A_123 = arith.constant 80 : i32
      %lt3A_124 = arith.cmpi slt, %add3A_122, %lt3A_123 : i32
      %convert_element_type3A_125 = arith.extui %lt3A_124 : i1 to i32
      %cond3A_126 = arith.constant 0 : i32
      %cond3A_127 = arith.cmpi ne, %convert_element_type3A_125, %cond3A_126 : i32
      scf.if %cond3A_127 {
        %ge3A_154 = arith.constant 3 : i32
        %ge3A_155 = arith.cmpi sge, %add3A_122, %ge3A_154 : i32
        %convert_element_type3A_156 = arith.extui %ge3A_155 : i1 to i32
        %cond3A_157 = arith.constant 0 : i32
        %cond3A_158 = arith.cmpi ne, %convert_element_type3A_156, %cond3A_157 : i32
        scf.if %cond3A_158 {
          %dma_wait3A_164 = arith.constant 0 : i32
          %dma_wait3A_165 = tpu.memref_slice %arg8[%add3A_122, %dma_wait3A_164] : memref<80x64xi32, #tpu.memory_space<vmem>> -> memref<1x64xi32, #tpu.memory_space<vmem>>
          %dma_wait3A_166 = tpu.memref_squeeze %dma_wait3A_165 : memref<1x64xi32, #tpu.memory_space<vmem>> -> memref<64xi32, #tpu.memory_space<vmem>>
          %dma_wait3A_167 = arith.constant 0 : i32
          %dma_wait3A_168 = arith.constant 0 : i32
          %dma_wait3A_169 = tpu.memref_slice %arg6[%dma_wait3A_167, %dma_wait3A_168] : memref<10240x128xf32, #tpu.memory_space<vmem_shared>> -> memref<10240x128xf32, #tpu.memory_space<vmem_shared>>
          tpu.wait_indirect_dma semaphore(%arg16 : memref<!tpu.dma_semaphore, #tpu.memory_space<semaphore_mem>>) src(%arg10 : memref<64x128xf32, #tpu.memory_space<vmem>>) dst(%dma_wait3A_169 : memref<10240x128xf32, #tpu.memory_space<vmem_shared>>)
        } else {
        }
        %dma_start3A = arith.constant 0 : i32
        %dma_start3A_159 = tpu.memref_slice %arg7[%add3A_122, %dma_start3A] : memref<80x64xi32, #tpu.memory_space<vmem>> -> memref<1x64xi32, #tpu.memory_space<vmem>>
        %dma_start3A_160 = tpu.memref_squeeze %dma_start3A_159 : memref<1x64xi32, #tpu.memory_space<vmem>> -> memref<64xi32, #tpu.memory_space<vmem>>
        %dma_start3A_161 = arith.constant 0 : i32
        %dma_start3A_162 = arith.constant 0 : i32
        %dma_start3A_163 = tpu.memref_slice %arg2[%dma_start3A_161, %dma_start3A_162] : memref<20480x128xf32, #tpu.memory_space<hbm>> -> memref<20480x128xf32, #tpu.memory_space<hbm>>
        tpu.enqueue_indirect_dma source(%dma_start3A_163 : memref<20480x128xf32, #tpu.memory_space<hbm>>) target(%arg10 : memref<64x128xf32, #tpu.memory_space<vmem>>) offsets(%dma_start3A_160 : memref<64xi32, #tpu.memory_space<vmem>>) semaphore(%arg13 : memref<!tpu.dma_semaphore, #tpu.memory_space<semaphore_mem>>)
      } else {
      }
      %ge3A_128 = arith.constant 1 : i32
      %ge3A_129 = arith.cmpi sge, %add3A_122, %ge3A_128 : i32
      %lt3A_130 = arith.constant 81 : i32
      %lt3A_131 = arith.cmpi slt, %add3A_122, %lt3A_130 : i32
      %and3A_132 = arith.andi %ge3A_129, %lt3A_131 : i1
      %convert_element_type3A_133 = arith.extui %and3A_132 : i1 to i32
      %cond3A_134 = arith.constant 0 : i32
      %cond3A_135 = arith.cmpi ne, %convert_element_type3A_133, %cond3A_134 : i32
      scf.if %cond3A_135 {
        %sub3A = arith.constant 1 : i32
        %sub3A_154 = arith.subi %add3A_122, %sub3A : i32
        %max3A = arith.constant 0 : i32
        %max3A_155 = arith.maxsi %sub3A_154, %max3A : i32
        %dma_wait3A_156 = arith.constant 0 : i32
        %dma_wait3A_157 = tpu.memref_slice %arg7[%max3A_155, %dma_wait3A_156] : memref<80x64xi32, #tpu.memory_space<vmem>> -> memref<1x64xi32, #tpu.memory_space<vmem>>
        %dma_wait3A_158 = tpu.memref_squeeze %dma_wait3A_157 : memref<1x64xi32, #tpu.memory_space<vmem>> -> memref<64xi32, #tpu.memory_space<vmem>>
        %dma_wait3A_159 = arith.constant 0 : i32
        %dma_wait3A_160 = arith.constant 0 : i32
        %dma_wait3A_161 = tpu.memref_slice %arg2[%dma_wait3A_159, %dma_wait3A_160] : memref<20480x128xf32, #tpu.memory_space<hbm>> -> memref<20480x128xf32, #tpu.memory_space<hbm>>
        tpu.wait_indirect_dma semaphore(%arg12 : memref<!tpu.dma_semaphore, #tpu.memory_space<semaphore_mem>>) src(%dma_wait3A_161 : memref<20480x128xf32, #tpu.memory_space<hbm>>) dst(%arg9 : memref<64x128xf32, #tpu.memory_space<vmem>>)
        %sub3A_162 = arith.constant 1 : i32
        %sub3A_163 = arith.subi %add3A_122, %sub3A_162 : i32
        %max3A_164 = arith.constant 0 : i32
        %max3A_165 = arith.maxsi %sub3A_163, %max3A_164 : i32
        %dma_start3A = arith.constant 0 : i32
        %dma_start3A_166 = tpu.memref_slice %arg8[%max3A_165, %dma_start3A] : memref<80x64xi32, #tpu.memory_space<vmem>> -> memref<1x64xi32, #tpu.memory_space<vmem>>
        %dma_start3A_167 = tpu.memref_squeeze %dma_start3A_166 : memref<1x64xi32, #tpu.memory_space<vmem>> -> memref<64xi32, #tpu.memory_space<vmem>>
        %dma_start3A_168 = arith.constant 0 : i32
        %dma_start3A_169 = arith.constant 0 : i32
        %dma_start3A_170 = tpu.memref_slice %arg6[%dma_start3A_168, %dma_start3A_169] : memref<10240x128xf32, #tpu.memory_space<vmem_shared>> -> memref<10240x128xf32, #tpu.memory_space<vmem_shared>>
        tpu.enqueue_indirect_dma source(%arg9 : memref<64x128xf32, #tpu.memory_space<vmem>>) target(%dma_start3A_170 : memref<10240x128xf32, #tpu.memory_space<vmem_shared>>) offsets(%dma_start3A_167 : memref<64xi32, #tpu.memory_space<vmem>>) semaphore(%arg15 : memref<!tpu.dma_semaphore, #tpu.memory_space<semaphore_mem>>) {add = true}
      } else {
      }
      %mul3A_136 = arith.constant 3 : i32
      %mul3A_137 = arith.muli %mul3A_136, %scan3A_105 : i32
      %add3A_138 = arith.constant 2 : i32
      %add3A_139 = arith.addi %mul3A_137, %add3A_138 : i32
      %lt3A_140 = arith.constant 80 : i32
      %lt3A_141 = arith.cmpi slt, %add3A_139, %lt3A_140 : i32
      %convert_element_type3A_142 = arith.extui %lt3A_141 : i1 to i32
      %cond3A_143 = arith.constant 0 : i32
      %cond3A_144 = arith.cmpi ne, %convert_element_type3A_142, %cond3A_143 : i32
      scf.if %cond3A_144 {
        %ge3A_154 = arith.constant 3 : i32
        %ge3A_155 = arith.cmpi sge, %add3A_139, %ge3A_154 : i32
        %convert_element_type3A_156 = arith.extui %ge3A_155 : i1 to i32
        %cond3A_157 = arith.constant 0 : i32
        %cond3A_158 = arith.cmpi ne, %convert_element_type3A_156, %cond3A_157 : i32
        scf.if %cond3A_158 {
          %dma_wait3A_164 = arith.constant 0 : i32
          %dma_wait3A_165 = tpu.memref_slice %arg8[%add3A_139, %dma_wait3A_164] : memref<80x64xi32, #tpu.memory_space<vmem>> -> memref<1x64xi32, #tpu.memory_space<vmem>>
          %dma_wait3A_166 = tpu.memref_squeeze %dma_wait3A_165 : memref<1x64xi32, #tpu.memory_space<vmem>> -> memref<64xi32, #tpu.memory_space<vmem>>
          %dma_wait3A_167 = arith.constant 0 : i32
          %dma_wait3A_168 = arith.constant 0 : i32
          %dma_wait3A_169 = tpu.memref_slice %arg6[%dma_wait3A_167, %dma_wait3A_168] : memref<10240x128xf32, #tpu.memory_space<vmem_shared>> -> memref<10240x128xf32, #tpu.memory_space<vmem_shared>>
          tpu.wait_indirect_dma semaphore(%arg17 : memref<!tpu.dma_semaphore, #tpu.memory_space<semaphore_mem>>) src(%arg11 : memref<64x128xf32, #tpu.memory_space<vmem>>) dst(%dma_wait3A_169 : memref<10240x128xf32, #tpu.memory_space<vmem_shared>>)
        } else {
        }
        %dma_start3A = arith.constant 0 : i32
        %dma_start3A_159 = tpu.memref_slice %arg7[%add3A_139, %dma_start3A] : memref<80x64xi32, #tpu.memory_space<vmem>> -> memref<1x64xi32, #tpu.memory_space<vmem>>
        %dma_start3A_160 = tpu.memref_squeeze %dma_start3A_159 : memref<1x64xi32, #tpu.memory_space<vmem>> -> memref<64xi32, #tpu.memory_space<vmem>>
        %dma_start3A_161 = arith.constant 0 : i32
        %dma_start3A_162 = arith.constant 0 : i32
        %dma_start3A_163 = tpu.memref_slice %arg2[%dma_start3A_161, %dma_start3A_162] : memref<20480x128xf32, #tpu.memory_space<hbm>> -> memref<20480x128xf32, #tpu.memory_space<hbm>>
        tpu.enqueue_indirect_dma source(%dma_start3A_163 : memref<20480x128xf32, #tpu.memory_space<hbm>>) target(%arg11 : memref<64x128xf32, #tpu.memory_space<vmem>>) offsets(%dma_start3A_160 : memref<64xi32, #tpu.memory_space<vmem>>) semaphore(%arg14 : memref<!tpu.dma_semaphore, #tpu.memory_space<semaphore_mem>>)
      } else {
      }
      %ge3A_145 = arith.constant 1 : i32
      %ge3A_146 = arith.cmpi sge, %add3A_139, %ge3A_145 : i32
      %lt3A_147 = arith.constant 81 : i32
      %lt3A_148 = arith.cmpi slt, %add3A_139, %lt3A_147 : i32
      %and3A_149 = arith.andi %ge3A_146, %lt3A_148 : i1
      %convert_element_type3A_150 = arith.extui %and3A_149 : i1 to i32
      %cond3A_151 = arith.constant 0 : i32
      %cond3A_152 = arith.cmpi ne, %convert_element_type3A_150, %cond3A_151 : i32
      scf.if %cond3A_152 {
        %sub3A = arith.constant 1 : i32
        %sub3A_154 = arith.subi %add3A_139, %sub3A : i32
        %max3A = arith.constant 0 : i32
        %max3A_155 = arith.maxsi %sub3A_154, %max3A : i32
        %dma_wait3A_156 = arith.constant 0 : i32
        %dma_wait3A_157 = tpu.memref_slice %arg7[%max3A_155, %dma_wait3A_156] : memref<80x64xi32, #tpu.memory_space<vmem>> -> memref<1x64xi32, #tpu.memory_space<vmem>>
        %dma_wait3A_158 = tpu.memref_squeeze %dma_wait3A_157 : memref<1x64xi32, #tpu.memory_space<vmem>> -> memref<64xi32, #tpu.memory_space<vmem>>
        %dma_wait3A_159 = arith.constant 0 : i32
        %dma_wait3A_160 = arith.constant 0 : i32
        %dma_wait3A_161 = tpu.memref_slice %arg2[%dma_wait3A_159, %dma_wait3A_160] : memref<20480x128xf32, #tpu.memory_space<hbm>> -> memref<20480x128xf32, #tpu.memory_space<hbm>>
        tpu.wait_indirect_dma semaphore(%arg13 : memref<!tpu.dma_semaphore, #tpu.memory_space<semaphore_mem>>) src(%dma_wait3A_161 : memref<20480x128xf32, #tpu.memory_space<hbm>>) dst(%arg10 : memref<64x128xf32, #tpu.memory_space<vmem>>)
        %sub3A_162 = arith.constant 1 : i32
        %sub3A_163 = arith.subi %add3A_139, %sub3A_162 : i32
        %max3A_164 = arith.constant 0 : i32
        %max3A_165 = arith.maxsi %sub3A_163, %max3A_164 : i32
        %dma_start3A = arith.constant 0 : i32
        %dma_start3A_166 = tpu.memref_slice %arg8[%max3A_165, %dma_start3A] : memref<80x64xi32, #tpu.memory_space<vmem>> -> memref<1x64xi32, #tpu.memory_space<vmem>>
        %dma_start3A_167 = tpu.memref_squeeze %dma_start3A_166 : memref<1x64xi32, #tpu.memory_space<vmem>> -> memref<64xi32, #tpu.memory_space<vmem>>
        %dma_start3A_168 = arith.constant 0 : i32
        %dma_start3A_169 = arith.constant 0 : i32
        %dma_start3A_170 = tpu.memref_slice %arg6[%dma_start3A_168, %dma_start3A_169] : memref<10240x128xf32, #tpu.memory_space<vmem_shared>> -> memref<10240x128xf32, #tpu.memory_space<vmem_shared>>
        tpu.enqueue_indirect_dma source(%arg10 : memref<64x128xf32, #tpu.memory_space<vmem>>) target(%dma_start3A_170 : memref<10240x128xf32, #tpu.memory_space<vmem_shared>>) offsets(%dma_start3A_167 : memref<64xi32, #tpu.memory_space<vmem>>) semaphore(%arg16 : memref<!tpu.dma_semaphore, #tpu.memory_space<semaphore_mem>>) {add = true}
      } else {
      }
      %scan3A_153 = arith.constant 0 : i32
      scf.yield %scan3A_153 : i32
    }
    %scan3A_37 = arith.constant 27 : i32
    %dma_wait3A = arith.constant 77 : i32
    %dma_wait3A_38 = arith.constant 0 : i32
    %dma_wait3A_39 = tpu.memref_slice %arg8[%dma_wait3A, %dma_wait3A_38] : memref<80x64xi32, #tpu.memory_space<vmem>> -> memref<1x64xi32, #tpu.memory_space<vmem>>
    %dma_wait3A_40 = tpu.memref_squeeze %dma_wait3A_39 : memref<1x64xi32, #tpu.memory_space<vmem>> -> memref<64xi32, #tpu.memory_space<vmem>>
    %dma_wait3A_41 = arith.constant 0 : i32
    %dma_wait3A_42 = arith.constant 0 : i32
    %dma_wait3A_43 = tpu.memref_slice %arg6[%dma_wait3A_41, %dma_wait3A_42] : memref<10240x128xf32, #tpu.memory_space<vmem_shared>> -> memref<10240x128xf32, #tpu.memory_space<vmem_shared>>
    tpu.wait_indirect_dma semaphore(%arg15 : memref<!tpu.dma_semaphore, #tpu.memory_space<semaphore_mem>>) src(%arg9 : memref<64x128xf32, #tpu.memory_space<vmem>>) dst(%dma_wait3A_43 : memref<10240x128xf32, #tpu.memory_space<vmem_shared>>)
    %dma_wait3A_44 = arith.constant 78 : i32
    %dma_wait3A_45 = arith.constant 0 : i32
    %dma_wait3A_46 = tpu.memref_slice %arg8[%dma_wait3A_44, %dma_wait3A_45] : memref<80x64xi32, #tpu.memory_space<vmem>> -> memref<1x64xi32, #tpu.memory_space<vmem>>
    %dma_wait3A_47 = tpu.memref_squeeze %dma_wait3A_46 : memref<1x64xi32, #tpu.memory_space<vmem>> -> memref<64xi32, #tpu.memory_space<vmem>>
    %dma_wait3A_48 = arith.constant 0 : i32
    %dma_wait3A_49 = arith.constant 0 : i32
    %dma_wait3A_50 = tpu.memref_slice %arg6[%dma_wait3A_48, %dma_wait3A_49] : memref<10240x128xf32, #tpu.memory_space<vmem_shared>> -> memref<10240x128xf32, #tpu.memory_space<vmem_shared>>
    tpu.wait_indirect_dma semaphore(%arg16 : memref<!tpu.dma_semaphore, #tpu.memory_space<semaphore_mem>>) src(%arg10 : memref<64x128xf32, #tpu.memory_space<vmem>>) dst(%dma_wait3A_50 : memref<10240x128xf32, #tpu.memory_space<vmem_shared>>)
    %dma_wait3A_51 = arith.constant 79 : i32
    %dma_wait3A_52 = arith.constant 0 : i32
    %dma_wait3A_53 = tpu.memref_slice %arg8[%dma_wait3A_51, %dma_wait3A_52] : memref<80x64xi32, #tpu.memory_space<vmem>> -> memref<1x64xi32, #tpu.memory_space<vmem>>
    %dma_wait3A_54 = tpu.memref_squeeze %dma_wait3A_53 : memref<1x64xi32, #tpu.memory_space<vmem>> -> memref<64xi32, #tpu.memory_space<vmem>>
    %dma_wait3A_55 = arith.constant 0 : i32
    %dma_wait3A_56 = arith.constant 0 : i32
    %dma_wait3A_57 = tpu.memref_slice %arg6[%dma_wait3A_55, %dma_wait3A_56] : memref<10240x128xf32, #tpu.memory_space<vmem_shared>> -> memref<10240x128xf32, #tpu.memory_space<vmem_shared>>
    tpu.wait_indirect_dma semaphore(%arg17 : memref<!tpu.dma_semaphore, #tpu.memory_space<semaphore_mem>>) src(%arg11 : memref<64x128xf32, #tpu.memory_space<vmem>>) dst(%dma_wait3A_57 : memref<10240x128xf32, #tpu.memory_space<vmem_shared>>)
    %mul3A_58 = arith.constant 160 : i32
    %mul3A_59 = arith.muli %arg1, %mul3A_58 : i32
    %add3A_60 = arith.constant 80 : i32
    %add3A_61 = arith.addi %mul3A_59, %add3A_60 : i32
    "tpu.region"() ({
      %run_scoped3A = tpu.sem_alloc : memref<!tpu.dma_semaphore, #tpu.memory_space<semaphore_mem>>
      %dma_start3A = arith.constant 0 : i32
      %dma_start3A_105 = tpu.memref_slice %arg3[%add3A_61, %dma_start3A] : memref<2560x64xi32, #tpu.memory_space<hbm>> -> memref<80x64xi32, #tpu.memory_space<hbm>>
      %dma_start3A_106 = arith.constant 0 : i32
      %dma_start3A_107 = tpu.memref_slice %arg3[%add3A_61, %dma_start3A_106] : memref<2560x64xi32, #tpu.memory_space<hbm>> -> memref<80x64xi32, #tpu.memory_space<hbm>>
      tpu.enqueue_dma source(%dma_start3A_107 : memref<80x64xi32, #tpu.memory_space<hbm>>) target(%arg7 : memref<80x64xi32, #tpu.memory_space<vmem>>) target_semaphore(%run_scoped3A : memref<!tpu.dma_semaphore, #tpu.memory_space<semaphore_mem>>)
      %dma_wait3A_108 = arith.constant 0 : i32
      %dma_wait3A_109 = tpu.memref_slice %arg3[%add3A_61, %dma_wait3A_108] : memref<2560x64xi32, #tpu.memory_space<hbm>> -> memref<80x64xi32, #tpu.memory_space<hbm>>
      %dma_wait3A_110 = arith.constant 0 : i32
      %dma_wait3A_111 = tpu.memref_slice %arg3[%add3A_61, %dma_wait3A_110] : memref<2560x64xi32, #tpu.memory_space<hbm>> -> memref<80x64xi32, #tpu.memory_space<hbm>>
      tpu.wait_dma2 semaphore(%run_scoped3A : memref<!tpu.dma_semaphore, #tpu.memory_space<semaphore_mem>>) src(%dma_wait3A_111 : memref<80x64xi32, #tpu.memory_space<hbm>>) dst(%arg7 : memref<80x64xi32, #tpu.memory_space<vmem>>)
      tpu.yield
    }) : () -> ()
    "tpu.region"() ({
      %run_scoped3A = tpu.sem_alloc : memref<!tpu.dma_semaphore, #tpu.memory_space<semaphore_mem>>
      %dma_start3A = arith.constant 0 : i32
      %dma_start3A_105 = tpu.memref_slice %arg4[%add3A_61, %dma_start3A] : memref<2560x64xi32, #tpu.memory_space<hbm>> -> memref<80x64xi32, #tpu.memory_space<hbm>>
      %dma_start3A_106 = arith.constant 0 : i32
      %dma_start3A_107 = tpu.memref_slice %arg4[%add3A_61, %dma_start3A_106] : memref<2560x64xi32, #tpu.memory_space<hbm>> -> memref<80x64xi32, #tpu.memory_space<hbm>>
      tpu.enqueue_dma source(%dma_start3A_107 : memref<80x64xi32, #tpu.memory_space<hbm>>) target(%arg8 : memref<80x64xi32, #tpu.memory_space<vmem>>) target_semaphore(%run_scoped3A : memref<!tpu.dma_semaphore, #tpu.memory_space<semaphore_mem>>)
      %dma_wait3A_108 = arith.constant 0 : i32
      %dma_wait3A_109 = tpu.memref_slice %arg4[%add3A_61, %dma_wait3A_108] : memref<2560x64xi32, #tpu.memory_space<hbm>> -> memref<80x64xi32, #tpu.memory_space<hbm>>
      %dma_wait3A_110 = arith.constant 0 : i32
      %dma_wait3A_111 = tpu.memref_slice %arg4[%add3A_61, %dma_wait3A_110] : memref<2560x64xi32, #tpu.memory_space<hbm>> -> memref<80x64xi32, #tpu.memory_space<hbm>>
      tpu.wait_dma2 semaphore(%run_scoped3A : memref<!tpu.dma_semaphore, #tpu.memory_space<semaphore_mem>>) src(%dma_wait3A_111 : memref<80x64xi32, #tpu.memory_space<hbm>>) dst(%arg8 : memref<80x64xi32, #tpu.memory_space<vmem>>)
      tpu.yield
    }) : () -> ()
    %scan3A_62 = arith.constant 0 : i32
    %scan3A_63 = arith.constant 0 : i32
    %scan3A_64 = arith.constant 80 : i32
    %scan3A_65 = arith.addi %scan3A_63, %scan3A_64 : i32
    %scan3A_66 = arith.constant 1 : i32
    %scan3A_67 = scf.for %scan3A_105 = %scan3A_63 to %scan3A_65 step %scan3A_66 iter_args(%scan3A_106 = %scan3A_62) -> (i32)  : i32 {
      %scan3A_107 = arith.constant 0 : i32
      %scan3A_108 = arith.constant 0 : i32
      %scan3A_109 = arith.constant 4 : i32
      %scan3A_110 = arith.addi %scan3A_108, %scan3A_109 : i32
      %scan3A_111 = arith.constant 1 : i32
      %scan3A_112 = scf.for %scan3A_115 = %scan3A_108 to %scan3A_110 step %scan3A_111 iter_args(%scan3A_116 = %scan3A_107) -> (i32)  : i32 {
        %mul3A_117 = arith.constant 16 : i32
        %mul3A_118 = arith.muli %scan3A_115, %mul3A_117 : i32
        %get3A = arith.constant 0 : i32
        %get3A_119 = tpu.memref_slice %arg7[%scan3A_105, %get3A] : memref<80x64xi32, #tpu.memory_space<vmem>> -> memref<1x64xi32, #tpu.memory_space<vmem>>
        %get3A_120 = tpu.memref_squeeze %get3A_119 : memref<1x64xi32, #tpu.memory_space<vmem>> -> memref<64xi32, #tpu.memory_space<vmem>>
        %get3A_121 = arith.index_cast %mul3A_118 : i32 to index
        %get3A_122 = tpu.vector_load %get3A_120[%get3A_121] {strides = array<i32>} : memref<64xi32, #tpu.memory_space<vmem>>, vector<16xi32>,
        %add3A_123 = vector.broadcast %mul3A_20 : i32 to vector<16xi32>
        %add3A_124 = arith.addi %get3A_122, %add3A_123 : vector<16xi32>
        %swap3A = arith.constant 0 : i32
        %swap3A_125 = tpu.memref_slice %arg7[%scan3A_105, %swap3A] : memref<80x64xi32, #tpu.memory_space<vmem>> -> memref<1x64xi32, #tpu.memory_space<vmem>>
        %swap3A_126 = tpu.memref_squeeze %swap3A_125 : memref<1x64xi32, #tpu.memory_space<vmem>> -> memref<64xi32, #tpu.memory_space<vmem>>
        %swap3A_127 = arith.index_cast %mul3A_118 : i32 to index
        %swap3A_128 = tpu.vector_load %swap3A_126[%swap3A_127] {strides = array<i32>} : memref<64xi32, #tpu.memory_space<vmem>>, vector<16xi32>,
        tpu.vector_store %swap3A_126[%swap3A_127], %add3A_124 {strides = array<i32>} : memref<64xi32, #tpu.memory_space<vmem>>, vector<16xi32>,
        %scan3A_129 = arith.constant 0 : i32
        scf.yield %scan3A_129 : i32
      }
      %scan3A_113 = arith.constant 4 : i32
      %scan3A_114 = arith.constant 0 : i32
      scf.yield %scan3A_114 : i32
    }
    %scan3A_68 = arith.constant 80 : i32
    %scan3A_69 = arith.constant 0 : i32
    %scan3A_70 = arith.constant 0 : i32
    %scan3A_71 = arith.constant 27 : i32
    %scan3A_72 = arith.addi %scan3A_70, %scan3A_71 : i32
    %scan3A_73 = arith.constant 1 : i32
    %scan3A_74 = scf.for %scan3A_105 = %scan3A_70 to %scan3A_72 step %scan3A_73 iter_args(%scan3A_106 = %scan3A_69) -> (i32)  : i32 {
      %mul3A_107 = arith.constant 3 : i32
      %mul3A_108 = arith.muli %mul3A_107, %scan3A_105 : i32
      %add3A_109 = arith.constant 0 : i32
      %add3A_110 = arith.addi %mul3A_108, %add3A_109 : i32
      %lt3A = arith.constant 80 : i32
      %lt3A_111 = arith.cmpi slt, %add3A_110, %lt3A : i32
      %convert_element_type3A = arith.extui %lt3A_111 : i1 to i32
      %cond3A = arith.constant 0 : i32
      %cond3A_112 = arith.cmpi ne, %convert_element_type3A, %cond3A : i32
      scf.if %cond3A_112 {
        %ge3A_154 = arith.constant 3 : i32
        %ge3A_155 = arith.cmpi sge, %add3A_110, %ge3A_154 : i32
        %convert_element_type3A_156 = arith.extui %ge3A_155 : i1 to i32
        %cond3A_157 = arith.constant 0 : i32
        %cond3A_158 = arith.cmpi ne, %convert_element_type3A_156, %cond3A_157 : i32
        scf.if %cond3A_158 {
          %dma_wait3A_164 = arith.constant 0 : i32
          %dma_wait3A_165 = tpu.memref_slice %arg8[%add3A_110, %dma_wait3A_164] : memref<80x64xi32, #tpu.memory_space<vmem>> -> memref<1x64xi32, #tpu.memory_space<vmem>>
          %dma_wait3A_166 = tpu.memref_squeeze %dma_wait3A_165 : memref<1x64xi32, #tpu.memory_space<vmem>> -> memref<64xi32, #tpu.memory_space<vmem>>
          %dma_wait3A_167 = arith.constant 0 : i32
          %dma_wait3A_168 = arith.constant 0 : i32
          %dma_wait3A_169 = tpu.memref_slice %arg6[%dma_wait3A_167, %dma_wait3A_168] : memref<10240x128xf32, #tpu.memory_space<vmem_shared>> -> memref<10240x128xf32, #tpu.memory_space<vmem_shared>>
          tpu.wait_indirect_dma semaphore(%arg15 : memref<!tpu.dma_semaphore, #tpu.memory_space<semaphore_mem>>) src(%arg9 : memref<64x128xf32, #tpu.memory_space<vmem>>) dst(%dma_wait3A_169 : memref<10240x128xf32, #tpu.memory_space<vmem_shared>>)
        } else {
        }
        %dma_start3A = arith.constant 0 : i32
        %dma_start3A_159 = tpu.memref_slice %arg7[%add3A_110, %dma_start3A] : memref<80x64xi32, #tpu.memory_space<vmem>> -> memref<1x64xi32, #tpu.memory_space<vmem>>
        %dma_start3A_160 = tpu.memref_squeeze %dma_start3A_159 : memref<1x64xi32, #tpu.memory_space<vmem>> -> memref<64xi32, #tpu.memory_space<vmem>>
        %dma_start3A_161 = arith.constant 0 : i32
        %dma_start3A_162 = arith.constant 0 : i32
        %dma_start3A_163 = tpu.memref_slice %arg2[%dma_start3A_161, %dma_start3A_162] : memref<20480x128xf32, #tpu.memory_space<hbm>> -> memref<20480x128xf32, #tpu.memory_space<hbm>>
        tpu.enqueue_indirect_dma source(%dma_start3A_163 : memref<20480x128xf32, #tpu.memory_space<hbm>>) target(%arg9 : memref<64x128xf32, #tpu.memory_space<vmem>>) offsets(%dma_start3A_160 : memref<64xi32, #tpu.memory_space<vmem>>) semaphore(%arg12 : memref<!tpu.dma_semaphore, #tpu.memory_space<semaphore_mem>>)
      } else {
      }
      %ge3A = arith.constant 1 : i32
      %ge3A_113 = arith.cmpi sge, %add3A_110, %ge3A : i32
      %lt3A_114 = arith.constant 81 : i32
      %lt3A_115 = arith.cmpi slt, %add3A_110, %lt3A_114 : i32
      %and3A = arith.andi %ge3A_113, %lt3A_115 : i1
      %convert_element_type3A_116 = arith.extui %and3A : i1 to i32
      %cond3A_117 = arith.constant 0 : i32
      %cond3A_118 = arith.cmpi ne, %convert_element_type3A_116, %cond3A_117 : i32
      scf.if %cond3A_118 {
        %sub3A = arith.constant 1 : i32
        %sub3A_154 = arith.subi %add3A_110, %sub3A : i32
        %max3A = arith.constant 0 : i32
        %max3A_155 = arith.maxsi %sub3A_154, %max3A : i32
        %dma_wait3A_156 = arith.constant 0 : i32
        %dma_wait3A_157 = tpu.memref_slice %arg7[%max3A_155, %dma_wait3A_156] : memref<80x64xi32, #tpu.memory_space<vmem>> -> memref<1x64xi32, #tpu.memory_space<vmem>>
        %dma_wait3A_158 = tpu.memref_squeeze %dma_wait3A_157 : memref<1x64xi32, #tpu.memory_space<vmem>> -> memref<64xi32, #tpu.memory_space<vmem>>
        %dma_wait3A_159 = arith.constant 0 : i32
        %dma_wait3A_160 = arith.constant 0 : i32
        %dma_wait3A_161 = tpu.memref_slice %arg2[%dma_wait3A_159, %dma_wait3A_160] : memref<20480x128xf32, #tpu.memory_space<hbm>> -> memref<20480x128xf32, #tpu.memory_space<hbm>>
        tpu.wait_indirect_dma semaphore(%arg14 : memref<!tpu.dma_semaphore, #tpu.memory_space<semaphore_mem>>) src(%dma_wait3A_161 : memref<20480x128xf32, #tpu.memory_space<hbm>>) dst(%arg11 : memref<64x128xf32, #tpu.memory_space<vmem>>)
        %sub3A_162 = arith.constant 1 : i32
        %sub3A_163 = arith.subi %add3A_110, %sub3A_162 : i32
        %max3A_164 = arith.constant 0 : i32
        %max3A_165 = arith.maxsi %sub3A_163, %max3A_164 : i32
        %dma_start3A = arith.constant 0 : i32
        %dma_start3A_166 = tpu.memref_slice %arg8[%max3A_165, %dma_start3A] : memref<80x64xi32, #tpu.memory_space<vmem>> -> memref<1x64xi32, #tpu.memory_space<vmem>>
        %dma_start3A_167 = tpu.memref_squeeze %dma_start3A_166 : memref<1x64xi32, #tpu.memory_space<vmem>> -> memref<64xi32, #tpu.memory_space<vmem>>
        %dma_start3A_168 = arith.constant 0 : i32
        %dma_start3A_169 = arith.constant 0 : i32
        %dma_start3A_170 = tpu.memref_slice %arg6[%dma_start3A_168, %dma_start3A_169] : memref<10240x128xf32, #tpu.memory_space<vmem_shared>> -> memref<10240x128xf32, #tpu.memory_space<vmem_shared>>
        tpu.enqueue_indirect_dma source(%arg11 : memref<64x128xf32, #tpu.memory_space<vmem>>) target(%dma_start3A_170 : memref<10240x128xf32, #tpu.memory_space<vmem_shared>>) offsets(%dma_start3A_167 : memref<64xi32, #tpu.memory_space<vmem>>) semaphore(%arg17 : memref<!tpu.dma_semaphore, #tpu.memory_space<semaphore_mem>>) {add = true}
      } else {
      }
      %mul3A_119 = arith.constant 3 : i32
      %mul3A_120 = arith.muli %mul3A_119, %scan3A_105 : i32
      %add3A_121 = arith.constant 1 : i32
      %add3A_122 = arith.addi %mul3A_120, %add3A_121 : i32
      %lt3A_123 = arith.constant 80 : i32
      %lt3A_124 = arith.cmpi slt, %add3A_122, %lt3A_123 : i32
      %convert_element_type3A_125 = arith.extui %lt3A_124 : i1 to i32
      %cond3A_126 = arith.constant 0 : i32
      %cond3A_127 = arith.cmpi ne, %convert_element_type3A_125, %cond3A_126 : i32
      scf.if %cond3A_127 {
        %ge3A_154 = arith.constant 3 : i32
        %ge3A_155 = arith.cmpi sge, %add3A_122, %ge3A_154 : i32
        %convert_element_type3A_156 = arith.extui %ge3A_155 : i1 to i32
        %cond3A_157 = arith.constant 0 : i32
        %cond3A_158 = arith.cmpi ne, %convert_element_type3A_156, %cond3A_157 : i32
        scf.if %cond3A_158 {
          %dma_wait3A_164 = arith.constant 0 : i32
          %dma_wait3A_165 = tpu.memref_slice %arg8[%add3A_122, %dma_wait3A_164] : memref<80x64xi32, #tpu.memory_space<vmem>> -> memref<1x64xi32, #tpu.memory_space<vmem>>
          %dma_wait3A_166 = tpu.memref_squeeze %dma_wait3A_165 : memref<1x64xi32, #tpu.memory_space<vmem>> -> memref<64xi32, #tpu.memory_space<vmem>>
          %dma_wait3A_167 = arith.constant 0 : i32
          %dma_wait3A_168 = arith.constant 0 : i32
          %dma_wait3A_169 = tpu.memref_slice %arg6[%dma_wait3A_167, %dma_wait3A_168] : memref<10240x128xf32, #tpu.memory_space<vmem_shared>> -> memref<10240x128xf32, #tpu.memory_space<vmem_shared>>
          tpu.wait_indirect_dma semaphore(%arg16 : memref<!tpu.dma_semaphore, #tpu.memory_space<semaphore_mem>>) src(%arg10 : memref<64x128xf32, #tpu.memory_space<vmem>>) dst(%dma_wait3A_169 : memref<10240x128xf32, #tpu.memory_space<vmem_shared>>)
        } else {
        }
        %dma_start3A = arith.constant 0 : i32
        %dma_start3A_159 = tpu.memref_slice %arg7[%add3A_122, %dma_start3A] : memref<80x64xi32, #tpu.memory_space<vmem>> -> memref<1x64xi32, #tpu.memory_space<vmem>>
        %dma_start3A_160 = tpu.memref_squeeze %dma_start3A_159 : memref<1x64xi32, #tpu.memory_space<vmem>> -> memref<64xi32, #tpu.memory_space<vmem>>
        %dma_start3A_161 = arith.constant 0 : i32
        %dma_start3A_162 = arith.constant 0 : i32
        %dma_start3A_163 = tpu.memref_slice %arg2[%dma_start3A_161, %dma_start3A_162] : memref<20480x128xf32, #tpu.memory_space<hbm>> -> memref<20480x128xf32, #tpu.memory_space<hbm>>
        tpu.enqueue_indirect_dma source(%dma_start3A_163 : memref<20480x128xf32, #tpu.memory_space<hbm>>) target(%arg10 : memref<64x128xf32, #tpu.memory_space<vmem>>) offsets(%dma_start3A_160 : memref<64xi32, #tpu.memory_space<vmem>>) semaphore(%arg13 : memref<!tpu.dma_semaphore, #tpu.memory_space<semaphore_mem>>)
      } else {
      }
      %ge3A_128 = arith.constant 1 : i32
      %ge3A_129 = arith.cmpi sge, %add3A_122, %ge3A_128 : i32
      %lt3A_130 = arith.constant 81 : i32
      %lt3A_131 = arith.cmpi slt, %add3A_122, %lt3A_130 : i32
      %and3A_132 = arith.andi %ge3A_129, %lt3A_131 : i1
      %convert_element_type3A_133 = arith.extui %and3A_132 : i1 to i32
      %cond3A_134 = arith.constant 0 : i32
      %cond3A_135 = arith.cmpi ne, %convert_element_type3A_133, %cond3A_134 : i32
      scf.if %cond3A_135 {
        %sub3A = arith.constant 1 : i32
        %sub3A_154 = arith.subi %add3A_122, %sub3A : i32
        %max3A = arith.constant 0 : i32
        %max3A_155 = arith.maxsi %sub3A_154, %max3A : i32
        %dma_wait3A_156 = arith.constant 0 : i32
        %dma_wait3A_157 = tpu.memref_slice %arg7[%max3A_155, %dma_wait3A_156] : memref<80x64xi32, #tpu.memory_space<vmem>> -> memref<1x64xi32, #tpu.memory_space<vmem>>
        %dma_wait3A_158 = tpu.memref_squeeze %dma_wait3A_157 : memref<1x64xi32, #tpu.memory_space<vmem>> -> memref<64xi32, #tpu.memory_space<vmem>>
        %dma_wait3A_159 = arith.constant 0 : i32
        %dma_wait3A_160 = arith.constant 0 : i32
        %dma_wait3A_161 = tpu.memref_slice %arg2[%dma_wait3A_159, %dma_wait3A_160] : memref<20480x128xf32, #tpu.memory_space<hbm>> -> memref<20480x128xf32, #tpu.memory_space<hbm>>
        tpu.wait_indirect_dma semaphore(%arg12 : memref<!tpu.dma_semaphore, #tpu.memory_space<semaphore_mem>>) src(%dma_wait3A_161 : memref<20480x128xf32, #tpu.memory_space<hbm>>) dst(%arg9 : memref<64x128xf32, #tpu.memory_space<vmem>>)
        %sub3A_162 = arith.constant 1 : i32
        %sub3A_163 = arith.subi %add3A_122, %sub3A_162 : i32
        %max3A_164 = arith.constant 0 : i32
        %max3A_165 = arith.maxsi %sub3A_163, %max3A_164 : i32
        %dma_start3A = arith.constant 0 : i32
        %dma_start3A_166 = tpu.memref_slice %arg8[%max3A_165, %dma_start3A] : memref<80x64xi32, #tpu.memory_space<vmem>> -> memref<1x64xi32, #tpu.memory_space<vmem>>
        %dma_start3A_167 = tpu.memref_squeeze %dma_start3A_166 : memref<1x64xi32, #tpu.memory_space<vmem>> -> memref<64xi32, #tpu.memory_space<vmem>>
        %dma_start3A_168 = arith.constant 0 : i32
        %dma_start3A_169 = arith.constant 0 : i32
        %dma_start3A_170 = tpu.memref_slice %arg6[%dma_start3A_168, %dma_start3A_169] : memref<10240x128xf32, #tpu.memory_space<vmem_shared>> -> memref<10240x128xf32, #tpu.memory_space<vmem_shared>>
        tpu.enqueue_indirect_dma source(%arg9 : memref<64x128xf32, #tpu.memory_space<vmem>>) target(%dma_start3A_170 : memref<10240x128xf32, #tpu.memory_space<vmem_shared>>) offsets(%dma_start3A_167 : memref<64xi32, #tpu.memory_space<vmem>>) semaphore(%arg15 : memref<!tpu.dma_semaphore, #tpu.memory_space<semaphore_mem>>) {add = true}
      } else {
      }
      %mul3A_136 = arith.constant 3 : i32
      %mul3A_137 = arith.muli %mul3A_136, %scan3A_105 : i32
      %add3A_138 = arith.constant 2 : i32
      %add3A_139 = arith.addi %mul3A_137, %add3A_138 : i32
      %lt3A_140 = arith.constant 80 : i32
      %lt3A_141 = arith.cmpi slt, %add3A_139, %lt3A_140 : i32
      %convert_element_type3A_142 = arith.extui %lt3A_141 : i1 to i32
      %cond3A_143 = arith.constant 0 : i32
      %cond3A_144 = arith.cmpi ne, %convert_element_type3A_142, %cond3A_143 : i32
      scf.if %cond3A_144 {
        %ge3A_154 = arith.constant 3 : i32
        %ge3A_155 = arith.cmpi sge, %add3A_139, %ge3A_154 : i32
        %convert_element_type3A_156 = arith.extui %ge3A_155 : i1 to i32
        %cond3A_157 = arith.constant 0 : i32
        %cond3A_158 = arith.cmpi ne, %convert_element_type3A_156, %cond3A_157 : i32
        scf.if %cond3A_158 {
          %dma_wait3A_164 = arith.constant 0 : i32
          %dma_wait3A_165 = tpu.memref_slice %arg8[%add3A_139, %dma_wait3A_164] : memref<80x64xi32, #tpu.memory_space<vmem>> -> memref<1x64xi32, #tpu.memory_space<vmem>>
          %dma_wait3A_166 = tpu.memref_squeeze %dma_wait3A_165 : memref<1x64xi32, #tpu.memory_space<vmem>> -> memref<64xi32, #tpu.memory_space<vmem>>
          %dma_wait3A_167 = arith.constant 0 : i32
          %dma_wait3A_168 = arith.constant 0 : i32
          %dma_wait3A_169 = tpu.memref_slice %arg6[%dma_wait3A_167, %dma_wait3A_168] : memref<10240x128xf32, #tpu.memory_space<vmem_shared>> -> memref<10240x128xf32, #tpu.memory_space<vmem_shared>>
          tpu.wait_indirect_dma semaphore(%arg17 : memref<!tpu.dma_semaphore, #tpu.memory_space<semaphore_mem>>) src(%arg11 : memref<64x128xf32, #tpu.memory_space<vmem>>) dst(%dma_wait3A_169 : memref<10240x128xf32, #tpu.memory_space<vmem_shared>>)
        } else {
        }
        %dma_start3A = arith.constant 0 : i32
        %dma_start3A_159 = tpu.memref_slice %arg7[%add3A_139, %dma_start3A] : memref<80x64xi32, #tpu.memory_space<vmem>> -> memref<1x64xi32, #tpu.memory_space<vmem>>
        %dma_start3A_160 = tpu.memref_squeeze %dma_start3A_159 : memref<1x64xi32, #tpu.memory_space<vmem>> -> memref<64xi32, #tpu.memory_space<vmem>>
        %dma_start3A_161 = arith.constant 0 : i32
        %dma_start3A_162 = arith.constant 0 : i32
        %dma_start3A_163 = tpu.memref_slice %arg2[%dma_start3A_161, %dma_start3A_162] : memref<20480x128xf32, #tpu.memory_space<hbm>> -> memref<20480x128xf32, #tpu.memory_space<hbm>>
        tpu.enqueue_indirect_dma source(%dma_start3A_163 : memref<20480x128xf32, #tpu.memory_space<hbm>>) target(%arg11 : memref<64x128xf32, #tpu.memory_space<vmem>>) offsets(%dma_start3A_160 : memref<64xi32, #tpu.memory_space<vmem>>) semaphore(%arg14 : memref<!tpu.dma_semaphore, #tpu.memory_space<semaphore_mem>>)
      } else {
      }
      %ge3A_145 = arith.constant 1 : i32
      %ge3A_146 = arith.cmpi sge, %add3A_139, %ge3A_145 : i32
      %lt3A_147 = arith.constant 81 : i32
      %lt3A_148 = arith.cmpi slt, %add3A_139, %lt3A_147 : i32
      %and3A_149 = arith.andi %ge3A_146, %lt3A_148 : i1
      %convert_element_type3A_150 = arith.extui %and3A_149 : i1 to i32
      %cond3A_151 = arith.constant 0 : i32
      %cond3A_152 = arith.cmpi ne, %convert_element_type3A_150, %cond3A_151 : i32
      scf.if %cond3A_152 {
        %sub3A = arith.constant 1 : i32
        %sub3A_154 = arith.subi %add3A_139, %sub3A : i32
        %max3A = arith.constant 0 : i32
        %max3A_155 = arith.maxsi %sub3A_154, %max3A : i32
        %dma_wait3A_156 = arith.constant 0 : i32
        %dma_wait3A_157 = tpu.memref_slice %arg7[%max3A_155, %dma_wait3A_156] : memref<80x64xi32, #tpu.memory_space<vmem>> -> memref<1x64xi32, #tpu.memory_space<vmem>>
        %dma_wait3A_158 = tpu.memref_squeeze %dma_wait3A_157 : memref<1x64xi32, #tpu.memory_space<vmem>> -> memref<64xi32, #tpu.memory_space<vmem>>
        %dma_wait3A_159 = arith.constant 0 : i32
        %dma_wait3A_160 = arith.constant 0 : i32
        %dma_wait3A_161 = tpu.memref_slice %arg2[%dma_wait3A_159, %dma_wait3A_160] : memref<20480x128xf32, #tpu.memory_space<hbm>> -> memref<20480x128xf32, #tpu.memory_space<hbm>>
        tpu.wait_indirect_dma semaphore(%arg13 : memref<!tpu.dma_semaphore, #tpu.memory_space<semaphore_mem>>) src(%dma_wait3A_161 : memref<20480x128xf32, #tpu.memory_space<hbm>>) dst(%arg10 : memref<64x128xf32, #tpu.memory_space<vmem>>)
        %sub3A_162 = arith.constant 1 : i32
        %sub3A_163 = arith.subi %add3A_139, %sub3A_162 : i32
        %max3A_164 = arith.constant 0 : i32
        %max3A_165 = arith.maxsi %sub3A_163, %max3A_164 : i32
        %dma_start3A = arith.constant 0 : i32
        %dma_start3A_166 = tpu.memref_slice %arg8[%max3A_165, %dma_start3A] : memref<80x64xi32, #tpu.memory_space<vmem>> -> memref<1x64xi32, #tpu.memory_space<vmem>>
        %dma_start3A_167 = tpu.memref_squeeze %dma_start3A_166 : memref<1x64xi32, #tpu.memory_space<vmem>> -> memref<64xi32, #tpu.memory_space<vmem>>
        %dma_start3A_168 = arith.constant 0 : i32
        %dma_start3A_169 = arith.constant 0 : i32
        %dma_start3A_170 = tpu.memref_slice %arg6[%dma_start3A_168, %dma_start3A_169] : memref<10240x128xf32, #tpu.memory_space<vmem_shared>> -> memref<10240x128xf32, #tpu.memory_space<vmem_shared>>
        tpu.enqueue_indirect_dma source(%arg10 : memref<64x128xf32, #tpu.memory_space<vmem>>) target(%dma_start3A_170 : memref<10240x128xf32, #tpu.memory_space<vmem_shared>>) offsets(%dma_start3A_167 : memref<64xi32, #tpu.memory_space<vmem>>) semaphore(%arg16 : memref<!tpu.dma_semaphore, #tpu.memory_space<semaphore_mem>>) {add = true}
      } else {
      }
      %scan3A_153 = arith.constant 0 : i32
      scf.yield %scan3A_153 : i32
    }
    %scan3A_75 = arith.constant 27 : i32
    %dma_wait3A_76 = arith.constant 77 : i32
    %dma_wait3A_77 = arith.constant 0 : i32
    %dma_wait3A_78 = tpu.memref_slice %arg8[%dma_wait3A_76, %dma_wait3A_77] : memref<80x64xi32, #tpu.memory_space<vmem>> -> memref<1x64xi32, #tpu.memory_space<vmem>>
    %dma_wait3A_79 = tpu.memref_squeeze %dma_wait3A_78 : memref<1x64xi32, #tpu.memory_space<vmem>> -> memref<64xi32, #tpu.memory_space<vmem>>
    %dma_wait3A_80 = arith.constant 0 : i32
    %dma_wait3A_81 = arith.constant 0 : i32
    %dma_wait3A_82 = tpu.memref_slice %arg6[%dma_wait3A_80, %dma_wait3A_81] : memref<10240x128xf32, #tpu.memory_space<vmem_shared>> -> memref<10240x128xf32, #tpu.memory_space<vmem_shared>>
    tpu.wait_indirect_dma semaphore(%arg15 : memref<!tpu.dma_semaphore, #tpu.memory_space<semaphore_mem>>) src(%arg9 : memref<64x128xf32, #tpu.memory_space<vmem>>) dst(%dma_wait3A_82 : memref<10240x128xf32, #tpu.memory_space<vmem_shared>>)
    %dma_wait3A_83 = arith.constant 78 : i32
    %dma_wait3A_84 = arith.constant 0 : i32
    %dma_wait3A_85 = tpu.memref_slice %arg8[%dma_wait3A_83, %dma_wait3A_84] : memref<80x64xi32, #tpu.memory_space<vmem>> -> memref<1x64xi32, #tpu.memory_space<vmem>>
    %dma_wait3A_86 = tpu.memref_squeeze %dma_wait3A_85 : memref<1x64xi32, #tpu.memory_space<vmem>> -> memref<64xi32, #tpu.memory_space<vmem>>
    %dma_wait3A_87 = arith.constant 0 : i32
    %dma_wait3A_88 = arith.constant 0 : i32
    %dma_wait3A_89 = tpu.memref_slice %arg6[%dma_wait3A_87, %dma_wait3A_88] : memref<10240x128xf32, #tpu.memory_space<vmem_shared>> -> memref<10240x128xf32, #tpu.memory_space<vmem_shared>>
    tpu.wait_indirect_dma semaphore(%arg16 : memref<!tpu.dma_semaphore, #tpu.memory_space<semaphore_mem>>) src(%arg10 : memref<64x128xf32, #tpu.memory_space<vmem>>) dst(%dma_wait3A_89 : memref<10240x128xf32, #tpu.memory_space<vmem_shared>>)
    %dma_wait3A_90 = arith.constant 79 : i32
    %dma_wait3A_91 = arith.constant 0 : i32
    %dma_wait3A_92 = tpu.memref_slice %arg8[%dma_wait3A_90, %dma_wait3A_91] : memref<80x64xi32, #tpu.memory_space<vmem>> -> memref<1x64xi32, #tpu.memory_space<vmem>>
    %dma_wait3A_93 = tpu.memref_squeeze %dma_wait3A_92 : memref<1x64xi32, #tpu.memory_space<vmem>> -> memref<64xi32, #tpu.memory_space<vmem>>
    %dma_wait3A_94 = arith.constant 0 : i32
    %dma_wait3A_95 = arith.constant 0 : i32
    %dma_wait3A_96 = tpu.memref_slice %arg6[%dma_wait3A_94, %dma_wait3A_95] : memref<10240x128xf32, #tpu.memory_space<vmem_shared>> -> memref<10240x128xf32, #tpu.memory_space<vmem_shared>>
    tpu.wait_indirect_dma semaphore(%arg17 : memref<!tpu.dma_semaphore, #tpu.memory_space<semaphore_mem>>) src(%arg11 : memref<64x128xf32, #tpu.memory_space<vmem>>) dst(%dma_wait3A_96 : memref<10240x128xf32, #tpu.memory_space<vmem_shared>>)
    %barrier3A_97 = arith.constant 0 : index
    tpu.barrier barrier_id(%barrier3A_97)
    %mul3A_98 = arith.constant 640 : i32
    %mul3A_99 = arith.muli %arg1, %mul3A_98 : i32
    %mul3A_100 = arith.constant 10240 : i32
    %mul3A_101 = arith.muli %arg0, %mul3A_100 : i32
    %mul3A_102 = arith.constant 640 : i32
    %mul3A_103 = arith.muli %arg1, %mul3A_102 : i32
    %add3A_104 = arith.addi %mul3A_101, %mul3A_103 : i32
    "tpu.region"() ({
      %run_scoped3A = tpu.sem_alloc : memref<!tpu.dma_semaphore, #tpu.memory_space<semaphore_mem>>
      %dma_start3A = arith.constant 0 : i32
      %dma_start3A_105 = tpu.memref_slice %arg5[%add3A_104, %dma_start3A] : memref<20480x128xf32, #tpu.memory_space<hbm>> -> memref<640x128xf32, #tpu.memory_space<hbm>>
      %dma_start3A_106 = arith.constant 0 : i32
      %dma_start3A_107 = tpu.memref_slice %arg6[%mul3A_99, %dma_start3A_106] : memref<10240x128xf32, #tpu.memory_space<vmem_shared>> -> memref<640x128xf32, #tpu.memory_space<vmem_shared>>
      tpu.enqueue_dma source(%dma_start3A_107 : memref<640x128xf32, #tpu.memory_space<vmem_shared>>) target(%dma_start3A_105 : memref<640x128xf32, #tpu.memory_space<hbm>>) target_semaphore(%run_scoped3A : memref<!tpu.dma_semaphore, #tpu.memory_space<semaphore_mem>>)
      %dma_wait3A_108 = arith.constant 0 : i32
      %dma_wait3A_109 = tpu.memref_slice %arg5[%add3A_104, %dma_wait3A_108] : memref<20480x128xf32, #tpu.memory_space<hbm>> -> memref<640x128xf32, #tpu.memory_space<hbm>>
      %dma_wait3A_110 = arith.constant 0 : i32
      %dma_wait3A_111 = tpu.memref_slice %arg6[%mul3A_99, %dma_wait3A_110] : memref<10240x128xf32, #tpu.memory_space<vmem_shared>> -> memref<640x128xf32, #tpu.memory_space<vmem_shared>>
      tpu.wait_dma2 semaphore(%run_scoped3A : memref<!tpu.dma_semaphore, #tpu.memory_space<semaphore_mem>>) src(%dma_wait3A_111 : memref<640x128xf32, #tpu.memory_space<vmem_shared>>) dst(%dma_wait3A_109 : memref<640x128xf32, #tpu.memory_space<hbm>>)
      tpu.yield
    }) : () -> ()
    return
  }
}

#map = affine_map<(d0, d1) -> (0, 0)>
#map1 = affine_map<(d0, d1) -> (0)>
module attributes {stable_mosaic.version = 14 : i64} {
  func.func @_sc_deg(%arg0: i32, %arg1: i32, %arg2: memref<1280x128xi32, #tpu.memory_space<hbm>>, %arg3: memref<20480xf32, #tpu.memory_space<hbm>>, %arg4: memref<10240xf32, #tpu.memory_space<vmem_shared>>, %arg5: memref<640xf32, #tpu.memory_space<vmem>>, %arg6: memref<128xf32, #tpu.memory_space<vmem>>, %arg7: memref<40x128xi32, #tpu.memory_space<vmem>>) attributes {dimension_semantics = [#tpu.dimension_semantics<core_parallel>, #tpu.dimension_semantics<subcore_parallel>], iteration_bounds = array<i64: 2, 16>, scalar_prefetch = 0 : i64, scratch_operands = 4 : i64, tpu.core_type = #tpu.core_type<sc_vector_subcore>, window_params = [{transform_indices = #map}, {transform_indices = #map1}]} {
    %mul3A = arith.constant 2 : i32
    %mul3A_0 = arith.muli %arg1, %mul3A : i32
    %add3A = arith.addi %mul3A_0, %arg0 : i32
    %scan3A = arith.constant 0 : i32
    %scan3A_1 = arith.constant 0 : i32
    %scan3A_2 = arith.constant 40 : i32
    %scan3A_3 = arith.addi %scan3A_1, %scan3A_2 : i32
    %scan3A_4 = arith.constant 1 : i32
    %scan3A_5 = scf.for %scan3A_33 = %scan3A_1 to %scan3A_3 step %scan3A_4 iter_args(%scan3A_34 = %scan3A) -> (i32)  : i32 {
      %broadcast_in_dim3A = arith.constant 0.000000e+00 : f32
      %broadcast_in_dim3A_35 = vector.broadcast %broadcast_in_dim3A : f32 to vector<16xf32>
      %mul3A_36 = arith.constant 16 : i32
      %mul3A_37 = arith.muli %scan3A_33, %mul3A_36 : i32
      %swap3A = arith.index_cast %mul3A_37 : i32 to index
      %swap3A_38 = tpu.vector_load %arg5[%swap3A] {strides = array<i32>} : memref<640xf32, #tpu.memory_space<vmem>>, vector<16xf32>,
      tpu.vector_store %arg5[%swap3A], %broadcast_in_dim3A_35 {strides = array<i32>} : memref<640xf32, #tpu.memory_space<vmem>>, vector<16xf32>,
      %scan3A_39 = arith.constant 0 : i32
      scf.yield %scan3A_39 : i32
    }
    %scan3A_6 = arith.constant 40 : i32
    %scan3A_7 = arith.constant 0 : i32
    %scan3A_8 = arith.constant 0 : i32
    %scan3A_9 = arith.constant 8 : i32
    %scan3A_10 = arith.addi %scan3A_8, %scan3A_9 : i32
    %scan3A_11 = arith.constant 1 : i32
    %scan3A_12 = scf.for %scan3A_33 = %scan3A_8 to %scan3A_10 step %scan3A_11 iter_args(%scan3A_34 = %scan3A_7) -> (i32)  : i32 {
      %broadcast_in_dim3A = arith.constant 1.000000e+00 : f32
      %broadcast_in_dim3A_35 = vector.broadcast %broadcast_in_dim3A : f32 to vector<16xf32>
      %mul3A_36 = arith.constant 16 : i32
      %mul3A_37 = arith.muli %scan3A_33, %mul3A_36 : i32
      %swap3A = arith.index_cast %mul3A_37 : i32 to index
      %swap3A_38 = tpu.vector_load %arg6[%swap3A] {strides = array<i32>} : memref<128xf32, #tpu.memory_space<vmem>>, vector<16xf32>,
      tpu.vector_store %arg6[%swap3A], %broadcast_in_dim3A_35 {strides = array<i32>} : memref<128xf32, #tpu.memory_space<vmem>>, vector<16xf32>,
      %scan3A_39 = arith.constant 0 : i32
      scf.yield %scan3A_39 : i32
    }
    %scan3A_13 = arith.constant 8 : i32
    %mul3A_14 = arith.constant 640 : i32
    %mul3A_15 = arith.muli %arg1, %mul3A_14 : i32
    "tpu.region"() ({
      %run_scoped3A = tpu.sem_alloc : memref<!tpu.dma_semaphore, #tpu.memory_space<semaphore_mem>>
      %dma_start3A = tpu.memref_slice %arg4[%mul3A_15] : memref<10240xf32, #tpu.memory_space<vmem_shared>> -> memref<640xf32, #tpu.memory_space<vmem_shared>>
      %dma_start3A_33 = tpu.memref_slice %arg4[%mul3A_15] : memref<10240xf32, #tpu.memory_space<vmem_shared>> -> memref<640xf32, #tpu.memory_space<vmem_shared>>
      tpu.enqueue_dma source(%arg5 : memref<640xf32, #tpu.memory_space<vmem>>) target(%dma_start3A_33 : memref<640xf32, #tpu.memory_space<vmem_shared>>) target_semaphore(%run_scoped3A : memref<!tpu.dma_semaphore, #tpu.memory_space<semaphore_mem>>)
      %dma_wait3A = tpu.memref_slice %arg4[%mul3A_15] : memref<10240xf32, #tpu.memory_space<vmem_shared>> -> memref<640xf32, #tpu.memory_space<vmem_shared>>
      %dma_wait3A_34 = tpu.memref_slice %arg4[%mul3A_15] : memref<10240xf32, #tpu.memory_space<vmem_shared>> -> memref<640xf32, #tpu.memory_space<vmem_shared>>
      tpu.wait_dma2 semaphore(%run_scoped3A : memref<!tpu.dma_semaphore, #tpu.memory_space<semaphore_mem>>) src(%arg5 : memref<640xf32, #tpu.memory_space<vmem>>) dst(%dma_wait3A_34 : memref<640xf32, #tpu.memory_space<vmem_shared>>)
      tpu.yield
    }) : () -> ()
    %barrier3A = arith.constant 0 : index
    tpu.barrier barrier_id(%barrier3A)
    %mul3A_16 = arith.constant 40 : i32
    %mul3A_17 = arith.muli %add3A, %mul3A_16 : i32
    "tpu.region"() ({
      %run_scoped3A = tpu.sem_alloc : memref<!tpu.dma_semaphore, #tpu.memory_space<semaphore_mem>>
      %dma_start3A = arith.constant 0 : i32
      %dma_start3A_33 = tpu.memref_slice %arg2[%mul3A_17, %dma_start3A] : memref<1280x128xi32, #tpu.memory_space<hbm>> -> memref<40x128xi32, #tpu.memory_space<hbm>>
      %dma_start3A_34 = arith.constant 0 : i32
      %dma_start3A_35 = tpu.memref_slice %arg2[%mul3A_17, %dma_start3A_34] : memref<1280x128xi32, #tpu.memory_space<hbm>> -> memref<40x128xi32, #tpu.memory_space<hbm>>
      tpu.enqueue_dma source(%dma_start3A_35 : memref<40x128xi32, #tpu.memory_space<hbm>>) target(%arg7 : memref<40x128xi32, #tpu.memory_space<vmem>>) target_semaphore(%run_scoped3A : memref<!tpu.dma_semaphore, #tpu.memory_space<semaphore_mem>>)
      %dma_wait3A = arith.constant 0 : i32
      %dma_wait3A_36 = tpu.memref_slice %arg2[%mul3A_17, %dma_wait3A] : memref<1280x128xi32, #tpu.memory_space<hbm>> -> memref<40x128xi32, #tpu.memory_space<hbm>>
      %dma_wait3A_37 = arith.constant 0 : i32
      %dma_wait3A_38 = tpu.memref_slice %arg2[%mul3A_17, %dma_wait3A_37] : memref<1280x128xi32, #tpu.memory_space<hbm>> -> memref<40x128xi32, #tpu.memory_space<hbm>>
      tpu.wait_dma2 semaphore(%run_scoped3A : memref<!tpu.dma_semaphore, #tpu.memory_space<semaphore_mem>>) src(%dma_wait3A_38 : memref<40x128xi32, #tpu.memory_space<hbm>>) dst(%arg7 : memref<40x128xi32, #tpu.memory_space<vmem>>)
      tpu.yield
    }) : () -> ()
    %scan3A_18 = arith.constant 0 : i32
    %scan3A_19 = arith.constant 0 : i32
    %scan3A_20 = arith.constant 40 : i32
    %scan3A_21 = arith.addi %scan3A_19, %scan3A_20 : i32
    %scan3A_22 = arith.constant 1 : i32
    %scan3A_23 = scf.for %scan3A_33 = %scan3A_19 to %scan3A_21 step %scan3A_22 iter_args(%scan3A_34 = %scan3A_18) -> (i32)  : i32 {
      "tpu.region"() ({
        %run_scoped3A = tpu.sem_alloc : memref<!tpu.dma_semaphore, #tpu.memory_space<semaphore_mem>>
        %dma_start3A = arith.constant 0 : i32
        %dma_start3A_36 = tpu.memref_slice %arg7[%scan3A_33, %dma_start3A] : memref<40x128xi32, #tpu.memory_space<vmem>> -> memref<1x128xi32, #tpu.memory_space<vmem>>
        %dma_start3A_37 = tpu.memref_squeeze %dma_start3A_36 : memref<1x128xi32, #tpu.memory_space<vmem>> -> memref<128xi32, #tpu.memory_space<vmem>>
        %dma_start3A_38 = arith.constant 0 : i32
        %dma_start3A_39 = tpu.memref_slice %arg4[%dma_start3A_38] : memref<10240xf32, #tpu.memory_space<vmem_shared>> -> memref<10240xf32, #tpu.memory_space<vmem_shared>>
        tpu.enqueue_indirect_dma source(%arg6 : memref<128xf32, #tpu.memory_space<vmem>>) target(%dma_start3A_39 : memref<10240xf32, #tpu.memory_space<vmem_shared>>) offsets(%dma_start3A_37 : memref<128xi32, #tpu.memory_space<vmem>>) semaphore(%run_scoped3A : memref<!tpu.dma_semaphore, #tpu.memory_space<semaphore_mem>>) {add = true}
        %dma_wait3A = arith.constant 0 : i32
        %dma_wait3A_40 = tpu.memref_slice %arg7[%scan3A_33, %dma_wait3A] : memref<40x128xi32, #tpu.memory_space<vmem>> -> memref<1x128xi32, #tpu.memory_space<vmem>>
        %dma_wait3A_41 = tpu.memref_squeeze %dma_wait3A_40 : memref<1x128xi32, #tpu.memory_space<vmem>> -> memref<128xi32, #tpu.memory_space<vmem>>
        %dma_wait3A_42 = arith.constant 0 : i32
        %dma_wait3A_43 = tpu.memref_slice %arg4[%dma_wait3A_42] : memref<10240xf32, #tpu.memory_space<vmem_shared>> -> memref<10240xf32, #tpu.memory_space<vmem_shared>>
        tpu.wait_indirect_dma semaphore(%run_scoped3A : memref<!tpu.dma_semaphore, #tpu.memory_space<semaphore_mem>>) src(%arg6 : memref<128xf32, #tpu.memory_space<vmem>>) dst(%dma_wait3A_43 : memref<10240xf32, #tpu.memory_space<vmem_shared>>)
        tpu.yield
      }) : () -> ()
      %scan3A_35 = arith.constant 0 : i32
      scf.yield %scan3A_35 : i32
    }
    %scan3A_24 = arith.constant 40 : i32
    %barrier3A_25 = arith.constant 0 : index
    tpu.barrier barrier_id(%barrier3A_25)
    %mul3A_26 = arith.constant 640 : i32
    %mul3A_27 = arith.muli %arg1, %mul3A_26 : i32
    %mul3A_28 = arith.constant 10240 : i32
    %mul3A_29 = arith.muli %arg0, %mul3A_28 : i32
    %mul3A_30 = arith.constant 640 : i32
    %mul3A_31 = arith.muli %arg1, %mul3A_30 : i32
    %add3A_32 = arith.addi %mul3A_29, %mul3A_31 : i32
    "tpu.region"() ({
      %run_scoped3A = tpu.sem_alloc : memref<!tpu.dma_semaphore, #tpu.memory_space<semaphore_mem>>
      %dma_start3A = tpu.memref_slice %arg3[%add3A_32] : memref<20480xf32, #tpu.memory_space<hbm>> -> memref<640xf32, #tpu.memory_space<hbm>>
      %dma_start3A_33 = tpu.memref_slice %arg4[%mul3A_27] : memref<10240xf32, #tpu.memory_space<vmem_shared>> -> memref<640xf32, #tpu.memory_space<vmem_shared>>
      tpu.enqueue_dma source(%dma_start3A_33 : memref<640xf32, #tpu.memory_space<vmem_shared>>) target(%dma_start3A : memref<640xf32, #tpu.memory_space<hbm>>) target_semaphore(%run_scoped3A : memref<!tpu.dma_semaphore, #tpu.memory_space<semaphore_mem>>)
      %dma_wait3A = tpu.memref_slice %arg3[%add3A_32] : memref<20480xf32, #tpu.memory_space<hbm>> -> memref<640xf32, #tpu.memory_space<hbm>>
      %dma_wait3A_34 = tpu.memref_slice %arg4[%mul3A_27] : memref<10240xf32, #tpu.memory_space<vmem_shared>> -> memref<640xf32, #tpu.memory_space<vmem_shared>>
      tpu.wait_dma2 semaphore(%run_scoped3A : memref<!tpu.dma_semaphore, #tpu.memory_space<semaphore_mem>>) src(%dma_wait3A_34 : memref<640xf32, #tpu.memory_space<vmem_shared>>) dst(%dma_wait3A : memref<640xf32, #tpu.memory_space<hbm>>)
      tpu.yield
    }) : () -> ()
    return
  }
}

#map = affine_map<(d0, d1) -> (0, 0)>
#map1 = affine_map<(d0, d1) -> (0)>
module attributes {stable_mosaic.version = 14 : i64} {
  func.func @_sc_tbins(%arg0: i32, %arg1: i32, %arg2: memref<1280x128xi32, #tpu.memory_space<hbm>>, %arg3: memref<1280x128xi32, #tpu.memory_space<hbm>>, %arg4: memref<1280x128xi32, #tpu.memory_space<hbm>>, %arg5: memref<1280x128xi32, #tpu.memory_space<hbm>>, %arg6: memref<1280x128xi32, #tpu.memory_space<hbm>>, %arg7: memref<10240xf32, #tpu.memory_space<hbm>>, %arg8: memref<983040xf32, #tpu.memory_space<hbm>>, %arg9: memref<491520xf32, #tpu.memory_space<vmem_shared>>, %arg10: memref<3840xf32, #tpu.memory_space<vmem>>, %arg11: memref<10240xf32, #tpu.memory_space<vmem>>, %arg12: memref<40x128xi32, #tpu.memory_space<vmem>>, %arg13: memref<40x128xi32, #tpu.memory_space<vmem>>, %arg14: memref<40x128xi32, #tpu.memory_space<vmem>>, %arg15: memref<40x128xi32, #tpu.memory_space<vmem>>, %arg16: memref<40x128xi32, #tpu.memory_space<vmem>>, %arg17: memref<128xf32, #tpu.memory_space<vmem>>, %arg18: memref<8x128xi32, #tpu.memory_space<vmem>>, %arg19: memref<128xf32, #tpu.memory_space<vmem>>, %arg20: memref<8x128xi32, #tpu.memory_space<vmem>>, %arg21: memref<!tpu.dma_semaphore, #tpu.memory_space<semaphore_mem>>, %arg22: memref<!tpu.dma_semaphore, #tpu.memory_space<semaphore_mem>>) attributes {dimension_semantics = [#tpu.dimension_semantics<core_parallel>, #tpu.dimension_semantics<subcore_parallel>], iteration_bounds = array<i64: 2, 16>, scalar_prefetch = 0 : i64, scratch_operands = 14 : i64, tpu.core_type = #tpu.core_type<sc_vector_subcore>, window_params = [{transform_indices = #map}, {transform_indices = #map}, {transform_indices = #map}, {transform_indices = #map}, {transform_indices = #map}, {transform_indices = #map1}, {transform_indices = #map1}]} {
    %scan3A = arith.constant 0 : i32
    %scan3A_0 = arith.constant 0 : i32
    %scan3A_1 = arith.constant 240 : i32
    %scan3A_2 = arith.addi %scan3A_0, %scan3A_1 : i32
    %scan3A_3 = arith.constant 1 : i32
    %scan3A_4 = scf.for %scan3A_66 = %scan3A_0 to %scan3A_2 step %scan3A_3 iter_args(%scan3A_67 = %scan3A) -> (i32)  : i32 {
      %broadcast_in_dim3A = arith.constant 0.000000e+00 : f32
      %broadcast_in_dim3A_68 = vector.broadcast %broadcast_in_dim3A : f32 to vector<16xf32>
      %mul3A_69 = arith.constant 16 : i32
      %mul3A_70 = arith.muli %scan3A_66, %mul3A_69 : i32
      %swap3A = arith.index_cast %mul3A_70 : i32 to index
      %swap3A_71 = tpu.vector_load %arg10[%swap3A] {strides = array<i32>} : memref<3840xf32, #tpu.memory_space<vmem>>, vector<16xf32>,
      tpu.vector_store %arg10[%swap3A], %broadcast_in_dim3A_68 {strides = array<i32>} : memref<3840xf32, #tpu.memory_space<vmem>>, vector<16xf32>,
      %scan3A_72 = arith.constant 0 : i32
      scf.yield %scan3A_72 : i32
    }
    %scan3A_5 = arith.constant 240 : i32
    %scan3A_6 = arith.constant 0 : i32
    %scan3A_7 = arith.constant 0 : i32
    %scan3A_8 = arith.constant 8 : i32
    %scan3A_9 = arith.addi %scan3A_7, %scan3A_8 : i32
    %scan3A_10 = arith.constant 1 : i32
    %scan3A_11 = scf.for %scan3A_66 = %scan3A_7 to %scan3A_9 step %scan3A_10 iter_args(%scan3A_67 = %scan3A_6) -> (i32)  : i32 {
      %mul3A_68 = arith.constant 30720 : i32
      %mul3A_69 = arith.muli %arg1, %mul3A_68 : i32
      %mul3A_70 = arith.constant 3840 : i32
      %mul3A_71 = arith.muli %scan3A_66, %mul3A_70 : i32
      %add3A_72 = arith.addi %mul3A_69, %mul3A_71 : i32
      "tpu.region"() ({
        %run_scoped3A = tpu.sem_alloc : memref<!tpu.dma_semaphore, #tpu.memory_space<semaphore_mem>>
        %dma_start3A = tpu.memref_slice %arg9[%add3A_72] : memref<491520xf32, #tpu.memory_space<vmem_shared>> -> memref<3840xf32, #tpu.memory_space<vmem_shared>>
        %dma_start3A_74 = tpu.memref_slice %arg9[%add3A_72] : memref<491520xf32, #tpu.memory_space<vmem_shared>> -> memref<3840xf32, #tpu.memory_space<vmem_shared>>
        tpu.enqueue_dma source(%arg10 : memref<3840xf32, #tpu.memory_space<vmem>>) target(%dma_start3A_74 : memref<3840xf32, #tpu.memory_space<vmem_shared>>) target_semaphore(%run_scoped3A : memref<!tpu.dma_semaphore, #tpu.memory_space<semaphore_mem>>)
        %dma_wait3A_75 = tpu.memref_slice %arg9[%add3A_72] : memref<491520xf32, #tpu.memory_space<vmem_shared>> -> memref<3840xf32, #tpu.memory_space<vmem_shared>>
        %dma_wait3A_76 = tpu.memref_slice %arg9[%add3A_72] : memref<491520xf32, #tpu.memory_space<vmem_shared>> -> memref<3840xf32, #tpu.memory_space<vmem_shared>>
        tpu.wait_dma2 semaphore(%run_scoped3A : memref<!tpu.dma_semaphore, #tpu.memory_space<semaphore_mem>>) src(%arg10 : memref<3840xf32, #tpu.memory_space<vmem>>) dst(%dma_wait3A_76 : memref<3840xf32, #tpu.memory_space<vmem_shared>>)
        tpu.yield
      }) : () -> ()
      %scan3A_73 = arith.constant 0 : i32
      scf.yield %scan3A_73 : i32
    }
    %scan3A_12 = arith.constant 8 : i32
    %barrier3A = arith.constant 0 : index
    tpu.barrier barrier_id(%barrier3A)
    "tpu.region"() ({
      %run_scoped3A = tpu.sem_alloc : memref<!tpu.dma_semaphore, #tpu.memory_space<semaphore_mem>>
      tpu.enqueue_dma source(%arg7 : memref<10240xf32, #tpu.memory_space<hbm>>) target(%arg11 : memref<10240xf32, #tpu.memory_space<vmem>>) target_semaphore(%run_scoped3A : memref<!tpu.dma_semaphore, #tpu.memory_space<semaphore_mem>>)
      tpu.wait_dma2 semaphore(%run_scoped3A : memref<!tpu.dma_semaphore, #tpu.memory_space<semaphore_mem>>) src(%arg7 : memref<10240xf32, #tpu.memory_space<hbm>>) dst(%arg11 : memref<10240xf32, #tpu.memory_space<vmem>>)
      tpu.yield
    }) : () -> ()
    %mul3A = arith.constant 640 : i32
    %mul3A_13 = arith.muli %arg0, %mul3A : i32
    %mul3A_14 = arith.constant 40 : i32
    %mul3A_15 = arith.muli %arg1, %mul3A_14 : i32
    %add3A = arith.addi %mul3A_13, %mul3A_15 : i32
    "tpu.region"() ({
      %run_scoped3A = tpu.sem_alloc : memref<!tpu.dma_semaphore, #tpu.memory_space<semaphore_mem>>
      %dma_start3A = arith.constant 0 : i32
      %dma_start3A_66 = tpu.memref_slice %arg2[%add3A, %dma_start3A] : memref<1280x128xi32, #tpu.memory_space<hbm>> -> memref<40x128xi32, #tpu.memory_space<hbm>>
      %dma_start3A_67 = arith.constant 0 : i32
      %dma_start3A_68 = tpu.memref_slice %arg2[%add3A, %dma_start3A_67] : memref<1280x128xi32, #tpu.memory_space<hbm>> -> memref<40x128xi32, #tpu.memory_space<hbm>>
      tpu.enqueue_dma source(%dma_start3A_68 : memref<40x128xi32, #tpu.memory_space<hbm>>) target(%arg12 : memref<40x128xi32, #tpu.memory_space<vmem>>) target_semaphore(%run_scoped3A : memref<!tpu.dma_semaphore, #tpu.memory_space<semaphore_mem>>)
      %dma_wait3A_69 = arith.constant 0 : i32
      %dma_wait3A_70 = tpu.memref_slice %arg2[%add3A, %dma_wait3A_69] : memref<1280x128xi32, #tpu.memory_space<hbm>> -> memref<40x128xi32, #tpu.memory_space<hbm>>
      %dma_wait3A_71 = arith.constant 0 : i32
      %dma_wait3A_72 = tpu.memref_slice %arg2[%add3A, %dma_wait3A_71] : memref<1280x128xi32, #tpu.memory_space<hbm>> -> memref<40x128xi32, #tpu.memory_space<hbm>>
      tpu.wait_dma2 semaphore(%run_scoped3A : memref<!tpu.dma_semaphore, #tpu.memory_space<semaphore_mem>>) src(%dma_wait3A_72 : memref<40x128xi32, #tpu.memory_space<hbm>>) dst(%arg12 : memref<40x128xi32, #tpu.memory_space<vmem>>)
      tpu.yield
    }) : () -> ()
    "tpu.region"() ({
      %run_scoped3A = tpu.sem_alloc : memref<!tpu.dma_semaphore, #tpu.memory_space<semaphore_mem>>
      %dma_start3A = arith.constant 0 : i32
      %dma_start3A_66 = tpu.memref_slice %arg3[%add3A, %dma_start3A] : memref<1280x128xi32, #tpu.memory_space<hbm>> -> memref<40x128xi32, #tpu.memory_space<hbm>>
      %dma_start3A_67 = arith.constant 0 : i32
      %dma_start3A_68 = tpu.memref_slice %arg3[%add3A, %dma_start3A_67] : memref<1280x128xi32, #tpu.memory_space<hbm>> -> memref<40x128xi32, #tpu.memory_space<hbm>>
      tpu.enqueue_dma source(%dma_start3A_68 : memref<40x128xi32, #tpu.memory_space<hbm>>) target(%arg13 : memref<40x128xi32, #tpu.memory_space<vmem>>) target_semaphore(%run_scoped3A : memref<!tpu.dma_semaphore, #tpu.memory_space<semaphore_mem>>)
      %dma_wait3A_69 = arith.constant 0 : i32
      %dma_wait3A_70 = tpu.memref_slice %arg3[%add3A, %dma_wait3A_69] : memref<1280x128xi32, #tpu.memory_space<hbm>> -> memref<40x128xi32, #tpu.memory_space<hbm>>
      %dma_wait3A_71 = arith.constant 0 : i32
      %dma_wait3A_72 = tpu.memref_slice %arg3[%add3A, %dma_wait3A_71] : memref<1280x128xi32, #tpu.memory_space<hbm>> -> memref<40x128xi32, #tpu.memory_space<hbm>>
      tpu.wait_dma2 semaphore(%run_scoped3A : memref<!tpu.dma_semaphore, #tpu.memory_space<semaphore_mem>>) src(%dma_wait3A_72 : memref<40x128xi32, #tpu.memory_space<hbm>>) dst(%arg13 : memref<40x128xi32, #tpu.memory_space<vmem>>)
      tpu.yield
    }) : () -> ()
    "tpu.region"() ({
      %run_scoped3A = tpu.sem_alloc : memref<!tpu.dma_semaphore, #tpu.memory_space<semaphore_mem>>
      %dma_start3A = arith.constant 0 : i32
      %dma_start3A_66 = tpu.memref_slice %arg4[%add3A, %dma_start3A] : memref<1280x128xi32, #tpu.memory_space<hbm>> -> memref<40x128xi32, #tpu.memory_space<hbm>>
      %dma_start3A_67 = arith.constant 0 : i32
      %dma_start3A_68 = tpu.memref_slice %arg4[%add3A, %dma_start3A_67] : memref<1280x128xi32, #tpu.memory_space<hbm>> -> memref<40x128xi32, #tpu.memory_space<hbm>>
      tpu.enqueue_dma source(%dma_start3A_68 : memref<40x128xi32, #tpu.memory_space<hbm>>) target(%arg14 : memref<40x128xi32, #tpu.memory_space<vmem>>) target_semaphore(%run_scoped3A : memref<!tpu.dma_semaphore, #tpu.memory_space<semaphore_mem>>)
      %dma_wait3A_69 = arith.constant 0 : i32
      %dma_wait3A_70 = tpu.memref_slice %arg4[%add3A, %dma_wait3A_69] : memref<1280x128xi32, #tpu.memory_space<hbm>> -> memref<40x128xi32, #tpu.memory_space<hbm>>
      %dma_wait3A_71 = arith.constant 0 : i32
      %dma_wait3A_72 = tpu.memref_slice %arg4[%add3A, %dma_wait3A_71] : memref<1280x128xi32, #tpu.memory_space<hbm>> -> memref<40x128xi32, #tpu.memory_space<hbm>>
      tpu.wait_dma2 semaphore(%run_scoped3A : memref<!tpu.dma_semaphore, #tpu.memory_space<semaphore_mem>>) src(%dma_wait3A_72 : memref<40x128xi32, #tpu.memory_space<hbm>>) dst(%arg14 : memref<40x128xi32, #tpu.memory_space<vmem>>)
      tpu.yield
    }) : () -> ()
    "tpu.region"() ({
      %run_scoped3A = tpu.sem_alloc : memref<!tpu.dma_semaphore, #tpu.memory_space<semaphore_mem>>
      %dma_start3A = arith.constant 0 : i32
      %dma_start3A_66 = tpu.memref_slice %arg5[%add3A, %dma_start3A] : memref<1280x128xi32, #tpu.memory_space<hbm>> -> memref<40x128xi32, #tpu.memory_space<hbm>>
      %dma_start3A_67 = arith.constant 0 : i32
      %dma_start3A_68 = tpu.memref_slice %arg5[%add3A, %dma_start3A_67] : memref<1280x128xi32, #tpu.memory_space<hbm>> -> memref<40x128xi32, #tpu.memory_space<hbm>>
      tpu.enqueue_dma source(%dma_start3A_68 : memref<40x128xi32, #tpu.memory_space<hbm>>) target(%arg15 : memref<40x128xi32, #tpu.memory_space<vmem>>) target_semaphore(%run_scoped3A : memref<!tpu.dma_semaphore, #tpu.memory_space<semaphore_mem>>)
      %dma_wait3A_69 = arith.constant 0 : i32
      %dma_wait3A_70 = tpu.memref_slice %arg5[%add3A, %dma_wait3A_69] : memref<1280x128xi32, #tpu.memory_space<hbm>> -> memref<40x128xi32, #tpu.memory_space<hbm>>
      %dma_wait3A_71 = arith.constant 0 : i32
      %dma_wait3A_72 = tpu.memref_slice %arg5[%add3A, %dma_wait3A_71] : memref<1280x128xi32, #tpu.memory_space<hbm>> -> memref<40x128xi32, #tpu.memory_space<hbm>>
      tpu.wait_dma2 semaphore(%run_scoped3A : memref<!tpu.dma_semaphore, #tpu.memory_space<semaphore_mem>>) src(%dma_wait3A_72 : memref<40x128xi32, #tpu.memory_space<hbm>>) dst(%arg15 : memref<40x128xi32, #tpu.memory_space<vmem>>)
      tpu.yield
    }) : () -> ()
    "tpu.region"() ({
      %run_scoped3A = tpu.sem_alloc : memref<!tpu.dma_semaphore, #tpu.memory_space<semaphore_mem>>
      %dma_start3A = arith.constant 0 : i32
      %dma_start3A_66 = tpu.memref_slice %arg6[%add3A, %dma_start3A] : memref<1280x128xi32, #tpu.memory_space<hbm>> -> memref<40x128xi32, #tpu.memory_space<hbm>>
      %dma_start3A_67 = arith.constant 0 : i32
      %dma_start3A_68 = tpu.memref_slice %arg6[%add3A, %dma_start3A_67] : memref<1280x128xi32, #tpu.memory_space<hbm>> -> memref<40x128xi32, #tpu.memory_space<hbm>>
      tpu.enqueue_dma source(%dma_start3A_68 : memref<40x128xi32, #tpu.memory_space<hbm>>) target(%arg16 : memref<40x128xi32, #tpu.memory_space<vmem>>) target_semaphore(%run_scoped3A : memref<!tpu.dma_semaphore, #tpu.memory_space<semaphore_mem>>)
      %dma_wait3A_69 = arith.constant 0 : i32
      %dma_wait3A_70 = tpu.memref_slice %arg6[%add3A, %dma_wait3A_69] : memref<1280x128xi32, #tpu.memory_space<hbm>> -> memref<40x128xi32, #tpu.memory_space<hbm>>
      %dma_wait3A_71 = arith.constant 0 : i32
      %dma_wait3A_72 = tpu.memref_slice %arg6[%add3A, %dma_wait3A_71] : memref<1280x128xi32, #tpu.memory_space<hbm>> -> memref<40x128xi32, #tpu.memory_space<hbm>>
      tpu.wait_dma2 semaphore(%run_scoped3A : memref<!tpu.dma_semaphore, #tpu.memory_space<semaphore_mem>>) src(%dma_wait3A_72 : memref<40x128xi32, #tpu.memory_space<hbm>>) dst(%arg16 : memref<40x128xi32, #tpu.memory_space<vmem>>)
      tpu.yield
    }) : () -> ()
    %scan3A_16 = arith.constant 0 : i32
    %scan3A_17 = arith.constant 0 : i32
    %scan3A_18 = arith.constant 20 : i32
    %scan3A_19 = arith.addi %scan3A_17, %scan3A_18 : i32
    %scan3A_20 = arith.constant 1 : i32
    %scan3A_21 = scf.for %scan3A_66 = %scan3A_17 to %scan3A_19 step %scan3A_20 iter_args(%scan3A_67 = %scan3A_16) -> (i32)  : i32 {
      %mul3A_68 = arith.constant 2 : i32
      %mul3A_69 = arith.muli %mul3A_68, %scan3A_66 : i32
      %add3A_70 = arith.constant 0 : i32
      %add3A_71 = arith.addi %mul3A_69, %add3A_70 : i32
      %ge3A = arith.constant 2 : i32
      %ge3A_72 = arith.cmpi sge, %add3A_71, %ge3A : i32
      %convert_element_type3A = arith.extui %ge3A_72 : i1 to i32
      %cond3A = arith.constant 0 : i32
      %cond3A_73 = arith.cmpi ne, %convert_element_type3A, %cond3A : i32
      scf.if %cond3A_73 {
        %dma_wait3A_133 = arith.constant 0 : i32
        %dma_wait3A_134 = arith.constant 0 : i32
        %dma_wait3A_135 = tpu.memref_slice %arg18[%dma_wait3A_133, %dma_wait3A_134] : memref<8x128xi32, #tpu.memory_space<vmem>> -> memref<1x128xi32, #tpu.memory_space<vmem>>
        %dma_wait3A_136 = tpu.memref_squeeze %dma_wait3A_135 : memref<1x128xi32, #tpu.memory_space<vmem>> -> memref<128xi32, #tpu.memory_space<vmem>>
        %dma_wait3A_137 = arith.constant 0 : i32
        %dma_wait3A_138 = tpu.memref_slice %arg9[%dma_wait3A_137] : memref<491520xf32, #tpu.memory_space<vmem_shared>> -> memref<491520xf32, #tpu.memory_space<vmem_shared>>
        tpu.wait_indirect_dma semaphore(%arg21 : memref<!tpu.dma_semaphore, #tpu.memory_space<semaphore_mem>>) src(%arg17 : memref<128xf32, #tpu.memory_space<vmem>>) dst(%dma_wait3A_138 : memref<491520xf32, #tpu.memory_space<vmem_shared>>)
        %dma_wait3A_139 = arith.constant 1 : i32
        %dma_wait3A_140 = arith.constant 0 : i32
        %dma_wait3A_141 = tpu.memref_slice %arg18[%dma_wait3A_139, %dma_wait3A_140] : memref<8x128xi32, #tpu.memory_space<vmem>> -> memref<1x128xi32, #tpu.memory_space<vmem>>
        %dma_wait3A_142 = tpu.memref_squeeze %dma_wait3A_141 : memref<1x128xi32, #tpu.memory_space<vmem>> -> memref<128xi32, #tpu.memory_space<vmem>>
        %dma_wait3A_143 = arith.constant 0 : i32
        %dma_wait3A_144 = tpu.memref_slice %arg9[%dma_wait3A_143] : memref<491520xf32, #tpu.memory_space<vmem_shared>> -> memref<491520xf32, #tpu.memory_space<vmem_shared>>
        tpu.wait_indirect_dma semaphore(%arg21 : memref<!tpu.dma_semaphore, #tpu.memory_space<semaphore_mem>>) src(%arg17 : memref<128xf32, #tpu.memory_space<vmem>>) dst(%dma_wait3A_144 : memref<491520xf32, #tpu.memory_space<vmem_shared>>)
        %dma_wait3A_145 = arith.constant 2 : i32
        %dma_wait3A_146 = arith.constant 0 : i32
        %dma_wait3A_147 = tpu.memref_slice %arg18[%dma_wait3A_145, %dma_wait3A_146] : memref<8x128xi32, #tpu.memory_space<vmem>> -> memref<1x128xi32, #tpu.memory_space<vmem>>
        %dma_wait3A_148 = tpu.memref_squeeze %dma_wait3A_147 : memref<1x128xi32, #tpu.memory_space<vmem>> -> memref<128xi32, #tpu.memory_space<vmem>>
        %dma_wait3A_149 = arith.constant 0 : i32
        %dma_wait3A_150 = tpu.memref_slice %arg9[%dma_wait3A_149] : memref<491520xf32, #tpu.memory_space<vmem_shared>> -> memref<491520xf32, #tpu.memory_space<vmem_shared>>
        tpu.wait_indirect_dma semaphore(%arg21 : memref<!tpu.dma_semaphore, #tpu.memory_space<semaphore_mem>>) src(%arg17 : memref<128xf32, #tpu.memory_space<vmem>>) dst(%dma_wait3A_150 : memref<491520xf32, #tpu.memory_space<vmem_shared>>)
      } else {
      }
      %scan3A_74 = arith.constant 0 : i32
      %scan3A_75 = arith.constant 0 : i32
      %scan3A_76 = arith.constant 8 : i32
      %scan3A_77 = arith.addi %scan3A_75, %scan3A_76 : i32
      %scan3A_78 = arith.constant 1 : i32
      %scan3A_79 = scf.for %scan3A_133 = %scan3A_75 to %scan3A_77 step %scan3A_78 iter_args(%scan3A_134 = %scan3A_74) -> (i32)  : i32 {
        %mul3A_135 = arith.constant 16 : i32
        %mul3A_136 = arith.muli %scan3A_133, %mul3A_135 : i32
        %get3A = arith.constant 0 : i32
        %get3A_137 = tpu.memref_slice %arg12[%add3A_71, %get3A] : memref<40x128xi32, #tpu.memory_space<vmem>> -> memref<1x128xi32, #tpu.memory_space<vmem>>
        %get3A_138 = tpu.memref_squeeze %get3A_137 : memref<1x128xi32, #tpu.memory_space<vmem>> -> memref<128xi32, #tpu.memory_space<vmem>>
        %get3A_139 = arith.index_cast %mul3A_136 : i32 to index
        %get3A_140 = tpu.vector_load %get3A_138[%get3A_139] {strides = array<i32>} : memref<128xi32, #tpu.memory_space<vmem>>, vector<16xi32>,
        %gather3A = tpu.vector_load_idx %arg11[%get3A_140] : memref<10240xf32, #tpu.memory_space<vmem>>[vector<16xi32>], vector<16xf32>,
        %swap3A = arith.index_cast %mul3A_136 : i32 to index
        %swap3A_141 = tpu.vector_load %arg17[%swap3A] {strides = array<i32>} : memref<128xf32, #tpu.memory_space<vmem>>, vector<16xf32>,
        tpu.vector_store %arg17[%swap3A], %gather3A {strides = array<i32>} : memref<128xf32, #tpu.memory_space<vmem>>, vector<16xf32>,
        %get3A_142 = arith.constant 0 : i32
        %get3A_143 = tpu.memref_slice %arg13[%add3A_71, %get3A_142] : memref<40x128xi32, #tpu.memory_space<vmem>> -> memref<1x128xi32, #tpu.memory_space<vmem>>
        %get3A_144 = tpu.memref_squeeze %get3A_143 : memref<1x128xi32, #tpu.memory_space<vmem>> -> memref<128xi32, #tpu.memory_space<vmem>>
        %get3A_145 = arith.index_cast %mul3A_136 : i32 to index
        %get3A_146 = tpu.vector_load %get3A_144[%get3A_145] {strides = array<i32>} : memref<128xi32, #tpu.memory_space<vmem>>, vector<16xi32>,
        %mul3A_147 = arith.constant 48 : i32
        %mul3A_148 = vector.broadcast %mul3A_147 : i32 to vector<16xi32>
        %mul3A_149 = arith.muli %get3A_146, %mul3A_148 : vector<16xi32>
        %get3A_150 = arith.constant 0 : i32
        %get3A_151 = tpu.memref_slice %arg14[%add3A_71, %get3A_150] : memref<40x128xi32, #tpu.memory_space<vmem>> -> memref<1x128xi32, #tpu.memory_space<vmem>>
        %get3A_152 = tpu.memref_squeeze %get3A_151 : memref<1x128xi32, #tpu.memory_space<vmem>> -> memref<128xi32, #tpu.memory_space<vmem>>
        %get3A_153 = arith.index_cast %mul3A_136 : i32 to index
        %get3A_154 = tpu.vector_load %get3A_152[%get3A_153] {strides = array<i32>} : memref<128xi32, #tpu.memory_space<vmem>>, vector<16xi32>,
        %add3A_155 = arith.addi %mul3A_149, %get3A_154 : vector<16xi32>
        %swap3A_156 = arith.constant 0 : i32
        %swap3A_157 = arith.index_cast %swap3A_156 : i32 to index
        %swap3A_158 = arith.index_cast %mul3A_136 : i32 to index
        %swap3A_159 = tpu.vector_load %arg18[%swap3A_157, %swap3A_158] {strides = array<i32>} : memref<8x128xi32, #tpu.memory_space<vmem>>, vector<16xi32>,
        tpu.vector_store %arg18[%swap3A_157, %swap3A_158], %add3A_155 {strides = array<i32>} : memref<8x128xi32, #tpu.memory_space<vmem>>, vector<16xi32>,
        %add3A_160 = arith.constant 16 : i32
        %add3A_161 = vector.broadcast %add3A_160 : i32 to vector<16xi32>
        %add3A_162 = arith.addi %mul3A_149, %add3A_161 : vector<16xi32>
        %get3A_163 = arith.constant 0 : i32
        %get3A_164 = tpu.memref_slice %arg15[%add3A_71, %get3A_163] : memref<40x128xi32, #tpu.memory_space<vmem>> -> memref<1x128xi32, #tpu.memory_space<vmem>>
        %get3A_165 = tpu.memref_squeeze %get3A_164 : memref<1x128xi32, #tpu.memory_space<vmem>> -> memref<128xi32, #tpu.memory_space<vmem>>
        %get3A_166 = arith.index_cast %mul3A_136 : i32 to index
        %get3A_167 = tpu.vector_load %get3A_165[%get3A_166] {strides = array<i32>} : memref<128xi32, #tpu.memory_space<vmem>>, vector<16xi32>,
        %add3A_168 = arith.addi %add3A_162, %get3A_167 : vector<16xi32>
        %swap3A_169 = arith.constant 1 : i32
        %swap3A_170 = arith.index_cast %swap3A_169 : i32 to index
        %swap3A_171 = arith.index_cast %mul3A_136 : i32 to index
        %swap3A_172 = tpu.vector_load %arg18[%swap3A_170, %swap3A_171] {strides = array<i32>} : memref<8x128xi32, #tpu.memory_space<vmem>>, vector<16xi32>,
        tpu.vector_store %arg18[%swap3A_170, %swap3A_171], %add3A_168 {strides = array<i32>} : memref<8x128xi32, #tpu.memory_space<vmem>>, vector<16xi32>,
        %add3A_173 = arith.constant 32 : i32
        %add3A_174 = vector.broadcast %add3A_173 : i32 to vector<16xi32>
        %add3A_175 = arith.addi %mul3A_149, %add3A_174 : vector<16xi32>
        %get3A_176 = arith.constant 0 : i32
        %get3A_177 = tpu.memref_slice %arg16[%add3A_71, %get3A_176] : memref<40x128xi32, #tpu.memory_space<vmem>> -> memref<1x128xi32, #tpu.memory_space<vmem>>
        %get3A_178 = tpu.memref_squeeze %get3A_177 : memref<1x128xi32, #tpu.memory_space<vmem>> -> memref<128xi32, #tpu.memory_space<vmem>>
        %get3A_179 = arith.index_cast %mul3A_136 : i32 to index
        %get3A_180 = tpu.vector_load %get3A_178[%get3A_179] {strides = array<i32>} : memref<128xi32, #tpu.memory_space<vmem>>, vector<16xi32>,
        %add3A_181 = arith.addi %add3A_175, %get3A_180 : vector<16xi32>
        %swap3A_182 = arith.constant 2 : i32
        %swap3A_183 = arith.index_cast %swap3A_182 : i32 to index
        %swap3A_184 = arith.index_cast %mul3A_136 : i32 to index
        %swap3A_185 = tpu.vector_load %arg18[%swap3A_183, %swap3A_184] {strides = array<i32>} : memref<8x128xi32, #tpu.memory_space<vmem>>, vector<16xi32>,
        tpu.vector_store %arg18[%swap3A_183, %swap3A_184], %add3A_181 {strides = array<i32>} : memref<8x128xi32, #tpu.memory_space<vmem>>, vector<16xi32>,
        %scan3A_186 = arith.constant 0 : i32
        scf.yield %scan3A_186 : i32
      }
      %scan3A_80 = arith.constant 8 : i32
      %dma_start3A = arith.constant 0 : i32
      %dma_start3A_81 = arith.constant 0 : i32
      %dma_start3A_82 = tpu.memref_slice %arg18[%dma_start3A, %dma_start3A_81] : memref<8x128xi32, #tpu.memory_space<vmem>> -> memref<1x128xi32, #tpu.memory_space<vmem>>
      %dma_start3A_83 = tpu.memref_squeeze %dma_start3A_82 : memref<1x128xi32, #tpu.memory_space<vmem>> -> memref<128xi32, #tpu.memory_space<vmem>>
      %dma_start3A_84 = arith.constant 0 : i32
      %dma_start3A_85 = tpu.memref_slice %arg9[%dma_start3A_84] : memref<491520xf32, #tpu.memory_space<vmem_shared>> -> memref<491520xf32, #tpu.memory_space<vmem_shared>>
      tpu.enqueue_indirect_dma source(%arg17 : memref<128xf32, #tpu.memory_space<vmem>>) target(%dma_start3A_85 : memref<491520xf32, #tpu.memory_space<vmem_shared>>) offsets(%dma_start3A_83 : memref<128xi32, #tpu.memory_space<vmem>>) semaphore(%arg21 : memref<!tpu.dma_semaphore, #tpu.memory_space<semaphore_mem>>) {add = true}
      %dma_start3A_86 = arith.constant 1 : i32
      %dma_start3A_87 = arith.constant 0 : i32
      %dma_start3A_88 = tpu.memref_slice %arg18[%dma_start3A_86, %dma_start3A_87] : memref<8x128xi32, #tpu.memory_space<vmem>> -> memref<1x128xi32, #tpu.memory_space<vmem>>
      %dma_start3A_89 = tpu.memref_squeeze %dma_start3A_88 : memref<1x128xi32, #tpu.memory_space<vmem>> -> memref<128xi32, #tpu.memory_space<vmem>>
      %dma_start3A_90 = arith.constant 0 : i32
      %dma_start3A_91 = tpu.memref_slice %arg9[%dma_start3A_90] : memref<491520xf32, #tpu.memory_space<vmem_shared>> -> memref<491520xf32, #tpu.memory_space<vmem_shared>>
      tpu.enqueue_indirect_dma source(%arg17 : memref<128xf32, #tpu.memory_space<vmem>>) target(%dma_start3A_91 : memref<491520xf32, #tpu.memory_space<vmem_shared>>) offsets(%dma_start3A_89 : memref<128xi32, #tpu.memory_space<vmem>>) semaphore(%arg21 : memref<!tpu.dma_semaphore, #tpu.memory_space<semaphore_mem>>) {add = true}
      %dma_start3A_92 = arith.constant 2 : i32
      %dma_start3A_93 = arith.constant 0 : i32
      %dma_start3A_94 = tpu.memref_slice %arg18[%dma_start3A_92, %dma_start3A_93] : memref<8x128xi32, #tpu.memory_space<vmem>> -> memref<1x128xi32, #tpu.memory_space<vmem>>
      %dma_start3A_95 = tpu.memref_squeeze %dma_start3A_94 : memref<1x128xi32, #tpu.memory_space<vmem>> -> memref<128xi32, #tpu.memory_space<vmem>>
      %dma_start3A_96 = arith.constant 0 : i32
      %dma_start3A_97 = tpu.memref_slice %arg9[%dma_start3A_96] : memref<491520xf32, #tpu.memory_space<vmem_shared>> -> memref<491520xf32, #tpu.memory_space<vmem_shared>>
      tpu.enqueue_indirect_dma source(%arg17 : memref<128xf32, #tpu.memory_space<vmem>>) target(%dma_start3A_97 : memref<491520xf32, #tpu.memory_space<vmem_shared>>) offsets(%dma_start3A_95 : memref<128xi32, #tpu.memory_space<vmem>>) semaphore(%arg21 : memref<!tpu.dma_semaphore, #tpu.memory_space<semaphore_mem>>) {add = true}
      %mul3A_98 = arith.constant 2 : i32
      %mul3A_99 = arith.muli %mul3A_98, %scan3A_66 : i32
      %add3A_100 = arith.constant 1 : i32
      %add3A_101 = arith.addi %mul3A_99, %add3A_100 : i32
      %ge3A_102 = arith.constant 2 : i32
      %ge3A_103 = arith.cmpi sge, %add3A_101, %ge3A_102 : i32
      %convert_element_type3A_104 = arith.extui %ge3A_103 : i1 to i32
      %cond3A_105 = arith.constant 0 : i32
      %cond3A_106 = arith.cmpi ne, %convert_element_type3A_104, %cond3A_105 : i32
      scf.if %cond3A_106 {
        %dma_wait3A_133 = arith.constant 0 : i32
        %dma_wait3A_134 = arith.constant 0 : i32
        %dma_wait3A_135 = tpu.memref_slice %arg20[%dma_wait3A_133, %dma_wait3A_134] : memref<8x128xi32, #tpu.memory_space<vmem>> -> memref<1x128xi32, #tpu.memory_space<vmem>>
        %dma_wait3A_136 = tpu.memref_squeeze %dma_wait3A_135 : memref<1x128xi32, #tpu.memory_space<vmem>> -> memref<128xi32, #tpu.memory_space<vmem>>
        %dma_wait3A_137 = arith.constant 0 : i32
        %dma_wait3A_138 = tpu.memref_slice %arg9[%dma_wait3A_137] : memref<491520xf32, #tpu.memory_space<vmem_shared>> -> memref<491520xf32, #tpu.memory_space<vmem_shared>>
        tpu.wait_indirect_dma semaphore(%arg22 : memref<!tpu.dma_semaphore, #tpu.memory_space<semaphore_mem>>) src(%arg19 : memref<128xf32, #tpu.memory_space<vmem>>) dst(%dma_wait3A_138 : memref<491520xf32, #tpu.memory_space<vmem_shared>>)
        %dma_wait3A_139 = arith.constant 1 : i32
        %dma_wait3A_140 = arith.constant 0 : i32
        %dma_wait3A_141 = tpu.memref_slice %arg20[%dma_wait3A_139, %dma_wait3A_140] : memref<8x128xi32, #tpu.memory_space<vmem>> -> memref<1x128xi32, #tpu.memory_space<vmem>>
        %dma_wait3A_142 = tpu.memref_squeeze %dma_wait3A_141 : memref<1x128xi32, #tpu.memory_space<vmem>> -> memref<128xi32, #tpu.memory_space<vmem>>
        %dma_wait3A_143 = arith.constant 0 : i32
        %dma_wait3A_144 = tpu.memref_slice %arg9[%dma_wait3A_143] : memref<491520xf32, #tpu.memory_space<vmem_shared>> -> memref<491520xf32, #tpu.memory_space<vmem_shared>>
        tpu.wait_indirect_dma semaphore(%arg22 : memref<!tpu.dma_semaphore, #tpu.memory_space<semaphore_mem>>) src(%arg19 : memref<128xf32, #tpu.memory_space<vmem>>) dst(%dma_wait3A_144 : memref<491520xf32, #tpu.memory_space<vmem_shared>>)
        %dma_wait3A_145 = arith.constant 2 : i32
        %dma_wait3A_146 = arith.constant 0 : i32
        %dma_wait3A_147 = tpu.memref_slice %arg20[%dma_wait3A_145, %dma_wait3A_146] : memref<8x128xi32, #tpu.memory_space<vmem>> -> memref<1x128xi32, #tpu.memory_space<vmem>>
        %dma_wait3A_148 = tpu.memref_squeeze %dma_wait3A_147 : memref<1x128xi32, #tpu.memory_space<vmem>> -> memref<128xi32, #tpu.memory_space<vmem>>
        %dma_wait3A_149 = arith.constant 0 : i32
        %dma_wait3A_150 = tpu.memref_slice %arg9[%dma_wait3A_149] : memref<491520xf32, #tpu.memory_space<vmem_shared>> -> memref<491520xf32, #tpu.memory_space<vmem_shared>>
        tpu.wait_indirect_dma semaphore(%arg22 : memref<!tpu.dma_semaphore, #tpu.memory_space<semaphore_mem>>) src(%arg19 : memref<128xf32, #tpu.memory_space<vmem>>) dst(%dma_wait3A_150 : memref<491520xf32, #tpu.memory_space<vmem_shared>>)
      } else {
      }
      %scan3A_107 = arith.constant 0 : i32
      %scan3A_108 = arith.constant 0 : i32
      %scan3A_109 = arith.constant 8 : i32
      %scan3A_110 = arith.addi %scan3A_108, %scan3A_109 : i32
      %scan3A_111 = arith.constant 1 : i32
      %scan3A_112 = scf.for %scan3A_133 = %scan3A_108 to %scan3A_110 step %scan3A_111 iter_args(%scan3A_134 = %scan3A_107) -> (i32)  : i32 {
        %mul3A_135 = arith.constant 16 : i32
        %mul3A_136 = arith.muli %scan3A_133, %mul3A_135 : i32
        %get3A = arith.constant 0 : i32
        %get3A_137 = tpu.memref_slice %arg12[%add3A_101, %get3A] : memref<40x128xi32, #tpu.memory_space<vmem>> -> memref<1x128xi32, #tpu.memory_space<vmem>>
        %get3A_138 = tpu.memref_squeeze %get3A_137 : memref<1x128xi32, #tpu.memory_space<vmem>> -> memref<128xi32, #tpu.memory_space<vmem>>
        %get3A_139 = arith.index_cast %mul3A_136 : i32 to index
        %get3A_140 = tpu.vector_load %get3A_138[%get3A_139] {strides = array<i32>} : memref<128xi32, #tpu.memory_space<vmem>>, vector<16xi32>,
        %gather3A = tpu.vector_load_idx %arg11[%get3A_140] : memref<10240xf32, #tpu.memory_space<vmem>>[vector<16xi32>], vector<16xf32>,
        %swap3A = arith.index_cast %mul3A_136 : i32 to index
        %swap3A_141 = tpu.vector_load %arg19[%swap3A] {strides = array<i32>} : memref<128xf32, #tpu.memory_space<vmem>>, vector<16xf32>,
        tpu.vector_store %arg19[%swap3A], %gather3A {strides = array<i32>} : memref<128xf32, #tpu.memory_space<vmem>>, vector<16xf32>,
        %get3A_142 = arith.constant 0 : i32
        %get3A_143 = tpu.memref_slice %arg13[%add3A_101, %get3A_142] : memref<40x128xi32, #tpu.memory_space<vmem>> -> memref<1x128xi32, #tpu.memory_space<vmem>>
        %get3A_144 = tpu.memref_squeeze %get3A_143 : memref<1x128xi32, #tpu.memory_space<vmem>> -> memref<128xi32, #tpu.memory_space<vmem>>
        %get3A_145 = arith.index_cast %mul3A_136 : i32 to index
        %get3A_146 = tpu.vector_load %get3A_144[%get3A_145] {strides = array<i32>} : memref<128xi32, #tpu.memory_space<vmem>>, vector<16xi32>,
        %mul3A_147 = arith.constant 48 : i32
        %mul3A_148 = vector.broadcast %mul3A_147 : i32 to vector<16xi32>
        %mul3A_149 = arith.muli %get3A_146, %mul3A_148 : vector<16xi32>
        %get3A_150 = arith.constant 0 : i32
        %get3A_151 = tpu.memref_slice %arg14[%add3A_101, %get3A_150] : memref<40x128xi32, #tpu.memory_space<vmem>> -> memref<1x128xi32, #tpu.memory_space<vmem>>
        %get3A_152 = tpu.memref_squeeze %get3A_151 : memref<1x128xi32, #tpu.memory_space<vmem>> -> memref<128xi32, #tpu.memory_space<vmem>>
        %get3A_153 = arith.index_cast %mul3A_136 : i32 to index
        %get3A_154 = tpu.vector_load %get3A_152[%get3A_153] {strides = array<i32>} : memref<128xi32, #tpu.memory_space<vmem>>, vector<16xi32>,
        %add3A_155 = arith.addi %mul3A_149, %get3A_154 : vector<16xi32>
        %swap3A_156 = arith.constant 0 : i32
        %swap3A_157 = arith.index_cast %swap3A_156 : i32 to index
        %swap3A_158 = arith.index_cast %mul3A_136 : i32 to index
        %swap3A_159 = tpu.vector_load %arg20[%swap3A_157, %swap3A_158] {strides = array<i32>} : memref<8x128xi32, #tpu.memory_space<vmem>>, vector<16xi32>,
        tpu.vector_store %arg20[%swap3A_157, %swap3A_158], %add3A_155 {strides = array<i32>} : memref<8x128xi32, #tpu.memory_space<vmem>>, vector<16xi32>,
        %add3A_160 = arith.constant 16 : i32
        %add3A_161 = vector.broadcast %add3A_160 : i32 to vector<16xi32>
        %add3A_162 = arith.addi %mul3A_149, %add3A_161 : vector<16xi32>
        %get3A_163 = arith.constant 0 : i32
        %get3A_164 = tpu.memref_slice %arg15[%add3A_101, %get3A_163] : memref<40x128xi32, #tpu.memory_space<vmem>> -> memref<1x128xi32, #tpu.memory_space<vmem>>
        %get3A_165 = tpu.memref_squeeze %get3A_164 : memref<1x128xi32, #tpu.memory_space<vmem>> -> memref<128xi32, #tpu.memory_space<vmem>>
        %get3A_166 = arith.index_cast %mul3A_136 : i32 to index
        %get3A_167 = tpu.vector_load %get3A_165[%get3A_166] {strides = array<i32>} : memref<128xi32, #tpu.memory_space<vmem>>, vector<16xi32>,
        %add3A_168 = arith.addi %add3A_162, %get3A_167 : vector<16xi32>
        %swap3A_169 = arith.constant 1 : i32
        %swap3A_170 = arith.index_cast %swap3A_169 : i32 to index
        %swap3A_171 = arith.index_cast %mul3A_136 : i32 to index
        %swap3A_172 = tpu.vector_load %arg20[%swap3A_170, %swap3A_171] {strides = array<i32>} : memref<8x128xi32, #tpu.memory_space<vmem>>, vector<16xi32>,
        tpu.vector_store %arg20[%swap3A_170, %swap3A_171], %add3A_168 {strides = array<i32>} : memref<8x128xi32, #tpu.memory_space<vmem>>, vector<16xi32>,
        %add3A_173 = arith.constant 32 : i32
        %add3A_174 = vector.broadcast %add3A_173 : i32 to vector<16xi32>
        %add3A_175 = arith.addi %mul3A_149, %add3A_174 : vector<16xi32>
        %get3A_176 = arith.constant 0 : i32
        %get3A_177 = tpu.memref_slice %arg16[%add3A_101, %get3A_176] : memref<40x128xi32, #tpu.memory_space<vmem>> -> memref<1x128xi32, #tpu.memory_space<vmem>>
        %get3A_178 = tpu.memref_squeeze %get3A_177 : memref<1x128xi32, #tpu.memory_space<vmem>> -> memref<128xi32, #tpu.memory_space<vmem>>
        %get3A_179 = arith.index_cast %mul3A_136 : i32 to index
        %get3A_180 = tpu.vector_load %get3A_178[%get3A_179] {strides = array<i32>} : memref<128xi32, #tpu.memory_space<vmem>>, vector<16xi32>,
        %add3A_181 = arith.addi %add3A_175, %get3A_180 : vector<16xi32>
        %swap3A_182 = arith.constant 2 : i32
        %swap3A_183 = arith.index_cast %swap3A_182 : i32 to index
        %swap3A_184 = arith.index_cast %mul3A_136 : i32 to index
        %swap3A_185 = tpu.vector_load %arg20[%swap3A_183, %swap3A_184] {strides = array<i32>} : memref<8x128xi32, #tpu.memory_space<vmem>>, vector<16xi32>,
        tpu.vector_store %arg20[%swap3A_183, %swap3A_184], %add3A_181 {strides = array<i32>} : memref<8x128xi32, #tpu.memory_space<vmem>>, vector<16xi32>,
        %scan3A_186 = arith.constant 0 : i32
        scf.yield %scan3A_186 : i32
      }
      %scan3A_113 = arith.constant 8 : i32
      %dma_start3A_114 = arith.constant 0 : i32
      %dma_start3A_115 = arith.constant 0 : i32
      %dma_start3A_116 = tpu.memref_slice %arg20[%dma_start3A_114, %dma_start3A_115] : memref<8x128xi32, #tpu.memory_space<vmem>> -> memref<1x128xi32, #tpu.memory_space<vmem>>
      %dma_start3A_117 = tpu.memref_squeeze %dma_start3A_116 : memref<1x128xi32, #tpu.memory_space<vmem>> -> memref<128xi32, #tpu.memory_space<vmem>>
      %dma_start3A_118 = arith.constant 0 : i32
      %dma_start3A_119 = tpu.memref_slice %arg9[%dma_start3A_118] : memref<491520xf32, #tpu.memory_space<vmem_shared>> -> memref<491520xf32, #tpu.memory_space<vmem_shared>>
      tpu.enqueue_indirect_dma source(%arg19 : memref<128xf32, #tpu.memory_space<vmem>>) target(%dma_start3A_119 : memref<491520xf32, #tpu.memory_space<vmem_shared>>) offsets(%dma_start3A_117 : memref<128xi32, #tpu.memory_space<vmem>>) semaphore(%arg22 : memref<!tpu.dma_semaphore, #tpu.memory_space<semaphore_mem>>) {add = true}
      %dma_start3A_120 = arith.constant 1 : i32
      %dma_start3A_121 = arith.constant 0 : i32
      %dma_start3A_122 = tpu.memref_slice %arg20[%dma_start3A_120, %dma_start3A_121] : memref<8x128xi32, #tpu.memory_space<vmem>> -> memref<1x128xi32, #tpu.memory_space<vmem>>
      %dma_start3A_123 = tpu.memref_squeeze %dma_start3A_122 : memref<1x128xi32, #tpu.memory_space<vmem>> -> memref<128xi32, #tpu.memory_space<vmem>>
      %dma_start3A_124 = arith.constant 0 : i32
      %dma_start3A_125 = tpu.memref_slice %arg9[%dma_start3A_124] : memref<491520xf32, #tpu.memory_space<vmem_shared>> -> memref<491520xf32, #tpu.memory_space<vmem_shared>>
      tpu.enqueue_indirect_dma source(%arg19 : memref<128xf32, #tpu.memory_space<vmem>>) target(%dma_start3A_125 : memref<491520xf32, #tpu.memory_space<vmem_shared>>) offsets(%dma_start3A_123 : memref<128xi32, #tpu.memory_space<vmem>>) semaphore(%arg22 : memref<!tpu.dma_semaphore, #tpu.memory_space<semaphore_mem>>) {add = true}
      %dma_start3A_126 = arith.constant 2 : i32
      %dma_start3A_127 = arith.constant 0 : i32
      %dma_start3A_128 = tpu.memref_slice %arg20[%dma_start3A_126, %dma_start3A_127] : memref<8x128xi32, #tpu.memory_space<vmem>> -> memref<1x128xi32, #tpu.memory_space<vmem>>
      %dma_start3A_129 = tpu.memref_squeeze %dma_start3A_128 : memref<1x128xi32, #tpu.memory_space<vmem>> -> memref<128xi32, #tpu.memory_space<vmem>>
      %dma_start3A_130 = arith.constant 0 : i32
      %dma_start3A_131 = tpu.memref_slice %arg9[%dma_start3A_130] : memref<491520xf32, #tpu.memory_space<vmem_shared>> -> memref<491520xf32, #tpu.memory_space<vmem_shared>>
      tpu.enqueue_indirect_dma source(%arg19 : memref<128xf32, #tpu.memory_space<vmem>>) target(%dma_start3A_131 : memref<491520xf32, #tpu.memory_space<vmem_shared>>) offsets(%dma_start3A_129 : memref<128xi32, #tpu.memory_space<vmem>>) semaphore(%arg22 : memref<!tpu.dma_semaphore, #tpu.memory_space<semaphore_mem>>) {add = true}
      %scan3A_132 = arith.constant 0 : i32
      scf.yield %scan3A_132 : i32
    }
    %scan3A_22 = arith.constant 20 : i32
    %dma_wait3A = arith.constant 0 : i32
    %dma_wait3A_23 = arith.constant 0 : i32
    %dma_wait3A_24 = tpu.memref_slice %arg18[%dma_wait3A, %dma_wait3A_23] : memref<8x128xi32, #tpu.memory_space<vmem>> -> memref<1x128xi32, #tpu.memory_space<vmem>>
    %dma_wait3A_25 = tpu.memref_squeeze %dma_wait3A_24 : memref<1x128xi32, #tpu.memory_space<vmem>> -> memref<128xi32, #tpu.memory_space<vmem>>
    %dma_wait3A_26 = arith.constant 0 : i32
    %dma_wait3A_27 = tpu.memref_slice %arg9[%dma_wait3A_26] : memref<491520xf32, #tpu.memory_space<vmem_shared>> -> memref<491520xf32, #tpu.memory_space<vmem_shared>>
    tpu.wait_indirect_dma semaphore(%arg21 : memref<!tpu.dma_semaphore, #tpu.memory_space<semaphore_mem>>) src(%arg17 : memref<128xf32, #tpu.memory_space<vmem>>) dst(%dma_wait3A_27 : memref<491520xf32, #tpu.memory_space<vmem_shared>>)
    %dma_wait3A_28 = arith.constant 1 : i32
    %dma_wait3A_29 = arith.constant 0 : i32
    %dma_wait3A_30 = tpu.memref_slice %arg18[%dma_wait3A_28, %dma_wait3A_29] : memref<8x128xi32, #tpu.memory_space<vmem>> -> memref<1x128xi32, #tpu.memory_space<vmem>>
    %dma_wait3A_31 = tpu.memref_squeeze %dma_wait3A_30 : memref<1x128xi32, #tpu.memory_space<vmem>> -> memref<128xi32, #tpu.memory_space<vmem>>
    %dma_wait3A_32 = arith.constant 0 : i32
    %dma_wait3A_33 = tpu.memref_slice %arg9[%dma_wait3A_32] : memref<491520xf32, #tpu.memory_space<vmem_shared>> -> memref<491520xf32, #tpu.memory_space<vmem_shared>>
    tpu.wait_indirect_dma semaphore(%arg21 : memref<!tpu.dma_semaphore, #tpu.memory_space<semaphore_mem>>) src(%arg17 : memref<128xf32, #tpu.memory_space<vmem>>) dst(%dma_wait3A_33 : memref<491520xf32, #tpu.memory_space<vmem_shared>>)
    %dma_wait3A_34 = arith.constant 2 : i32
    %dma_wait3A_35 = arith.constant 0 : i32
    %dma_wait3A_36 = tpu.memref_slice %arg18[%dma_wait3A_34, %dma_wait3A_35] : memref<8x128xi32, #tpu.memory_space<vmem>> -> memref<1x128xi32, #tpu.memory_space<vmem>>
    %dma_wait3A_37 = tpu.memref_squeeze %dma_wait3A_36 : memref<1x128xi32, #tpu.memory_space<vmem>> -> memref<128xi32, #tpu.memory_space<vmem>>
    %dma_wait3A_38 = arith.constant 0 : i32
    %dma_wait3A_39 = tpu.memref_slice %arg9[%dma_wait3A_38] : memref<491520xf32, #tpu.memory_space<vmem_shared>> -> memref<491520xf32, #tpu.memory_space<vmem_shared>>
    tpu.wait_indirect_dma semaphore(%arg21 : memref<!tpu.dma_semaphore, #tpu.memory_space<semaphore_mem>>) src(%arg17 : memref<128xf32, #tpu.memory_space<vmem>>) dst(%dma_wait3A_39 : memref<491520xf32, #tpu.memory_space<vmem_shared>>)
    %dma_wait3A_40 = arith.constant 0 : i32
    %dma_wait3A_41 = arith.constant 0 : i32
    %dma_wait3A_42 = tpu.memref_slice %arg20[%dma_wait3A_40, %dma_wait3A_41] : memref<8x128xi32, #tpu.memory_space<vmem>> -> memref<1x128xi32, #tpu.memory_space<vmem>>
    %dma_wait3A_43 = tpu.memref_squeeze %dma_wait3A_42 : memref<1x128xi32, #tpu.memory_space<vmem>> -> memref<128xi32, #tpu.memory_space<vmem>>
    %dma_wait3A_44 = arith.constant 0 : i32
    %dma_wait3A_45 = tpu.memref_slice %arg9[%dma_wait3A_44] : memref<491520xf32, #tpu.memory_space<vmem_shared>> -> memref<491520xf32, #tpu.memory_space<vmem_shared>>
    tpu.wait_indirect_dma semaphore(%arg22 : memref<!tpu.dma_semaphore, #tpu.memory_space<semaphore_mem>>) src(%arg19 : memref<128xf32, #tpu.memory_space<vmem>>) dst(%dma_wait3A_45 : memref<491520xf32, #tpu.memory_space<vmem_shared>>)
    %dma_wait3A_46 = arith.constant 1 : i32
    %dma_wait3A_47 = arith.constant 0 : i32
    %dma_wait3A_48 = tpu.memref_slice %arg20[%dma_wait3A_46, %dma_wait3A_47] : memref<8x128xi32, #tpu.memory_space<vmem>> -> memref<1x128xi32, #tpu.memory_space<vmem>>
    %dma_wait3A_49 = tpu.memref_squeeze %dma_wait3A_48 : memref<1x128xi32, #tpu.memory_space<vmem>> -> memref<128xi32, #tpu.memory_space<vmem>>
    %dma_wait3A_50 = arith.constant 0 : i32
    %dma_wait3A_51 = tpu.memref_slice %arg9[%dma_wait3A_50] : memref<491520xf32, #tpu.memory_space<vmem_shared>> -> memref<491520xf32, #tpu.memory_space<vmem_shared>>
    tpu.wait_indirect_dma semaphore(%arg22 : memref<!tpu.dma_semaphore, #tpu.memory_space<semaphore_mem>>) src(%arg19 : memref<128xf32, #tpu.memory_space<vmem>>) dst(%dma_wait3A_51 : memref<491520xf32, #tpu.memory_space<vmem_shared>>)
    %dma_wait3A_52 = arith.constant 2 : i32
    %dma_wait3A_53 = arith.constant 0 : i32
    %dma_wait3A_54 = tpu.memref_slice %arg20[%dma_wait3A_52, %dma_wait3A_53] : memref<8x128xi32, #tpu.memory_space<vmem>> -> memref<1x128xi32, #tpu.memory_space<vmem>>
    %dma_wait3A_55 = tpu.memref_squeeze %dma_wait3A_54 : memref<1x128xi32, #tpu.memory_space<vmem>> -> memref<128xi32, #tpu.memory_space<vmem>>
    %dma_wait3A_56 = arith.constant 0 : i32
    %dma_wait3A_57 = tpu.memref_slice %arg9[%dma_wait3A_56] : memref<491520xf32, #tpu.memory_space<vmem_shared>> -> memref<491520xf32, #tpu.memory_space<vmem_shared>>
    tpu.wait_indirect_dma semaphore(%arg22 : memref<!tpu.dma_semaphore, #tpu.memory_space<semaphore_mem>>) src(%arg19 : memref<128xf32, #tpu.memory_space<vmem>>) dst(%dma_wait3A_57 : memref<491520xf32, #tpu.memory_space<vmem_shared>>)
    %barrier3A_58 = arith.constant 0 : index
    tpu.barrier barrier_id(%barrier3A_58)
    %mul3A_59 = arith.constant 30720 : i32
    %mul3A_60 = arith.muli %arg1, %mul3A_59 : i32
    %mul3A_61 = arith.constant 491520 : i32
    %mul3A_62 = arith.muli %arg0, %mul3A_61 : i32
    %mul3A_63 = arith.constant 30720 : i32
    %mul3A_64 = arith.muli %arg1, %mul3A_63 : i32
    %add3A_65 = arith.addi %mul3A_62, %mul3A_64 : i32
    "tpu.region"() ({
      %run_scoped3A = tpu.sem_alloc : memref<!tpu.dma_semaphore, #tpu.memory_space<semaphore_mem>>
      %dma_start3A = tpu.memref_slice %arg8[%add3A_65] : memref<983040xf32, #tpu.memory_space<hbm>> -> memref<30720xf32, #tpu.memory_space<hbm>>
      %dma_start3A_66 = tpu.memref_slice %arg9[%mul3A_60] : memref<491520xf32, #tpu.memory_space<vmem_shared>> -> memref<30720xf32, #tpu.memory_space<vmem_shared>>
      tpu.enqueue_dma source(%dma_start3A_66 : memref<30720xf32, #tpu.memory_space<vmem_shared>>) target(%dma_start3A : memref<30720xf32, #tpu.memory_space<hbm>>) target_semaphore(%run_scoped3A : memref<!tpu.dma_semaphore, #tpu.memory_space<semaphore_mem>>)
      %dma_wait3A_67 = tpu.memref_slice %arg8[%add3A_65] : memref<983040xf32, #tpu.memory_space<hbm>> -> memref<30720xf32, #tpu.memory_space<hbm>>
      %dma_wait3A_68 = tpu.memref_slice %arg9[%mul3A_60] : memref<491520xf32, #tpu.memory_space<vmem_shared>> -> memref<30720xf32, #tpu.memory_space<vmem_shared>>
      tpu.wait_dma2 semaphore(%run_scoped3A : memref<!tpu.dma_semaphore, #tpu.memory_space<semaphore_mem>>) src(%dma_wait3A_68 : memref<30720xf32, #tpu.memory_space<vmem_shared>>) dst(%dma_wait3A_67 : memref<30720xf32, #tpu.memory_space<hbm>>)
      tpu.yield
    }) : () -> ()
    return
  }
}

#map = affine_map<(d0, d1) -> (0, 0)>
module attributes {stable_mosaic.version = 14 : i64} {
  func.func @_sc_spmm(%arg0: i32, %arg1: i32, %arg2: memref<20480x128xf32, #tpu.memory_space<hbm>>, %arg3: memref<2560x64xi32, #tpu.memory_space<hbm>>, %arg4: memref<2560x64xi32, #tpu.memory_space<hbm>>, %arg5: memref<20480x128xf32, #tpu.memory_space<hbm>>, %arg6: memref<10240x128xf32, #tpu.memory_space<vmem_shared>>, %arg7: memref<80x64xi32, #tpu.memory_space<vmem>>, %arg8: memref<80x64xi32, #tpu.memory_space<vmem>>, %arg9: memref<64x128xf32, #tpu.memory_space<vmem>>, %arg10: memref<64x128xf32, #tpu.memory_space<vmem>>, %arg11: memref<64x128xf32, #tpu.memory_space<vmem>>, %arg12: memref<!tpu.dma_semaphore, #tpu.memory_space<semaphore_mem>>, %arg13: memref<!tpu.dma_semaphore, #tpu.memory_space<semaphore_mem>>, %arg14: memref<!tpu.dma_semaphore, #tpu.memory_space<semaphore_mem>>, %arg15: memref<!tpu.dma_semaphore, #tpu.memory_space<semaphore_mem>>, %arg16: memref<!tpu.dma_semaphore, #tpu.memory_space<semaphore_mem>>, %arg17: memref<!tpu.dma_semaphore, #tpu.memory_space<semaphore_mem>>) attributes {dimension_semantics = [#tpu.dimension_semantics<core_parallel>, #tpu.dimension_semantics<subcore_parallel>], iteration_bounds = array<i64: 2, 16>, scalar_prefetch = 0 : i64, scratch_operands = 12 : i64, tpu.core_type = #tpu.core_type<sc_vector_subcore>, window_params = [{transform_indices = #map}, {transform_indices = #map}, {transform_indices = #map}, {transform_indices = #map}]} {
    %scan3A = arith.constant 0 : i32
    %scan3A_0 = arith.constant 0 : i32
    %scan3A_1 = arith.constant 64 : i32
    %scan3A_2 = arith.addi %scan3A_0, %scan3A_1 : i32
    %scan3A_3 = arith.constant 1 : i32
    %scan3A_4 = scf.for %scan3A_105 = %scan3A_0 to %scan3A_2 step %scan3A_3 iter_args(%scan3A_106 = %scan3A) -> (i32)  : i32 {
      %scan3A_107 = arith.constant 0 : i32
      %scan3A_108 = arith.constant 0 : i32
      %scan3A_109 = arith.constant 8 : i32
      %scan3A_110 = arith.addi %scan3A_108, %scan3A_109 : i32
      %scan3A_111 = arith.constant 1 : i32
      %scan3A_112 = scf.for %scan3A_115 = %scan3A_108 to %scan3A_110 step %scan3A_111 iter_args(%scan3A_116 = %scan3A_107) -> (i32)  : i32 {
        %broadcast_in_dim3A = arith.constant 0.000000e+00 : f32
        %broadcast_in_dim3A_117 = vector.broadcast %broadcast_in_dim3A : f32 to vector<16xf32>
        %mul3A_118 = arith.constant 16 : i32
        %mul3A_119 = arith.muli %scan3A_115, %mul3A_118 : i32
        %swap3A = arith.constant 0 : i32
        %swap3A_120 = tpu.memref_slice %arg9[%scan3A_105, %swap3A] : memref<64x128xf32, #tpu.memory_space<vmem>> -> memref<1x128xf32, #tpu.memory_space<vmem>>
        %swap3A_121 = tpu.memref_squeeze %swap3A_120 : memref<1x128xf32, #tpu.memory_space<vmem>> -> memref<128xf32, #tpu.memory_space<vmem>>
        %swap3A_122 = arith.index_cast %mul3A_119 : i32 to index
        %swap3A_123 = tpu.vector_load %swap3A_121[%swap3A_122] {strides = array<i32>} : memref<128xf32, #tpu.memory_space<vmem>>, vector<16xf32>,
        tpu.vector_store %swap3A_121[%swap3A_122], %broadcast_in_dim3A_117 {strides = array<i32>} : memref<128xf32, #tpu.memory_space<vmem>>, vector<16xf32>,
        %scan3A_124 = arith.constant 0 : i32
        scf.yield %scan3A_124 : i32
      }
      %scan3A_113 = arith.constant 8 : i32
      %scan3A_114 = arith.constant 0 : i32
      scf.yield %scan3A_114 : i32
    }
    %scan3A_5 = arith.constant 64 : i32
    %scan3A_6 = arith.constant 0 : i32
    %scan3A_7 = arith.constant 0 : i32
    %scan3A_8 = arith.constant 10 : i32
    %scan3A_9 = arith.addi %scan3A_7, %scan3A_8 : i32
    %scan3A_10 = arith.constant 1 : i32
    %scan3A_11 = scf.for %scan3A_105 = %scan3A_7 to %scan3A_9 step %scan3A_10 iter_args(%scan3A_106 = %scan3A_6) -> (i32)  : i32 {
      %mul3A_107 = arith.constant 640 : i32
      %mul3A_108 = arith.muli %arg1, %mul3A_107 : i32
      %mul3A_109 = arith.constant 64 : i32
      %mul3A_110 = arith.muli %scan3A_105, %mul3A_109 : i32
      %add3A_111 = arith.addi %mul3A_108, %mul3A_110 : i32
      %dma_start3A = arith.constant 0 : i32
      %dma_start3A_112 = tpu.memref_slice %arg6[%add3A_111, %dma_start3A] : memref<10240x128xf32, #tpu.memory_space<vmem_shared>> -> memref<64x128xf32, #tpu.memory_space<vmem_shared>>
      %dma_start3A_113 = arith.constant 0 : i32
      %dma_start3A_114 = tpu.memref_slice %arg6[%add3A_111, %dma_start3A_113] : memref<10240x128xf32, #tpu.memory_space<vmem_shared>> -> memref<64x128xf32, #tpu.memory_space<vmem_shared>>
      tpu.enqueue_dma source(%arg9 : memref<64x128xf32, #tpu.memory_space<vmem>>) target(%dma_start3A_114 : memref<64x128xf32, #tpu.memory_space<vmem_shared>>) target_semaphore(%arg12 : memref<!tpu.dma_semaphore, #tpu.memory_space<semaphore_mem>>)
      %scan3A_115 = arith.constant 0 : i32
      scf.yield %scan3A_115 : i32
    }
    %scan3A_12 = arith.constant 10 : i32
    %scan3A_13 = arith.constant 0 : i32
    %scan3A_14 = arith.constant 0 : i32
    %scan3A_15 = arith.constant 10 : i32
    %scan3A_16 = arith.addi %scan3A_14, %scan3A_15 : i32
    %scan3A_17 = arith.constant 1 : i32
    %scan3A_18 = scf.for %scan3A_105 = %scan3A_14 to %scan3A_16 step %scan3A_17 iter_args(%scan3A_106 = %scan3A_13) -> (i32)  : i32 {
      %mul3A_107 = arith.constant 640 : i32
      %mul3A_108 = arith.muli %arg1, %mul3A_107 : i32
      %dma_wait3A_109 = arith.constant 0 : i32
      %dma_wait3A_110 = tpu.memref_slice %arg6[%mul3A_108, %dma_wait3A_109] : memref<10240x128xf32, #tpu.memory_space<vmem_shared>> -> memref<64x128xf32, #tpu.memory_space<vmem_shared>>
      %dma_wait3A_111 = arith.constant 0 : i32
      %dma_wait3A_112 = tpu.memref_slice %arg6[%mul3A_108, %dma_wait3A_111] : memref<10240x128xf32, #tpu.memory_space<vmem_shared>> -> memref<64x128xf32, #tpu.memory_space<vmem_shared>>
      tpu.wait_dma2 semaphore(%arg12 : memref<!tpu.dma_semaphore, #tpu.memory_space<semaphore_mem>>) src(%arg9 : memref<64x128xf32, #tpu.memory_space<vmem>>) dst(%dma_wait3A_112 : memref<64x128xf32, #tpu.memory_space<vmem_shared>>)
      %scan3A_113 = arith.constant 0 : i32
      scf.yield %scan3A_113 : i32
    }
    %scan3A_19 = arith.constant 10 : i32
    %barrier3A = arith.constant 0 : index
    tpu.barrier barrier_id(%barrier3A)
    %mul3A = arith.constant 10240 : i32
    %mul3A_20 = arith.muli %arg0, %mul3A : i32
    %mul3A_21 = arith.constant 160 : i32
    %mul3A_22 = arith.muli %arg1, %mul3A_21 : i32
    %add3A = arith.constant 0 : i32
    %add3A_23 = arith.addi %mul3A_22, %add3A : i32
    "tpu.region"() ({
      %run_scoped3A = tpu.sem_alloc : memref<!tpu.dma_semaphore, #tpu.memory_space<semaphore_mem>>
      %dma_start3A = arith.constant 0 : i32
      %dma_start3A_105 = tpu.memref_slice %arg3[%add3A_23, %dma_start3A] : memref<2560x64xi32, #tpu.memory_space<hbm>> -> memref<80x64xi32, #tpu.memory_space<hbm>>
      %dma_start3A_106 = arith.constant 0 : i32
      %dma_start3A_107 = tpu.memref_slice %arg3[%add3A_23, %dma_start3A_106] : memref<2560x64xi32, #tpu.memory_space<hbm>> -> memref<80x64xi32, #tpu.memory_space<hbm>>
      tpu.enqueue_dma source(%dma_start3A_107 : memref<80x64xi32, #tpu.memory_space<hbm>>) target(%arg7 : memref<80x64xi32, #tpu.memory_space<vmem>>) target_semaphore(%run_scoped3A : memref<!tpu.dma_semaphore, #tpu.memory_space<semaphore_mem>>)
      %dma_wait3A_108 = arith.constant 0 : i32
      %dma_wait3A_109 = tpu.memref_slice %arg3[%add3A_23, %dma_wait3A_108] : memref<2560x64xi32, #tpu.memory_space<hbm>> -> memref<80x64xi32, #tpu.memory_space<hbm>>
      %dma_wait3A_110 = arith.constant 0 : i32
      %dma_wait3A_111 = tpu.memref_slice %arg3[%add3A_23, %dma_wait3A_110] : memref<2560x64xi32, #tpu.memory_space<hbm>> -> memref<80x64xi32, #tpu.memory_space<hbm>>
      tpu.wait_dma2 semaphore(%run_scoped3A : memref<!tpu.dma_semaphore, #tpu.memory_space<semaphore_mem>>) src(%dma_wait3A_111 : memref<80x64xi32, #tpu.memory_space<hbm>>) dst(%arg7 : memref<80x64xi32, #tpu.memory_space<vmem>>)
      tpu.yield
    }) : () -> ()
    "tpu.region"() ({
      %run_scoped3A = tpu.sem_alloc : memref<!tpu.dma_semaphore, #tpu.memory_space<semaphore_mem>>
      %dma_start3A = arith.constant 0 : i32
      %dma_start3A_105 = tpu.memref_slice %arg4[%add3A_23, %dma_start3A] : memref<2560x64xi32, #tpu.memory_space<hbm>> -> memref<80x64xi32, #tpu.memory_space<hbm>>
      %dma_start3A_106 = arith.constant 0 : i32
      %dma_start3A_107 = tpu.memref_slice %arg4[%add3A_23, %dma_start3A_106] : memref<2560x64xi32, #tpu.memory_space<hbm>> -> memref<80x64xi32, #tpu.memory_space<hbm>>
      tpu.enqueue_dma source(%dma_start3A_107 : memref<80x64xi32, #tpu.memory_space<hbm>>) target(%arg8 : memref<80x64xi32, #tpu.memory_space<vmem>>) target_semaphore(%run_scoped3A : memref<!tpu.dma_semaphore, #tpu.memory_space<semaphore_mem>>)
      %dma_wait3A_108 = arith.constant 0 : i32
      %dma_wait3A_109 = tpu.memref_slice %arg4[%add3A_23, %dma_wait3A_108] : memref<2560x64xi32, #tpu.memory_space<hbm>> -> memref<80x64xi32, #tpu.memory_space<hbm>>
      %dma_wait3A_110 = arith.constant 0 : i32
      %dma_wait3A_111 = tpu.memref_slice %arg4[%add3A_23, %dma_wait3A_110] : memref<2560x64xi32, #tpu.memory_space<hbm>> -> memref<80x64xi32, #tpu.memory_space<hbm>>
      tpu.wait_dma2 semaphore(%run_scoped3A : memref<!tpu.dma_semaphore, #tpu.memory_space<semaphore_mem>>) src(%dma_wait3A_111 : memref<80x64xi32, #tpu.memory_space<hbm>>) dst(%arg8 : memref<80x64xi32, #tpu.memory_space<vmem>>)
      tpu.yield
    }) : () -> ()
    %scan3A_24 = arith.constant 0 : i32
    %scan3A_25 = arith.constant 0 : i32
    %scan3A_26 = arith.constant 80 : i32
    %scan3A_27 = arith.addi %scan3A_25, %scan3A_26 : i32
    %scan3A_28 = arith.constant 1 : i32
    %scan3A_29 = scf.for %scan3A_105 = %scan3A_25 to %scan3A_27 step %scan3A_28 iter_args(%scan3A_106 = %scan3A_24) -> (i32)  : i32 {
      %scan3A_107 = arith.constant 0 : i32
      %scan3A_108 = arith.constant 0 : i32
      %scan3A_109 = arith.constant 4 : i32
      %scan3A_110 = arith.addi %scan3A_108, %scan3A_109 : i32
      %scan3A_111 = arith.constant 1 : i32
      %scan3A_112 = scf.for %scan3A_115 = %scan3A_108 to %scan3A_110 step %scan3A_111 iter_args(%scan3A_116 = %scan3A_107) -> (i32)  : i32 {
        %mul3A_117 = arith.constant 16 : i32
        %mul3A_118 = arith.muli %scan3A_115, %mul3A_117 : i32
        %get3A = arith.constant 0 : i32
        %get3A_119 = tpu.memref_slice %arg7[%scan3A_105, %get3A] : memref<80x64xi32, #tpu.memory_space<vmem>> -> memref<1x64xi32, #tpu.memory_space<vmem>>
        %get3A_120 = tpu.memref_squeeze %get3A_119 : memref<1x64xi32, #tpu.memory_space<vmem>> -> memref<64xi32, #tpu.memory_space<vmem>>
        %get3A_121 = arith.index_cast %mul3A_118 : i32 to index
        %get3A_122 = tpu.vector_load %get3A_120[%get3A_121] {strides = array<i32>} : memref<64xi32, #tpu.memory_space<vmem>>, vector<16xi32>,
        %add3A_123 = vector.broadcast %mul3A_20 : i32 to vector<16xi32>
        %add3A_124 = arith.addi %get3A_122, %add3A_123 : vector<16xi32>
        %swap3A = arith.constant 0 : i32
        %swap3A_125 = tpu.memref_slice %arg7[%scan3A_105, %swap3A] : memref<80x64xi32, #tpu.memory_space<vmem>> -> memref<1x64xi32, #tpu.memory_space<vmem>>
        %swap3A_126 = tpu.memref_squeeze %swap3A_125 : memref<1x64xi32, #tpu.memory_space<vmem>> -> memref<64xi32, #tpu.memory_space<vmem>>
        %swap3A_127 = arith.index_cast %mul3A_118 : i32 to index
        %swap3A_128 = tpu.vector_load %swap3A_126[%swap3A_127] {strides = array<i32>} : memref<64xi32, #tpu.memory_space<vmem>>, vector<16xi32>,
        tpu.vector_store %swap3A_126[%swap3A_127], %add3A_124 {strides = array<i32>} : memref<64xi32, #tpu.memory_space<vmem>>, vector<16xi32>,
        %scan3A_129 = arith.constant 0 : i32
        scf.yield %scan3A_129 : i32
      }
      %scan3A_113 = arith.constant 4 : i32
      %scan3A_114 = arith.constant 0 : i32
      scf.yield %scan3A_114 : i32
    }
    %scan3A_30 = arith.constant 80 : i32
    %scan3A_31 = arith.constant 0 : i32
    %scan3A_32 = arith.constant 0 : i32
    %scan3A_33 = arith.constant 27 : i32
    %scan3A_34 = arith.addi %scan3A_32, %scan3A_33 : i32
    %scan3A_35 = arith.constant 1 : i32
    %scan3A_36 = scf.for %scan3A_105 = %scan3A_32 to %scan3A_34 step %scan3A_35 iter_args(%scan3A_106 = %scan3A_31) -> (i32)  : i32 {
      %mul3A_107 = arith.constant 3 : i32
      %mul3A_108 = arith.muli %mul3A_107, %scan3A_105 : i32
      %add3A_109 = arith.constant 0 : i32
      %add3A_110 = arith.addi %mul3A_108, %add3A_109 : i32
      %lt3A = arith.constant 80 : i32
      %lt3A_111 = arith.cmpi slt, %add3A_110, %lt3A : i32
      %convert_element_type3A = arith.extui %lt3A_111 : i1 to i32
      %cond3A = arith.constant 0 : i32
      %cond3A_112 = arith.cmpi ne, %convert_element_type3A, %cond3A : i32
      scf.if %cond3A_112 {
        %ge3A_154 = arith.constant 3 : i32
        %ge3A_155 = arith.cmpi sge, %add3A_110, %ge3A_154 : i32
        %convert_element_type3A_156 = arith.extui %ge3A_155 : i1 to i32
        %cond3A_157 = arith.constant 0 : i32
        %cond3A_158 = arith.cmpi ne, %convert_element_type3A_156, %cond3A_157 : i32
        scf.if %cond3A_158 {
          %dma_wait3A_164 = arith.constant 0 : i32
          %dma_wait3A_165 = tpu.memref_slice %arg8[%add3A_110, %dma_wait3A_164] : memref<80x64xi32, #tpu.memory_space<vmem>> -> memref<1x64xi32, #tpu.memory_space<vmem>>
          %dma_wait3A_166 = tpu.memref_squeeze %dma_wait3A_165 : memref<1x64xi32, #tpu.memory_space<vmem>> -> memref<64xi32, #tpu.memory_space<vmem>>
          %dma_wait3A_167 = arith.constant 0 : i32
          %dma_wait3A_168 = arith.constant 0 : i32
          %dma_wait3A_169 = tpu.memref_slice %arg6[%dma_wait3A_167, %dma_wait3A_168] : memref<10240x128xf32, #tpu.memory_space<vmem_shared>> -> memref<10240x128xf32, #tpu.memory_space<vmem_shared>>
          tpu.wait_indirect_dma semaphore(%arg15 : memref<!tpu.dma_semaphore, #tpu.memory_space<semaphore_mem>>) src(%arg9 : memref<64x128xf32, #tpu.memory_space<vmem>>) dst(%dma_wait3A_169 : memref<10240x128xf32, #tpu.memory_space<vmem_shared>>)
        } else {
        }
        %dma_start3A = arith.constant 0 : i32
        %dma_start3A_159 = tpu.memref_slice %arg7[%add3A_110, %dma_start3A] : memref<80x64xi32, #tpu.memory_space<vmem>> -> memref<1x64xi32, #tpu.memory_space<vmem>>
        %dma_start3A_160 = tpu.memref_squeeze %dma_start3A_159 : memref<1x64xi32, #tpu.memory_space<vmem>> -> memref<64xi32, #tpu.memory_space<vmem>>
        %dma_start3A_161 = arith.constant 0 : i32
        %dma_start3A_162 = arith.constant 0 : i32
        %dma_start3A_163 = tpu.memref_slice %arg2[%dma_start3A_161, %dma_start3A_162] : memref<20480x128xf32, #tpu.memory_space<hbm>> -> memref<20480x128xf32, #tpu.memory_space<hbm>>
        tpu.enqueue_indirect_dma source(%dma_start3A_163 : memref<20480x128xf32, #tpu.memory_space<hbm>>) target(%arg9 : memref<64x128xf32, #tpu.memory_space<vmem>>) offsets(%dma_start3A_160 : memref<64xi32, #tpu.memory_space<vmem>>) semaphore(%arg12 : memref<!tpu.dma_semaphore, #tpu.memory_space<semaphore_mem>>)
      } else {
      }
      %ge3A = arith.constant 1 : i32
      %ge3A_113 = arith.cmpi sge, %add3A_110, %ge3A : i32
      %lt3A_114 = arith.constant 81 : i32
      %lt3A_115 = arith.cmpi slt, %add3A_110, %lt3A_114 : i32
      %and3A = arith.andi %ge3A_113, %lt3A_115 : i1
      %convert_element_type3A_116 = arith.extui %and3A : i1 to i32
      %cond3A_117 = arith.constant 0 : i32
      %cond3A_118 = arith.cmpi ne, %convert_element_type3A_116, %cond3A_117 : i32
      scf.if %cond3A_118 {
        %sub3A = arith.constant 1 : i32
        %sub3A_154 = arith.subi %add3A_110, %sub3A : i32
        %max3A = arith.constant 0 : i32
        %max3A_155 = arith.maxsi %sub3A_154, %max3A : i32
        %dma_wait3A_156 = arith.constant 0 : i32
        %dma_wait3A_157 = tpu.memref_slice %arg7[%max3A_155, %dma_wait3A_156] : memref<80x64xi32, #tpu.memory_space<vmem>> -> memref<1x64xi32, #tpu.memory_space<vmem>>
        %dma_wait3A_158 = tpu.memref_squeeze %dma_wait3A_157 : memref<1x64xi32, #tpu.memory_space<vmem>> -> memref<64xi32, #tpu.memory_space<vmem>>
        %dma_wait3A_159 = arith.constant 0 : i32
        %dma_wait3A_160 = arith.constant 0 : i32
        %dma_wait3A_161 = tpu.memref_slice %arg2[%dma_wait3A_159, %dma_wait3A_160] : memref<20480x128xf32, #tpu.memory_space<hbm>> -> memref<20480x128xf32, #tpu.memory_space<hbm>>
        tpu.wait_indirect_dma semaphore(%arg14 : memref<!tpu.dma_semaphore, #tpu.memory_space<semaphore_mem>>) src(%dma_wait3A_161 : memref<20480x128xf32, #tpu.memory_space<hbm>>) dst(%arg11 : memref<64x128xf32, #tpu.memory_space<vmem>>)
        %sub3A_162 = arith.constant 1 : i32
        %sub3A_163 = arith.subi %add3A_110, %sub3A_162 : i32
        %max3A_164 = arith.constant 0 : i32
        %max3A_165 = arith.maxsi %sub3A_163, %max3A_164 : i32
        %dma_start3A = arith.constant 0 : i32
        %dma_start3A_166 = tpu.memref_slice %arg8[%max3A_165, %dma_start3A] : memref<80x64xi32, #tpu.memory_space<vmem>> -> memref<1x64xi32, #tpu.memory_space<vmem>>
        %dma_start3A_167 = tpu.memref_squeeze %dma_start3A_166 : memref<1x64xi32, #tpu.memory_space<vmem>> -> memref<64xi32, #tpu.memory_space<vmem>>
        %dma_start3A_168 = arith.constant 0 : i32
        %dma_start3A_169 = arith.constant 0 : i32
        %dma_start3A_170 = tpu.memref_slice %arg6[%dma_start3A_168, %dma_start3A_169] : memref<10240x128xf32, #tpu.memory_space<vmem_shared>> -> memref<10240x128xf32, #tpu.memory_space<vmem_shared>>
        tpu.enqueue_indirect_dma source(%arg11 : memref<64x128xf32, #tpu.memory_space<vmem>>) target(%dma_start3A_170 : memref<10240x128xf32, #tpu.memory_space<vmem_shared>>) offsets(%dma_start3A_167 : memref<64xi32, #tpu.memory_space<vmem>>) semaphore(%arg17 : memref<!tpu.dma_semaphore, #tpu.memory_space<semaphore_mem>>) {add = true}
      } else {
      }
      %mul3A_119 = arith.constant 3 : i32
      %mul3A_120 = arith.muli %mul3A_119, %scan3A_105 : i32
      %add3A_121 = arith.constant 1 : i32
      %add3A_122 = arith.addi %mul3A_120, %add3A_121 : i32
      %lt3A_123 = arith.constant 80 : i32
      %lt3A_124 = arith.cmpi slt, %add3A_122, %lt3A_123 : i32
      %convert_element_type3A_125 = arith.extui %lt3A_124 : i1 to i32
      %cond3A_126 = arith.constant 0 : i32
      %cond3A_127 = arith.cmpi ne, %convert_element_type3A_125, %cond3A_126 : i32
      scf.if %cond3A_127 {
        %ge3A_154 = arith.constant 3 : i32
        %ge3A_155 = arith.cmpi sge, %add3A_122, %ge3A_154 : i32
        %convert_element_type3A_156 = arith.extui %ge3A_155 : i1 to i32
        %cond3A_157 = arith.constant 0 : i32
        %cond3A_158 = arith.cmpi ne, %convert_element_type3A_156, %cond3A_157 : i32
        scf.if %cond3A_158 {
          %dma_wait3A_164 = arith.constant 0 : i32
          %dma_wait3A_165 = tpu.memref_slice %arg8[%add3A_122, %dma_wait3A_164] : memref<80x64xi32, #tpu.memory_space<vmem>> -> memref<1x64xi32, #tpu.memory_space<vmem>>
          %dma_wait3A_166 = tpu.memref_squeeze %dma_wait3A_165 : memref<1x64xi32, #tpu.memory_space<vmem>> -> memref<64xi32, #tpu.memory_space<vmem>>
          %dma_wait3A_167 = arith.constant 0 : i32
          %dma_wait3A_168 = arith.constant 0 : i32
          %dma_wait3A_169 = tpu.memref_slice %arg6[%dma_wait3A_167, %dma_wait3A_168] : memref<10240x128xf32, #tpu.memory_space<vmem_shared>> -> memref<10240x128xf32, #tpu.memory_space<vmem_shared>>
          tpu.wait_indirect_dma semaphore(%arg16 : memref<!tpu.dma_semaphore, #tpu.memory_space<semaphore_mem>>) src(%arg10 : memref<64x128xf32, #tpu.memory_space<vmem>>) dst(%dma_wait3A_169 : memref<10240x128xf32, #tpu.memory_space<vmem_shared>>)
        } else {
        }
        %dma_start3A = arith.constant 0 : i32
        %dma_start3A_159 = tpu.memref_slice %arg7[%add3A_122, %dma_start3A] : memref<80x64xi32, #tpu.memory_space<vmem>> -> memref<1x64xi32, #tpu.memory_space<vmem>>
        %dma_start3A_160 = tpu.memref_squeeze %dma_start3A_159 : memref<1x64xi32, #tpu.memory_space<vmem>> -> memref<64xi32, #tpu.memory_space<vmem>>
        %dma_start3A_161 = arith.constant 0 : i32
        %dma_start3A_162 = arith.constant 0 : i32
        %dma_start3A_163 = tpu.memref_slice %arg2[%dma_start3A_161, %dma_start3A_162] : memref<20480x128xf32, #tpu.memory_space<hbm>> -> memref<20480x128xf32, #tpu.memory_space<hbm>>
        tpu.enqueue_indirect_dma source(%dma_start3A_163 : memref<20480x128xf32, #tpu.memory_space<hbm>>) target(%arg10 : memref<64x128xf32, #tpu.memory_space<vmem>>) offsets(%dma_start3A_160 : memref<64xi32, #tpu.memory_space<vmem>>) semaphore(%arg13 : memref<!tpu.dma_semaphore, #tpu.memory_space<semaphore_mem>>)
      } else {
      }
      %ge3A_128 = arith.constant 1 : i32
      %ge3A_129 = arith.cmpi sge, %add3A_122, %ge3A_128 : i32
      %lt3A_130 = arith.constant 81 : i32
      %lt3A_131 = arith.cmpi slt, %add3A_122, %lt3A_130 : i32
      %and3A_132 = arith.andi %ge3A_129, %lt3A_131 : i1
      %convert_element_type3A_133 = arith.extui %and3A_132 : i1 to i32
      %cond3A_134 = arith.constant 0 : i32
      %cond3A_135 = arith.cmpi ne, %convert_element_type3A_133, %cond3A_134 : i32
      scf.if %cond3A_135 {
        %sub3A = arith.constant 1 : i32
        %sub3A_154 = arith.subi %add3A_122, %sub3A : i32
        %max3A = arith.constant 0 : i32
        %max3A_155 = arith.maxsi %sub3A_154, %max3A : i32
        %dma_wait3A_156 = arith.constant 0 : i32
        %dma_wait3A_157 = tpu.memref_slice %arg7[%max3A_155, %dma_wait3A_156] : memref<80x64xi32, #tpu.memory_space<vmem>> -> memref<1x64xi32, #tpu.memory_space<vmem>>
        %dma_wait3A_158 = tpu.memref_squeeze %dma_wait3A_157 : memref<1x64xi32, #tpu.memory_space<vmem>> -> memref<64xi32, #tpu.memory_space<vmem>>
        %dma_wait3A_159 = arith.constant 0 : i32
        %dma_wait3A_160 = arith.constant 0 : i32
        %dma_wait3A_161 = tpu.memref_slice %arg2[%dma_wait3A_159, %dma_wait3A_160] : memref<20480x128xf32, #tpu.memory_space<hbm>> -> memref<20480x128xf32, #tpu.memory_space<hbm>>
        tpu.wait_indirect_dma semaphore(%arg12 : memref<!tpu.dma_semaphore, #tpu.memory_space<semaphore_mem>>) src(%dma_wait3A_161 : memref<20480x128xf32, #tpu.memory_space<hbm>>) dst(%arg9 : memref<64x128xf32, #tpu.memory_space<vmem>>)
        %sub3A_162 = arith.constant 1 : i32
        %sub3A_163 = arith.subi %add3A_122, %sub3A_162 : i32
        %max3A_164 = arith.constant 0 : i32
        %max3A_165 = arith.maxsi %sub3A_163, %max3A_164 : i32
        %dma_start3A = arith.constant 0 : i32
        %dma_start3A_166 = tpu.memref_slice %arg8[%max3A_165, %dma_start3A] : memref<80x64xi32, #tpu.memory_space<vmem>> -> memref<1x64xi32, #tpu.memory_space<vmem>>
        %dma_start3A_167 = tpu.memref_squeeze %dma_start3A_166 : memref<1x64xi32, #tpu.memory_space<vmem>> -> memref<64xi32, #tpu.memory_space<vmem>>
        %dma_start3A_168 = arith.constant 0 : i32
        %dma_start3A_169 = arith.constant 0 : i32
        %dma_start3A_170 = tpu.memref_slice %arg6[%dma_start3A_168, %dma_start3A_169] : memref<10240x128xf32, #tpu.memory_space<vmem_shared>> -> memref<10240x128xf32, #tpu.memory_space<vmem_shared>>
        tpu.enqueue_indirect_dma source(%arg9 : memref<64x128xf32, #tpu.memory_space<vmem>>) target(%dma_start3A_170 : memref<10240x128xf32, #tpu.memory_space<vmem_shared>>) offsets(%dma_start3A_167 : memref<64xi32, #tpu.memory_space<vmem>>) semaphore(%arg15 : memref<!tpu.dma_semaphore, #tpu.memory_space<semaphore_mem>>) {add = true}
      } else {
      }
      %mul3A_136 = arith.constant 3 : i32
      %mul3A_137 = arith.muli %mul3A_136, %scan3A_105 : i32
      %add3A_138 = arith.constant 2 : i32
      %add3A_139 = arith.addi %mul3A_137, %add3A_138 : i32
      %lt3A_140 = arith.constant 80 : i32
      %lt3A_141 = arith.cmpi slt, %add3A_139, %lt3A_140 : i32
      %convert_element_type3A_142 = arith.extui %lt3A_141 : i1 to i32
      %cond3A_143 = arith.constant 0 : i32
      %cond3A_144 = arith.cmpi ne, %convert_element_type3A_142, %cond3A_143 : i32
      scf.if %cond3A_144 {
        %ge3A_154 = arith.constant 3 : i32
        %ge3A_155 = arith.cmpi sge, %add3A_139, %ge3A_154 : i32
        %convert_element_type3A_156 = arith.extui %ge3A_155 : i1 to i32
        %cond3A_157 = arith.constant 0 : i32
        %cond3A_158 = arith.cmpi ne, %convert_element_type3A_156, %cond3A_157 : i32
        scf.if %cond3A_158 {
          %dma_wait3A_164 = arith.constant 0 : i32
          %dma_wait3A_165 = tpu.memref_slice %arg8[%add3A_139, %dma_wait3A_164] : memref<80x64xi32, #tpu.memory_space<vmem>> -> memref<1x64xi32, #tpu.memory_space<vmem>>
          %dma_wait3A_166 = tpu.memref_squeeze %dma_wait3A_165 : memref<1x64xi32, #tpu.memory_space<vmem>> -> memref<64xi32, #tpu.memory_space<vmem>>
          %dma_wait3A_167 = arith.constant 0 : i32
          %dma_wait3A_168 = arith.constant 0 : i32
          %dma_wait3A_169 = tpu.memref_slice %arg6[%dma_wait3A_167, %dma_wait3A_168] : memref<10240x128xf32, #tpu.memory_space<vmem_shared>> -> memref<10240x128xf32, #tpu.memory_space<vmem_shared>>
          tpu.wait_indirect_dma semaphore(%arg17 : memref<!tpu.dma_semaphore, #tpu.memory_space<semaphore_mem>>) src(%arg11 : memref<64x128xf32, #tpu.memory_space<vmem>>) dst(%dma_wait3A_169 : memref<10240x128xf32, #tpu.memory_space<vmem_shared>>)
        } else {
        }
        %dma_start3A = arith.constant 0 : i32
        %dma_start3A_159 = tpu.memref_slice %arg7[%add3A_139, %dma_start3A] : memref<80x64xi32, #tpu.memory_space<vmem>> -> memref<1x64xi32, #tpu.memory_space<vmem>>
        %dma_start3A_160 = tpu.memref_squeeze %dma_start3A_159 : memref<1x64xi32, #tpu.memory_space<vmem>> -> memref<64xi32, #tpu.memory_space<vmem>>
        %dma_start3A_161 = arith.constant 0 : i32
        %dma_start3A_162 = arith.constant 0 : i32
        %dma_start3A_163 = tpu.memref_slice %arg2[%dma_start3A_161, %dma_start3A_162] : memref<20480x128xf32, #tpu.memory_space<hbm>> -> memref<20480x128xf32, #tpu.memory_space<hbm>>
        tpu.enqueue_indirect_dma source(%dma_start3A_163 : memref<20480x128xf32, #tpu.memory_space<hbm>>) target(%arg11 : memref<64x128xf32, #tpu.memory_space<vmem>>) offsets(%dma_start3A_160 : memref<64xi32, #tpu.memory_space<vmem>>) semaphore(%arg14 : memref<!tpu.dma_semaphore, #tpu.memory_space<semaphore_mem>>)
      } else {
      }
      %ge3A_145 = arith.constant 1 : i32
      %ge3A_146 = arith.cmpi sge, %add3A_139, %ge3A_145 : i32
      %lt3A_147 = arith.constant 81 : i32
      %lt3A_148 = arith.cmpi slt, %add3A_139, %lt3A_147 : i32
      %and3A_149 = arith.andi %ge3A_146, %lt3A_148 : i1
      %convert_element_type3A_150 = arith.extui %and3A_149 : i1 to i32
      %cond3A_151 = arith.constant 0 : i32
      %cond3A_152 = arith.cmpi ne, %convert_element_type3A_150, %cond3A_151 : i32
      scf.if %cond3A_152 {
        %sub3A = arith.constant 1 : i32
        %sub3A_154 = arith.subi %add3A_139, %sub3A : i32
        %max3A = arith.constant 0 : i32
        %max3A_155 = arith.maxsi %sub3A_154, %max3A : i32
        %dma_wait3A_156 = arith.constant 0 : i32
        %dma_wait3A_157 = tpu.memref_slice %arg7[%max3A_155, %dma_wait3A_156] : memref<80x64xi32, #tpu.memory_space<vmem>> -> memref<1x64xi32, #tpu.memory_space<vmem>>
        %dma_wait3A_158 = tpu.memref_squeeze %dma_wait3A_157 : memref<1x64xi32, #tpu.memory_space<vmem>> -> memref<64xi32, #tpu.memory_space<vmem>>
        %dma_wait3A_159 = arith.constant 0 : i32
        %dma_wait3A_160 = arith.constant 0 : i32
        %dma_wait3A_161 = tpu.memref_slice %arg2[%dma_wait3A_159, %dma_wait3A_160] : memref<20480x128xf32, #tpu.memory_space<hbm>> -> memref<20480x128xf32, #tpu.memory_space<hbm>>
        tpu.wait_indirect_dma semaphore(%arg13 : memref<!tpu.dma_semaphore, #tpu.memory_space<semaphore_mem>>) src(%dma_wait3A_161 : memref<20480x128xf32, #tpu.memory_space<hbm>>) dst(%arg10 : memref<64x128xf32, #tpu.memory_space<vmem>>)
        %sub3A_162 = arith.constant 1 : i32
        %sub3A_163 = arith.subi %add3A_139, %sub3A_162 : i32
        %max3A_164 = arith.constant 0 : i32
        %max3A_165 = arith.maxsi %sub3A_163, %max3A_164 : i32
        %dma_start3A = arith.constant 0 : i32
        %dma_start3A_166 = tpu.memref_slice %arg8[%max3A_165, %dma_start3A] : memref<80x64xi32, #tpu.memory_space<vmem>> -> memref<1x64xi32, #tpu.memory_space<vmem>>
        %dma_start3A_167 = tpu.memref_squeeze %dma_start3A_166 : memref<1x64xi32, #tpu.memory_space<vmem>> -> memref<64xi32, #tpu.memory_space<vmem>>
        %dma_start3A_168 = arith.constant 0 : i32
        %dma_start3A_169 = arith.constant 0 : i32
        %dma_start3A_170 = tpu.memref_slice %arg6[%dma_start3A_168, %dma_start3A_169] : memref<10240x128xf32, #tpu.memory_space<vmem_shared>> -> memref<10240x128xf32, #tpu.memory_space<vmem_shared>>
        tpu.enqueue_indirect_dma source(%arg10 : memref<64x128xf32, #tpu.memory_space<vmem>>) target(%dma_start3A_170 : memref<10240x128xf32, #tpu.memory_space<vmem_shared>>) offsets(%dma_start3A_167 : memref<64xi32, #tpu.memory_space<vmem>>) semaphore(%arg16 : memref<!tpu.dma_semaphore, #tpu.memory_space<semaphore_mem>>) {add = true}
      } else {
      }
      %scan3A_153 = arith.constant 0 : i32
      scf.yield %scan3A_153 : i32
    }
    %scan3A_37 = arith.constant 27 : i32
    %dma_wait3A = arith.constant 77 : i32
    %dma_wait3A_38 = arith.constant 0 : i32
    %dma_wait3A_39 = tpu.memref_slice %arg8[%dma_wait3A, %dma_wait3A_38] : memref<80x64xi32, #tpu.memory_space<vmem>> -> memref<1x64xi32, #tpu.memory_space<vmem>>
    %dma_wait3A_40 = tpu.memref_squeeze %dma_wait3A_39 : memref<1x64xi32, #tpu.memory_space<vmem>> -> memref<64xi32, #tpu.memory_space<vmem>>
    %dma_wait3A_41 = arith.constant 0 : i32
    %dma_wait3A_42 = arith.constant 0 : i32
    %dma_wait3A_43 = tpu.memref_slice %arg6[%dma_wait3A_41, %dma_wait3A_42] : memref<10240x128xf32, #tpu.memory_space<vmem_shared>> -> memref<10240x128xf32, #tpu.memory_space<vmem_shared>>
    tpu.wait_indirect_dma semaphore(%arg15 : memref<!tpu.dma_semaphore, #tpu.memory_space<semaphore_mem>>) src(%arg9 : memref<64x128xf32, #tpu.memory_space<vmem>>) dst(%dma_wait3A_43 : memref<10240x128xf32, #tpu.memory_space<vmem_shared>>)
    %dma_wait3A_44 = arith.constant 78 : i32
    %dma_wait3A_45 = arith.constant 0 : i32
    %dma_wait3A_46 = tpu.memref_slice %arg8[%dma_wait3A_44, %dma_wait3A_45] : memref<80x64xi32, #tpu.memory_space<vmem>> -> memref<1x64xi32, #tpu.memory_space<vmem>>
    %dma_wait3A_47 = tpu.memref_squeeze %dma_wait3A_46 : memref<1x64xi32, #tpu.memory_space<vmem>> -> memref<64xi32, #tpu.memory_space<vmem>>
    %dma_wait3A_48 = arith.constant 0 : i32
    %dma_wait3A_49 = arith.constant 0 : i32
    %dma_wait3A_50 = tpu.memref_slice %arg6[%dma_wait3A_48, %dma_wait3A_49] : memref<10240x128xf32, #tpu.memory_space<vmem_shared>> -> memref<10240x128xf32, #tpu.memory_space<vmem_shared>>
    tpu.wait_indirect_dma semaphore(%arg16 : memref<!tpu.dma_semaphore, #tpu.memory_space<semaphore_mem>>) src(%arg10 : memref<64x128xf32, #tpu.memory_space<vmem>>) dst(%dma_wait3A_50 : memref<10240x128xf32, #tpu.memory_space<vmem_shared>>)
    %dma_wait3A_51 = arith.constant 79 : i32
    %dma_wait3A_52 = arith.constant 0 : i32
    %dma_wait3A_53 = tpu.memref_slice %arg8[%dma_wait3A_51, %dma_wait3A_52] : memref<80x64xi32, #tpu.memory_space<vmem>> -> memref<1x64xi32, #tpu.memory_space<vmem>>
    %dma_wait3A_54 = tpu.memref_squeeze %dma_wait3A_53 : memref<1x64xi32, #tpu.memory_space<vmem>> -> memref<64xi32, #tpu.memory_space<vmem>>
    %dma_wait3A_55 = arith.constant 0 : i32
    %dma_wait3A_56 = arith.constant 0 : i32
    %dma_wait3A_57 = tpu.memref_slice %arg6[%dma_wait3A_55, %dma_wait3A_56] : memref<10240x128xf32, #tpu.memory_space<vmem_shared>> -> memref<10240x128xf32, #tpu.memory_space<vmem_shared>>
    tpu.wait_indirect_dma semaphore(%arg17 : memref<!tpu.dma_semaphore, #tpu.memory_space<semaphore_mem>>) src(%arg11 : memref<64x128xf32, #tpu.memory_space<vmem>>) dst(%dma_wait3A_57 : memref<10240x128xf32, #tpu.memory_space<vmem_shared>>)
    %mul3A_58 = arith.constant 160 : i32
    %mul3A_59 = arith.muli %arg1, %mul3A_58 : i32
    %add3A_60 = arith.constant 80 : i32
    %add3A_61 = arith.addi %mul3A_59, %add3A_60 : i32
    "tpu.region"() ({
      %run_scoped3A = tpu.sem_alloc : memref<!tpu.dma_semaphore, #tpu.memory_space<semaphore_mem>>
      %dma_start3A = arith.constant 0 : i32
      %dma_start3A_105 = tpu.memref_slice %arg3[%add3A_61, %dma_start3A] : memref<2560x64xi32, #tpu.memory_space<hbm>> -> memref<80x64xi32, #tpu.memory_space<hbm>>
      %dma_start3A_106 = arith.constant 0 : i32
      %dma_start3A_107 = tpu.memref_slice %arg3[%add3A_61, %dma_start3A_106] : memref<2560x64xi32, #tpu.memory_space<hbm>> -> memref<80x64xi32, #tpu.memory_space<hbm>>
      tpu.enqueue_dma source(%dma_start3A_107 : memref<80x64xi32, #tpu.memory_space<hbm>>) target(%arg7 : memref<80x64xi32, #tpu.memory_space<vmem>>) target_semaphore(%run_scoped3A : memref<!tpu.dma_semaphore, #tpu.memory_space<semaphore_mem>>)
      %dma_wait3A_108 = arith.constant 0 : i32
      %dma_wait3A_109 = tpu.memref_slice %arg3[%add3A_61, %dma_wait3A_108] : memref<2560x64xi32, #tpu.memory_space<hbm>> -> memref<80x64xi32, #tpu.memory_space<hbm>>
      %dma_wait3A_110 = arith.constant 0 : i32
      %dma_wait3A_111 = tpu.memref_slice %arg3[%add3A_61, %dma_wait3A_110] : memref<2560x64xi32, #tpu.memory_space<hbm>> -> memref<80x64xi32, #tpu.memory_space<hbm>>
      tpu.wait_dma2 semaphore(%run_scoped3A : memref<!tpu.dma_semaphore, #tpu.memory_space<semaphore_mem>>) src(%dma_wait3A_111 : memref<80x64xi32, #tpu.memory_space<hbm>>) dst(%arg7 : memref<80x64xi32, #tpu.memory_space<vmem>>)
      tpu.yield
    }) : () -> ()
    "tpu.region"() ({
      %run_scoped3A = tpu.sem_alloc : memref<!tpu.dma_semaphore, #tpu.memory_space<semaphore_mem>>
      %dma_start3A = arith.constant 0 : i32
      %dma_start3A_105 = tpu.memref_slice %arg4[%add3A_61, %dma_start3A] : memref<2560x64xi32, #tpu.memory_space<hbm>> -> memref<80x64xi32, #tpu.memory_space<hbm>>
      %dma_start3A_106 = arith.constant 0 : i32
      %dma_start3A_107 = tpu.memref_slice %arg4[%add3A_61, %dma_start3A_106] : memref<2560x64xi32, #tpu.memory_space<hbm>> -> memref<80x64xi32, #tpu.memory_space<hbm>>
      tpu.enqueue_dma source(%dma_start3A_107 : memref<80x64xi32, #tpu.memory_space<hbm>>) target(%arg8 : memref<80x64xi32, #tpu.memory_space<vmem>>) target_semaphore(%run_scoped3A : memref<!tpu.dma_semaphore, #tpu.memory_space<semaphore_mem>>)
      %dma_wait3A_108 = arith.constant 0 : i32
      %dma_wait3A_109 = tpu.memref_slice %arg4[%add3A_61, %dma_wait3A_108] : memref<2560x64xi32, #tpu.memory_space<hbm>> -> memref<80x64xi32, #tpu.memory_space<hbm>>
      %dma_wait3A_110 = arith.constant 0 : i32
      %dma_wait3A_111 = tpu.memref_slice %arg4[%add3A_61, %dma_wait3A_110] : memref<2560x64xi32, #tpu.memory_space<hbm>> -> memref<80x64xi32, #tpu.memory_space<hbm>>
      tpu.wait_dma2 semaphore(%run_scoped3A : memref<!tpu.dma_semaphore, #tpu.memory_space<semaphore_mem>>) src(%dma_wait3A_111 : memref<80x64xi32, #tpu.memory_space<hbm>>) dst(%arg8 : memref<80x64xi32, #tpu.memory_space<vmem>>)
      tpu.yield
    }) : () -> ()
    %scan3A_62 = arith.constant 0 : i32
    %scan3A_63 = arith.constant 0 : i32
    %scan3A_64 = arith.constant 80 : i32
    %scan3A_65 = arith.addi %scan3A_63, %scan3A_64 : i32
    %scan3A_66 = arith.constant 1 : i32
    %scan3A_67 = scf.for %scan3A_105 = %scan3A_63 to %scan3A_65 step %scan3A_66 iter_args(%scan3A_106 = %scan3A_62) -> (i32)  : i32 {
      %scan3A_107 = arith.constant 0 : i32
      %scan3A_108 = arith.constant 0 : i32
      %scan3A_109 = arith.constant 4 : i32
      %scan3A_110 = arith.addi %scan3A_108, %scan3A_109 : i32
      %scan3A_111 = arith.constant 1 : i32
      %scan3A_112 = scf.for %scan3A_115 = %scan3A_108 to %scan3A_110 step %scan3A_111 iter_args(%scan3A_116 = %scan3A_107) -> (i32)  : i32 {
        %mul3A_117 = arith.constant 16 : i32
        %mul3A_118 = arith.muli %scan3A_115, %mul3A_117 : i32
        %get3A = arith.constant 0 : i32
        %get3A_119 = tpu.memref_slice %arg7[%scan3A_105, %get3A] : memref<80x64xi32, #tpu.memory_space<vmem>> -> memref<1x64xi32, #tpu.memory_space<vmem>>
        %get3A_120 = tpu.memref_squeeze %get3A_119 : memref<1x64xi32, #tpu.memory_space<vmem>> -> memref<64xi32, #tpu.memory_space<vmem>>
        %get3A_121 = arith.index_cast %mul3A_118 : i32 to index
        %get3A_122 = tpu.vector_load %get3A_120[%get3A_121] {strides = array<i32>} : memref<64xi32, #tpu.memory_space<vmem>>, vector<16xi32>,
        %add3A_123 = vector.broadcast %mul3A_20 : i32 to vector<16xi32>
        %add3A_124 = arith.addi %get3A_122, %add3A_123 : vector<16xi32>
        %swap3A = arith.constant 0 : i32
        %swap3A_125 = tpu.memref_slice %arg7[%scan3A_105, %swap3A] : memref<80x64xi32, #tpu.memory_space<vmem>> -> memref<1x64xi32, #tpu.memory_space<vmem>>
        %swap3A_126 = tpu.memref_squeeze %swap3A_125 : memref<1x64xi32, #tpu.memory_space<vmem>> -> memref<64xi32, #tpu.memory_space<vmem>>
        %swap3A_127 = arith.index_cast %mul3A_118 : i32 to index
        %swap3A_128 = tpu.vector_load %swap3A_126[%swap3A_127] {strides = array<i32>} : memref<64xi32, #tpu.memory_space<vmem>>, vector<16xi32>,
        tpu.vector_store %swap3A_126[%swap3A_127], %add3A_124 {strides = array<i32>} : memref<64xi32, #tpu.memory_space<vmem>>, vector<16xi32>,
        %scan3A_129 = arith.constant 0 : i32
        scf.yield %scan3A_129 : i32
      }
      %scan3A_113 = arith.constant 4 : i32
      %scan3A_114 = arith.constant 0 : i32
      scf.yield %scan3A_114 : i32
    }
    %scan3A_68 = arith.constant 80 : i32
    %scan3A_69 = arith.constant 0 : i32
    %scan3A_70 = arith.constant 0 : i32
    %scan3A_71 = arith.constant 27 : i32
    %scan3A_72 = arith.addi %scan3A_70, %scan3A_71 : i32
    %scan3A_73 = arith.constant 1 : i32
    %scan3A_74 = scf.for %scan3A_105 = %scan3A_70 to %scan3A_72 step %scan3A_73 iter_args(%scan3A_106 = %scan3A_69) -> (i32)  : i32 {
      %mul3A_107 = arith.constant 3 : i32
      %mul3A_108 = arith.muli %mul3A_107, %scan3A_105 : i32
      %add3A_109 = arith.constant 0 : i32
      %add3A_110 = arith.addi %mul3A_108, %add3A_109 : i32
      %lt3A = arith.constant 80 : i32
      %lt3A_111 = arith.cmpi slt, %add3A_110, %lt3A : i32
      %convert_element_type3A = arith.extui %lt3A_111 : i1 to i32
      %cond3A = arith.constant 0 : i32
      %cond3A_112 = arith.cmpi ne, %convert_element_type3A, %cond3A : i32
      scf.if %cond3A_112 {
        %ge3A_154 = arith.constant 3 : i32
        %ge3A_155 = arith.cmpi sge, %add3A_110, %ge3A_154 : i32
        %convert_element_type3A_156 = arith.extui %ge3A_155 : i1 to i32
        %cond3A_157 = arith.constant 0 : i32
        %cond3A_158 = arith.cmpi ne, %convert_element_type3A_156, %cond3A_157 : i32
        scf.if %cond3A_158 {
          %dma_wait3A_164 = arith.constant 0 : i32
          %dma_wait3A_165 = tpu.memref_slice %arg8[%add3A_110, %dma_wait3A_164] : memref<80x64xi32, #tpu.memory_space<vmem>> -> memref<1x64xi32, #tpu.memory_space<vmem>>
          %dma_wait3A_166 = tpu.memref_squeeze %dma_wait3A_165 : memref<1x64xi32, #tpu.memory_space<vmem>> -> memref<64xi32, #tpu.memory_space<vmem>>
          %dma_wait3A_167 = arith.constant 0 : i32
          %dma_wait3A_168 = arith.constant 0 : i32
          %dma_wait3A_169 = tpu.memref_slice %arg6[%dma_wait3A_167, %dma_wait3A_168] : memref<10240x128xf32, #tpu.memory_space<vmem_shared>> -> memref<10240x128xf32, #tpu.memory_space<vmem_shared>>
          tpu.wait_indirect_dma semaphore(%arg15 : memref<!tpu.dma_semaphore, #tpu.memory_space<semaphore_mem>>) src(%arg9 : memref<64x128xf32, #tpu.memory_space<vmem>>) dst(%dma_wait3A_169 : memref<10240x128xf32, #tpu.memory_space<vmem_shared>>)
        } else {
        }
        %dma_start3A = arith.constant 0 : i32
        %dma_start3A_159 = tpu.memref_slice %arg7[%add3A_110, %dma_start3A] : memref<80x64xi32, #tpu.memory_space<vmem>> -> memref<1x64xi32, #tpu.memory_space<vmem>>
        %dma_start3A_160 = tpu.memref_squeeze %dma_start3A_159 : memref<1x64xi32, #tpu.memory_space<vmem>> -> memref<64xi32, #tpu.memory_space<vmem>>
        %dma_start3A_161 = arith.constant 0 : i32
        %dma_start3A_162 = arith.constant 0 : i32
        %dma_start3A_163 = tpu.memref_slice %arg2[%dma_start3A_161, %dma_start3A_162] : memref<20480x128xf32, #tpu.memory_space<hbm>> -> memref<20480x128xf32, #tpu.memory_space<hbm>>
        tpu.enqueue_indirect_dma source(%dma_start3A_163 : memref<20480x128xf32, #tpu.memory_space<hbm>>) target(%arg9 : memref<64x128xf32, #tpu.memory_space<vmem>>) offsets(%dma_start3A_160 : memref<64xi32, #tpu.memory_space<vmem>>) semaphore(%arg12 : memref<!tpu.dma_semaphore, #tpu.memory_space<semaphore_mem>>)
      } else {
      }
      %ge3A = arith.constant 1 : i32
      %ge3A_113 = arith.cmpi sge, %add3A_110, %ge3A : i32
      %lt3A_114 = arith.constant 81 : i32
      %lt3A_115 = arith.cmpi slt, %add3A_110, %lt3A_114 : i32
      %and3A = arith.andi %ge3A_113, %lt3A_115 : i1
      %convert_element_type3A_116 = arith.extui %and3A : i1 to i32
      %cond3A_117 = arith.constant 0 : i32
      %cond3A_118 = arith.cmpi ne, %convert_element_type3A_116, %cond3A_117 : i32
      scf.if %cond3A_118 {
        %sub3A = arith.constant 1 : i32
        %sub3A_154 = arith.subi %add3A_110, %sub3A : i32
        %max3A = arith.constant 0 : i32
        %max3A_155 = arith.maxsi %sub3A_154, %max3A : i32
        %dma_wait3A_156 = arith.constant 0 : i32
        %dma_wait3A_157 = tpu.memref_slice %arg7[%max3A_155, %dma_wait3A_156] : memref<80x64xi32, #tpu.memory_space<vmem>> -> memref<1x64xi32, #tpu.memory_space<vmem>>
        %dma_wait3A_158 = tpu.memref_squeeze %dma_wait3A_157 : memref<1x64xi32, #tpu.memory_space<vmem>> -> memref<64xi32, #tpu.memory_space<vmem>>
        %dma_wait3A_159 = arith.constant 0 : i32
        %dma_wait3A_160 = arith.constant 0 : i32
        %dma_wait3A_161 = tpu.memref_slice %arg2[%dma_wait3A_159, %dma_wait3A_160] : memref<20480x128xf32, #tpu.memory_space<hbm>> -> memref<20480x128xf32, #tpu.memory_space<hbm>>
        tpu.wait_indirect_dma semaphore(%arg14 : memref<!tpu.dma_semaphore, #tpu.memory_space<semaphore_mem>>) src(%dma_wait3A_161 : memref<20480x128xf32, #tpu.memory_space<hbm>>) dst(%arg11 : memref<64x128xf32, #tpu.memory_space<vmem>>)
        %sub3A_162 = arith.constant 1 : i32
        %sub3A_163 = arith.subi %add3A_110, %sub3A_162 : i32
        %max3A_164 = arith.constant 0 : i32
        %max3A_165 = arith.maxsi %sub3A_163, %max3A_164 : i32
        %dma_start3A = arith.constant 0 : i32
        %dma_start3A_166 = tpu.memref_slice %arg8[%max3A_165, %dma_start3A] : memref<80x64xi32, #tpu.memory_space<vmem>> -> memref<1x64xi32, #tpu.memory_space<vmem>>
        %dma_start3A_167 = tpu.memref_squeeze %dma_start3A_166 : memref<1x64xi32, #tpu.memory_space<vmem>> -> memref<64xi32, #tpu.memory_space<vmem>>
        %dma_start3A_168 = arith.constant 0 : i32
        %dma_start3A_169 = arith.constant 0 : i32
        %dma_start3A_170 = tpu.memref_slice %arg6[%dma_start3A_168, %dma_start3A_169] : memref<10240x128xf32, #tpu.memory_space<vmem_shared>> -> memref<10240x128xf32, #tpu.memory_space<vmem_shared>>
        tpu.enqueue_indirect_dma source(%arg11 : memref<64x128xf32, #tpu.memory_space<vmem>>) target(%dma_start3A_170 : memref<10240x128xf32, #tpu.memory_space<vmem_shared>>) offsets(%dma_start3A_167 : memref<64xi32, #tpu.memory_space<vmem>>) semaphore(%arg17 : memref<!tpu.dma_semaphore, #tpu.memory_space<semaphore_mem>>) {add = true}
      } else {
      }
      %mul3A_119 = arith.constant 3 : i32
      %mul3A_120 = arith.muli %mul3A_119, %scan3A_105 : i32
      %add3A_121 = arith.constant 1 : i32
      %add3A_122 = arith.addi %mul3A_120, %add3A_121 : i32
      %lt3A_123 = arith.constant 80 : i32
      %lt3A_124 = arith.cmpi slt, %add3A_122, %lt3A_123 : i32
      %convert_element_type3A_125 = arith.extui %lt3A_124 : i1 to i32
      %cond3A_126 = arith.constant 0 : i32
      %cond3A_127 = arith.cmpi ne, %convert_element_type3A_125, %cond3A_126 : i32
      scf.if %cond3A_127 {
        %ge3A_154 = arith.constant 3 : i32
        %ge3A_155 = arith.cmpi sge, %add3A_122, %ge3A_154 : i32
        %convert_element_type3A_156 = arith.extui %ge3A_155 : i1 to i32
        %cond3A_157 = arith.constant 0 : i32
        %cond3A_158 = arith.cmpi ne, %convert_element_type3A_156, %cond3A_157 : i32
        scf.if %cond3A_158 {
          %dma_wait3A_164 = arith.constant 0 : i32
          %dma_wait3A_165 = tpu.memref_slice %arg8[%add3A_122, %dma_wait3A_164] : memref<80x64xi32, #tpu.memory_space<vmem>> -> memref<1x64xi32, #tpu.memory_space<vmem>>
          %dma_wait3A_166 = tpu.memref_squeeze %dma_wait3A_165 : memref<1x64xi32, #tpu.memory_space<vmem>> -> memref<64xi32, #tpu.memory_space<vmem>>
          %dma_wait3A_167 = arith.constant 0 : i32
          %dma_wait3A_168 = arith.constant 0 : i32
          %dma_wait3A_169 = tpu.memref_slice %arg6[%dma_wait3A_167, %dma_wait3A_168] : memref<10240x128xf32, #tpu.memory_space<vmem_shared>> -> memref<10240x128xf32, #tpu.memory_space<vmem_shared>>
          tpu.wait_indirect_dma semaphore(%arg16 : memref<!tpu.dma_semaphore, #tpu.memory_space<semaphore_mem>>) src(%arg10 : memref<64x128xf32, #tpu.memory_space<vmem>>) dst(%dma_wait3A_169 : memref<10240x128xf32, #tpu.memory_space<vmem_shared>>)
        } else {
        }
        %dma_start3A = arith.constant 0 : i32
        %dma_start3A_159 = tpu.memref_slice %arg7[%add3A_122, %dma_start3A] : memref<80x64xi32, #tpu.memory_space<vmem>> -> memref<1x64xi32, #tpu.memory_space<vmem>>
        %dma_start3A_160 = tpu.memref_squeeze %dma_start3A_159 : memref<1x64xi32, #tpu.memory_space<vmem>> -> memref<64xi32, #tpu.memory_space<vmem>>
        %dma_start3A_161 = arith.constant 0 : i32
        %dma_start3A_162 = arith.constant 0 : i32
        %dma_start3A_163 = tpu.memref_slice %arg2[%dma_start3A_161, %dma_start3A_162] : memref<20480x128xf32, #tpu.memory_space<hbm>> -> memref<20480x128xf32, #tpu.memory_space<hbm>>
        tpu.enqueue_indirect_dma source(%dma_start3A_163 : memref<20480x128xf32, #tpu.memory_space<hbm>>) target(%arg10 : memref<64x128xf32, #tpu.memory_space<vmem>>) offsets(%dma_start3A_160 : memref<64xi32, #tpu.memory_space<vmem>>) semaphore(%arg13 : memref<!tpu.dma_semaphore, #tpu.memory_space<semaphore_mem>>)
      } else {
      }
      %ge3A_128 = arith.constant 1 : i32
      %ge3A_129 = arith.cmpi sge, %add3A_122, %ge3A_128 : i32
      %lt3A_130 = arith.constant 81 : i32
      %lt3A_131 = arith.cmpi slt, %add3A_122, %lt3A_130 : i32
      %and3A_132 = arith.andi %ge3A_129, %lt3A_131 : i1
      %convert_element_type3A_133 = arith.extui %and3A_132 : i1 to i32
      %cond3A_134 = arith.constant 0 : i32
      %cond3A_135 = arith.cmpi ne, %convert_element_type3A_133, %cond3A_134 : i32
      scf.if %cond3A_135 {
        %sub3A = arith.constant 1 : i32
        %sub3A_154 = arith.subi %add3A_122, %sub3A : i32
        %max3A = arith.constant 0 : i32
        %max3A_155 = arith.maxsi %sub3A_154, %max3A : i32
        %dma_wait3A_156 = arith.constant 0 : i32
        %dma_wait3A_157 = tpu.memref_slice %arg7[%max3A_155, %dma_wait3A_156] : memref<80x64xi32, #tpu.memory_space<vmem>> -> memref<1x64xi32, #tpu.memory_space<vmem>>
        %dma_wait3A_158 = tpu.memref_squeeze %dma_wait3A_157 : memref<1x64xi32, #tpu.memory_space<vmem>> -> memref<64xi32, #tpu.memory_space<vmem>>
        %dma_wait3A_159 = arith.constant 0 : i32
        %dma_wait3A_160 = arith.constant 0 : i32
        %dma_wait3A_161 = tpu.memref_slice %arg2[%dma_wait3A_159, %dma_wait3A_160] : memref<20480x128xf32, #tpu.memory_space<hbm>> -> memref<20480x128xf32, #tpu.memory_space<hbm>>
        tpu.wait_indirect_dma semaphore(%arg12 : memref<!tpu.dma_semaphore, #tpu.memory_space<semaphore_mem>>) src(%dma_wait3A_161 : memref<20480x128xf32, #tpu.memory_space<hbm>>) dst(%arg9 : memref<64x128xf32, #tpu.memory_space<vmem>>)
        %sub3A_162 = arith.constant 1 : i32
        %sub3A_163 = arith.subi %add3A_122, %sub3A_162 : i32
        %max3A_164 = arith.constant 0 : i32
        %max3A_165 = arith.maxsi %sub3A_163, %max3A_164 : i32
        %dma_start3A = arith.constant 0 : i32
        %dma_start3A_166 = tpu.memref_slice %arg8[%max3A_165, %dma_start3A] : memref<80x64xi32, #tpu.memory_space<vmem>> -> memref<1x64xi32, #tpu.memory_space<vmem>>
        %dma_start3A_167 = tpu.memref_squeeze %dma_start3A_166 : memref<1x64xi32, #tpu.memory_space<vmem>> -> memref<64xi32, #tpu.memory_space<vmem>>
        %dma_start3A_168 = arith.constant 0 : i32
        %dma_start3A_169 = arith.constant 0 : i32
        %dma_start3A_170 = tpu.memref_slice %arg6[%dma_start3A_168, %dma_start3A_169] : memref<10240x128xf32, #tpu.memory_space<vmem_shared>> -> memref<10240x128xf32, #tpu.memory_space<vmem_shared>>
        tpu.enqueue_indirect_dma source(%arg9 : memref<64x128xf32, #tpu.memory_space<vmem>>) target(%dma_start3A_170 : memref<10240x128xf32, #tpu.memory_space<vmem_shared>>) offsets(%dma_start3A_167 : memref<64xi32, #tpu.memory_space<vmem>>) semaphore(%arg15 : memref<!tpu.dma_semaphore, #tpu.memory_space<semaphore_mem>>) {add = true}
      } else {
      }
      %mul3A_136 = arith.constant 3 : i32
      %mul3A_137 = arith.muli %mul3A_136, %scan3A_105 : i32
      %add3A_138 = arith.constant 2 : i32
      %add3A_139 = arith.addi %mul3A_137, %add3A_138 : i32
      %lt3A_140 = arith.constant 80 : i32
      %lt3A_141 = arith.cmpi slt, %add3A_139, %lt3A_140 : i32
      %convert_element_type3A_142 = arith.extui %lt3A_141 : i1 to i32
      %cond3A_143 = arith.constant 0 : i32
      %cond3A_144 = arith.cmpi ne, %convert_element_type3A_142, %cond3A_143 : i32
      scf.if %cond3A_144 {
        %ge3A_154 = arith.constant 3 : i32
        %ge3A_155 = arith.cmpi sge, %add3A_139, %ge3A_154 : i32
        %convert_element_type3A_156 = arith.extui %ge3A_155 : i1 to i32
        %cond3A_157 = arith.constant 0 : i32
        %cond3A_158 = arith.cmpi ne, %convert_element_type3A_156, %cond3A_157 : i32
        scf.if %cond3A_158 {
          %dma_wait3A_164 = arith.constant 0 : i32
          %dma_wait3A_165 = tpu.memref_slice %arg8[%add3A_139, %dma_wait3A_164] : memref<80x64xi32, #tpu.memory_space<vmem>> -> memref<1x64xi32, #tpu.memory_space<vmem>>
          %dma_wait3A_166 = tpu.memref_squeeze %dma_wait3A_165 : memref<1x64xi32, #tpu.memory_space<vmem>> -> memref<64xi32, #tpu.memory_space<vmem>>
          %dma_wait3A_167 = arith.constant 0 : i32
          %dma_wait3A_168 = arith.constant 0 : i32
          %dma_wait3A_169 = tpu.memref_slice %arg6[%dma_wait3A_167, %dma_wait3A_168] : memref<10240x128xf32, #tpu.memory_space<vmem_shared>> -> memref<10240x128xf32, #tpu.memory_space<vmem_shared>>
          tpu.wait_indirect_dma semaphore(%arg17 : memref<!tpu.dma_semaphore, #tpu.memory_space<semaphore_mem>>) src(%arg11 : memref<64x128xf32, #tpu.memory_space<vmem>>) dst(%dma_wait3A_169 : memref<10240x128xf32, #tpu.memory_space<vmem_shared>>)
        } else {
        }
        %dma_start3A = arith.constant 0 : i32
        %dma_start3A_159 = tpu.memref_slice %arg7[%add3A_139, %dma_start3A] : memref<80x64xi32, #tpu.memory_space<vmem>> -> memref<1x64xi32, #tpu.memory_space<vmem>>
        %dma_start3A_160 = tpu.memref_squeeze %dma_start3A_159 : memref<1x64xi32, #tpu.memory_space<vmem>> -> memref<64xi32, #tpu.memory_space<vmem>>
        %dma_start3A_161 = arith.constant 0 : i32
        %dma_start3A_162 = arith.constant 0 : i32
        %dma_start3A_163 = tpu.memref_slice %arg2[%dma_start3A_161, %dma_start3A_162] : memref<20480x128xf32, #tpu.memory_space<hbm>> -> memref<20480x128xf32, #tpu.memory_space<hbm>>
        tpu.enqueue_indirect_dma source(%dma_start3A_163 : memref<20480x128xf32, #tpu.memory_space<hbm>>) target(%arg11 : memref<64x128xf32, #tpu.memory_space<vmem>>) offsets(%dma_start3A_160 : memref<64xi32, #tpu.memory_space<vmem>>) semaphore(%arg14 : memref<!tpu.dma_semaphore, #tpu.memory_space<semaphore_mem>>)
      } else {
      }
      %ge3A_145 = arith.constant 1 : i32
      %ge3A_146 = arith.cmpi sge, %add3A_139, %ge3A_145 : i32
      %lt3A_147 = arith.constant 81 : i32
      %lt3A_148 = arith.cmpi slt, %add3A_139, %lt3A_147 : i32
      %and3A_149 = arith.andi %ge3A_146, %lt3A_148 : i1
      %convert_element_type3A_150 = arith.extui %and3A_149 : i1 to i32
      %cond3A_151 = arith.constant 0 : i32
      %cond3A_152 = arith.cmpi ne, %convert_element_type3A_150, %cond3A_151 : i32
      scf.if %cond3A_152 {
        %sub3A = arith.constant 1 : i32
        %sub3A_154 = arith.subi %add3A_139, %sub3A : i32
        %max3A = arith.constant 0 : i32
        %max3A_155 = arith.maxsi %sub3A_154, %max3A : i32
        %dma_wait3A_156 = arith.constant 0 : i32
        %dma_wait3A_157 = tpu.memref_slice %arg7[%max3A_155, %dma_wait3A_156] : memref<80x64xi32, #tpu.memory_space<vmem>> -> memref<1x64xi32, #tpu.memory_space<vmem>>
        %dma_wait3A_158 = tpu.memref_squeeze %dma_wait3A_157 : memref<1x64xi32, #tpu.memory_space<vmem>> -> memref<64xi32, #tpu.memory_space<vmem>>
        %dma_wait3A_159 = arith.constant 0 : i32
        %dma_wait3A_160 = arith.constant 0 : i32
        %dma_wait3A_161 = tpu.memref_slice %arg2[%dma_wait3A_159, %dma_wait3A_160] : memref<20480x128xf32, #tpu.memory_space<hbm>> -> memref<20480x128xf32, #tpu.memory_space<hbm>>
        tpu.wait_indirect_dma semaphore(%arg13 : memref<!tpu.dma_semaphore, #tpu.memory_space<semaphore_mem>>) src(%dma_wait3A_161 : memref<20480x128xf32, #tpu.memory_space<hbm>>) dst(%arg10 : memref<64x128xf32, #tpu.memory_space<vmem>>)
        %sub3A_162 = arith.constant 1 : i32
        %sub3A_163 = arith.subi %add3A_139, %sub3A_162 : i32
        %max3A_164 = arith.constant 0 : i32
        %max3A_165 = arith.maxsi %sub3A_163, %max3A_164 : i32
        %dma_start3A = arith.constant 0 : i32
        %dma_start3A_166 = tpu.memref_slice %arg8[%max3A_165, %dma_start3A] : memref<80x64xi32, #tpu.memory_space<vmem>> -> memref<1x64xi32, #tpu.memory_space<vmem>>
        %dma_start3A_167 = tpu.memref_squeeze %dma_start3A_166 : memref<1x64xi32, #tpu.memory_space<vmem>> -> memref<64xi32, #tpu.memory_space<vmem>>
        %dma_start3A_168 = arith.constant 0 : i32
        %dma_start3A_169 = arith.constant 0 : i32
        %dma_start3A_170 = tpu.memref_slice %arg6[%dma_start3A_168, %dma_start3A_169] : memref<10240x128xf32, #tpu.memory_space<vmem_shared>> -> memref<10240x128xf32, #tpu.memory_space<vmem_shared>>
        tpu.enqueue_indirect_dma source(%arg10 : memref<64x128xf32, #tpu.memory_space<vmem>>) target(%dma_start3A_170 : memref<10240x128xf32, #tpu.memory_space<vmem_shared>>) offsets(%dma_start3A_167 : memref<64xi32, #tpu.memory_space<vmem>>) semaphore(%arg16 : memref<!tpu.dma_semaphore, #tpu.memory_space<semaphore_mem>>) {add = true}
      } else {
      }
      %scan3A_153 = arith.constant 0 : i32
      scf.yield %scan3A_153 : i32
    }
    %scan3A_75 = arith.constant 27 : i32
    %dma_wait3A_76 = arith.constant 77 : i32
    %dma_wait3A_77 = arith.constant 0 : i32
    %dma_wait3A_78 = tpu.memref_slice %arg8[%dma_wait3A_76, %dma_wait3A_77] : memref<80x64xi32, #tpu.memory_space<vmem>> -> memref<1x64xi32, #tpu.memory_space<vmem>>
    %dma_wait3A_79 = tpu.memref_squeeze %dma_wait3A_78 : memref<1x64xi32, #tpu.memory_space<vmem>> -> memref<64xi32, #tpu.memory_space<vmem>>
    %dma_wait3A_80 = arith.constant 0 : i32
    %dma_wait3A_81 = arith.constant 0 : i32
    %dma_wait3A_82 = tpu.memref_slice %arg6[%dma_wait3A_80, %dma_wait3A_81] : memref<10240x128xf32, #tpu.memory_space<vmem_shared>> -> memref<10240x128xf32, #tpu.memory_space<vmem_shared>>
    tpu.wait_indirect_dma semaphore(%arg15 : memref<!tpu.dma_semaphore, #tpu.memory_space<semaphore_mem>>) src(%arg9 : memref<64x128xf32, #tpu.memory_space<vmem>>) dst(%dma_wait3A_82 : memref<10240x128xf32, #tpu.memory_space<vmem_shared>>)
    %dma_wait3A_83 = arith.constant 78 : i32
    %dma_wait3A_84 = arith.constant 0 : i32
    %dma_wait3A_85 = tpu.memref_slice %arg8[%dma_wait3A_83, %dma_wait3A_84] : memref<80x64xi32, #tpu.memory_space<vmem>> -> memref<1x64xi32, #tpu.memory_space<vmem>>
    %dma_wait3A_86 = tpu.memref_squeeze %dma_wait3A_85 : memref<1x64xi32, #tpu.memory_space<vmem>> -> memref<64xi32, #tpu.memory_space<vmem>>
    %dma_wait3A_87 = arith.constant 0 : i32
    %dma_wait3A_88 = arith.constant 0 : i32
    %dma_wait3A_89 = tpu.memref_slice %arg6[%dma_wait3A_87, %dma_wait3A_88] : memref<10240x128xf32, #tpu.memory_space<vmem_shared>> -> memref<10240x128xf32, #tpu.memory_space<vmem_shared>>
    tpu.wait_indirect_dma semaphore(%arg16 : memref<!tpu.dma_semaphore, #tpu.memory_space<semaphore_mem>>) src(%arg10 : memref<64x128xf32, #tpu.memory_space<vmem>>) dst(%dma_wait3A_89 : memref<10240x128xf32, #tpu.memory_space<vmem_shared>>)
    %dma_wait3A_90 = arith.constant 79 : i32
    %dma_wait3A_91 = arith.constant 0 : i32
    %dma_wait3A_92 = tpu.memref_slice %arg8[%dma_wait3A_90, %dma_wait3A_91] : memref<80x64xi32, #tpu.memory_space<vmem>> -> memref<1x64xi32, #tpu.memory_space<vmem>>
    %dma_wait3A_93 = tpu.memref_squeeze %dma_wait3A_92 : memref<1x64xi32, #tpu.memory_space<vmem>> -> memref<64xi32, #tpu.memory_space<vmem>>
    %dma_wait3A_94 = arith.constant 0 : i32
    %dma_wait3A_95 = arith.constant 0 : i32
    %dma_wait3A_96 = tpu.memref_slice %arg6[%dma_wait3A_94, %dma_wait3A_95] : memref<10240x128xf32, #tpu.memory_space<vmem_shared>> -> memref<10240x128xf32, #tpu.memory_space<vmem_shared>>
    tpu.wait_indirect_dma semaphore(%arg17 : memref<!tpu.dma_semaphore, #tpu.memory_space<semaphore_mem>>) src(%arg11 : memref<64x128xf32, #tpu.memory_space<vmem>>) dst(%dma_wait3A_96 : memref<10240x128xf32, #tpu.memory_space<vmem_shared>>)
    %barrier3A_97 = arith.constant 0 : index
    tpu.barrier barrier_id(%barrier3A_97)
    %mul3A_98 = arith.constant 640 : i32
    %mul3A_99 = arith.muli %arg1, %mul3A_98 : i32
    %mul3A_100 = arith.constant 10240 : i32
    %mul3A_101 = arith.muli %arg0, %mul3A_100 : i32
    %mul3A_102 = arith.constant 640 : i32
    %mul3A_103 = arith.muli %arg1, %mul3A_102 : i32
    %add3A_104 = arith.addi %mul3A_101, %mul3A_103 : i32
    "tpu.region"() ({
      %run_scoped3A = tpu.sem_alloc : memref<!tpu.dma_semaphore, #tpu.memory_space<semaphore_mem>>
      %dma_start3A = arith.constant 0 : i32
      %dma_start3A_105 = tpu.memref_slice %arg5[%add3A_104, %dma_start3A] : memref<20480x128xf32, #tpu.memory_space<hbm>> -> memref<640x128xf32, #tpu.memory_space<hbm>>
      %dma_start3A_106 = arith.constant 0 : i32
      %dma_start3A_107 = tpu.memref_slice %arg6[%mul3A_99, %dma_start3A_106] : memref<10240x128xf32, #tpu.memory_space<vmem_shared>> -> memref<640x128xf32, #tpu.memory_space<vmem_shared>>
      tpu.enqueue_dma source(%dma_start3A_107 : memref<640x128xf32, #tpu.memory_space<vmem_shared>>) target(%dma_start3A_105 : memref<640x128xf32, #tpu.memory_space<hbm>>) target_semaphore(%run_scoped3A : memref<!tpu.dma_semaphore, #tpu.memory_space<semaphore_mem>>)
      %dma_wait3A_108 = arith.constant 0 : i32
      %dma_wait3A_109 = tpu.memref_slice %arg5[%add3A_104, %dma_wait3A_108] : memref<20480x128xf32, #tpu.memory_space<hbm>> -> memref<640x128xf32, #tpu.memory_space<hbm>>
      %dma_wait3A_110 = arith.constant 0 : i32
      %dma_wait3A_111 = tpu.memref_slice %arg6[%mul3A_99, %dma_wait3A_110] : memref<10240x128xf32, #tpu.memory_space<vmem_shared>> -> memref<640x128xf32, #tpu.memory_space<vmem_shared>>
      tpu.wait_dma2 semaphore(%run_scoped3A : memref<!tpu.dma_semaphore, #tpu.memory_space<semaphore_mem>>) src(%dma_wait3A_111 : memref<640x128xf32, #tpu.memory_space<vmem_shared>>) dst(%dma_wait3A_109 : memref<640x128xf32, #tpu.memory_space<hbm>>)
      tpu.yield
    }) : () -> ()
    return
  }
}

#map = affine_map<(d0, d1) -> (0, 0)>
module attributes {stable_mosaic.version = 14 : i64} {
  func.func @_sc_spmm(%arg0: i32, %arg1: i32, %arg2: memref<20480x128xf32, #tpu.memory_space<hbm>>, %arg3: memref<2560x64xi32, #tpu.memory_space<hbm>>, %arg4: memref<2560x64xi32, #tpu.memory_space<hbm>>, %arg5: memref<20480x128xf32, #tpu.memory_space<hbm>>, %arg6: memref<10240x128xf32, #tpu.memory_space<vmem_shared>>, %arg7: memref<80x64xi32, #tpu.memory_space<vmem>>, %arg8: memref<80x64xi32, #tpu.memory_space<vmem>>, %arg9: memref<64x128xf32, #tpu.memory_space<vmem>>, %arg10: memref<64x128xf32, #tpu.memory_space<vmem>>, %arg11: memref<64x128xf32, #tpu.memory_space<vmem>>, %arg12: memref<!tpu.dma_semaphore, #tpu.memory_space<semaphore_mem>>, %arg13: memref<!tpu.dma_semaphore, #tpu.memory_space<semaphore_mem>>, %arg14: memref<!tpu.dma_semaphore, #tpu.memory_space<semaphore_mem>>, %arg15: memref<!tpu.dma_semaphore, #tpu.memory_space<semaphore_mem>>, %arg16: memref<!tpu.dma_semaphore, #tpu.memory_space<semaphore_mem>>, %arg17: memref<!tpu.dma_semaphore, #tpu.memory_space<semaphore_mem>>) attributes {dimension_semantics = [#tpu.dimension_semantics<core_parallel>, #tpu.dimension_semantics<subcore_parallel>], iteration_bounds = array<i64: 2, 16>, scalar_prefetch = 0 : i64, scratch_operands = 12 : i64, tpu.core_type = #tpu.core_type<sc_vector_subcore>, window_params = [{transform_indices = #map}, {transform_indices = #map}, {transform_indices = #map}, {transform_indices = #map}]} {
    %scan3A = arith.constant 0 : i32
    %scan3A_0 = arith.constant 0 : i32
    %scan3A_1 = arith.constant 64 : i32
    %scan3A_2 = arith.addi %scan3A_0, %scan3A_1 : i32
    %scan3A_3 = arith.constant 1 : i32
    %scan3A_4 = scf.for %scan3A_105 = %scan3A_0 to %scan3A_2 step %scan3A_3 iter_args(%scan3A_106 = %scan3A) -> (i32)  : i32 {
      %scan3A_107 = arith.constant 0 : i32
      %scan3A_108 = arith.constant 0 : i32
      %scan3A_109 = arith.constant 8 : i32
      %scan3A_110 = arith.addi %scan3A_108, %scan3A_109 : i32
      %scan3A_111 = arith.constant 1 : i32
      %scan3A_112 = scf.for %scan3A_115 = %scan3A_108 to %scan3A_110 step %scan3A_111 iter_args(%scan3A_116 = %scan3A_107) -> (i32)  : i32 {
        %broadcast_in_dim3A = arith.constant 0.000000e+00 : f32
        %broadcast_in_dim3A_117 = vector.broadcast %broadcast_in_dim3A : f32 to vector<16xf32>
        %mul3A_118 = arith.constant 16 : i32
        %mul3A_119 = arith.muli %scan3A_115, %mul3A_118 : i32
        %swap3A = arith.constant 0 : i32
        %swap3A_120 = tpu.memref_slice %arg9[%scan3A_105, %swap3A] : memref<64x128xf32, #tpu.memory_space<vmem>> -> memref<1x128xf32, #tpu.memory_space<vmem>>
        %swap3A_121 = tpu.memref_squeeze %swap3A_120 : memref<1x128xf32, #tpu.memory_space<vmem>> -> memref<128xf32, #tpu.memory_space<vmem>>
        %swap3A_122 = arith.index_cast %mul3A_119 : i32 to index
        %swap3A_123 = tpu.vector_load %swap3A_121[%swap3A_122] {strides = array<i32>} : memref<128xf32, #tpu.memory_space<vmem>>, vector<16xf32>,
        tpu.vector_store %swap3A_121[%swap3A_122], %broadcast_in_dim3A_117 {strides = array<i32>} : memref<128xf32, #tpu.memory_space<vmem>>, vector<16xf32>,
        %scan3A_124 = arith.constant 0 : i32
        scf.yield %scan3A_124 : i32
      }
      %scan3A_113 = arith.constant 8 : i32
      %scan3A_114 = arith.constant 0 : i32
      scf.yield %scan3A_114 : i32
    }
    %scan3A_5 = arith.constant 64 : i32
    %scan3A_6 = arith.constant 0 : i32
    %scan3A_7 = arith.constant 0 : i32
    %scan3A_8 = arith.constant 10 : i32
    %scan3A_9 = arith.addi %scan3A_7, %scan3A_8 : i32
    %scan3A_10 = arith.constant 1 : i32
    %scan3A_11 = scf.for %scan3A_105 = %scan3A_7 to %scan3A_9 step %scan3A_10 iter_args(%scan3A_106 = %scan3A_6) -> (i32)  : i32 {
      %mul3A_107 = arith.constant 640 : i32
      %mul3A_108 = arith.muli %arg1, %mul3A_107 : i32
      %mul3A_109 = arith.constant 64 : i32
      %mul3A_110 = arith.muli %scan3A_105, %mul3A_109 : i32
      %add3A_111 = arith.addi %mul3A_108, %mul3A_110 : i32
      %dma_start3A = arith.constant 0 : i32
      %dma_start3A_112 = tpu.memref_slice %arg6[%add3A_111, %dma_start3A] : memref<10240x128xf32, #tpu.memory_space<vmem_shared>> -> memref<64x128xf32, #tpu.memory_space<vmem_shared>>
      %dma_start3A_113 = arith.constant 0 : i32
      %dma_start3A_114 = tpu.memref_slice %arg6[%add3A_111, %dma_start3A_113] : memref<10240x128xf32, #tpu.memory_space<vmem_shared>> -> memref<64x128xf32, #tpu.memory_space<vmem_shared>>
      tpu.enqueue_dma source(%arg9 : memref<64x128xf32, #tpu.memory_space<vmem>>) target(%dma_start3A_114 : memref<64x128xf32, #tpu.memory_space<vmem_shared>>) target_semaphore(%arg12 : memref<!tpu.dma_semaphore, #tpu.memory_space<semaphore_mem>>)
      %scan3A_115 = arith.constant 0 : i32
      scf.yield %scan3A_115 : i32
    }
    %scan3A_12 = arith.constant 10 : i32
    %scan3A_13 = arith.constant 0 : i32
    %scan3A_14 = arith.constant 0 : i32
    %scan3A_15 = arith.constant 10 : i32
    %scan3A_16 = arith.addi %scan3A_14, %scan3A_15 : i32
    %scan3A_17 = arith.constant 1 : i32
    %scan3A_18 = scf.for %scan3A_105 = %scan3A_14 to %scan3A_16 step %scan3A_17 iter_args(%scan3A_106 = %scan3A_13) -> (i32)  : i32 {
      %mul3A_107 = arith.constant 640 : i32
      %mul3A_108 = arith.muli %arg1, %mul3A_107 : i32
      %dma_wait3A_109 = arith.constant 0 : i32
      %dma_wait3A_110 = tpu.memref_slice %arg6[%mul3A_108, %dma_wait3A_109] : memref<10240x128xf32, #tpu.memory_space<vmem_shared>> -> memref<64x128xf32, #tpu.memory_space<vmem_shared>>
      %dma_wait3A_111 = arith.constant 0 : i32
      %dma_wait3A_112 = tpu.memref_slice %arg6[%mul3A_108, %dma_wait3A_111] : memref<10240x128xf32, #tpu.memory_space<vmem_shared>> -> memref<64x128xf32, #tpu.memory_space<vmem_shared>>
      tpu.wait_dma2 semaphore(%arg12 : memref<!tpu.dma_semaphore, #tpu.memory_space<semaphore_mem>>) src(%arg9 : memref<64x128xf32, #tpu.memory_space<vmem>>) dst(%dma_wait3A_112 : memref<64x128xf32, #tpu.memory_space<vmem_shared>>)
      %scan3A_113 = arith.constant 0 : i32
      scf.yield %scan3A_113 : i32
    }
    %scan3A_19 = arith.constant 10 : i32
    %barrier3A = arith.constant 0 : index
    tpu.barrier barrier_id(%barrier3A)
    %mul3A = arith.constant 10240 : i32
    %mul3A_20 = arith.muli %arg0, %mul3A : i32
    %mul3A_21 = arith.constant 160 : i32
    %mul3A_22 = arith.muli %arg1, %mul3A_21 : i32
    %add3A = arith.constant 0 : i32
    %add3A_23 = arith.addi %mul3A_22, %add3A : i32
    "tpu.region"() ({
      %run_scoped3A = tpu.sem_alloc : memref<!tpu.dma_semaphore, #tpu.memory_space<semaphore_mem>>
      %dma_start3A = arith.constant 0 : i32
      %dma_start3A_105 = tpu.memref_slice %arg3[%add3A_23, %dma_start3A] : memref<2560x64xi32, #tpu.memory_space<hbm>> -> memref<80x64xi32, #tpu.memory_space<hbm>>
      %dma_start3A_106 = arith.constant 0 : i32
      %dma_start3A_107 = tpu.memref_slice %arg3[%add3A_23, %dma_start3A_106] : memref<2560x64xi32, #tpu.memory_space<hbm>> -> memref<80x64xi32, #tpu.memory_space<hbm>>
      tpu.enqueue_dma source(%dma_start3A_107 : memref<80x64xi32, #tpu.memory_space<hbm>>) target(%arg7 : memref<80x64xi32, #tpu.memory_space<vmem>>) target_semaphore(%run_scoped3A : memref<!tpu.dma_semaphore, #tpu.memory_space<semaphore_mem>>)
      %dma_wait3A_108 = arith.constant 0 : i32
      %dma_wait3A_109 = tpu.memref_slice %arg3[%add3A_23, %dma_wait3A_108] : memref<2560x64xi32, #tpu.memory_space<hbm>> -> memref<80x64xi32, #tpu.memory_space<hbm>>
      %dma_wait3A_110 = arith.constant 0 : i32
      %dma_wait3A_111 = tpu.memref_slice %arg3[%add3A_23, %dma_wait3A_110] : memref<2560x64xi32, #tpu.memory_space<hbm>> -> memref<80x64xi32, #tpu.memory_space<hbm>>
      tpu.wait_dma2 semaphore(%run_scoped3A : memref<!tpu.dma_semaphore, #tpu.memory_space<semaphore_mem>>) src(%dma_wait3A_111 : memref<80x64xi32, #tpu.memory_space<hbm>>) dst(%arg7 : memref<80x64xi32, #tpu.memory_space<vmem>>)
      tpu.yield
    }) : () -> ()
    "tpu.region"() ({
      %run_scoped3A = tpu.sem_alloc : memref<!tpu.dma_semaphore, #tpu.memory_space<semaphore_mem>>
      %dma_start3A = arith.constant 0 : i32
      %dma_start3A_105 = tpu.memref_slice %arg4[%add3A_23, %dma_start3A] : memref<2560x64xi32, #tpu.memory_space<hbm>> -> memref<80x64xi32, #tpu.memory_space<hbm>>
      %dma_start3A_106 = arith.constant 0 : i32
      %dma_start3A_107 = tpu.memref_slice %arg4[%add3A_23, %dma_start3A_106] : memref<2560x64xi32, #tpu.memory_space<hbm>> -> memref<80x64xi32, #tpu.memory_space<hbm>>
      tpu.enqueue_dma source(%dma_start3A_107 : memref<80x64xi32, #tpu.memory_space<hbm>>) target(%arg8 : memref<80x64xi32, #tpu.memory_space<vmem>>) target_semaphore(%run_scoped3A : memref<!tpu.dma_semaphore, #tpu.memory_space<semaphore_mem>>)
      %dma_wait3A_108 = arith.constant 0 : i32
      %dma_wait3A_109 = tpu.memref_slice %arg4[%add3A_23, %dma_wait3A_108] : memref<2560x64xi32, #tpu.memory_space<hbm>> -> memref<80x64xi32, #tpu.memory_space<hbm>>
      %dma_wait3A_110 = arith.constant 0 : i32
      %dma_wait3A_111 = tpu.memref_slice %arg4[%add3A_23, %dma_wait3A_110] : memref<2560x64xi32, #tpu.memory_space<hbm>> -> memref<80x64xi32, #tpu.memory_space<hbm>>
      tpu.wait_dma2 semaphore(%run_scoped3A : memref<!tpu.dma_semaphore, #tpu.memory_space<semaphore_mem>>) src(%dma_wait3A_111 : memref<80x64xi32, #tpu.memory_space<hbm>>) dst(%arg8 : memref<80x64xi32, #tpu.memory_space<vmem>>)
      tpu.yield
    }) : () -> ()
    %scan3A_24 = arith.constant 0 : i32
    %scan3A_25 = arith.constant 0 : i32
    %scan3A_26 = arith.constant 80 : i32
    %scan3A_27 = arith.addi %scan3A_25, %scan3A_26 : i32
    %scan3A_28 = arith.constant 1 : i32
    %scan3A_29 = scf.for %scan3A_105 = %scan3A_25 to %scan3A_27 step %scan3A_28 iter_args(%scan3A_106 = %scan3A_24) -> (i32)  : i32 {
      %scan3A_107 = arith.constant 0 : i32
      %scan3A_108 = arith.constant 0 : i32
      %scan3A_109 = arith.constant 4 : i32
      %scan3A_110 = arith.addi %scan3A_108, %scan3A_109 : i32
      %scan3A_111 = arith.constant 1 : i32
      %scan3A_112 = scf.for %scan3A_115 = %scan3A_108 to %scan3A_110 step %scan3A_111 iter_args(%scan3A_116 = %scan3A_107) -> (i32)  : i32 {
        %mul3A_117 = arith.constant 16 : i32
        %mul3A_118 = arith.muli %scan3A_115, %mul3A_117 : i32
        %get3A = arith.constant 0 : i32
        %get3A_119 = tpu.memref_slice %arg7[%scan3A_105, %get3A] : memref<80x64xi32, #tpu.memory_space<vmem>> -> memref<1x64xi32, #tpu.memory_space<vmem>>
        %get3A_120 = tpu.memref_squeeze %get3A_119 : memref<1x64xi32, #tpu.memory_space<vmem>> -> memref<64xi32, #tpu.memory_space<vmem>>
        %get3A_121 = arith.index_cast %mul3A_118 : i32 to index
        %get3A_122 = tpu.vector_load %get3A_120[%get3A_121] {strides = array<i32>} : memref<64xi32, #tpu.memory_space<vmem>>, vector<16xi32>,
        %add3A_123 = vector.broadcast %mul3A_20 : i32 to vector<16xi32>
        %add3A_124 = arith.addi %get3A_122, %add3A_123 : vector<16xi32>
        %swap3A = arith.constant 0 : i32
        %swap3A_125 = tpu.memref_slice %arg7[%scan3A_105, %swap3A] : memref<80x64xi32, #tpu.memory_space<vmem>> -> memref<1x64xi32, #tpu.memory_space<vmem>>
        %swap3A_126 = tpu.memref_squeeze %swap3A_125 : memref<1x64xi32, #tpu.memory_space<vmem>> -> memref<64xi32, #tpu.memory_space<vmem>>
        %swap3A_127 = arith.index_cast %mul3A_118 : i32 to index
        %swap3A_128 = tpu.vector_load %swap3A_126[%swap3A_127] {strides = array<i32>} : memref<64xi32, #tpu.memory_space<vmem>>, vector<16xi32>,
        tpu.vector_store %swap3A_126[%swap3A_127], %add3A_124 {strides = array<i32>} : memref<64xi32, #tpu.memory_space<vmem>>, vector<16xi32>,
        %scan3A_129 = arith.constant 0 : i32
        scf.yield %scan3A_129 : i32
      }
      %scan3A_113 = arith.constant 4 : i32
      %scan3A_114 = arith.constant 0 : i32
      scf.yield %scan3A_114 : i32
    }
    %scan3A_30 = arith.constant 80 : i32
    %scan3A_31 = arith.constant 0 : i32
    %scan3A_32 = arith.constant 0 : i32
    %scan3A_33 = arith.constant 27 : i32
    %scan3A_34 = arith.addi %scan3A_32, %scan3A_33 : i32
    %scan3A_35 = arith.constant 1 : i32
    %scan3A_36 = scf.for %scan3A_105 = %scan3A_32 to %scan3A_34 step %scan3A_35 iter_args(%scan3A_106 = %scan3A_31) -> (i32)  : i32 {
      %mul3A_107 = arith.constant 3 : i32
      %mul3A_108 = arith.muli %mul3A_107, %scan3A_105 : i32
      %add3A_109 = arith.constant 0 : i32
      %add3A_110 = arith.addi %mul3A_108, %add3A_109 : i32
      %lt3A = arith.constant 80 : i32
      %lt3A_111 = arith.cmpi slt, %add3A_110, %lt3A : i32
      %convert_element_type3A = arith.extui %lt3A_111 : i1 to i32
      %cond3A = arith.constant 0 : i32
      %cond3A_112 = arith.cmpi ne, %convert_element_type3A, %cond3A : i32
      scf.if %cond3A_112 {
        %ge3A_154 = arith.constant 3 : i32
        %ge3A_155 = arith.cmpi sge, %add3A_110, %ge3A_154 : i32
        %convert_element_type3A_156 = arith.extui %ge3A_155 : i1 to i32
        %cond3A_157 = arith.constant 0 : i32
        %cond3A_158 = arith.cmpi ne, %convert_element_type3A_156, %cond3A_157 : i32
        scf.if %cond3A_158 {
          %dma_wait3A_164 = arith.constant 0 : i32
          %dma_wait3A_165 = tpu.memref_slice %arg8[%add3A_110, %dma_wait3A_164] : memref<80x64xi32, #tpu.memory_space<vmem>> -> memref<1x64xi32, #tpu.memory_space<vmem>>
          %dma_wait3A_166 = tpu.memref_squeeze %dma_wait3A_165 : memref<1x64xi32, #tpu.memory_space<vmem>> -> memref<64xi32, #tpu.memory_space<vmem>>
          %dma_wait3A_167 = arith.constant 0 : i32
          %dma_wait3A_168 = arith.constant 0 : i32
          %dma_wait3A_169 = tpu.memref_slice %arg6[%dma_wait3A_167, %dma_wait3A_168] : memref<10240x128xf32, #tpu.memory_space<vmem_shared>> -> memref<10240x128xf32, #tpu.memory_space<vmem_shared>>
          tpu.wait_indirect_dma semaphore(%arg15 : memref<!tpu.dma_semaphore, #tpu.memory_space<semaphore_mem>>) src(%arg9 : memref<64x128xf32, #tpu.memory_space<vmem>>) dst(%dma_wait3A_169 : memref<10240x128xf32, #tpu.memory_space<vmem_shared>>)
        } else {
        }
        %dma_start3A = arith.constant 0 : i32
        %dma_start3A_159 = tpu.memref_slice %arg7[%add3A_110, %dma_start3A] : memref<80x64xi32, #tpu.memory_space<vmem>> -> memref<1x64xi32, #tpu.memory_space<vmem>>
        %dma_start3A_160 = tpu.memref_squeeze %dma_start3A_159 : memref<1x64xi32, #tpu.memory_space<vmem>> -> memref<64xi32, #tpu.memory_space<vmem>>
        %dma_start3A_161 = arith.constant 0 : i32
        %dma_start3A_162 = arith.constant 0 : i32
        %dma_start3A_163 = tpu.memref_slice %arg2[%dma_start3A_161, %dma_start3A_162] : memref<20480x128xf32, #tpu.memory_space<hbm>> -> memref<20480x128xf32, #tpu.memory_space<hbm>>
        tpu.enqueue_indirect_dma source(%dma_start3A_163 : memref<20480x128xf32, #tpu.memory_space<hbm>>) target(%arg9 : memref<64x128xf32, #tpu.memory_space<vmem>>) offsets(%dma_start3A_160 : memref<64xi32, #tpu.memory_space<vmem>>) semaphore(%arg12 : memref<!tpu.dma_semaphore, #tpu.memory_space<semaphore_mem>>)
      } else {
      }
      %ge3A = arith.constant 1 : i32
      %ge3A_113 = arith.cmpi sge, %add3A_110, %ge3A : i32
      %lt3A_114 = arith.constant 81 : i32
      %lt3A_115 = arith.cmpi slt, %add3A_110, %lt3A_114 : i32
      %and3A = arith.andi %ge3A_113, %lt3A_115 : i1
      %convert_element_type3A_116 = arith.extui %and3A : i1 to i32
      %cond3A_117 = arith.constant 0 : i32
      %cond3A_118 = arith.cmpi ne, %convert_element_type3A_116, %cond3A_117 : i32
      scf.if %cond3A_118 {
        %sub3A = arith.constant 1 : i32
        %sub3A_154 = arith.subi %add3A_110, %sub3A : i32
        %max3A = arith.constant 0 : i32
        %max3A_155 = arith.maxsi %sub3A_154, %max3A : i32
        %dma_wait3A_156 = arith.constant 0 : i32
        %dma_wait3A_157 = tpu.memref_slice %arg7[%max3A_155, %dma_wait3A_156] : memref<80x64xi32, #tpu.memory_space<vmem>> -> memref<1x64xi32, #tpu.memory_space<vmem>>
        %dma_wait3A_158 = tpu.memref_squeeze %dma_wait3A_157 : memref<1x64xi32, #tpu.memory_space<vmem>> -> memref<64xi32, #tpu.memory_space<vmem>>
        %dma_wait3A_159 = arith.constant 0 : i32
        %dma_wait3A_160 = arith.constant 0 : i32
        %dma_wait3A_161 = tpu.memref_slice %arg2[%dma_wait3A_159, %dma_wait3A_160] : memref<20480x128xf32, #tpu.memory_space<hbm>> -> memref<20480x128xf32, #tpu.memory_space<hbm>>
        tpu.wait_indirect_dma semaphore(%arg14 : memref<!tpu.dma_semaphore, #tpu.memory_space<semaphore_mem>>) src(%dma_wait3A_161 : memref<20480x128xf32, #tpu.memory_space<hbm>>) dst(%arg11 : memref<64x128xf32, #tpu.memory_space<vmem>>)
        %sub3A_162 = arith.constant 1 : i32
        %sub3A_163 = arith.subi %add3A_110, %sub3A_162 : i32
        %max3A_164 = arith.constant 0 : i32
        %max3A_165 = arith.maxsi %sub3A_163, %max3A_164 : i32
        %dma_start3A = arith.constant 0 : i32
        %dma_start3A_166 = tpu.memref_slice %arg8[%max3A_165, %dma_start3A] : memref<80x64xi32, #tpu.memory_space<vmem>> -> memref<1x64xi32, #tpu.memory_space<vmem>>
        %dma_start3A_167 = tpu.memref_squeeze %dma_start3A_166 : memref<1x64xi32, #tpu.memory_space<vmem>> -> memref<64xi32, #tpu.memory_space<vmem>>
        %dma_start3A_168 = arith.constant 0 : i32
        %dma_start3A_169 = arith.constant 0 : i32
        %dma_start3A_170 = tpu.memref_slice %arg6[%dma_start3A_168, %dma_start3A_169] : memref<10240x128xf32, #tpu.memory_space<vmem_shared>> -> memref<10240x128xf32, #tpu.memory_space<vmem_shared>>
        tpu.enqueue_indirect_dma source(%arg11 : memref<64x128xf32, #tpu.memory_space<vmem>>) target(%dma_start3A_170 : memref<10240x128xf32, #tpu.memory_space<vmem_shared>>) offsets(%dma_start3A_167 : memref<64xi32, #tpu.memory_space<vmem>>) semaphore(%arg17 : memref<!tpu.dma_semaphore, #tpu.memory_space<semaphore_mem>>) {add = true}
      } else {
      }
      %mul3A_119 = arith.constant 3 : i32
      %mul3A_120 = arith.muli %mul3A_119, %scan3A_105 : i32
      %add3A_121 = arith.constant 1 : i32
      %add3A_122 = arith.addi %mul3A_120, %add3A_121 : i32
      %lt3A_123 = arith.constant 80 : i32
      %lt3A_124 = arith.cmpi slt, %add3A_122, %lt3A_123 : i32
      %convert_element_type3A_125 = arith.extui %lt3A_124 : i1 to i32
      %cond3A_126 = arith.constant 0 : i32
      %cond3A_127 = arith.cmpi ne, %convert_element_type3A_125, %cond3A_126 : i32
      scf.if %cond3A_127 {
        %ge3A_154 = arith.constant 3 : i32
        %ge3A_155 = arith.cmpi sge, %add3A_122, %ge3A_154 : i32
        %convert_element_type3A_156 = arith.extui %ge3A_155 : i1 to i32
        %cond3A_157 = arith.constant 0 : i32
        %cond3A_158 = arith.cmpi ne, %convert_element_type3A_156, %cond3A_157 : i32
        scf.if %cond3A_158 {
          %dma_wait3A_164 = arith.constant 0 : i32
          %dma_wait3A_165 = tpu.memref_slice %arg8[%add3A_122, %dma_wait3A_164] : memref<80x64xi32, #tpu.memory_space<vmem>> -> memref<1x64xi32, #tpu.memory_space<vmem>>
          %dma_wait3A_166 = tpu.memref_squeeze %dma_wait3A_165 : memref<1x64xi32, #tpu.memory_space<vmem>> -> memref<64xi32, #tpu.memory_space<vmem>>
          %dma_wait3A_167 = arith.constant 0 : i32
          %dma_wait3A_168 = arith.constant 0 : i32
          %dma_wait3A_169 = tpu.memref_slice %arg6[%dma_wait3A_167, %dma_wait3A_168] : memref<10240x128xf32, #tpu.memory_space<vmem_shared>> -> memref<10240x128xf32, #tpu.memory_space<vmem_shared>>
          tpu.wait_indirect_dma semaphore(%arg16 : memref<!tpu.dma_semaphore, #tpu.memory_space<semaphore_mem>>) src(%arg10 : memref<64x128xf32, #tpu.memory_space<vmem>>) dst(%dma_wait3A_169 : memref<10240x128xf32, #tpu.memory_space<vmem_shared>>)
        } else {
        }
        %dma_start3A = arith.constant 0 : i32
        %dma_start3A_159 = tpu.memref_slice %arg7[%add3A_122, %dma_start3A] : memref<80x64xi32, #tpu.memory_space<vmem>> -> memref<1x64xi32, #tpu.memory_space<vmem>>
        %dma_start3A_160 = tpu.memref_squeeze %dma_start3A_159 : memref<1x64xi32, #tpu.memory_space<vmem>> -> memref<64xi32, #tpu.memory_space<vmem>>
        %dma_start3A_161 = arith.constant 0 : i32
        %dma_start3A_162 = arith.constant 0 : i32
        %dma_start3A_163 = tpu.memref_slice %arg2[%dma_start3A_161, %dma_start3A_162] : memref<20480x128xf32, #tpu.memory_space<hbm>> -> memref<20480x128xf32, #tpu.memory_space<hbm>>
        tpu.enqueue_indirect_dma source(%dma_start3A_163 : memref<20480x128xf32, #tpu.memory_space<hbm>>) target(%arg10 : memref<64x128xf32, #tpu.memory_space<vmem>>) offsets(%dma_start3A_160 : memref<64xi32, #tpu.memory_space<vmem>>) semaphore(%arg13 : memref<!tpu.dma_semaphore, #tpu.memory_space<semaphore_mem>>)
      } else {
      }
      %ge3A_128 = arith.constant 1 : i32
      %ge3A_129 = arith.cmpi sge, %add3A_122, %ge3A_128 : i32
      %lt3A_130 = arith.constant 81 : i32
      %lt3A_131 = arith.cmpi slt, %add3A_122, %lt3A_130 : i32
      %and3A_132 = arith.andi %ge3A_129, %lt3A_131 : i1
      %convert_element_type3A_133 = arith.extui %and3A_132 : i1 to i32
      %cond3A_134 = arith.constant 0 : i32
      %cond3A_135 = arith.cmpi ne, %convert_element_type3A_133, %cond3A_134 : i32
      scf.if %cond3A_135 {
        %sub3A = arith.constant 1 : i32
        %sub3A_154 = arith.subi %add3A_122, %sub3A : i32
        %max3A = arith.constant 0 : i32
        %max3A_155 = arith.maxsi %sub3A_154, %max3A : i32
        %dma_wait3A_156 = arith.constant 0 : i32
        %dma_wait3A_157 = tpu.memref_slice %arg7[%max3A_155, %dma_wait3A_156] : memref<80x64xi32, #tpu.memory_space<vmem>> -> memref<1x64xi32, #tpu.memory_space<vmem>>
        %dma_wait3A_158 = tpu.memref_squeeze %dma_wait3A_157 : memref<1x64xi32, #tpu.memory_space<vmem>> -> memref<64xi32, #tpu.memory_space<vmem>>
        %dma_wait3A_159 = arith.constant 0 : i32
        %dma_wait3A_160 = arith.constant 0 : i32
        %dma_wait3A_161 = tpu.memref_slice %arg2[%dma_wait3A_159, %dma_wait3A_160] : memref<20480x128xf32, #tpu.memory_space<hbm>> -> memref<20480x128xf32, #tpu.memory_space<hbm>>
        tpu.wait_indirect_dma semaphore(%arg12 : memref<!tpu.dma_semaphore, #tpu.memory_space<semaphore_mem>>) src(%dma_wait3A_161 : memref<20480x128xf32, #tpu.memory_space<hbm>>) dst(%arg9 : memref<64x128xf32, #tpu.memory_space<vmem>>)
        %sub3A_162 = arith.constant 1 : i32
        %sub3A_163 = arith.subi %add3A_122, %sub3A_162 : i32
        %max3A_164 = arith.constant 0 : i32
        %max3A_165 = arith.maxsi %sub3A_163, %max3A_164 : i32
        %dma_start3A = arith.constant 0 : i32
        %dma_start3A_166 = tpu.memref_slice %arg8[%max3A_165, %dma_start3A] : memref<80x64xi32, #tpu.memory_space<vmem>> -> memref<1x64xi32, #tpu.memory_space<vmem>>
        %dma_start3A_167 = tpu.memref_squeeze %dma_start3A_166 : memref<1x64xi32, #tpu.memory_space<vmem>> -> memref<64xi32, #tpu.memory_space<vmem>>
        %dma_start3A_168 = arith.constant 0 : i32
        %dma_start3A_169 = arith.constant 0 : i32
        %dma_start3A_170 = tpu.memref_slice %arg6[%dma_start3A_168, %dma_start3A_169] : memref<10240x128xf32, #tpu.memory_space<vmem_shared>> -> memref<10240x128xf32, #tpu.memory_space<vmem_shared>>
        tpu.enqueue_indirect_dma source(%arg9 : memref<64x128xf32, #tpu.memory_space<vmem>>) target(%dma_start3A_170 : memref<10240x128xf32, #tpu.memory_space<vmem_shared>>) offsets(%dma_start3A_167 : memref<64xi32, #tpu.memory_space<vmem>>) semaphore(%arg15 : memref<!tpu.dma_semaphore, #tpu.memory_space<semaphore_mem>>) {add = true}
      } else {
      }
      %mul3A_136 = arith.constant 3 : i32
      %mul3A_137 = arith.muli %mul3A_136, %scan3A_105 : i32
      %add3A_138 = arith.constant 2 : i32
      %add3A_139 = arith.addi %mul3A_137, %add3A_138 : i32
      %lt3A_140 = arith.constant 80 : i32
      %lt3A_141 = arith.cmpi slt, %add3A_139, %lt3A_140 : i32
      %convert_element_type3A_142 = arith.extui %lt3A_141 : i1 to i32
      %cond3A_143 = arith.constant 0 : i32
      %cond3A_144 = arith.cmpi ne, %convert_element_type3A_142, %cond3A_143 : i32
      scf.if %cond3A_144 {
        %ge3A_154 = arith.constant 3 : i32
        %ge3A_155 = arith.cmpi sge, %add3A_139, %ge3A_154 : i32
        %convert_element_type3A_156 = arith.extui %ge3A_155 : i1 to i32
        %cond3A_157 = arith.constant 0 : i32
        %cond3A_158 = arith.cmpi ne, %convert_element_type3A_156, %cond3A_157 : i32
        scf.if %cond3A_158 {
          %dma_wait3A_164 = arith.constant 0 : i32
          %dma_wait3A_165 = tpu.memref_slice %arg8[%add3A_139, %dma_wait3A_164] : memref<80x64xi32, #tpu.memory_space<vmem>> -> memref<1x64xi32, #tpu.memory_space<vmem>>
          %dma_wait3A_166 = tpu.memref_squeeze %dma_wait3A_165 : memref<1x64xi32, #tpu.memory_space<vmem>> -> memref<64xi32, #tpu.memory_space<vmem>>
          %dma_wait3A_167 = arith.constant 0 : i32
          %dma_wait3A_168 = arith.constant 0 : i32
          %dma_wait3A_169 = tpu.memref_slice %arg6[%dma_wait3A_167, %dma_wait3A_168] : memref<10240x128xf32, #tpu.memory_space<vmem_shared>> -> memref<10240x128xf32, #tpu.memory_space<vmem_shared>>
          tpu.wait_indirect_dma semaphore(%arg17 : memref<!tpu.dma_semaphore, #tpu.memory_space<semaphore_mem>>) src(%arg11 : memref<64x128xf32, #tpu.memory_space<vmem>>) dst(%dma_wait3A_169 : memref<10240x128xf32, #tpu.memory_space<vmem_shared>>)
        } else {
        }
        %dma_start3A = arith.constant 0 : i32
        %dma_start3A_159 = tpu.memref_slice %arg7[%add3A_139, %dma_start3A] : memref<80x64xi32, #tpu.memory_space<vmem>> -> memref<1x64xi32, #tpu.memory_space<vmem>>
        %dma_start3A_160 = tpu.memref_squeeze %dma_start3A_159 : memref<1x64xi32, #tpu.memory_space<vmem>> -> memref<64xi32, #tpu.memory_space<vmem>>
        %dma_start3A_161 = arith.constant 0 : i32
        %dma_start3A_162 = arith.constant 0 : i32
        %dma_start3A_163 = tpu.memref_slice %arg2[%dma_start3A_161, %dma_start3A_162] : memref<20480x128xf32, #tpu.memory_space<hbm>> -> memref<20480x128xf32, #tpu.memory_space<hbm>>
        tpu.enqueue_indirect_dma source(%dma_start3A_163 : memref<20480x128xf32, #tpu.memory_space<hbm>>) target(%arg11 : memref<64x128xf32, #tpu.memory_space<vmem>>) offsets(%dma_start3A_160 : memref<64xi32, #tpu.memory_space<vmem>>) semaphore(%arg14 : memref<!tpu.dma_semaphore, #tpu.memory_space<semaphore_mem>>)
      } else {
      }
      %ge3A_145 = arith.constant 1 : i32
      %ge3A_146 = arith.cmpi sge, %add3A_139, %ge3A_145 : i32
      %lt3A_147 = arith.constant 81 : i32
      %lt3A_148 = arith.cmpi slt, %add3A_139, %lt3A_147 : i32
      %and3A_149 = arith.andi %ge3A_146, %lt3A_148 : i1
      %convert_element_type3A_150 = arith.extui %and3A_149 : i1 to i32
      %cond3A_151 = arith.constant 0 : i32
      %cond3A_152 = arith.cmpi ne, %convert_element_type3A_150, %cond3A_151 : i32
      scf.if %cond3A_152 {
        %sub3A = arith.constant 1 : i32
        %sub3A_154 = arith.subi %add3A_139, %sub3A : i32
        %max3A = arith.constant 0 : i32
        %max3A_155 = arith.maxsi %sub3A_154, %max3A : i32
        %dma_wait3A_156 = arith.constant 0 : i32
        %dma_wait3A_157 = tpu.memref_slice %arg7[%max3A_155, %dma_wait3A_156] : memref<80x64xi32, #tpu.memory_space<vmem>> -> memref<1x64xi32, #tpu.memory_space<vmem>>
        %dma_wait3A_158 = tpu.memref_squeeze %dma_wait3A_157 : memref<1x64xi32, #tpu.memory_space<vmem>> -> memref<64xi32, #tpu.memory_space<vmem>>
        %dma_wait3A_159 = arith.constant 0 : i32
        %dma_wait3A_160 = arith.constant 0 : i32
        %dma_wait3A_161 = tpu.memref_slice %arg2[%dma_wait3A_159, %dma_wait3A_160] : memref<20480x128xf32, #tpu.memory_space<hbm>> -> memref<20480x128xf32, #tpu.memory_space<hbm>>
        tpu.wait_indirect_dma semaphore(%arg13 : memref<!tpu.dma_semaphore, #tpu.memory_space<semaphore_mem>>) src(%dma_wait3A_161 : memref<20480x128xf32, #tpu.memory_space<hbm>>) dst(%arg10 : memref<64x128xf32, #tpu.memory_space<vmem>>)
        %sub3A_162 = arith.constant 1 : i32
        %sub3A_163 = arith.subi %add3A_139, %sub3A_162 : i32
        %max3A_164 = arith.constant 0 : i32
        %max3A_165 = arith.maxsi %sub3A_163, %max3A_164 : i32
        %dma_start3A = arith.constant 0 : i32
        %dma_start3A_166 = tpu.memref_slice %arg8[%max3A_165, %dma_start3A] : memref<80x64xi32, #tpu.memory_space<vmem>> -> memref<1x64xi32, #tpu.memory_space<vmem>>
        %dma_start3A_167 = tpu.memref_squeeze %dma_start3A_166 : memref<1x64xi32, #tpu.memory_space<vmem>> -> memref<64xi32, #tpu.memory_space<vmem>>
        %dma_start3A_168 = arith.constant 0 : i32
        %dma_start3A_169 = arith.constant 0 : i32
        %dma_start3A_170 = tpu.memref_slice %arg6[%dma_start3A_168, %dma_start3A_169] : memref<10240x128xf32, #tpu.memory_space<vmem_shared>> -> memref<10240x128xf32, #tpu.memory_space<vmem_shared>>
        tpu.enqueue_indirect_dma source(%arg10 : memref<64x128xf32, #tpu.memory_space<vmem>>) target(%dma_start3A_170 : memref<10240x128xf32, #tpu.memory_space<vmem_shared>>) offsets(%dma_start3A_167 : memref<64xi32, #tpu.memory_space<vmem>>) semaphore(%arg16 : memref<!tpu.dma_semaphore, #tpu.memory_space<semaphore_mem>>) {add = true}
      } else {
      }
      %scan3A_153 = arith.constant 0 : i32
      scf.yield %scan3A_153 : i32
    }
    %scan3A_37 = arith.constant 27 : i32
    %dma_wait3A = arith.constant 77 : i32
    %dma_wait3A_38 = arith.constant 0 : i32
    %dma_wait3A_39 = tpu.memref_slice %arg8[%dma_wait3A, %dma_wait3A_38] : memref<80x64xi32, #tpu.memory_space<vmem>> -> memref<1x64xi32, #tpu.memory_space<vmem>>
    %dma_wait3A_40 = tpu.memref_squeeze %dma_wait3A_39 : memref<1x64xi32, #tpu.memory_space<vmem>> -> memref<64xi32, #tpu.memory_space<vmem>>
    %dma_wait3A_41 = arith.constant 0 : i32
    %dma_wait3A_42 = arith.constant 0 : i32
    %dma_wait3A_43 = tpu.memref_slice %arg6[%dma_wait3A_41, %dma_wait3A_42] : memref<10240x128xf32, #tpu.memory_space<vmem_shared>> -> memref<10240x128xf32, #tpu.memory_space<vmem_shared>>
    tpu.wait_indirect_dma semaphore(%arg15 : memref<!tpu.dma_semaphore, #tpu.memory_space<semaphore_mem>>) src(%arg9 : memref<64x128xf32, #tpu.memory_space<vmem>>) dst(%dma_wait3A_43 : memref<10240x128xf32, #tpu.memory_space<vmem_shared>>)
    %dma_wait3A_44 = arith.constant 78 : i32
    %dma_wait3A_45 = arith.constant 0 : i32
    %dma_wait3A_46 = tpu.memref_slice %arg8[%dma_wait3A_44, %dma_wait3A_45] : memref<80x64xi32, #tpu.memory_space<vmem>> -> memref<1x64xi32, #tpu.memory_space<vmem>>
    %dma_wait3A_47 = tpu.memref_squeeze %dma_wait3A_46 : memref<1x64xi32, #tpu.memory_space<vmem>> -> memref<64xi32, #tpu.memory_space<vmem>>
    %dma_wait3A_48 = arith.constant 0 : i32
    %dma_wait3A_49 = arith.constant 0 : i32
    %dma_wait3A_50 = tpu.memref_slice %arg6[%dma_wait3A_48, %dma_wait3A_49] : memref<10240x128xf32, #tpu.memory_space<vmem_shared>> -> memref<10240x128xf32, #tpu.memory_space<vmem_shared>>
    tpu.wait_indirect_dma semaphore(%arg16 : memref<!tpu.dma_semaphore, #tpu.memory_space<semaphore_mem>>) src(%arg10 : memref<64x128xf32, #tpu.memory_space<vmem>>) dst(%dma_wait3A_50 : memref<10240x128xf32, #tpu.memory_space<vmem_shared>>)
    %dma_wait3A_51 = arith.constant 79 : i32
    %dma_wait3A_52 = arith.constant 0 : i32
    %dma_wait3A_53 = tpu.memref_slice %arg8[%dma_wait3A_51, %dma_wait3A_52] : memref<80x64xi32, #tpu.memory_space<vmem>> -> memref<1x64xi32, #tpu.memory_space<vmem>>
    %dma_wait3A_54 = tpu.memref_squeeze %dma_wait3A_53 : memref<1x64xi32, #tpu.memory_space<vmem>> -> memref<64xi32, #tpu.memory_space<vmem>>
    %dma_wait3A_55 = arith.constant 0 : i32
    %dma_wait3A_56 = arith.constant 0 : i32
    %dma_wait3A_57 = tpu.memref_slice %arg6[%dma_wait3A_55, %dma_wait3A_56] : memref<10240x128xf32, #tpu.memory_space<vmem_shared>> -> memref<10240x128xf32, #tpu.memory_space<vmem_shared>>
    tpu.wait_indirect_dma semaphore(%arg17 : memref<!tpu.dma_semaphore, #tpu.memory_space<semaphore_mem>>) src(%arg11 : memref<64x128xf32, #tpu.memory_space<vmem>>) dst(%dma_wait3A_57 : memref<10240x128xf32, #tpu.memory_space<vmem_shared>>)
    %mul3A_58 = arith.constant 160 : i32
    %mul3A_59 = arith.muli %arg1, %mul3A_58 : i32
    %add3A_60 = arith.constant 80 : i32
    %add3A_61 = arith.addi %mul3A_59, %add3A_60 : i32
    "tpu.region"() ({
      %run_scoped3A = tpu.sem_alloc : memref<!tpu.dma_semaphore, #tpu.memory_space<semaphore_mem>>
      %dma_start3A = arith.constant 0 : i32
      %dma_start3A_105 = tpu.memref_slice %arg3[%add3A_61, %dma_start3A] : memref<2560x64xi32, #tpu.memory_space<hbm>> -> memref<80x64xi32, #tpu.memory_space<hbm>>
      %dma_start3A_106 = arith.constant 0 : i32
      %dma_start3A_107 = tpu.memref_slice %arg3[%add3A_61, %dma_start3A_106] : memref<2560x64xi32, #tpu.memory_space<hbm>> -> memref<80x64xi32, #tpu.memory_space<hbm>>
      tpu.enqueue_dma source(%dma_start3A_107 : memref<80x64xi32, #tpu.memory_space<hbm>>) target(%arg7 : memref<80x64xi32, #tpu.memory_space<vmem>>) target_semaphore(%run_scoped3A : memref<!tpu.dma_semaphore, #tpu.memory_space<semaphore_mem>>)
      %dma_wait3A_108 = arith.constant 0 : i32
      %dma_wait3A_109 = tpu.memref_slice %arg3[%add3A_61, %dma_wait3A_108] : memref<2560x64xi32, #tpu.memory_space<hbm>> -> memref<80x64xi32, #tpu.memory_space<hbm>>
      %dma_wait3A_110 = arith.constant 0 : i32
      %dma_wait3A_111 = tpu.memref_slice %arg3[%add3A_61, %dma_wait3A_110] : memref<2560x64xi32, #tpu.memory_space<hbm>> -> memref<80x64xi32, #tpu.memory_space<hbm>>
      tpu.wait_dma2 semaphore(%run_scoped3A : memref<!tpu.dma_semaphore, #tpu.memory_space<semaphore_mem>>) src(%dma_wait3A_111 : memref<80x64xi32, #tpu.memory_space<hbm>>) dst(%arg7 : memref<80x64xi32, #tpu.memory_space<vmem>>)
      tpu.yield
    }) : () -> ()
    "tpu.region"() ({
      %run_scoped3A = tpu.sem_alloc : memref<!tpu.dma_semaphore, #tpu.memory_space<semaphore_mem>>
      %dma_start3A = arith.constant 0 : i32
      %dma_start3A_105 = tpu.memref_slice %arg4[%add3A_61, %dma_start3A] : memref<2560x64xi32, #tpu.memory_space<hbm>> -> memref<80x64xi32, #tpu.memory_space<hbm>>
      %dma_start3A_106 = arith.constant 0 : i32
      %dma_start3A_107 = tpu.memref_slice %arg4[%add3A_61, %dma_start3A_106] : memref<2560x64xi32, #tpu.memory_space<hbm>> -> memref<80x64xi32, #tpu.memory_space<hbm>>
      tpu.enqueue_dma source(%dma_start3A_107 : memref<80x64xi32, #tpu.memory_space<hbm>>) target(%arg8 : memref<80x64xi32, #tpu.memory_space<vmem>>) target_semaphore(%run_scoped3A : memref<!tpu.dma_semaphore, #tpu.memory_space<semaphore_mem>>)
      %dma_wait3A_108 = arith.constant 0 : i32
      %dma_wait3A_109 = tpu.memref_slice %arg4[%add3A_61, %dma_wait3A_108] : memref<2560x64xi32, #tpu.memory_space<hbm>> -> memref<80x64xi32, #tpu.memory_space<hbm>>
      %dma_wait3A_110 = arith.constant 0 : i32
      %dma_wait3A_111 = tpu.memref_slice %arg4[%add3A_61, %dma_wait3A_110] : memref<2560x64xi32, #tpu.memory_space<hbm>> -> memref<80x64xi32, #tpu.memory_space<hbm>>
      tpu.wait_dma2 semaphore(%run_scoped3A : memref<!tpu.dma_semaphore, #tpu.memory_space<semaphore_mem>>) src(%dma_wait3A_111 : memref<80x64xi32, #tpu.memory_space<hbm>>) dst(%arg8 : memref<80x64xi32, #tpu.memory_space<vmem>>)
      tpu.yield
    }) : () -> ()
    %scan3A_62 = arith.constant 0 : i32
    %scan3A_63 = arith.constant 0 : i32
    %scan3A_64 = arith.constant 80 : i32
    %scan3A_65 = arith.addi %scan3A_63, %scan3A_64 : i32
    %scan3A_66 = arith.constant 1 : i32
    %scan3A_67 = scf.for %scan3A_105 = %scan3A_63 to %scan3A_65 step %scan3A_66 iter_args(%scan3A_106 = %scan3A_62) -> (i32)  : i32 {
      %scan3A_107 = arith.constant 0 : i32
      %scan3A_108 = arith.constant 0 : i32
      %scan3A_109 = arith.constant 4 : i32
      %scan3A_110 = arith.addi %scan3A_108, %scan3A_109 : i32
      %scan3A_111 = arith.constant 1 : i32
      %scan3A_112 = scf.for %scan3A_115 = %scan3A_108 to %scan3A_110 step %scan3A_111 iter_args(%scan3A_116 = %scan3A_107) -> (i32)  : i32 {
        %mul3A_117 = arith.constant 16 : i32
        %mul3A_118 = arith.muli %scan3A_115, %mul3A_117 : i32
        %get3A = arith.constant 0 : i32
        %get3A_119 = tpu.memref_slice %arg7[%scan3A_105, %get3A] : memref<80x64xi32, #tpu.memory_space<vmem>> -> memref<1x64xi32, #tpu.memory_space<vmem>>
        %get3A_120 = tpu.memref_squeeze %get3A_119 : memref<1x64xi32, #tpu.memory_space<vmem>> -> memref<64xi32, #tpu.memory_space<vmem>>
        %get3A_121 = arith.index_cast %mul3A_118 : i32 to index
        %get3A_122 = tpu.vector_load %get3A_120[%get3A_121] {strides = array<i32>} : memref<64xi32, #tpu.memory_space<vmem>>, vector<16xi32>,
        %add3A_123 = vector.broadcast %mul3A_20 : i32 to vector<16xi32>
        %add3A_124 = arith.addi %get3A_122, %add3A_123 : vector<16xi32>
        %swap3A = arith.constant 0 : i32
        %swap3A_125 = tpu.memref_slice %arg7[%scan3A_105, %swap3A] : memref<80x64xi32, #tpu.memory_space<vmem>> -> memref<1x64xi32, #tpu.memory_space<vmem>>
        %swap3A_126 = tpu.memref_squeeze %swap3A_125 : memref<1x64xi32, #tpu.memory_space<vmem>> -> memref<64xi32, #tpu.memory_space<vmem>>
        %swap3A_127 = arith.index_cast %mul3A_118 : i32 to index
        %swap3A_128 = tpu.vector_load %swap3A_126[%swap3A_127] {strides = array<i32>} : memref<64xi32, #tpu.memory_space<vmem>>, vector<16xi32>,
        tpu.vector_store %swap3A_126[%swap3A_127], %add3A_124 {strides = array<i32>} : memref<64xi32, #tpu.memory_space<vmem>>, vector<16xi32>,
        %scan3A_129 = arith.constant 0 : i32
        scf.yield %scan3A_129 : i32
      }
      %scan3A_113 = arith.constant 4 : i32
      %scan3A_114 = arith.constant 0 : i32
      scf.yield %scan3A_114 : i32
    }
    %scan3A_68 = arith.constant 80 : i32
    %scan3A_69 = arith.constant 0 : i32
    %scan3A_70 = arith.constant 0 : i32
    %scan3A_71 = arith.constant 27 : i32
    %scan3A_72 = arith.addi %scan3A_70, %scan3A_71 : i32
    %scan3A_73 = arith.constant 1 : i32
    %scan3A_74 = scf.for %scan3A_105 = %scan3A_70 to %scan3A_72 step %scan3A_73 iter_args(%scan3A_106 = %scan3A_69) -> (i32)  : i32 {
      %mul3A_107 = arith.constant 3 : i32
      %mul3A_108 = arith.muli %mul3A_107, %scan3A_105 : i32
      %add3A_109 = arith.constant 0 : i32
      %add3A_110 = arith.addi %mul3A_108, %add3A_109 : i32
      %lt3A = arith.constant 80 : i32
      %lt3A_111 = arith.cmpi slt, %add3A_110, %lt3A : i32
      %convert_element_type3A = arith.extui %lt3A_111 : i1 to i32
      %cond3A = arith.constant 0 : i32
      %cond3A_112 = arith.cmpi ne, %convert_element_type3A, %cond3A : i32
      scf.if %cond3A_112 {
        %ge3A_154 = arith.constant 3 : i32
        %ge3A_155 = arith.cmpi sge, %add3A_110, %ge3A_154 : i32
        %convert_element_type3A_156 = arith.extui %ge3A_155 : i1 to i32
        %cond3A_157 = arith.constant 0 : i32
        %cond3A_158 = arith.cmpi ne, %convert_element_type3A_156, %cond3A_157 : i32
        scf.if %cond3A_158 {
          %dma_wait3A_164 = arith.constant 0 : i32
          %dma_wait3A_165 = tpu.memref_slice %arg8[%add3A_110, %dma_wait3A_164] : memref<80x64xi32, #tpu.memory_space<vmem>> -> memref<1x64xi32, #tpu.memory_space<vmem>>
          %dma_wait3A_166 = tpu.memref_squeeze %dma_wait3A_165 : memref<1x64xi32, #tpu.memory_space<vmem>> -> memref<64xi32, #tpu.memory_space<vmem>>
          %dma_wait3A_167 = arith.constant 0 : i32
          %dma_wait3A_168 = arith.constant 0 : i32
          %dma_wait3A_169 = tpu.memref_slice %arg6[%dma_wait3A_167, %dma_wait3A_168] : memref<10240x128xf32, #tpu.memory_space<vmem_shared>> -> memref<10240x128xf32, #tpu.memory_space<vmem_shared>>
          tpu.wait_indirect_dma semaphore(%arg15 : memref<!tpu.dma_semaphore, #tpu.memory_space<semaphore_mem>>) src(%arg9 : memref<64x128xf32, #tpu.memory_space<vmem>>) dst(%dma_wait3A_169 : memref<10240x128xf32, #tpu.memory_space<vmem_shared>>)
        } else {
        }
        %dma_start3A = arith.constant 0 : i32
        %dma_start3A_159 = tpu.memref_slice %arg7[%add3A_110, %dma_start3A] : memref<80x64xi32, #tpu.memory_space<vmem>> -> memref<1x64xi32, #tpu.memory_space<vmem>>
        %dma_start3A_160 = tpu.memref_squeeze %dma_start3A_159 : memref<1x64xi32, #tpu.memory_space<vmem>> -> memref<64xi32, #tpu.memory_space<vmem>>
        %dma_start3A_161 = arith.constant 0 : i32
        %dma_start3A_162 = arith.constant 0 : i32
        %dma_start3A_163 = tpu.memref_slice %arg2[%dma_start3A_161, %dma_start3A_162] : memref<20480x128xf32, #tpu.memory_space<hbm>> -> memref<20480x128xf32, #tpu.memory_space<hbm>>
        tpu.enqueue_indirect_dma source(%dma_start3A_163 : memref<20480x128xf32, #tpu.memory_space<hbm>>) target(%arg9 : memref<64x128xf32, #tpu.memory_space<vmem>>) offsets(%dma_start3A_160 : memref<64xi32, #tpu.memory_space<vmem>>) semaphore(%arg12 : memref<!tpu.dma_semaphore, #tpu.memory_space<semaphore_mem>>)
      } else {
      }
      %ge3A = arith.constant 1 : i32
      %ge3A_113 = arith.cmpi sge, %add3A_110, %ge3A : i32
      %lt3A_114 = arith.constant 81 : i32
      %lt3A_115 = arith.cmpi slt, %add3A_110, %lt3A_114 : i32
      %and3A = arith.andi %ge3A_113, %lt3A_115 : i1
      %convert_element_type3A_116 = arith.extui %and3A : i1 to i32
      %cond3A_117 = arith.constant 0 : i32
      %cond3A_118 = arith.cmpi ne, %convert_element_type3A_116, %cond3A_117 : i32
      scf.if %cond3A_118 {
        %sub3A = arith.constant 1 : i32
        %sub3A_154 = arith.subi %add3A_110, %sub3A : i32
        %max3A = arith.constant 0 : i32
        %max3A_155 = arith.maxsi %sub3A_154, %max3A : i32
        %dma_wait3A_156 = arith.constant 0 : i32
        %dma_wait3A_157 = tpu.memref_slice %arg7[%max3A_155, %dma_wait3A_156] : memref<80x64xi32, #tpu.memory_space<vmem>> -> memref<1x64xi32, #tpu.memory_space<vmem>>
        %dma_wait3A_158 = tpu.memref_squeeze %dma_wait3A_157 : memref<1x64xi32, #tpu.memory_space<vmem>> -> memref<64xi32, #tpu.memory_space<vmem>>
        %dma_wait3A_159 = arith.constant 0 : i32
        %dma_wait3A_160 = arith.constant 0 : i32
        %dma_wait3A_161 = tpu.memref_slice %arg2[%dma_wait3A_159, %dma_wait3A_160] : memref<20480x128xf32, #tpu.memory_space<hbm>> -> memref<20480x128xf32, #tpu.memory_space<hbm>>
        tpu.wait_indirect_dma semaphore(%arg14 : memref<!tpu.dma_semaphore, #tpu.memory_space<semaphore_mem>>) src(%dma_wait3A_161 : memref<20480x128xf32, #tpu.memory_space<hbm>>) dst(%arg11 : memref<64x128xf32, #tpu.memory_space<vmem>>)
        %sub3A_162 = arith.constant 1 : i32
        %sub3A_163 = arith.subi %add3A_110, %sub3A_162 : i32
        %max3A_164 = arith.constant 0 : i32
        %max3A_165 = arith.maxsi %sub3A_163, %max3A_164 : i32
        %dma_start3A = arith.constant 0 : i32
        %dma_start3A_166 = tpu.memref_slice %arg8[%max3A_165, %dma_start3A] : memref<80x64xi32, #tpu.memory_space<vmem>> -> memref<1x64xi32, #tpu.memory_space<vmem>>
        %dma_start3A_167 = tpu.memref_squeeze %dma_start3A_166 : memref<1x64xi32, #tpu.memory_space<vmem>> -> memref<64xi32, #tpu.memory_space<vmem>>
        %dma_start3A_168 = arith.constant 0 : i32
        %dma_start3A_169 = arith.constant 0 : i32
        %dma_start3A_170 = tpu.memref_slice %arg6[%dma_start3A_168, %dma_start3A_169] : memref<10240x128xf32, #tpu.memory_space<vmem_shared>> -> memref<10240x128xf32, #tpu.memory_space<vmem_shared>>
        tpu.enqueue_indirect_dma source(%arg11 : memref<64x128xf32, #tpu.memory_space<vmem>>) target(%dma_start3A_170 : memref<10240x128xf32, #tpu.memory_space<vmem_shared>>) offsets(%dma_start3A_167 : memref<64xi32, #tpu.memory_space<vmem>>) semaphore(%arg17 : memref<!tpu.dma_semaphore, #tpu.memory_space<semaphore_mem>>) {add = true}
      } else {
      }
      %mul3A_119 = arith.constant 3 : i32
      %mul3A_120 = arith.muli %mul3A_119, %scan3A_105 : i32
      %add3A_121 = arith.constant 1 : i32
      %add3A_122 = arith.addi %mul3A_120, %add3A_121 : i32
      %lt3A_123 = arith.constant 80 : i32
      %lt3A_124 = arith.cmpi slt, %add3A_122, %lt3A_123 : i32
      %convert_element_type3A_125 = arith.extui %lt3A_124 : i1 to i32
      %cond3A_126 = arith.constant 0 : i32
      %cond3A_127 = arith.cmpi ne, %convert_element_type3A_125, %cond3A_126 : i32
      scf.if %cond3A_127 {
        %ge3A_154 = arith.constant 3 : i32
        %ge3A_155 = arith.cmpi sge, %add3A_122, %ge3A_154 : i32
        %convert_element_type3A_156 = arith.extui %ge3A_155 : i1 to i32
        %cond3A_157 = arith.constant 0 : i32
        %cond3A_158 = arith.cmpi ne, %convert_element_type3A_156, %cond3A_157 : i32
        scf.if %cond3A_158 {
          %dma_wait3A_164 = arith.constant 0 : i32
          %dma_wait3A_165 = tpu.memref_slice %arg8[%add3A_122, %dma_wait3A_164] : memref<80x64xi32, #tpu.memory_space<vmem>> -> memref<1x64xi32, #tpu.memory_space<vmem>>
          %dma_wait3A_166 = tpu.memref_squeeze %dma_wait3A_165 : memref<1x64xi32, #tpu.memory_space<vmem>> -> memref<64xi32, #tpu.memory_space<vmem>>
          %dma_wait3A_167 = arith.constant 0 : i32
          %dma_wait3A_168 = arith.constant 0 : i32
          %dma_wait3A_169 = tpu.memref_slice %arg6[%dma_wait3A_167, %dma_wait3A_168] : memref<10240x128xf32, #tpu.memory_space<vmem_shared>> -> memref<10240x128xf32, #tpu.memory_space<vmem_shared>>
          tpu.wait_indirect_dma semaphore(%arg16 : memref<!tpu.dma_semaphore, #tpu.memory_space<semaphore_mem>>) src(%arg10 : memref<64x128xf32, #tpu.memory_space<vmem>>) dst(%dma_wait3A_169 : memref<10240x128xf32, #tpu.memory_space<vmem_shared>>)
        } else {
        }
        %dma_start3A = arith.constant 0 : i32
        %dma_start3A_159 = tpu.memref_slice %arg7[%add3A_122, %dma_start3A] : memref<80x64xi32, #tpu.memory_space<vmem>> -> memref<1x64xi32, #tpu.memory_space<vmem>>
        %dma_start3A_160 = tpu.memref_squeeze %dma_start3A_159 : memref<1x64xi32, #tpu.memory_space<vmem>> -> memref<64xi32, #tpu.memory_space<vmem>>
        %dma_start3A_161 = arith.constant 0 : i32
        %dma_start3A_162 = arith.constant 0 : i32
        %dma_start3A_163 = tpu.memref_slice %arg2[%dma_start3A_161, %dma_start3A_162] : memref<20480x128xf32, #tpu.memory_space<hbm>> -> memref<20480x128xf32, #tpu.memory_space<hbm>>
        tpu.enqueue_indirect_dma source(%dma_start3A_163 : memref<20480x128xf32, #tpu.memory_space<hbm>>) target(%arg10 : memref<64x128xf32, #tpu.memory_space<vmem>>) offsets(%dma_start3A_160 : memref<64xi32, #tpu.memory_space<vmem>>) semaphore(%arg13 : memref<!tpu.dma_semaphore, #tpu.memory_space<semaphore_mem>>)
      } else {
      }
      %ge3A_128 = arith.constant 1 : i32
      %ge3A_129 = arith.cmpi sge, %add3A_122, %ge3A_128 : i32
      %lt3A_130 = arith.constant 81 : i32
      %lt3A_131 = arith.cmpi slt, %add3A_122, %lt3A_130 : i32
      %and3A_132 = arith.andi %ge3A_129, %lt3A_131 : i1
      %convert_element_type3A_133 = arith.extui %and3A_132 : i1 to i32
      %cond3A_134 = arith.constant 0 : i32
      %cond3A_135 = arith.cmpi ne, %convert_element_type3A_133, %cond3A_134 : i32
      scf.if %cond3A_135 {
        %sub3A = arith.constant 1 : i32
        %sub3A_154 = arith.subi %add3A_122, %sub3A : i32
        %max3A = arith.constant 0 : i32
        %max3A_155 = arith.maxsi %sub3A_154, %max3A : i32
        %dma_wait3A_156 = arith.constant 0 : i32
        %dma_wait3A_157 = tpu.memref_slice %arg7[%max3A_155, %dma_wait3A_156] : memref<80x64xi32, #tpu.memory_space<vmem>> -> memref<1x64xi32, #tpu.memory_space<vmem>>
        %dma_wait3A_158 = tpu.memref_squeeze %dma_wait3A_157 : memref<1x64xi32, #tpu.memory_space<vmem>> -> memref<64xi32, #tpu.memory_space<vmem>>
        %dma_wait3A_159 = arith.constant 0 : i32
        %dma_wait3A_160 = arith.constant 0 : i32
        %dma_wait3A_161 = tpu.memref_slice %arg2[%dma_wait3A_159, %dma_wait3A_160] : memref<20480x128xf32, #tpu.memory_space<hbm>> -> memref<20480x128xf32, #tpu.memory_space<hbm>>
        tpu.wait_indirect_dma semaphore(%arg12 : memref<!tpu.dma_semaphore, #tpu.memory_space<semaphore_mem>>) src(%dma_wait3A_161 : memref<20480x128xf32, #tpu.memory_space<hbm>>) dst(%arg9 : memref<64x128xf32, #tpu.memory_space<vmem>>)
        %sub3A_162 = arith.constant 1 : i32
        %sub3A_163 = arith.subi %add3A_122, %sub3A_162 : i32
        %max3A_164 = arith.constant 0 : i32
        %max3A_165 = arith.maxsi %sub3A_163, %max3A_164 : i32
        %dma_start3A = arith.constant 0 : i32
        %dma_start3A_166 = tpu.memref_slice %arg8[%max3A_165, %dma_start3A] : memref<80x64xi32, #tpu.memory_space<vmem>> -> memref<1x64xi32, #tpu.memory_space<vmem>>
        %dma_start3A_167 = tpu.memref_squeeze %dma_start3A_166 : memref<1x64xi32, #tpu.memory_space<vmem>> -> memref<64xi32, #tpu.memory_space<vmem>>
        %dma_start3A_168 = arith.constant 0 : i32
        %dma_start3A_169 = arith.constant 0 : i32
        %dma_start3A_170 = tpu.memref_slice %arg6[%dma_start3A_168, %dma_start3A_169] : memref<10240x128xf32, #tpu.memory_space<vmem_shared>> -> memref<10240x128xf32, #tpu.memory_space<vmem_shared>>
        tpu.enqueue_indirect_dma source(%arg9 : memref<64x128xf32, #tpu.memory_space<vmem>>) target(%dma_start3A_170 : memref<10240x128xf32, #tpu.memory_space<vmem_shared>>) offsets(%dma_start3A_167 : memref<64xi32, #tpu.memory_space<vmem>>) semaphore(%arg15 : memref<!tpu.dma_semaphore, #tpu.memory_space<semaphore_mem>>) {add = true}
      } else {
      }
      %mul3A_136 = arith.constant 3 : i32
      %mul3A_137 = arith.muli %mul3A_136, %scan3A_105 : i32
      %add3A_138 = arith.constant 2 : i32
      %add3A_139 = arith.addi %mul3A_137, %add3A_138 : i32
      %lt3A_140 = arith.constant 80 : i32
      %lt3A_141 = arith.cmpi slt, %add3A_139, %lt3A_140 : i32
      %convert_element_type3A_142 = arith.extui %lt3A_141 : i1 to i32
      %cond3A_143 = arith.constant 0 : i32
      %cond3A_144 = arith.cmpi ne, %convert_element_type3A_142, %cond3A_143 : i32
      scf.if %cond3A_144 {
        %ge3A_154 = arith.constant 3 : i32
        %ge3A_155 = arith.cmpi sge, %add3A_139, %ge3A_154 : i32
        %convert_element_type3A_156 = arith.extui %ge3A_155 : i1 to i32
        %cond3A_157 = arith.constant 0 : i32
        %cond3A_158 = arith.cmpi ne, %convert_element_type3A_156, %cond3A_157 : i32
        scf.if %cond3A_158 {
          %dma_wait3A_164 = arith.constant 0 : i32
          %dma_wait3A_165 = tpu.memref_slice %arg8[%add3A_139, %dma_wait3A_164] : memref<80x64xi32, #tpu.memory_space<vmem>> -> memref<1x64xi32, #tpu.memory_space<vmem>>
          %dma_wait3A_166 = tpu.memref_squeeze %dma_wait3A_165 : memref<1x64xi32, #tpu.memory_space<vmem>> -> memref<64xi32, #tpu.memory_space<vmem>>
          %dma_wait3A_167 = arith.constant 0 : i32
          %dma_wait3A_168 = arith.constant 0 : i32
          %dma_wait3A_169 = tpu.memref_slice %arg6[%dma_wait3A_167, %dma_wait3A_168] : memref<10240x128xf32, #tpu.memory_space<vmem_shared>> -> memref<10240x128xf32, #tpu.memory_space<vmem_shared>>
          tpu.wait_indirect_dma semaphore(%arg17 : memref<!tpu.dma_semaphore, #tpu.memory_space<semaphore_mem>>) src(%arg11 : memref<64x128xf32, #tpu.memory_space<vmem>>) dst(%dma_wait3A_169 : memref<10240x128xf32, #tpu.memory_space<vmem_shared>>)
        } else {
        }
        %dma_start3A = arith.constant 0 : i32
        %dma_start3A_159 = tpu.memref_slice %arg7[%add3A_139, %dma_start3A] : memref<80x64xi32, #tpu.memory_space<vmem>> -> memref<1x64xi32, #tpu.memory_space<vmem>>
        %dma_start3A_160 = tpu.memref_squeeze %dma_start3A_159 : memref<1x64xi32, #tpu.memory_space<vmem>> -> memref<64xi32, #tpu.memory_space<vmem>>
        %dma_start3A_161 = arith.constant 0 : i32
        %dma_start3A_162 = arith.constant 0 : i32
        %dma_start3A_163 = tpu.memref_slice %arg2[%dma_start3A_161, %dma_start3A_162] : memref<20480x128xf32, #tpu.memory_space<hbm>> -> memref<20480x128xf32, #tpu.memory_space<hbm>>
        tpu.enqueue_indirect_dma source(%dma_start3A_163 : memref<20480x128xf32, #tpu.memory_space<hbm>>) target(%arg11 : memref<64x128xf32, #tpu.memory_space<vmem>>) offsets(%dma_start3A_160 : memref<64xi32, #tpu.memory_space<vmem>>) semaphore(%arg14 : memref<!tpu.dma_semaphore, #tpu.memory_space<semaphore_mem>>)
      } else {
      }
      %ge3A_145 = arith.constant 1 : i32
      %ge3A_146 = arith.cmpi sge, %add3A_139, %ge3A_145 : i32
      %lt3A_147 = arith.constant 81 : i32
      %lt3A_148 = arith.cmpi slt, %add3A_139, %lt3A_147 : i32
      %and3A_149 = arith.andi %ge3A_146, %lt3A_148 : i1
      %convert_element_type3A_150 = arith.extui %and3A_149 : i1 to i32
      %cond3A_151 = arith.constant 0 : i32
      %cond3A_152 = arith.cmpi ne, %convert_element_type3A_150, %cond3A_151 : i32
      scf.if %cond3A_152 {
        %sub3A = arith.constant 1 : i32
        %sub3A_154 = arith.subi %add3A_139, %sub3A : i32
        %max3A = arith.constant 0 : i32
        %max3A_155 = arith.maxsi %sub3A_154, %max3A : i32
        %dma_wait3A_156 = arith.constant 0 : i32
        %dma_wait3A_157 = tpu.memref_slice %arg7[%max3A_155, %dma_wait3A_156] : memref<80x64xi32, #tpu.memory_space<vmem>> -> memref<1x64xi32, #tpu.memory_space<vmem>>
        %dma_wait3A_158 = tpu.memref_squeeze %dma_wait3A_157 : memref<1x64xi32, #tpu.memory_space<vmem>> -> memref<64xi32, #tpu.memory_space<vmem>>
        %dma_wait3A_159 = arith.constant 0 : i32
        %dma_wait3A_160 = arith.constant 0 : i32
        %dma_wait3A_161 = tpu.memref_slice %arg2[%dma_wait3A_159, %dma_wait3A_160] : memref<20480x128xf32, #tpu.memory_space<hbm>> -> memref<20480x128xf32, #tpu.memory_space<hbm>>
        tpu.wait_indirect_dma semaphore(%arg13 : memref<!tpu.dma_semaphore, #tpu.memory_space<semaphore_mem>>) src(%dma_wait3A_161 : memref<20480x128xf32, #tpu.memory_space<hbm>>) dst(%arg10 : memref<64x128xf32, #tpu.memory_space<vmem>>)
        %sub3A_162 = arith.constant 1 : i32
        %sub3A_163 = arith.subi %add3A_139, %sub3A_162 : i32
        %max3A_164 = arith.constant 0 : i32
        %max3A_165 = arith.maxsi %sub3A_163, %max3A_164 : i32
        %dma_start3A = arith.constant 0 : i32
        %dma_start3A_166 = tpu.memref_slice %arg8[%max3A_165, %dma_start3A] : memref<80x64xi32, #tpu.memory_space<vmem>> -> memref<1x64xi32, #tpu.memory_space<vmem>>
        %dma_start3A_167 = tpu.memref_squeeze %dma_start3A_166 : memref<1x64xi32, #tpu.memory_space<vmem>> -> memref<64xi32, #tpu.memory_space<vmem>>
        %dma_start3A_168 = arith.constant 0 : i32
        %dma_start3A_169 = arith.constant 0 : i32
        %dma_start3A_170 = tpu.memref_slice %arg6[%dma_start3A_168, %dma_start3A_169] : memref<10240x128xf32, #tpu.memory_space<vmem_shared>> -> memref<10240x128xf32, #tpu.memory_space<vmem_shared>>
        tpu.enqueue_indirect_dma source(%arg10 : memref<64x128xf32, #tpu.memory_space<vmem>>) target(%dma_start3A_170 : memref<10240x128xf32, #tpu.memory_space<vmem_shared>>) offsets(%dma_start3A_167 : memref<64xi32, #tpu.memory_space<vmem>>) semaphore(%arg16 : memref<!tpu.dma_semaphore, #tpu.memory_space<semaphore_mem>>) {add = true}
      } else {
      }
      %scan3A_153 = arith.constant 0 : i32
      scf.yield %scan3A_153 : i32
    }
    %scan3A_75 = arith.constant 27 : i32
    %dma_wait3A_76 = arith.constant 77 : i32
    %dma_wait3A_77 = arith.constant 0 : i32
    %dma_wait3A_78 = tpu.memref_slice %arg8[%dma_wait3A_76, %dma_wait3A_77] : memref<80x64xi32, #tpu.memory_space<vmem>> -> memref<1x64xi32, #tpu.memory_space<vmem>>
    %dma_wait3A_79 = tpu.memref_squeeze %dma_wait3A_78 : memref<1x64xi32, #tpu.memory_space<vmem>> -> memref<64xi32, #tpu.memory_space<vmem>>
    %dma_wait3A_80 = arith.constant 0 : i32
    %dma_wait3A_81 = arith.constant 0 : i32
    %dma_wait3A_82 = tpu.memref_slice %arg6[%dma_wait3A_80, %dma_wait3A_81] : memref<10240x128xf32, #tpu.memory_space<vmem_shared>> -> memref<10240x128xf32, #tpu.memory_space<vmem_shared>>
    tpu.wait_indirect_dma semaphore(%arg15 : memref<!tpu.dma_semaphore, #tpu.memory_space<semaphore_mem>>) src(%arg9 : memref<64x128xf32, #tpu.memory_space<vmem>>) dst(%dma_wait3A_82 : memref<10240x128xf32, #tpu.memory_space<vmem_shared>>)
    %dma_wait3A_83 = arith.constant 78 : i32
    %dma_wait3A_84 = arith.constant 0 : i32
    %dma_wait3A_85 = tpu.memref_slice %arg8[%dma_wait3A_83, %dma_wait3A_84] : memref<80x64xi32, #tpu.memory_space<vmem>> -> memref<1x64xi32, #tpu.memory_space<vmem>>
    %dma_wait3A_86 = tpu.memref_squeeze %dma_wait3A_85 : memref<1x64xi32, #tpu.memory_space<vmem>> -> memref<64xi32, #tpu.memory_space<vmem>>
    %dma_wait3A_87 = arith.constant 0 : i32
    %dma_wait3A_88 = arith.constant 0 : i32
    %dma_wait3A_89 = tpu.memref_slice %arg6[%dma_wait3A_87, %dma_wait3A_88] : memref<10240x128xf32, #tpu.memory_space<vmem_shared>> -> memref<10240x128xf32, #tpu.memory_space<vmem_shared>>
    tpu.wait_indirect_dma semaphore(%arg16 : memref<!tpu.dma_semaphore, #tpu.memory_space<semaphore_mem>>) src(%arg10 : memref<64x128xf32, #tpu.memory_space<vmem>>) dst(%dma_wait3A_89 : memref<10240x128xf32, #tpu.memory_space<vmem_shared>>)
    %dma_wait3A_90 = arith.constant 79 : i32
    %dma_wait3A_91 = arith.constant 0 : i32
    %dma_wait3A_92 = tpu.memref_slice %arg8[%dma_wait3A_90, %dma_wait3A_91] : memref<80x64xi32, #tpu.memory_space<vmem>> -> memref<1x64xi32, #tpu.memory_space<vmem>>
    %dma_wait3A_93 = tpu.memref_squeeze %dma_wait3A_92 : memref<1x64xi32, #tpu.memory_space<vmem>> -> memref<64xi32, #tpu.memory_space<vmem>>
    %dma_wait3A_94 = arith.constant 0 : i32
    %dma_wait3A_95 = arith.constant 0 : i32
    %dma_wait3A_96 = tpu.memref_slice %arg6[%dma_wait3A_94, %dma_wait3A_95] : memref<10240x128xf32, #tpu.memory_space<vmem_shared>> -> memref<10240x128xf32, #tpu.memory_space<vmem_shared>>
    tpu.wait_indirect_dma semaphore(%arg17 : memref<!tpu.dma_semaphore, #tpu.memory_space<semaphore_mem>>) src(%arg11 : memref<64x128xf32, #tpu.memory_space<vmem>>) dst(%dma_wait3A_96 : memref<10240x128xf32, #tpu.memory_space<vmem_shared>>)
    %barrier3A_97 = arith.constant 0 : index
    tpu.barrier barrier_id(%barrier3A_97)
    %mul3A_98 = arith.constant 640 : i32
    %mul3A_99 = arith.muli %arg1, %mul3A_98 : i32
    %mul3A_100 = arith.constant 10240 : i32
    %mul3A_101 = arith.muli %arg0, %mul3A_100 : i32
    %mul3A_102 = arith.constant 640 : i32
    %mul3A_103 = arith.muli %arg1, %mul3A_102 : i32
    %add3A_104 = arith.addi %mul3A_101, %mul3A_103 : i32
    "tpu.region"() ({
      %run_scoped3A = tpu.sem_alloc : memref<!tpu.dma_semaphore, #tpu.memory_space<semaphore_mem>>
      %dma_start3A = arith.constant 0 : i32
      %dma_start3A_105 = tpu.memref_slice %arg5[%add3A_104, %dma_start3A] : memref<20480x128xf32, #tpu.memory_space<hbm>> -> memref<640x128xf32, #tpu.memory_space<hbm>>
      %dma_start3A_106 = arith.constant 0 : i32
      %dma_start3A_107 = tpu.memref_slice %arg6[%mul3A_99, %dma_start3A_106] : memref<10240x128xf32, #tpu.memory_space<vmem_shared>> -> memref<640x128xf32, #tpu.memory_space<vmem_shared>>
      tpu.enqueue_dma source(%dma_start3A_107 : memref<640x128xf32, #tpu.memory_space<vmem_shared>>) target(%dma_start3A_105 : memref<640x128xf32, #tpu.memory_space<hbm>>) target_semaphore(%run_scoped3A : memref<!tpu.dma_semaphore, #tpu.memory_space<semaphore_mem>>)
      %dma_wait3A_108 = arith.constant 0 : i32
      %dma_wait3A_109 = tpu.memref_slice %arg5[%add3A_104, %dma_wait3A_108] : memref<20480x128xf32, #tpu.memory_space<hbm>> -> memref<640x128xf32, #tpu.memory_space<hbm>>
      %dma_wait3A_110 = arith.constant 0 : i32
      %dma_wait3A_111 = tpu.memref_slice %arg6[%mul3A_99, %dma_wait3A_110] : memref<10240x128xf32, #tpu.memory_space<vmem_shared>> -> memref<640x128xf32, #tpu.memory_space<vmem_shared>>
      tpu.wait_dma2 semaphore(%run_scoped3A : memref<!tpu.dma_semaphore, #tpu.memory_space<semaphore_mem>>) src(%dma_wait3A_111 : memref<640x128xf32, #tpu.memory_space<vmem_shared>>) dst(%dma_wait3A_109 : memref<640x128xf32, #tpu.memory_space<hbm>>)
      tpu.yield
    }) : () -> ()
    return
  }
}

module attributes {stable_mosaic.version = 14 : i64} {
  func.func @_dn_body(%arg0: i32, %arg1: memref<2x80x128xf32, #tpu.memory_space<vmem>>, %arg2: memref<80x128xf32, #tpu.memory_space<vmem>>, %arg3: memref<80x128xf32, #tpu.memory_space<vmem>>, %arg4: memref<80x128xf32, #tpu.memory_space<vmem>>) attributes {dimension_semantics = [#tpu.dimension_semantics<arbitrary>], iteration_bounds = array<i64: 1>, scalar_prefetch = 0 : i64, scratch_operands = 0 : i64, tpu.core_type = #tpu.core_type<tc>, window_params = [{pipeline_mode = #tpu.pipeline_mode<synchronous>, transform_indices = @transform_0, window_bounds = array<i64: 2, 80, 128>}, {pipeline_mode = #tpu.pipeline_mode<synchronous>, transform_indices = @transform_1, window_bounds = array<i64: 80, 128>}, {pipeline_mode = #tpu.pipeline_mode<synchronous>, transform_indices = @transform_2, window_bounds = array<i64: 80, 128>}, {pipeline_mode = #tpu.pipeline_mode<synchronous>, transform_indices = @transform_3, window_bounds = array<i64: 80, 128>}]} {
    %get3A = arith.constant 0 : index
    %get3A_0 = arith.constant 0 : index
    %get3A_1 = arith.constant 0 : index
    %get3A_2 = vector.load %arg1[%get3A, %get3A_0, %get3A_1] : memref<2x80x128xf32, #tpu.memory_space<vmem>>, vector<1x80x128xf32>
    %get3A_3 = vector.shape_cast %get3A_2 : vector<1x80x128xf32> to vector<80x128xf32>
    %get3A_4 = arith.constant 1 : index
    %get3A_5 = arith.constant 0 : index
    %get3A_6 = arith.constant 0 : index
    %get3A_7 = vector.load %arg1[%get3A_4, %get3A_5, %get3A_6] : memref<2x80x128xf32, #tpu.memory_space<vmem>>, vector<1x80x128xf32>
    %get3A_8 = vector.shape_cast %get3A_7 : vector<1x80x128xf32> to vector<80x128xf32>
    %add3A = arith.addf %get3A_3, %get3A_8 : vector<80x128xf32>
    %add3A_9 = arith.constant 1.000000e+00 : f32
    %add3A_10 = vector.broadcast %add3A_9 : f32 to vector<80x128xf32>
    %add3A_11 = arith.addf %add3A, %add3A_10 : vector<80x128xf32>
    %rsqrt3A = math.rsqrt %add3A_11 : vector<80x128xf32>
    %swap3A = arith.constant 0 : index
    %swap3A_12 = arith.constant 0 : index
    %swap3A_13 = vector.load %arg2[%swap3A, %swap3A_12] : memref<80x128xf32, #tpu.memory_space<vmem>>, vector<80x128xf32>
    tpu.vector_store %arg2[%swap3A, %swap3A_12], %rsqrt3A {strides = array<i32>} : memref<80x128xf32, #tpu.memory_space<vmem>>, vector<80x128xf32>,
    %mul3A = arith.mulf %add3A_11, %rsqrt3A : vector<80x128xf32>
    %swap3A_14 = arith.constant 0 : index
    %swap3A_15 = arith.constant 0 : index
    %swap3A_16 = vector.load %arg3[%swap3A_14, %swap3A_15] : memref<80x128xf32, #tpu.memory_space<vmem>>, vector<80x128xf32>
    tpu.vector_store %arg3[%swap3A_14, %swap3A_15], %mul3A {strides = array<i32>} : memref<80x128xf32, #tpu.memory_space<vmem>>, vector<80x128xf32>,
    %mul3A_17 = arith.mulf %rsqrt3A, %rsqrt3A : vector<80x128xf32>
    %swap3A_18 = arith.constant 0 : index
    %swap3A_19 = arith.constant 0 : index
    %swap3A_20 = vector.load %arg4[%swap3A_18, %swap3A_19] : memref<80x128xf32, #tpu.memory_space<vmem>>, vector<80x128xf32>
    tpu.vector_store %arg4[%swap3A_18, %swap3A_19], %mul3A_17 {strides = array<i32>} : memref<80x128xf32, #tpu.memory_space<vmem>>, vector<80x128xf32>,
    return
  }
  func.func @transform_0(%arg0: i32) -> (i32, i32, i32) {
    %c0_i32 = arith.constant 0 : i32
    %c0_i32_0 = arith.constant 0 : i32
    %c0_i32_1 = arith.constant 0 : i32
    %c0_i32_2 = arith.constant 0 : i32
    return %c0_i32, %c0_i32_0, %c0_i32_1 : i32, i32, i32
  }
  func.func @transform_1(%arg0: i32) -> (i32, i32) {
    %c0_i32 = arith.constant 0 : i32
    %c0_i32_0 = arith.constant 0 : i32
    %c0_i32_1 = arith.constant 0 : i32
    return %c0_i32, %c0_i32_0 : i32, i32
  }
  func.func @transform_2(%arg0: i32) -> (i32, i32) {
    %c0_i32 = arith.constant 0 : i32
    %c0_i32_0 = arith.constant 0 : i32
    %c0_i32_1 = arith.constant 0 : i32
    return %c0_i32, %c0_i32_0 : i32, i32
  }
  func.func @transform_3(%arg0: i32) -> (i32, i32) {
    %c0_i32 = arith.constant 0 : i32
    %c0_i32_0 = arith.constant 0 : i32
    %c0_i32_1 = arith.constant 0 : i32
    return %c0_i32, %c0_i32_0 : i32, i32
  }
}

module attributes {stable_mosaic.version = 14 : i64} {
  func.func @_a0_body(%arg0: i32, %arg1: memref<1024x9xi32, #tpu.memory_space<vmem>>, %arg2: memref<576x256xf32, #tpu.memory_space<vmem>>, %arg3: memref<256x256xf32, #tpu.memory_space<vmem>>, %arg4: memref<1024x1xf32, #tpu.memory_space<vmem>>, %arg5: memref<2x1024x128xf32, #tpu.memory_space<vmem>>) attributes {dimension_semantics = [#tpu.dimension_semantics<arbitrary>], iteration_bounds = array<i64: 10>, scalar_prefetch = 0 : i64, scratch_operands = 0 : i64, tpu.core_type = #tpu.core_type<tc>, window_params = [{transform_indices = @transform_0, window_bounds = array<i64: 1024, 9>}, {pipeline_mode = #tpu.pipeline_mode<synchronous>, transform_indices = @transform_1, window_bounds = array<i64: 576, 256>}, {pipeline_mode = #tpu.pipeline_mode<synchronous>, transform_indices = @transform_2, window_bounds = array<i64: 256, 256>}, {transform_indices = @transform_3, window_bounds = array<i64: 1024, 1>}, {transform_indices = @transform_4, window_bounds = array<i64: 2, 1024, 128>}]} {
    %get3A = arith.constant 0 : index
    %get3A_0 = arith.constant 0 : index
    %get3A_1 = vector.load %arg1[%get3A, %get3A_0] : memref<1024x9xi32, #tpu.memory_space<vmem>>, vector<1024x9xi32>
    %slice3A = vector.extract_strided_slice %get3A_1 {offsets = [0, 0], sizes = [1024, 1], strides = [1, 1]} : vector<1024x9xi32> to vector<1024x1xi32>
    %squeeze3A = vector.shape_cast %slice3A : vector<1024x1xi32> to vector<1024xi32>
    %broadcast_in_dim3A = vector.shape_cast %squeeze3A : vector<1024xi32> to vector<1024x1xi32>
    %iota3A = tpu.iota {dimensions = array<i32: 1>} : vector<1x64xi32>
    %eq3A = vector.broadcast %broadcast_in_dim3A : vector<1024x1xi32> to vector<1024x64xi32>
    %eq3A_2 = vector.broadcast %iota3A : vector<1x64xi32> to vector<1024x64xi32>
    %eq3A_3 = arith.cmpi eq, %eq3A, %eq3A_2 : vector<1024x64xi32>
    %convert_element_type3A = arith.extui %eq3A_3 : vector<1024x64xi1> to vector<1024x64xi32>
    %convert_element_type3A_4 = arith.sitofp %convert_element_type3A : vector<1024x64xi32> to vector<1024x64xf32>
    %slice3A_5 = vector.extract_strided_slice %get3A_1 {offsets = [0, 1], sizes = [1024, 1], strides = [1, 1]} : vector<1024x9xi32> to vector<1024x1xi32>
    %squeeze3A_6 = vector.shape_cast %slice3A_5 : vector<1024x1xi32> to vector<1024xi32>
    %broadcast_in_dim3A_7 = vector.shape_cast %squeeze3A_6 : vector<1024xi32> to vector<1024x1xi32>
    %iota3A_8 = tpu.iota {dimensions = array<i32: 1>} : vector<1x64xi32>
    %eq3A_9 = vector.broadcast %broadcast_in_dim3A_7 : vector<1024x1xi32> to vector<1024x64xi32>
    %eq3A_10 = vector.broadcast %iota3A_8 : vector<1x64xi32> to vector<1024x64xi32>
    %eq3A_11 = arith.cmpi eq, %eq3A_9, %eq3A_10 : vector<1024x64xi32>
    %convert_element_type3A_12 = arith.extui %eq3A_11 : vector<1024x64xi1> to vector<1024x64xi32>
    %convert_element_type3A_13 = arith.sitofp %convert_element_type3A_12 : vector<1024x64xi32> to vector<1024x64xf32>
    %slice3A_14 = vector.extract_strided_slice %get3A_1 {offsets = [0, 2], sizes = [1024, 1], strides = [1, 1]} : vector<1024x9xi32> to vector<1024x1xi32>
    %squeeze3A_15 = vector.shape_cast %slice3A_14 : vector<1024x1xi32> to vector<1024xi32>
    %broadcast_in_dim3A_16 = vector.shape_cast %squeeze3A_15 : vector<1024xi32> to vector<1024x1xi32>
    %iota3A_17 = tpu.iota {dimensions = array<i32: 1>} : vector<1x64xi32>
    %eq3A_18 = vector.broadcast %broadcast_in_dim3A_16 : vector<1024x1xi32> to vector<1024x64xi32>
    %eq3A_19 = vector.broadcast %iota3A_17 : vector<1x64xi32> to vector<1024x64xi32>
    %eq3A_20 = arith.cmpi eq, %eq3A_18, %eq3A_19 : vector<1024x64xi32>
    %convert_element_type3A_21 = arith.extui %eq3A_20 : vector<1024x64xi1> to vector<1024x64xi32>
    %convert_element_type3A_22 = arith.sitofp %convert_element_type3A_21 : vector<1024x64xi32> to vector<1024x64xf32>
    %slice3A_23 = vector.extract_strided_slice %get3A_1 {offsets = [0, 3], sizes = [1024, 1], strides = [1, 1]} : vector<1024x9xi32> to vector<1024x1xi32>
    %squeeze3A_24 = vector.shape_cast %slice3A_23 : vector<1024x1xi32> to vector<1024xi32>
    %broadcast_in_dim3A_25 = vector.shape_cast %squeeze3A_24 : vector<1024xi32> to vector<1024x1xi32>
    %iota3A_26 = tpu.iota {dimensions = array<i32: 1>} : vector<1x64xi32>
    %eq3A_27 = vector.broadcast %broadcast_in_dim3A_25 : vector<1024x1xi32> to vector<1024x64xi32>
    %eq3A_28 = vector.broadcast %iota3A_26 : vector<1x64xi32> to vector<1024x64xi32>
    %eq3A_29 = arith.cmpi eq, %eq3A_27, %eq3A_28 : vector<1024x64xi32>
    %convert_element_type3A_30 = arith.extui %eq3A_29 : vector<1024x64xi1> to vector<1024x64xi32>
    %convert_element_type3A_31 = arith.sitofp %convert_element_type3A_30 : vector<1024x64xi32> to vector<1024x64xf32>
    %slice3A_32 = vector.extract_strided_slice %get3A_1 {offsets = [0, 4], sizes = [1024, 1], strides = [1, 1]} : vector<1024x9xi32> to vector<1024x1xi32>
    %squeeze3A_33 = vector.shape_cast %slice3A_32 : vector<1024x1xi32> to vector<1024xi32>
    %broadcast_in_dim3A_34 = vector.shape_cast %squeeze3A_33 : vector<1024xi32> to vector<1024x1xi32>
    %iota3A_35 = tpu.iota {dimensions = array<i32: 1>} : vector<1x64xi32>
    %eq3A_36 = vector.broadcast %broadcast_in_dim3A_34 : vector<1024x1xi32> to vector<1024x64xi32>
    %eq3A_37 = vector.broadcast %iota3A_35 : vector<1x64xi32> to vector<1024x64xi32>
    %eq3A_38 = arith.cmpi eq, %eq3A_36, %eq3A_37 : vector<1024x64xi32>
    %convert_element_type3A_39 = arith.extui %eq3A_38 : vector<1024x64xi1> to vector<1024x64xi32>
    %convert_element_type3A_40 = arith.sitofp %convert_element_type3A_39 : vector<1024x64xi32> to vector<1024x64xf32>
    %slice3A_41 = vector.extract_strided_slice %get3A_1 {offsets = [0, 5], sizes = [1024, 1], strides = [1, 1]} : vector<1024x9xi32> to vector<1024x1xi32>
    %squeeze3A_42 = vector.shape_cast %slice3A_41 : vector<1024x1xi32> to vector<1024xi32>
    %broadcast_in_dim3A_43 = vector.shape_cast %squeeze3A_42 : vector<1024xi32> to vector<1024x1xi32>
    %iota3A_44 = tpu.iota {dimensions = array<i32: 1>} : vector<1x64xi32>
    %eq3A_45 = vector.broadcast %broadcast_in_dim3A_43 : vector<1024x1xi32> to vector<1024x64xi32>
    %eq3A_46 = vector.broadcast %iota3A_44 : vector<1x64xi32> to vector<1024x64xi32>
    %eq3A_47 = arith.cmpi eq, %eq3A_45, %eq3A_46 : vector<1024x64xi32>
    %convert_element_type3A_48 = arith.extui %eq3A_47 : vector<1024x64xi1> to vector<1024x64xi32>
    %convert_element_type3A_49 = arith.sitofp %convert_element_type3A_48 : vector<1024x64xi32> to vector<1024x64xf32>
    %slice3A_50 = vector.extract_strided_slice %get3A_1 {offsets = [0, 6], sizes = [1024, 1], strides = [1, 1]} : vector<1024x9xi32> to vector<1024x1xi32>
    %squeeze3A_51 = vector.shape_cast %slice3A_50 : vector<1024x1xi32> to vector<1024xi32>
    %broadcast_in_dim3A_52 = vector.shape_cast %squeeze3A_51 : vector<1024xi32> to vector<1024x1xi32>
    %iota3A_53 = tpu.iota {dimensions = array<i32: 1>} : vector<1x64xi32>
    %eq3A_54 = vector.broadcast %broadcast_in_dim3A_52 : vector<1024x1xi32> to vector<1024x64xi32>
    %eq3A_55 = vector.broadcast %iota3A_53 : vector<1x64xi32> to vector<1024x64xi32>
    %eq3A_56 = arith.cmpi eq, %eq3A_54, %eq3A_55 : vector<1024x64xi32>
    %convert_element_type3A_57 = arith.extui %eq3A_56 : vector<1024x64xi1> to vector<1024x64xi32>
    %convert_element_type3A_58 = arith.sitofp %convert_element_type3A_57 : vector<1024x64xi32> to vector<1024x64xf32>
    %slice3A_59 = vector.extract_strided_slice %get3A_1 {offsets = [0, 7], sizes = [1024, 1], strides = [1, 1]} : vector<1024x9xi32> to vector<1024x1xi32>
    %squeeze3A_60 = vector.shape_cast %slice3A_59 : vector<1024x1xi32> to vector<1024xi32>
    %broadcast_in_dim3A_61 = vector.shape_cast %squeeze3A_60 : vector<1024xi32> to vector<1024x1xi32>
    %iota3A_62 = tpu.iota {dimensions = array<i32: 1>} : vector<1x64xi32>
    %eq3A_63 = vector.broadcast %broadcast_in_dim3A_61 : vector<1024x1xi32> to vector<1024x64xi32>
    %eq3A_64 = vector.broadcast %iota3A_62 : vector<1x64xi32> to vector<1024x64xi32>
    %eq3A_65 = arith.cmpi eq, %eq3A_63, %eq3A_64 : vector<1024x64xi32>
    %convert_element_type3A_66 = arith.extui %eq3A_65 : vector<1024x64xi1> to vector<1024x64xi32>
    %convert_element_type3A_67 = arith.sitofp %convert_element_type3A_66 : vector<1024x64xi32> to vector<1024x64xf32>
    %slice3A_68 = vector.extract_strided_slice %get3A_1 {offsets = [0, 8], sizes = [1024, 1], strides = [1, 1]} : vector<1024x9xi32> to vector<1024x1xi32>
    %squeeze3A_69 = vector.shape_cast %slice3A_68 : vector<1024x1xi32> to vector<1024xi32>
    %broadcast_in_dim3A_70 = vector.shape_cast %squeeze3A_69 : vector<1024xi32> to vector<1024x1xi32>
    %iota3A_71 = tpu.iota {dimensions = array<i32: 1>} : vector<1x64xi32>
    %eq3A_72 = vector.broadcast %broadcast_in_dim3A_70 : vector<1024x1xi32> to vector<1024x64xi32>
    %eq3A_73 = vector.broadcast %iota3A_71 : vector<1x64xi32> to vector<1024x64xi32>
    %eq3A_74 = arith.cmpi eq, %eq3A_72, %eq3A_73 : vector<1024x64xi32>
    %convert_element_type3A_75 = arith.extui %eq3A_74 : vector<1024x64xi1> to vector<1024x64xi32>
    %convert_element_type3A_76 = arith.sitofp %convert_element_type3A_75 : vector<1024x64xi32> to vector<1024x64xf32>
    %concatenate3A = tpu.concatenate %convert_element_type3A_4, %convert_element_type3A_13, %convert_element_type3A_22, %convert_element_type3A_31, %convert_element_type3A_40, %convert_element_type3A_49, %convert_element_type3A_58, %convert_element_type3A_67, %convert_element_type3A_76 in 1 : vector<1024x64xf32>, vector<1024x64xf32>, vector<1024x64xf32>, vector<1024x64xf32>, vector<1024x64xf32>, vector<1024x64xf32>, vector<1024x64xf32>, vector<1024x64xf32>, vector<1024x64xf32> -> vector<1024x576xf32>
    %get3A_77 = arith.constant 0 : index
    %get3A_78 = arith.constant 0 : index
    %get3A_79 = vector.load %arg2[%get3A_77, %get3A_78] : memref<576x256xf32, #tpu.memory_space<vmem>>, vector<576x256xf32>
    %dot_general3A = arith.constant dense<0.000000e+00> : vector<1024x256xf32>
    %dot_general3A_80 = tpu.matmul %concatenate3A, %get3A_79, %dot_general3A {dimension_numbers = #tpu.dot_dimension_numbers<[1], [0], [0], [1], [0, 0, 1, 1], [], []>, transpose_lhs_hint = false} : vector<1024x576xf32>, vector<576x256xf32>, vector<1024x256xf32> -> vector<1024x256xf32>
    %get3A_81 = arith.constant 0 : index
    %get3A_82 = arith.constant 0 : index
    %get3A_83 = vector.load %arg3[%get3A_81, %get3A_82] : memref<256x256xf32, #tpu.memory_space<vmem>>, vector<256x256xf32>
    %dot_general3A_84 = arith.constant dense<0.000000e+00> : vector<1024x256xf32>
    %dot_general3A_85 = tpu.matmul %dot_general3A_80, %get3A_83, %dot_general3A_84 {dimension_numbers = #tpu.dot_dimension_numbers<[1], [0], [0], [1], [0, 0, 1, 1], [], []>, transpose_lhs_hint = false} : vector<1024x256xf32>, vector<256x256xf32>, vector<1024x256xf32> -> vector<1024x256xf32>
    %max3A = arith.constant 0.000000e+00 : f32
    %max3A_86 = vector.broadcast %max3A : f32 to vector<1024x256xf32>
    %max3A_87 = arith.maximumf %dot_general3A_85, %max3A_86 : vector<1024x256xf32>
    %get3A_88 = arith.constant 0 : index
    %get3A_89 = arith.constant 0 : index
    %get3A_90 = vector.load %arg4[%get3A_88, %get3A_89] : memref<1024x1xf32, #tpu.memory_space<vmem>>, vector<1024x1xf32>
    %mul3A = vector.broadcast %get3A_90 : vector<1024x1xf32> to vector<1024x256xf32>
    %mul3A_91 = arith.mulf %max3A_87, %mul3A : vector<1024x256xf32>
    %slice3A_92 = vector.extract_strided_slice %mul3A_91 {offsets = [0, 0], sizes = [1024, 128], strides = [1, 1]} : vector<1024x256xf32> to vector<1024x128xf32>
    %swap3A = arith.constant 0 : index
    %swap3A_93 = arith.constant 0 : index
    %swap3A_94 = arith.constant 0 : index
    %swap3A_95 = vector.load %arg5[%swap3A, %swap3A_93, %swap3A_94] : memref<2x1024x128xf32, #tpu.memory_space<vmem>>, vector<1x1024x128xf32>
    %swap3A_96 = vector.shape_cast %swap3A_95 : vector<1x1024x128xf32> to vector<1024x128xf32>
    %swap3A_97 = vector.shape_cast %slice3A_92 : vector<1024x128xf32> to vector<1x1024x128xf32>
    tpu.vector_store %arg5[%swap3A, %swap3A_93, %swap3A_94], %swap3A_97 {strides = array<i32>} : memref<2x1024x128xf32, #tpu.memory_space<vmem>>, vector<1x1024x128xf32>,
    %slice3A_98 = vector.extract_strided_slice %mul3A_91 {offsets = [0, 128], sizes = [1024, 128], strides = [1, 1]} : vector<1024x256xf32> to vector<1024x128xf32>
    %swap3A_99 = arith.constant 1 : index
    %swap3A_100 = arith.constant 0 : index
    %swap3A_101 = arith.constant 0 : index
    %swap3A_102 = vector.load %arg5[%swap3A_99, %swap3A_100, %swap3A_101] : memref<2x1024x128xf32, #tpu.memory_space<vmem>>, vector<1x1024x128xf32>
    %swap3A_103 = vector.shape_cast %swap3A_102 : vector<1x1024x128xf32> to vector<1024x128xf32>
    %swap3A_104 = vector.shape_cast %slice3A_98 : vector<1024x128xf32> to vector<1x1024x128xf32>
    tpu.vector_store %arg5[%swap3A_99, %swap3A_100, %swap3A_101], %swap3A_104 {strides = array<i32>} : memref<2x1024x128xf32, #tpu.memory_space<vmem>>, vector<1x1024x128xf32>,
    return
  }
  func.func @transform_0(%arg0: i32) -> (i32, i32) {
    %c0_i32 = arith.constant 0 : i32
    %c0_i32_0 = arith.constant 0 : i32
    return %arg0, %c0_i32 : i32, i32
  }
  func.func @transform_1(%arg0: i32) -> (i32, i32) {
    %c0_i32 = arith.constant 0 : i32
    %c0_i32_0 = arith.constant 0 : i32
    %c0_i32_1 = arith.constant 0 : i32
    return %c0_i32, %c0_i32_0 : i32, i32
  }
  func.func @transform_2(%arg0: i32) -> (i32, i32) {
    %c0_i32 = arith.constant 0 : i32
    %c0_i32_0 = arith.constant 0 : i32
    %c0_i32_1 = arith.constant 0 : i32
    return %c0_i32, %c0_i32_0 : i32, i32
  }
  func.func @transform_3(%arg0: i32) -> (i32, i32) {
    %c0_i32 = arith.constant 0 : i32
    %c0_i32_0 = arith.constant 0 : i32
    return %arg0, %c0_i32 : i32, i32
  }
  func.func @transform_4(%arg0: i32) -> (i32, i32, i32) {
    %c0_i32 = arith.constant 0 : i32
    %c0_i32_0 = arith.constant 0 : i32
    %c0_i32_1 = arith.constant 0 : i32
    return %c0_i32, %arg0, %c0_i32_0 : i32, i32, i32
  }
}

module attributes {stable_mosaic.version = 14 : i64} {
  func.func @_pp_body(%arg0: i32, %arg1: memref<2x1024x48xf32, #tpu.memory_space<vmem>>, %arg2: memref<48x256xf32, #tpu.memory_space<vmem>>, %arg3: memref<2x1024x128xf32, #tpu.memory_space<vmem>>, %arg4: memref<1024x1xf32, #tpu.memory_space<vmem>>, %arg5: memref<1024x1xf32, #tpu.memory_space<vmem>>, %arg6: memref<1024x1xf32, #tpu.memory_space<vmem>>, %arg7: memref<1x256xf32, #tpu.memory_space<vmem>>, %arg8: memref<1024x256xf32, #tpu.memory_space<vmem>>) attributes {dimension_semantics = [#tpu.dimension_semantics<arbitrary>], iteration_bounds = array<i64: 10>, scalar_prefetch = 0 : i64, scratch_operands = 0 : i64, tpu.core_type = #tpu.core_type<tc>, window_params = [{transform_indices = @transform_0, window_bounds = array<i64: 2, 1024, 48>}, {pipeline_mode = #tpu.pipeline_mode<synchronous>, transform_indices = @transform_1, window_bounds = array<i64: 48, 256>}, {transform_indices = @transform_2, window_bounds = array<i64: 2, 1024, 128>}, {transform_indices = @transform_3, window_bounds = array<i64: 1024, 1>}, {transform_indices = @transform_4, window_bounds = array<i64: 1024, 1>}, {transform_indices = @transform_5, window_bounds = array<i64: 1024, 1>}, {pipeline_mode = #tpu.pipeline_mode<synchronous>, transform_indices = @transform_6, window_bounds = array<i64: 1, 256>}, {transform_indices = @transform_7, window_bounds = array<i64: 1024, 256>}]} {
    %get3A = arith.constant 0 : index
    %get3A_0 = arith.constant 0 : index
    %get3A_1 = arith.constant 0 : index
    %get3A_2 = vector.load %arg3[%get3A, %get3A_0, %get3A_1] : memref<2x1024x128xf32, #tpu.memory_space<vmem>>, vector<1x1024x128xf32>
    %get3A_3 = vector.shape_cast %get3A_2 : vector<1x1024x128xf32> to vector<1024x128xf32>
    %get3A_4 = arith.constant 1 : index
    %get3A_5 = arith.constant 0 : index
    %get3A_6 = arith.constant 0 : index
    %get3A_7 = vector.load %arg3[%get3A_4, %get3A_5, %get3A_6] : memref<2x1024x128xf32, #tpu.memory_space<vmem>>, vector<1x1024x128xf32>
    %get3A_8 = vector.shape_cast %get3A_7 : vector<1x1024x128xf32> to vector<1024x128xf32>
    %concatenate3A = tpu.concatenate %get3A_3, %get3A_8 in 1 : vector<1024x128xf32>, vector<1024x128xf32> -> vector<1024x256xf32>
    %get3A_9 = arith.constant 0 : index
    %get3A_10 = arith.constant 0 : index
    %get3A_11 = arith.constant 0 : index
    %get3A_12 = vector.load %arg1[%get3A_9, %get3A_10, %get3A_11] : memref<2x1024x48xf32, #tpu.memory_space<vmem>>, vector<1x1024x48xf32>
    %get3A_13 = vector.shape_cast %get3A_12 : vector<1x1024x48xf32> to vector<1024x48xf32>
    %get3A_14 = arith.constant 1 : index
    %get3A_15 = arith.constant 0 : index
    %get3A_16 = arith.constant 0 : index
    %get3A_17 = vector.load %arg1[%get3A_14, %get3A_15, %get3A_16] : memref<2x1024x48xf32, #tpu.memory_space<vmem>>, vector<1x1024x48xf32>
    %get3A_18 = vector.shape_cast %get3A_17 : vector<1x1024x48xf32> to vector<1024x48xf32>
    %add3A = arith.addf %get3A_13, %get3A_18 : vector<1024x48xf32>
    %get3A_19 = arith.constant 0 : index
    %get3A_20 = arith.constant 0 : index
    %get3A_21 = vector.load %arg5[%get3A_19, %get3A_20] : memref<1024x1xf32, #tpu.memory_space<vmem>>, vector<1024x1xf32>
    %mul3A = vector.broadcast %get3A_21 : vector<1024x1xf32> to vector<1024x256xf32>
    %mul3A_22 = arith.mulf %concatenate3A, %mul3A : vector<1024x256xf32>
    %get3A_23 = arith.constant 0 : index
    %get3A_24 = arith.constant 0 : index
    %get3A_25 = vector.load %arg4[%get3A_23, %get3A_24] : memref<1024x1xf32, #tpu.memory_space<vmem>>, vector<1024x1xf32>
    %get3A_26 = arith.constant 0 : index
    %get3A_27 = arith.constant 0 : index
    %get3A_28 = vector.load %arg2[%get3A_26, %get3A_27] : memref<48x256xf32, #tpu.memory_space<vmem>>, vector<48x256xf32>
    %dot_general3A = arith.constant dense<0.000000e+00> : vector<1024x256xf32>
    %dot_general3A_29 = tpu.matmul %add3A, %get3A_28, %dot_general3A {dimension_numbers = #tpu.dot_dimension_numbers<[1], [0], [0], [1], [0, 0, 1, 1], [], []>, transpose_lhs_hint = false} : vector<1024x48xf32>, vector<48x256xf32>, vector<1024x256xf32> -> vector<1024x256xf32>
    %mul3A_30 = vector.broadcast %get3A_25 : vector<1024x1xf32> to vector<1024x256xf32>
    %mul3A_31 = arith.mulf %mul3A_30, %dot_general3A_29 : vector<1024x256xf32>
    %get3A_32 = arith.constant 0 : index
    %get3A_33 = arith.constant 0 : index
    %get3A_34 = vector.load %arg7[%get3A_32, %get3A_33] : memref<1x256xf32, #tpu.memory_space<vmem>>, vector<1x256xf32>
    %add3A_35 = vector.broadcast %get3A_34 : vector<1x256xf32> to vector<1024x256xf32>
    %add3A_36 = arith.addf %mul3A_22, %add3A_35 : vector<1024x256xf32>
    %get3A_37 = arith.constant 0 : index
    %get3A_38 = arith.constant 0 : index
    %get3A_39 = vector.load %arg6[%get3A_37, %get3A_38] : memref<1024x1xf32, #tpu.memory_space<vmem>>, vector<1024x1xf32>
    %mul3A_40 = vector.broadcast %get3A_39 : vector<1024x1xf32> to vector<1024x256xf32>
    %mul3A_41 = arith.mulf %add3A_36, %mul3A_40 : vector<1024x256xf32>
    %add3A_42 = arith.addf %mul3A_31, %mul3A_41 : vector<1024x256xf32>
    %swap3A = arith.constant 0 : index
    %swap3A_43 = arith.constant 0 : index
    %swap3A_44 = vector.load %arg8[%swap3A, %swap3A_43] : memref<1024x256xf32, #tpu.memory_space<vmem>>, vector<1024x256xf32>
    tpu.vector_store %arg8[%swap3A, %swap3A_43], %add3A_42 {strides = array<i32>} : memref<1024x256xf32, #tpu.memory_space<vmem>>, vector<1024x256xf32>,
    return
  }
  func.func @transform_0(%arg0: i32) -> (i32, i32, i32) {
    %c0_i32 = arith.constant 0 : i32
    %c0_i32_0 = arith.constant 0 : i32
    %c0_i32_1 = arith.constant 0 : i32
    return %c0_i32, %arg0, %c0_i32_0 : i32, i32, i32
  }
  func.func @transform_1(%arg0: i32) -> (i32, i32) {
    %c0_i32 = arith.constant 0 : i32
    %c0_i32_0 = arith.constant 0 : i32
    %c0_i32_1 = arith.constant 0 : i32
    return %c0_i32, %c0_i32_0 : i32, i32
  }
  func.func @transform_2(%arg0: i32) -> (i32, i32, i32) {
    %c0_i32 = arith.constant 0 : i32
    %c0_i32_0 = arith.constant 0 : i32
    %c0_i32_1 = arith.constant 0 : i32
    return %c0_i32, %arg0, %c0_i32_0 : i32, i32, i32
  }
  func.func @transform_3(%arg0: i32) -> (i32, i32) {
    %c0_i32 = arith.constant 0 : i32
    %c0_i32_0 = arith.constant 0 : i32
    return %arg0, %c0_i32 : i32, i32
  }
  func.func @transform_4(%arg0: i32) -> (i32, i32) {
    %c0_i32 = arith.constant 0 : i32
    %c0_i32_0 = arith.constant 0 : i32
    return %arg0, %c0_i32 : i32, i32
  }
  func.func @transform_5(%arg0: i32) -> (i32, i32) {
    %c0_i32 = arith.constant 0 : i32
    %c0_i32_0 = arith.constant 0 : i32
    return %arg0, %c0_i32 : i32, i32
  }
  func.func @transform_6(%arg0: i32) -> (i32, i32) {
    %c0_i32 = arith.constant 0 : i32
    %c0_i32_0 = arith.constant 0 : i32
    %c0_i32_1 = arith.constant 0 : i32
    return %c0_i32, %c0_i32_0 : i32, i32
  }
  func.func @transform_7(%arg0: i32) -> (i32, i32) {
    %c0_i32 = arith.constant 0 : i32
    %c0_i32_0 = arith.constant 0 : i32
    return %arg0, %c0_i32 : i32, i32
  }
}

module attributes {stable_mosaic.version = 14 : i64} {
  func.func @_lt_body(%arg0: i32, %arg1: memref<2x1024x128xf32, #tpu.memory_space<vmem>>, %arg2: memref<1024x256xf32, #tpu.memory_space<vmem>>, %arg3: memref<1024x1xf32, #tpu.memory_space<vmem>>, %arg4: memref<1x256xf32, #tpu.memory_space<vmem>>, %arg5: memref<1x256xf32, #tpu.memory_space<vmem>>, %arg6: memref<256x256xf32, #tpu.memory_space<vmem>>, %arg7: memref<1024x1xf32, #tpu.memory_space<vmem>>, %arg8: memref<2x1024x128xf32, #tpu.memory_space<vmem>>, %arg9: memref<10240x256xf32, #tpu.memory_space<vmem>>, %arg10: memref<8x256xf32, #tpu.memory_space<vmem>>) attributes {dimension_semantics = [#tpu.dimension_semantics<arbitrary>], iteration_bounds = array<i64: 20>, scalar_prefetch = 0 : i64, scratch_operands = 2 : i64, tpu.core_type = #tpu.core_type<tc>, window_params = [{transform_indices = @transform_0, window_bounds = array<i64: 2, 1024, 128>}, {transform_indices = @transform_1, window_bounds = array<i64: 1024, 256>}, {transform_indices = @transform_2, window_bounds = array<i64: 1024, 1>}, {pipeline_mode = #tpu.pipeline_mode<synchronous>, transform_indices = @transform_3, window_bounds = array<i64: 1, 256>}, {pipeline_mode = #tpu.pipeline_mode<synchronous>, transform_indices = @transform_4, window_bounds = array<i64: 1, 256>}, {pipeline_mode = #tpu.pipeline_mode<synchronous>, transform_indices = @transform_5, window_bounds = array<i64: 256, 256>}, {transform_indices = @transform_6, window_bounds = array<i64: 1024, 1>}, {transform_indices = @transform_7, window_bounds = array<i64: 2, 1024, 128>}]} {
    %lt3A = arith.constant 10 : i32
    %lt3A_0 = arith.cmpi slt, %arg0, %lt3A : i32
    %convert_element_type3A = arith.extui %lt3A_0 : i1 to i32
    %cond3A = arith.constant 0 : i32
    %cond3A_1 = arith.cmpi ne, %convert_element_type3A, %cond3A : i32
    scf.if %cond3A_1 {
      %get3A = arith.constant 0 : index
      %get3A_6 = arith.constant 0 : index
      %get3A_7 = arith.constant 0 : index
      %get3A_8 = vector.load %arg1[%get3A, %get3A_6, %get3A_7] : memref<2x1024x128xf32, #tpu.memory_space<vmem>>, vector<1x1024x128xf32>
      %get3A_9 = vector.shape_cast %get3A_8 : vector<1x1024x128xf32> to vector<1024x128xf32>
      %get3A_10 = arith.constant 1 : index
      %get3A_11 = arith.constant 0 : index
      %get3A_12 = arith.constant 0 : index
      %get3A_13 = vector.load %arg1[%get3A_10, %get3A_11, %get3A_12] : memref<2x1024x128xf32, #tpu.memory_space<vmem>>, vector<1x1024x128xf32>
      %get3A_14 = vector.shape_cast %get3A_13 : vector<1x1024x128xf32> to vector<1024x128xf32>
      %concatenate3A = tpu.concatenate %get3A_9, %get3A_14 in 1 : vector<1024x128xf32>, vector<1024x128xf32> -> vector<1024x256xf32>
      %get3A_15 = arith.constant 0 : index
      %get3A_16 = arith.constant 0 : index
      %get3A_17 = vector.load %arg3[%get3A_15, %get3A_16] : memref<1024x1xf32, #tpu.memory_space<vmem>>, vector<1024x1xf32>
      %mul3A = vector.broadcast %get3A_17 : vector<1024x1xf32> to vector<1024x256xf32>
      %mul3A_18 = arith.mulf %mul3A, %concatenate3A : vector<1024x256xf32>
      %get3A_19 = arith.constant 0 : index
      %get3A_20 = arith.constant 0 : index
      %get3A_21 = vector.load %arg2[%get3A_19, %get3A_20] : memref<1024x256xf32, #tpu.memory_space<vmem>>, vector<1024x256xf32>
      %add3A = arith.addf %mul3A_18, %get3A_21 : vector<1024x256xf32>
      %mul3A_22 = arith.constant 1024 : i32
      %mul3A_23 = arith.muli %arg0, %mul3A_22 : i32
      %swap3A = arith.index_cast %mul3A_23 : i32 to index
      %swap3A_24 = arith.constant 0 : index
      %swap3A_25 = vector.load %arg9[%swap3A, %swap3A_24] : memref<10240x256xf32, #tpu.memory_space<vmem>>, vector<1024x256xf32>
      tpu.vector_store %arg9[%swap3A, %swap3A_24], %add3A {strides = array<i32>} : memref<10240x256xf32, #tpu.memory_space<vmem>>, vector<1024x256xf32>,
      %mul3A_26 = arith.constant 1024 : i32
      %mul3A_27 = arith.muli %arg0, %mul3A_26 : i32
      %iota3A = tpu.iota {dimensions = array<i32: 0>} : vector<1024x1xi32>
      %add3A_28 = vector.broadcast %mul3A_27 : i32 to vector<1024x1xi32>
      %add3A_29 = arith.addi %add3A_28, %iota3A : vector<1024x1xi32>
      %lt3A_30 = arith.constant 10000 : i32
      %lt3A_31 = vector.broadcast %lt3A_30 : i32 to vector<1024x1xi32>
      %lt3A_32 = arith.cmpi slt, %add3A_29, %lt3A_31 : vector<1024x1xi32>
      %jit3A = arith.constant 0.000000e+00 : f32
      %broadcast_in_dim3A = vector.shape_cast %lt3A_32 : vector<1024x1xi1> to vector<1024x1xi1>
      %broadcast_in_dim3A_33 = vector.broadcast %broadcast_in_dim3A : vector<1024x1xi1> to vector<1024x256xi1>
      %broadcast_in_dim3A_34 = vector.broadcast %jit3A : f32 to vector<1024x256xf32>
      %select_n3A = arith.select %broadcast_in_dim3A_33, %add3A, %broadcast_in_dim3A_34 : vector<1024x256xi1>, vector<1024x256xf32>
      %eq3A = arith.constant 0 : i32
      %eq3A_35 = arith.cmpi eq, %arg0, %eq3A : i32
      %convert_element_type3A_36 = arith.extui %eq3A_35 : i1 to i32
      %cond3A_37 = arith.constant 0 : i32
      %cond3A_38 = arith.cmpi ne, %convert_element_type3A_36, %cond3A_37 : i32
      scf.if %cond3A_38 {
        %broadcast_in_dim3A_59 = arith.constant 0.000000e+00 : f32
        %broadcast_in_dim3A_60 = vector.broadcast %broadcast_in_dim3A_59 : f32 to vector<8x256xf32>
        %swap3A_61 = arith.constant 0 : index
        %swap3A_62 = arith.constant 0 : index
        %swap3A_63 = vector.load %arg10[%swap3A_61, %swap3A_62] : memref<8x256xf32, #tpu.memory_space<vmem>>, vector<8x256xf32>
        tpu.vector_store %arg10[%swap3A_61, %swap3A_62], %broadcast_in_dim3A_60 {strides = array<i32>} : memref<8x256xf32, #tpu.memory_space<vmem>>, vector<8x256xf32>,
      } else {
      }
      %get3A_39 = arith.constant 0 : index
      %get3A_40 = arith.constant 0 : index
      %get3A_41 = vector.load %arg10[%get3A_39, %get3A_40] : memref<8x256xf32, #tpu.memory_space<vmem>>, vector<1x256xf32>
      %reduce_sum3A = arith.constant dense<0.000000e+00> : vector<256xf32>
      %reduce_sum3A_42 = vector.multi_reduction <add>, %select_n3A, %reduce_sum3A [0] : vector<1024x256xf32> to vector<256xf32>
      %broadcast_in_dim3A_43 = vector.shape_cast %reduce_sum3A_42 : vector<256xf32> to vector<1x256xf32>
      %add3A_44 = arith.addf %get3A_41, %broadcast_in_dim3A_43 : vector<1x256xf32>
      %swap3A_45 = arith.constant 0 : index
      %swap3A_46 = arith.constant 0 : index
      %swap3A_47 = vector.load %arg10[%swap3A_45, %swap3A_46] : memref<8x256xf32, #tpu.memory_space<vmem>>, vector<1x256xf32>
      tpu.vector_store %arg10[%swap3A_45, %swap3A_46], %add3A_44 {strides = array<i32>} : memref<8x256xf32, #tpu.memory_space<vmem>>, vector<1x256xf32>,
      %get3A_48 = arith.constant 1 : index
      %get3A_49 = arith.constant 0 : index
      %get3A_50 = vector.load %arg10[%get3A_48, %get3A_49] : memref<8x256xf32, #tpu.memory_space<vmem>>, vector<1x256xf32>
      %mul3A_51 = arith.mulf %select_n3A, %select_n3A : vector<1024x256xf32>
      %reduce_sum3A_52 = arith.constant dense<0.000000e+00> : vector<256xf32>
      %reduce_sum3A_53 = vector.multi_reduction <add>, %mul3A_51, %reduce_sum3A_52 [0] : vector<1024x256xf32> to vector<256xf32>
      %broadcast_in_dim3A_54 = vector.shape_cast %reduce_sum3A_53 : vector<256xf32> to vector<1x256xf32>
      %add3A_55 = arith.addf %get3A_50, %broadcast_in_dim3A_54 : vector<1x256xf32>
      %swap3A_56 = arith.constant 1 : index
      %swap3A_57 = arith.constant 0 : index
      %swap3A_58 = vector.load %arg10[%swap3A_56, %swap3A_57] : memref<8x256xf32, #tpu.memory_space<vmem>>, vector<1x256xf32>
      tpu.vector_store %arg10[%swap3A_56, %swap3A_57], %add3A_55 {strides = array<i32>} : memref<8x256xf32, #tpu.memory_space<vmem>>, vector<1x256xf32>,
    } else {
    }
    %ge3A = arith.constant 10 : i32
    %ge3A_2 = arith.cmpi sge, %arg0, %ge3A : i32
    %convert_element_type3A_3 = arith.extui %ge3A_2 : i1 to i32
    %cond3A_4 = arith.constant 0 : i32
    %cond3A_5 = arith.cmpi ne, %convert_element_type3A_3, %cond3A_4 : i32
    scf.if %cond3A_5 {
      %sub3A = arith.constant 10 : i32
      %sub3A_6 = arith.subi %arg0, %sub3A : i32
      %mul3A = arith.constant 1024 : i32
      %mul3A_7 = arith.muli %sub3A_6, %mul3A : i32
      %get3A = arith.index_cast %mul3A_7 : i32 to index
      %get3A_8 = arith.constant 0 : index
      %get3A_9 = vector.load %arg9[%get3A, %get3A_8] : memref<10240x256xf32, #tpu.memory_space<vmem>>, vector<1024x256xf32>
      %get3A_10 = arith.constant 0 : index
      %get3A_11 = arith.constant 0 : index
      %get3A_12 = vector.load %arg10[%get3A_10, %get3A_11] : memref<8x256xf32, #tpu.memory_space<vmem>>, vector<1x256xf32>
      %mul3A_13 = arith.constant 9.99999974E-5 : f32
      %mul3A_14 = vector.broadcast %mul3A_13 : f32 to vector<1x256xf32>
      %mul3A_15 = arith.mulf %get3A_12, %mul3A_14 : vector<1x256xf32>
      %get3A_16 = arith.constant 1 : index
      %get3A_17 = arith.constant 0 : index
      %get3A_18 = vector.load %arg10[%get3A_16, %get3A_17] : memref<8x256xf32, #tpu.memory_space<vmem>>, vector<1x256xf32>
      %mul3A_19 = arith.constant 9.99999974E-5 : f32
      %mul3A_20 = vector.broadcast %mul3A_19 : f32 to vector<1x256xf32>
      %mul3A_21 = arith.mulf %get3A_18, %mul3A_20 : vector<1x256xf32>
      %mul3A_22 = arith.mulf %mul3A_15, %mul3A_15 : vector<1x256xf32>
      %sub3A_23 = arith.subf %mul3A_21, %mul3A_22 : vector<1x256xf32>
      %add3A = arith.constant 9.99999974E-6 : f32
      %add3A_24 = vector.broadcast %add3A : f32 to vector<1x256xf32>
      %add3A_25 = arith.addf %sub3A_23, %add3A_24 : vector<1x256xf32>
      %rsqrt3A = math.rsqrt %add3A_25 : vector<1x256xf32>
      %sub3A_26 = vector.broadcast %mul3A_15 : vector<1x256xf32> to vector<1024x256xf32>
      %sub3A_27 = arith.subf %get3A_9, %sub3A_26 : vector<1024x256xf32>
      %mul3A_28 = vector.broadcast %rsqrt3A : vector<1x256xf32> to vector<1024x256xf32>
      %mul3A_29 = arith.mulf %sub3A_27, %mul3A_28 : vector<1024x256xf32>
      %get3A_30 = arith.constant 0 : index
      %get3A_31 = arith.constant 0 : index
      %get3A_32 = vector.load %arg4[%get3A_30, %get3A_31] : memref<1x256xf32, #tpu.memory_space<vmem>>, vector<1x256xf32>
      %mul3A_33 = vector.broadcast %get3A_32 : vector<1x256xf32> to vector<1024x256xf32>
      %mul3A_34 = arith.mulf %mul3A_29, %mul3A_33 : vector<1024x256xf32>
      %get3A_35 = arith.constant 0 : index
      %get3A_36 = arith.constant 0 : index
      %get3A_37 = vector.load %arg5[%get3A_35, %get3A_36] : memref<1x256xf32, #tpu.memory_space<vmem>>, vector<1x256xf32>
      %add3A_38 = vector.broadcast %get3A_37 : vector<1x256xf32> to vector<1024x256xf32>
      %add3A_39 = arith.addf %mul3A_34, %add3A_38 : vector<1024x256xf32>
      %max3A = arith.constant 0.000000e+00 : f32
      %max3A_40 = vector.broadcast %max3A : f32 to vector<1024x256xf32>
      %max3A_41 = arith.maximumf %add3A_39, %max3A_40 : vector<1024x256xf32>
      %get3A_42 = arith.constant 0 : index
      %get3A_43 = arith.constant 0 : index
      %get3A_44 = vector.load %arg6[%get3A_42, %get3A_43] : memref<256x256xf32, #tpu.memory_space<vmem>>, vector<256x256xf32>
      %dot_general3A = arith.constant dense<0.000000e+00> : vector<1024x256xf32>
      %dot_general3A_45 = tpu.matmul %max3A_41, %get3A_44, %dot_general3A {dimension_numbers = #tpu.dot_dimension_numbers<[1], [0], [0], [1], [0, 0, 1, 1], [], []>, transpose_lhs_hint = false} : vector<1024x256xf32>, vector<256x256xf32>, vector<1024x256xf32> -> vector<1024x256xf32>
      %max3A_46 = arith.constant 0.000000e+00 : f32
      %max3A_47 = vector.broadcast %max3A_46 : f32 to vector<1024x256xf32>
      %max3A_48 = arith.maximumf %dot_general3A_45, %max3A_47 : vector<1024x256xf32>
      %get3A_49 = arith.constant 0 : index
      %get3A_50 = arith.constant 0 : index
      %get3A_51 = vector.load %arg7[%get3A_49, %get3A_50] : memref<1024x1xf32, #tpu.memory_space<vmem>>, vector<1024x1xf32>
      %mul3A_52 = vector.broadcast %get3A_51 : vector<1024x1xf32> to vector<1024x256xf32>
      %mul3A_53 = arith.mulf %max3A_48, %mul3A_52 : vector<1024x256xf32>
      %slice3A = vector.extract_strided_slice %mul3A_53 {offsets = [0, 0], sizes = [1024, 128], strides = [1, 1]} : vector<1024x256xf32> to vector<1024x128xf32>
      %swap3A = arith.constant 0 : index
      %swap3A_54 = arith.constant 0 : index
      %swap3A_55 = arith.constant 0 : index
      %swap3A_56 = vector.load %arg8[%swap3A, %swap3A_54, %swap3A_55] : memref<2x1024x128xf32, #tpu.memory_space<vmem>>, vector<1x1024x128xf32>
      %swap3A_57 = vector.shape_cast %swap3A_56 : vector<1x1024x128xf32> to vector<1024x128xf32>
      %swap3A_58 = vector.shape_cast %slice3A : vector<1024x128xf32> to vector<1x1024x128xf32>
      tpu.vector_store %arg8[%swap3A, %swap3A_54, %swap3A_55], %swap3A_58 {strides = array<i32>} : memref<2x1024x128xf32, #tpu.memory_space<vmem>>, vector<1x1024x128xf32>,
      %slice3A_59 = vector.extract_strided_slice %mul3A_53 {offsets = [0, 128], sizes = [1024, 128], strides = [1, 1]} : vector<1024x256xf32> to vector<1024x128xf32>
      %swap3A_60 = arith.constant 1 : index
      %swap3A_61 = arith.constant 0 : index
      %swap3A_62 = arith.constant 0 : index
      %swap3A_63 = vector.load %arg8[%swap3A_60, %swap3A_61, %swap3A_62] : memref<2x1024x128xf32, #tpu.memory_space<vmem>>, vector<1x1024x128xf32>
      %swap3A_64 = vector.shape_cast %swap3A_63 : vector<1x1024x128xf32> to vector<1024x128xf32>
      %swap3A_65 = vector.shape_cast %slice3A_59 : vector<1024x128xf32> to vector<1x1024x128xf32>
      tpu.vector_store %arg8[%swap3A_60, %swap3A_61, %swap3A_62], %swap3A_65 {strides = array<i32>} : memref<2x1024x128xf32, #tpu.memory_space<vmem>>, vector<1x1024x128xf32>,
    } else {
    }
    return
  }
  func.func @transform_0(%arg0: i32) -> (i32, i32, i32) {
    %min3A = arith.constant 9 : i32
    %min3A_0 = arith.minsi %arg0, %min3A : i32
    %c0_i32 = arith.constant 0 : i32
    %c0_i32_1 = arith.constant 0 : i32
    %c0_i32_2 = arith.constant 0 : i32
    return %c0_i32, %min3A_0, %c0_i32_1 : i32, i32, i32
  }
  func.func @transform_1(%arg0: i32) -> (i32, i32) {
    %min3A = arith.constant 9 : i32
    %min3A_0 = arith.minsi %arg0, %min3A : i32
    %c0_i32 = arith.constant 0 : i32
    %c0_i32_1 = arith.constant 0 : i32
    return %min3A_0, %c0_i32 : i32, i32
  }
  func.func @transform_2(%arg0: i32) -> (i32, i32) {
    %min3A = arith.constant 9 : i32
    %min3A_0 = arith.minsi %arg0, %min3A : i32
    %c0_i32 = arith.constant 0 : i32
    %c0_i32_1 = arith.constant 0 : i32
    return %min3A_0, %c0_i32 : i32, i32
  }
  func.func @transform_3(%arg0: i32) -> (i32, i32) {
    %c0_i32 = arith.constant 0 : i32
    %c0_i32_0 = arith.constant 0 : i32
    %c0_i32_1 = arith.constant 0 : i32
    return %c0_i32, %c0_i32_0 : i32, i32
  }
  func.func @transform_4(%arg0: i32) -> (i32, i32) {
    %c0_i32 = arith.constant 0 : i32
    %c0_i32_0 = arith.constant 0 : i32
    %c0_i32_1 = arith.constant 0 : i32
    return %c0_i32, %c0_i32_0 : i32, i32
  }
  func.func @transform_5(%arg0: i32) -> (i32, i32) {
    %c0_i32 = arith.constant 0 : i32
    %c0_i32_0 = arith.constant 0 : i32
    %c0_i32_1 = arith.constant 0 : i32
    return %c0_i32, %c0_i32_0 : i32, i32
  }
  func.func @transform_6(%arg0: i32) -> (i32, i32) {
    %sub3A = arith.constant 10 : i32
    %sub3A_0 = arith.subi %arg0, %sub3A : i32
    %max3A = arith.constant 0 : i32
    %max3A_1 = arith.maxsi %sub3A_0, %max3A : i32
    %c0_i32 = arith.constant 0 : i32
    %c0_i32_2 = arith.constant 0 : i32
    return %max3A_1, %c0_i32 : i32, i32
  }
  func.func @transform_7(%arg0: i32) -> (i32, i32, i32) {
    %sub3A = arith.constant 10 : i32
    %sub3A_0 = arith.subi %arg0, %sub3A : i32
    %max3A = arith.constant 0 : i32
    %max3A_1 = arith.maxsi %sub3A_0, %max3A : i32
    %c0_i32 = arith.constant 0 : i32
    %c0_i32_2 = arith.constant 0 : i32
    %c0_i32_3 = arith.constant 0 : i32
    return %c0_i32, %max3A_1, %c0_i32_2 : i32, i32, i32
  }
}

module attributes {stable_mosaic.version = 14 : i64} {
  func.func @_ltf_body(%arg0: i32, %arg1: memref<2x1024x128xf32, #tpu.memory_space<vmem>>, %arg2: memref<1024x256xf32, #tpu.memory_space<vmem>>, %arg3: memref<1024x1xf32, #tpu.memory_space<vmem>>, %arg4: memref<1x256xf32, #tpu.memory_space<vmem>>, %arg5: memref<1x256xf32, #tpu.memory_space<vmem>>, %arg6: memref<1000x256xf32, #tpu.memory_space<vmem>>, %arg7: memref<10240x256xf32, #tpu.memory_space<vmem>>, %arg8: memref<8x256xf32, #tpu.memory_space<vmem>>) attributes {dimension_semantics = [#tpu.dimension_semantics<arbitrary>], iteration_bounds = array<i64: 20>, scalar_prefetch = 0 : i64, scratch_operands = 2 : i64, tpu.core_type = #tpu.core_type<tc>, window_params = [{transform_indices = @transform_0, window_bounds = array<i64: 2, 1024, 128>}, {transform_indices = @transform_1, window_bounds = array<i64: 1024, 256>}, {transform_indices = @transform_2, window_bounds = array<i64: 1024, 1>}, {pipeline_mode = #tpu.pipeline_mode<synchronous>, transform_indices = @transform_3, window_bounds = array<i64: 1, 256>}, {pipeline_mode = #tpu.pipeline_mode<synchronous>, transform_indices = @transform_4, window_bounds = array<i64: 1, 256>}, {transform_indices = @transform_5, window_bounds = array<i64: 1000, 256>}]} {
    %lt3A = arith.constant 10 : i32
    %lt3A_0 = arith.cmpi slt, %arg0, %lt3A : i32
    %convert_element_type3A = arith.extui %lt3A_0 : i1 to i32
    %cond3A = arith.constant 0 : i32
    %cond3A_1 = arith.cmpi ne, %convert_element_type3A, %cond3A : i32
    scf.if %cond3A_1 {
      %get3A = arith.constant 0 : index
      %get3A_6 = arith.constant 0 : index
      %get3A_7 = arith.constant 0 : index
      %get3A_8 = vector.load %arg1[%get3A, %get3A_6, %get3A_7] : memref<2x1024x128xf32, #tpu.memory_space<vmem>>, vector<1x1024x128xf32>
      %get3A_9 = vector.shape_cast %get3A_8 : vector<1x1024x128xf32> to vector<1024x128xf32>
      %get3A_10 = arith.constant 1 : index
      %get3A_11 = arith.constant 0 : index
      %get3A_12 = arith.constant 0 : index
      %get3A_13 = vector.load %arg1[%get3A_10, %get3A_11, %get3A_12] : memref<2x1024x128xf32, #tpu.memory_space<vmem>>, vector<1x1024x128xf32>
      %get3A_14 = vector.shape_cast %get3A_13 : vector<1x1024x128xf32> to vector<1024x128xf32>
      %concatenate3A = tpu.concatenate %get3A_9, %get3A_14 in 1 : vector<1024x128xf32>, vector<1024x128xf32> -> vector<1024x256xf32>
      %get3A_15 = arith.constant 0 : index
      %get3A_16 = arith.constant 0 : index
      %get3A_17 = vector.load %arg3[%get3A_15, %get3A_16] : memref<1024x1xf32, #tpu.memory_space<vmem>>, vector<1024x1xf32>
      %mul3A = vector.broadcast %get3A_17 : vector<1024x1xf32> to vector<1024x256xf32>
      %mul3A_18 = arith.mulf %mul3A, %concatenate3A : vector<1024x256xf32>
      %get3A_19 = arith.constant 0 : index
      %get3A_20 = arith.constant 0 : index
      %get3A_21 = vector.load %arg2[%get3A_19, %get3A_20] : memref<1024x256xf32, #tpu.memory_space<vmem>>, vector<1024x256xf32>
      %add3A = arith.addf %mul3A_18, %get3A_21 : vector<1024x256xf32>
      %mul3A_22 = arith.constant 1024 : i32
      %mul3A_23 = arith.muli %arg0, %mul3A_22 : i32
      %swap3A = arith.index_cast %mul3A_23 : i32 to index
      %swap3A_24 = arith.constant 0 : index
      %swap3A_25 = vector.load %arg7[%swap3A, %swap3A_24] : memref<10240x256xf32, #tpu.memory_space<vmem>>, vector<1024x256xf32>
      tpu.vector_store %arg7[%swap3A, %swap3A_24], %add3A {strides = array<i32>} : memref<10240x256xf32, #tpu.memory_space<vmem>>, vector<1024x256xf32>,
      %mul3A_26 = arith.constant 1024 : i32
      %mul3A_27 = arith.muli %arg0, %mul3A_26 : i32
      %iota3A = tpu.iota {dimensions = array<i32: 0>} : vector<1024x1xi32>
      %add3A_28 = vector.broadcast %mul3A_27 : i32 to vector<1024x1xi32>
      %add3A_29 = arith.addi %add3A_28, %iota3A : vector<1024x1xi32>
      %lt3A_30 = arith.constant 10000 : i32
      %lt3A_31 = vector.broadcast %lt3A_30 : i32 to vector<1024x1xi32>
      %lt3A_32 = arith.cmpi slt, %add3A_29, %lt3A_31 : vector<1024x1xi32>
      %jit3A = arith.constant 0.000000e+00 : f32
      %broadcast_in_dim3A = vector.shape_cast %lt3A_32 : vector<1024x1xi1> to vector<1024x1xi1>
      %broadcast_in_dim3A_33 = vector.broadcast %broadcast_in_dim3A : vector<1024x1xi1> to vector<1024x256xi1>
      %broadcast_in_dim3A_34 = vector.broadcast %jit3A : f32 to vector<1024x256xf32>
      %select_n3A = arith.select %broadcast_in_dim3A_33, %add3A, %broadcast_in_dim3A_34 : vector<1024x256xi1>, vector<1024x256xf32>
      %eq3A = arith.constant 0 : i32
      %eq3A_35 = arith.cmpi eq, %arg0, %eq3A : i32
      %convert_element_type3A_36 = arith.extui %eq3A_35 : i1 to i32
      %cond3A_37 = arith.constant 0 : i32
      %cond3A_38 = arith.cmpi ne, %convert_element_type3A_36, %cond3A_37 : i32
      scf.if %cond3A_38 {
        %broadcast_in_dim3A_59 = arith.constant 0.000000e+00 : f32
        %broadcast_in_dim3A_60 = vector.broadcast %broadcast_in_dim3A_59 : f32 to vector<8x256xf32>
        %swap3A_61 = arith.constant 0 : index
        %swap3A_62 = arith.constant 0 : index
        %swap3A_63 = vector.load %arg8[%swap3A_61, %swap3A_62] : memref<8x256xf32, #tpu.memory_space<vmem>>, vector<8x256xf32>
        tpu.vector_store %arg8[%swap3A_61, %swap3A_62], %broadcast_in_dim3A_60 {strides = array<i32>} : memref<8x256xf32, #tpu.memory_space<vmem>>, vector<8x256xf32>,
      } else {
      }
      %get3A_39 = arith.constant 0 : index
      %get3A_40 = arith.constant 0 : index
      %get3A_41 = vector.load %arg8[%get3A_39, %get3A_40] : memref<8x256xf32, #tpu.memory_space<vmem>>, vector<1x256xf32>
      %reduce_sum3A = arith.constant dense<0.000000e+00> : vector<256xf32>
      %reduce_sum3A_42 = vector.multi_reduction <add>, %select_n3A, %reduce_sum3A [0] : vector<1024x256xf32> to vector<256xf32>
      %broadcast_in_dim3A_43 = vector.shape_cast %reduce_sum3A_42 : vector<256xf32> to vector<1x256xf32>
      %add3A_44 = arith.addf %get3A_41, %broadcast_in_dim3A_43 : vector<1x256xf32>
      %swap3A_45 = arith.constant 0 : index
      %swap3A_46 = arith.constant 0 : index
      %swap3A_47 = vector.load %arg8[%swap3A_45, %swap3A_46] : memref<8x256xf32, #tpu.memory_space<vmem>>, vector<1x256xf32>
      tpu.vector_store %arg8[%swap3A_45, %swap3A_46], %add3A_44 {strides = array<i32>} : memref<8x256xf32, #tpu.memory_space<vmem>>, vector<1x256xf32>,
      %get3A_48 = arith.constant 1 : index
      %get3A_49 = arith.constant 0 : index
      %get3A_50 = vector.load %arg8[%get3A_48, %get3A_49] : memref<8x256xf32, #tpu.memory_space<vmem>>, vector<1x256xf32>
      %mul3A_51 = arith.mulf %select_n3A, %select_n3A : vector<1024x256xf32>
      %reduce_sum3A_52 = arith.constant dense<0.000000e+00> : vector<256xf32>
      %reduce_sum3A_53 = vector.multi_reduction <add>, %mul3A_51, %reduce_sum3A_52 [0] : vector<1024x256xf32> to vector<256xf32>
      %broadcast_in_dim3A_54 = vector.shape_cast %reduce_sum3A_53 : vector<256xf32> to vector<1x256xf32>
      %add3A_55 = arith.addf %get3A_50, %broadcast_in_dim3A_54 : vector<1x256xf32>
      %swap3A_56 = arith.constant 1 : index
      %swap3A_57 = arith.constant 0 : index
      %swap3A_58 = vector.load %arg8[%swap3A_56, %swap3A_57] : memref<8x256xf32, #tpu.memory_space<vmem>>, vector<1x256xf32>
      tpu.vector_store %arg8[%swap3A_56, %swap3A_57], %add3A_55 {strides = array<i32>} : memref<8x256xf32, #tpu.memory_space<vmem>>, vector<1x256xf32>,
    } else {
    }
    %ge3A = arith.constant 10 : i32
    %ge3A_2 = arith.cmpi sge, %arg0, %ge3A : i32
    %convert_element_type3A_3 = arith.extui %ge3A_2 : i1 to i32
    %cond3A_4 = arith.constant 0 : i32
    %cond3A_5 = arith.cmpi ne, %convert_element_type3A_3, %cond3A_4 : i32
    scf.if %cond3A_5 {
      %sub3A = arith.constant 10 : i32
      %sub3A_6 = arith.subi %arg0, %sub3A : i32
      %mul3A = arith.constant 1000 : i32
      %mul3A_7 = arith.muli %sub3A_6, %mul3A : i32
      %get3A = arith.index_cast %mul3A_7 : i32 to index
      %get3A_8 = arith.constant 0 : index
      %get3A_9 = vector.load %arg7[%get3A, %get3A_8] : memref<10240x256xf32, #tpu.memory_space<vmem>>, vector<1000x256xf32>
      %get3A_10 = arith.constant 0 : index
      %get3A_11 = arith.constant 0 : index
      %get3A_12 = vector.load %arg8[%get3A_10, %get3A_11] : memref<8x256xf32, #tpu.memory_space<vmem>>, vector<1x256xf32>
      %mul3A_13 = arith.constant 9.99999974E-5 : f32
      %mul3A_14 = vector.broadcast %mul3A_13 : f32 to vector<1x256xf32>
      %mul3A_15 = arith.mulf %get3A_12, %mul3A_14 : vector<1x256xf32>
      %get3A_16 = arith.constant 1 : index
      %get3A_17 = arith.constant 0 : index
      %get3A_18 = vector.load %arg8[%get3A_16, %get3A_17] : memref<8x256xf32, #tpu.memory_space<vmem>>, vector<1x256xf32>
      %mul3A_19 = arith.constant 9.99999974E-5 : f32
      %mul3A_20 = vector.broadcast %mul3A_19 : f32 to vector<1x256xf32>
      %mul3A_21 = arith.mulf %get3A_18, %mul3A_20 : vector<1x256xf32>
      %mul3A_22 = arith.mulf %mul3A_15, %mul3A_15 : vector<1x256xf32>
      %sub3A_23 = arith.subf %mul3A_21, %mul3A_22 : vector<1x256xf32>
      %add3A = arith.constant 9.99999974E-6 : f32
      %add3A_24 = vector.broadcast %add3A : f32 to vector<1x256xf32>
      %add3A_25 = arith.addf %sub3A_23, %add3A_24 : vector<1x256xf32>
      %rsqrt3A = math.rsqrt %add3A_25 : vector<1x256xf32>
      %sub3A_26 = vector.broadcast %mul3A_15 : vector<1x256xf32> to vector<1000x256xf32>
      %sub3A_27 = arith.subf %get3A_9, %sub3A_26 : vector<1000x256xf32>
      %mul3A_28 = vector.broadcast %rsqrt3A : vector<1x256xf32> to vector<1000x256xf32>
      %mul3A_29 = arith.mulf %sub3A_27, %mul3A_28 : vector<1000x256xf32>
      %get3A_30 = arith.constant 0 : index
      %get3A_31 = arith.constant 0 : index
      %get3A_32 = vector.load %arg4[%get3A_30, %get3A_31] : memref<1x256xf32, #tpu.memory_space<vmem>>, vector<1x256xf32>
      %mul3A_33 = vector.broadcast %get3A_32 : vector<1x256xf32> to vector<1000x256xf32>
      %mul3A_34 = arith.mulf %mul3A_29, %mul3A_33 : vector<1000x256xf32>
      %get3A_35 = arith.constant 0 : index
      %get3A_36 = arith.constant 0 : index
      %get3A_37 = vector.load %arg5[%get3A_35, %get3A_36] : memref<1x256xf32, #tpu.memory_space<vmem>>, vector<1x256xf32>
      %add3A_38 = vector.broadcast %get3A_37 : vector<1x256xf32> to vector<1000x256xf32>
      %add3A_39 = arith.addf %mul3A_34, %add3A_38 : vector<1000x256xf32>
      %swap3A = arith.constant 0 : index
      %swap3A_40 = arith.constant 0 : index
      %swap3A_41 = vector.load %arg6[%swap3A, %swap3A_40] : memref<1000x256xf32, #tpu.memory_space<vmem>>, vector<1000x256xf32>
      tpu.vector_store %arg6[%swap3A, %swap3A_40], %add3A_39 {strides = array<i32>} : memref<1000x256xf32, #tpu.memory_space<vmem>>, vector<1000x256xf32>,
    } else {
    }
    return
  }
  func.func @transform_0(%arg0: i32) -> (i32, i32, i32) {
    %min3A = arith.constant 9 : i32
    %min3A_0 = arith.minsi %arg0, %min3A : i32
    %c0_i32 = arith.constant 0 : i32
    %c0_i32_1 = arith.constant 0 : i32
    %c0_i32_2 = arith.constant 0 : i32
    return %c0_i32, %min3A_0, %c0_i32_1 : i32, i32, i32
  }
  func.func @transform_1(%arg0: i32) -> (i32, i32) {
    %min3A = arith.constant 9 : i32
    %min3A_0 = arith.minsi %arg0, %min3A : i32
    %c0_i32 = arith.constant 0 : i32
    %c0_i32_1 = arith.constant 0 : i32
    return %min3A_0, %c0_i32 : i32, i32
  }
  func.func @transform_2(%arg0: i32) -> (i32, i32) {
    %min3A = arith.constant 9 : i32
    %min3A_0 = arith.minsi %arg0, %min3A : i32
    %c0_i32 = arith.constant 0 : i32
    %c0_i32_1 = arith.constant 0 : i32
    return %min3A_0, %c0_i32 : i32, i32
  }
  func.func @transform_3(%arg0: i32) -> (i32, i32) {
    %c0_i32 = arith.constant 0 : i32
    %c0_i32_0 = arith.constant 0 : i32
    %c0_i32_1 = arith.constant 0 : i32
    return %c0_i32, %c0_i32_0 : i32, i32
  }
  func.func @transform_4(%arg0: i32) -> (i32, i32) {
    %c0_i32 = arith.constant 0 : i32
    %c0_i32_0 = arith.constant 0 : i32
    %c0_i32_1 = arith.constant 0 : i32
    return %c0_i32, %c0_i32_0 : i32, i32
  }
  func.func @transform_5(%arg0: i32) -> (i32, i32) {
    %sub3A = arith.constant 10 : i32
    %sub3A_0 = arith.subi %arg0, %sub3A : i32
    %max3A = arith.constant 0 : i32
    %max3A_1 = arith.maxsi %sub3A_0, %max3A : i32
    %c0_i32 = arith.constant 0 : i32
    %c0_i32_2 = arith.constant 0 : i32
    return %max3A_1, %c0_i32 : i32, i32
  }
}

</mosaic_0001>

<sc_bundles>
// kernel: kernel.15.cloned.1.call-start
scs
__scs_entry_jumppad:
0x0: {  	(pc) =	sbr.rel $0x88, $3  }
0x1: {  	(tag) =	ssettag $0x0;
	lr =	simm.s32 $0x1  }
0x2: {  	[smem:$0x3F98] =	sst lr;
	_ =	strace $0xD0000000  }
0x3: {  	_ = 	snop  }
0x4: {  	_ = 	snop  }
0x5: {  	_ = 	snop  }
0x6: {  	_ = 	snop  }
0x7: {  	_ = 	snop  }
__scs_overlays_trampoline_lowered:
0x8: {  	[smem:$0x3FA7] =	sst s0  }
0x9: {  	[smem:$0x3FA8] =	sst s1  }
0xa: {  	[smem:$0x3FA9] =	sst s2  }
0xb: {  	[smem:$0x3FAA] =	sst s3  }
0xc: {  	[smem:$0x3FAB] =	sst s4  }
0xd: {  	[smem:$0x3FAC] =	sst s5  }
0xe: {  	[smem:$0x3FAD] =	sst s6  }
0xf: {  	[smem:$0x3FAE] =	sst s7  }
0x10: {  	[smem:$0x3FAF] =	sst s8  }
0x11: {  	[smem:$0x3FB0] =	sst s9;
	s0 =	simm.s32 @!p0 $0x0  }
0x12: {  	s1 =	sld [smem:$0x3F96];
	s0 =	simm.s32 @p0 $0x1  }
0x13: {  	[smem:$0x3FB1] =	sst s0;
	s0 =	simm.s32 @!p1 $0x0  }
0x14: {  	s2 =	sld [smem:$0x3F95];
	s0 =	simm.s32 @p1 $0x1  }
0x15: {  	[smem:$0x3FB2] =	sst s0;
	s0 =	simm.s32 @!p2 $0x0  }
0x16: {  	s3 =	sld [smem:$0x3FDB];
	s0 =	simm.s32 @p2 $0x1  }
0x17: {  	s4 =	simm.s32 $0x1BF5;
	[smem:$0x3FB4] =	sst s0  }
0x18: {  	s0 =	sld [smem:$0x3F97];
	_ =	swait.ge [sflag:s4], $0x0  }
0x19: {  	s7 =	sld [smem:$0x3F98]  }
0x1a: {  	s8 =	sadd.s32 $0xFFFFE003, lr  }
0x1b: {  	s9 =	sadd.s32 $0xFFFFFEF7, lr;
	s5 =	simm.s32 $0xFFFFFFFF;
	p2 =	slt.u32 s8, $0xFFFFF086  }
0x1c: {  	p1 =	slt.u32 s9, $0xF7A;
	s5 =	simm.s32 @!p2 $0x0  }
0x1d: {  	s5 =	simm.s32 @p1 $0x1;
	p0 =	seq.s32 s7, s2  }
0x1e: {  	s7 =	smul.u32 @!p0 $0xF7A, s2;
	p2 =	seq.s32 @!p0 s5, $0x0  }
0x1f: {  	s9 =	smul.u32 $0xF7A, s1;
	s8 =	simm.s32 @!p0 $0x1BF5;
	p2 =	por !p2, p0  }
0x20: {  	[sflag:s8] =	ssyncset.s32 @!p0 $0xFFFFF086;
	s6 =	sadd.s32 @!p0 s3, s7;
	s7 =	simm.s32 @!p0 $0x108  }
0x21: {  	s3 =	sadd.s32 s3, s9;
	s6 =	sadd.s32 @!p0 $0x88, s6;
	s7 =	simm.s32 @p2 $0x1082  }
0x22: {  	[simem:s7], [sflag:s8] =	dma.local @!p0 [hbm:s6], $0xF7A  }
0x23: {  	s9 =	sor.u32 $0xD0000000, s2;
	s6 =	simm.s32 $0x108;
	_ =	swait.ge @!p0 [sflag:s8], $0x0  }
0x24: {  	s3 =	sadd.s32 $0x88, s3;
	s6 =	simm.s32 @!p1 $0x1082;
	[sflag:s4] =	ssyncset.s32 $0xFFFFF086  }
0x25: {  	[simem:s6], [sflag:s4] =	dma.local [hbm:s3], $0xF7A  }
0x26: {  	[smem:$0x3F98] =	sst s1;
	(tag) =	ssettag s2;
	_ =	strace s9  }
0x27: {  	s1 =	sld [smem:$0x3FA8]  }
0x28: {  	s2 =	sld [smem:$0x3FA9]  }
0x29: {  	s4 =	sld [smem:$0x3FAB]  }
0x2a: {  	p0 =	seq.s32 s5, $0x0;
	s5 =	sld [smem:$0x3FAC]  }
0x2b: {  	s6 =	sld [smem:$0x3FAD]  }
0x2c: {  	s7 =	sld [smem:$0x3FAE]  }
0x2d: {  	s3 =	simm.s32 $0x108;
	s8 =	sld [smem:$0x3FAF]  }
0x2e: {  	s3 =	simm.s32 @!p0 $0x1082;
	s9 =	sld [smem:$0x3FB0]  }
0x2f: {  	lr =	sadd.s32 s0, s3;
	s0 =	sld [smem:$0x3FA7]  }
0x30: {  	s3 =	sld [smem:$0x3FAA]  }
0x31: {  	[smem:$0x3FB3] =	sst s10  }
0x32: {  	s10 =	sld [smem:$0x3FB1];
	_ =	sdelay $0x3  }
0x33: {  	p0 =	seq.s32 s10, $0x1;
	s10 =	sld [smem:$0x3FB3];
	_ =	sdelay $0x3  }
0x34: {  	[smem:$0x3FB3] =	sst s10  }
0x35: {  	s10 =	sld [smem:$0x3FB2];
	_ =	sdelay $0x3  }
0x36: {  	p1 =	seq.s32 s10, $0x1;
	s10 =	sld [smem:$0x3FB3];
	_ =	sdelay $0x3  }
0x37: {  	[smem:$0x3FB3] =	sst s10  }
0x38: {  	s10 =	sld [smem:$0x3FB4]  }
0x39: {  	_ = 	snop;
	(pc) =	sbr.ind lr, $3  }
0x3a: {  	_ = 	snop  }
0x3b: {  	_ = 	snop  }
0x3c: {  	p2 =	seq.s32 s10, $0x1;
	s10 =	sld [smem:$0x3FB3]  }
0x3d: {  	_ =	shalt  }
0x3e: {  	_ =	shalt  }
0x3f: {  	_ =	shalt  }
0x40: {  	_ =	shalt  }
0x41: {  	_ =	shalt  }
0x42: {  	_ =	shalt  }
0x43: {  	_ =	shalt  }
0x44: {  	_ =	shalt  }
0x45: {  	_ =	shalt  }
0x46: {  	_ =	shalt  }
0x47: {  	_ =	shalt  }
0x48: {  	_ =	shalt  }
0x49: {  	_ =	shalt  }
0x4a: {  	_ =	shalt  }
0x4b: {  	_ =	shalt  }
0x4c: {  	_ =	shalt  }
0x4d: {  	_ =	shalt  }
0x4e: {  	_ =	shalt  }
0x4f: {  	_ =	shalt  }
0x50: {  	_ =	shalt  }
0x51: {  	_ =	shalt  }
0x52: {  	_ =	shalt  }
0x53: {  	_ =	shalt  }
0x54: {  	_ =	shalt  }
0x55: {  	_ =	shalt  }
0x56: {  	_ =	shalt  }
0x57: {  	_ =	shalt  }
0x58: {  	_ =	shalt  }
0x59: {  	_ =	shalt  }
0x5a: {  	_ =	shalt  }
0x5b: {  	_ =	shalt  }
0x5c: {  	_ =	shalt  }
0x5d: {  	_ =	shalt  }
0x5e: {  	_ =	shalt  }
0x5f: {  	_ =	shalt  }
0x60: {  	_ =	shalt  }
0x61: {  	_ =	shalt  }
0x62: {  	_ =	shalt  }
0x63: {  	_ =	shalt  }
0x64: {  	_ =	shalt  }
0x65: {  	_ =	shalt  }
0x66: {  	_ =	shalt  }
0x67: {  	_ =	shalt  }
0x68: {  	_ =	shalt  }
0x69: {  	_ =	shalt  }
0x6a: {  	_ =	shalt  }
0x6b: {  	_ =	shalt  }
0x6c: {  	_ =	shalt  }
0x6d: {  	_ =	shalt  }
0x6e: {  	_ =	shalt  }
0x6f: {  	_ =	shalt  }
0x70: {  	_ =	shalt  }
0x71: {  	_ =	shalt  }
0x72: {  	_ =	shalt  }
0x73: {  	_ =	shalt  }
0x74: {  	_ =	shalt  }
0x75: {  	_ =	shalt  }
0x76: {  	_ =	shalt  }
0x77: {  	_ =	shalt  }
0x78: {  	_ =	shalt  }
0x79: {  	_ =	shalt  }
0x7a: {  	_ =	shalt  }
0x7b: {  	_ =	shalt  }
0x7c: {  	_ =	shalt  }
0x7d: {  	_ =	shalt  }
0x7e: {  	_ =	shalt  }
0x7f: {  	_ =	shalt  }
0x80: {  	_ =	shalt  }
0x81: {  	_ =	shalt  }
0x82: {  	_ =	shalt  }
0x83: {  	_ =	shalt  }
0x84: {  	_ =	shalt  }
0x85: {  	_ =	shalt  }
0x86: {  	_ =	shalt  }
0x87: {  	_ =	shalt  }
.Lfunc_end0:
.L_simem_size_0:
called_computation_lowered:
.L_overlay_start_0:
0x88: {  	s2 =	sld [smem:$0x3FD9]  }
0x89: {  	s3 =	sld [smem:$0x3FFE];
	_ =	sdelay $0x1  }
0x8a: {  	s1 =	srdreg.scid  }
0x8b: {  	s0 =	sand.u32 $0x1, s1  }
0x8c: {  	s17 =	sshll.u32 s0, $0xA;
	s2 =	sadd.s32 s3, s2  }
0x8d: {  	s2 =	sadd.s32 s2, s17  }
0x8e: {  	[smem:$0x3FBF] =	sst s2  }
0x8f: {  	_ = 	snop  }
0x90: {  	s2 =	sld [smem:$0x3FD0];
	(tm) =	ssettm $0x1  }
0x91: {  	s18 =	sld [smem:$0x3FFB];
	_ =	sdelay $0x3  }
0x92: {  	_ =	strace s18  }
0x93: {  	s3 =	sld [smem:$0x3FFC];
	_ =	sdelay $0x3  }
0x94: {  	_ =	strace s3  }
0x95: {  	s3 =	sld [smem:$0x3FFD];
	_ =	sdelay $0x3  }
0x96: {  	_ =	strace s3  }
0x97: {  	_ =	strace $0x8FFFFFFF  }
0x98: {  	s19 =	sld [smem:$0x3FDB];
	_ =	sdelay $0x1  }
0x99: {  	s4 =	simm.s32 $_scs_section_size  }
0x9a: {  	s5 =	simm.s32 $_size__tile_overlayer_lowered;
	s6 =	simm.s32 $_tile_overlayer_lowered  }
0x9b: {  	s22 =	simm.s32 $0x1BFF;
	s21 =	sshll.u32 s6, $0x1;
	s3 =	sadd.s32 s4, s19  }
0x9c: {  	s7 =	simm.s32 $0x0;
	s20 =	sshll.u32 s5, $0x1;
	s5 =	sadd.s32 s21, s3  }
0x9d: {  	[timem:s7], [sflag:s22] =	dma.local [hbm:s5], s20  }
0x9e: {  	_ =	swait.ge [sflag:s22], s20  }
0x9f: {  	s4 =	ssub.s32 $0x0, s20;
	[sflag:s22] =	ssyncset.done $0x0  }
0xa0: {  	[sflag:s22] =	ssyncadd.s32 s4;
	_ =	sdelay $0x1  }
0xa1: {  	s23 =	simm.s32 $0x1B8B  }
0xa2: {  	_ =	swait.ge [sflag:s23], $0x1  }
0xa3: {  	[sflag:s23] =	ssyncset.done $0x0  }
0xa4: {  	s25 =	simm.s32 $0x1B8E;
	s24 =	sld [smem:$0x3FFE];
	[sflag:s23] =	ssyncadd.s32 $0xFFFFFFFF  }
0xa5: {  	s26 =	simm.s32 $execute0_lowered;
	[smem:$0x3FD2] =	sst s25  }
0xa6: {  	s5 =	sshll.u32 s26, $0x1;
	_ =	strace $0x80000046;
	[dreg:$0x1] =	wrdreg $0xFFFFFFFF  }
0xa7: {  	s28 =	simm.s32 $_size_execute0_lowered;
	s3 =	sadd.s32 s3, s5;
	[dreg:$0x0] =	wrdreg $0x0  }
0xa8: {  	s5 =	sshll.u32 s28, $0x1;
	[dreg:$0x2] =	wrdreg s3  }
0xa9: {  	[dreg:$0x3] =	wrdreg s5  }
0xaa: {  	[dreg:$0x4] =	wrdreg $0xC0  }
0xab: {  	_ =	task [dreg:s7], $0x5FFFF  }
0xac: {  	[dreg:$0x1] =	wrdreg $0xFFFFFFFF  }
0xad: {  	[dreg:$0x0] =	wrdreg $0x60  }
0xae: {  	[dreg:$0x2] =	wrdreg s24  }
0xaf: {  	[dreg:$0x3] =	wrdreg s2  }
0xb0: {  	[dreg:$0x4] =	wrdreg $0x0  }
0xb1: {  	[dreg:$0x5] =	wrdreg $0x9  }
0xb2: {  	_ =	task.clear_ibuf [dreg:s7], $0x6FFFF;
	_ =	strace $0x90000046  }
0xb3: {  	s29 =	simm.s32 $0x9;
	_ =	strace $0x80000048  }
0xb4: {  	_ =	swait.ge [sflag:s29], $0x1  }
0xb5: {  	[sflag:s29] =	ssyncadd.s32 $0xFFFFFFFF  }
0xb6: {  	_ =	strace $0x90000048  }
0xb7: {  	_ =	sfence  }
0xb8: {  	s30 =	sld [smem:$0x0];
	_ =	sdelay $0x2  }
0xb9: {  	s31 =	sshll.u32 s1, $0xD;
	s1 =	sshrl.u32 s1, $0x2  }
0xba: {  	s3 =	sand.u32 $0x4000, s31;
	s1 =	sadd.s32 s1, s30  }
0xbb: {  	s0 =	sor.u32 s3, s0;
	s1 =	sshll.u32 s1, $0x11  }
0xbc: {  	s0 =	sor.u32 s1, s0  }
0xbd: {  	s0 =	sadd.s32 $0x8F2B, s0  }
0xbe: {  	[sflag:s0] =	ssyncadd.remote.s32 $0x1  }
0xbf: {  	_ =	sfence.sel $0xFFFF  }
0xc0: {  	[dreg:$0x0] =	wrdreg $0xFFFFFFFF;
	(pc) =	sbr.abs _section_cstart, $3  }
0xc1: {  	[dreg:$0x1] =	wrdreg $0xFFFFFFFF  }
0xc2: {  	_ =	task.clear_ibuf [dreg:s7], $0x2FFFF;
	_ =	strace $0x9FFFFFFF  }
0xc3: {  	(tm) =	ssettm $0x7FFFFFFF  }
tec
execute0_lowered:
.L_overlay_start_1:
0x0: {  	(tag) =	ssettag $0x1  }
0x1: {  	s1 =	srdreg.scid;
	s4 =	rddreg [dreg:$0x0]  }
0x2: {  	s0 =	stileid.u32;
	s6 =	rddreg [dreg:$0x1]  }
0x3: {  	s2 =	rddreg [dreg:$0x2];
	s3 =	simm.s32 $0x0;
	s11 =	simm.s32 $0x80  }
0x4: {  	s12 =	simm.s32 $0x500;
	s15 =	simm.s32 $0x0;
	s5 =	sand.u32 $0x1, s1  }
0x5: {  	s29 =	sshll.u32 s0, $0x1;
	s8 =	smul.u32 $0x280, s0;
	[smem:$0x7FF] =	sst s3  }
0x6: {  	s13 =	sshll.u32 s0, $0x6;
	s1 =	sor.u32 s5, s29;
	s9 =	smul.u32 $0x2800, s5  }
0x7: {  	s5 =	ssub.s32 $0x2, s5;
	s13 =	sor.u32 $0x1C01, s13;
	s7 =	smul.u32 $0x280, s1  }
0x8: {  	s1 =	rddreg [dreg:$0x3];
	_ =	strace $0x80000047;
	s30 =	sshrl.u32 s5, $0x1  }
0x9: {  	s9 =	sadd.s32 s8, s9;
	s10 =	ssub.s32 s5, s30;
	s7 =	sadd.s32 s7, s4  }
0xa: {  	s4 =	sadd.s32 s8, s2;
	s31 =	sshrl.u32 s9, $0x3;
	s8 =	simm.s32 $0x280  }
0xb: {  	s9 =	simm.s32 $0x1;
	s5 =	sadd.s32 $0x8C00, s7;
	s6 =	sadd.s32 s6, s31  }
0xc: {  	v0 =	vimm.f32 $0.0e+00;
	v1 =	vimm.f32 $1.000000000e+00;
	s7 =	smax.u32 s10, $0x1;
	s10 =	simm.s32 $0x580;
	s14 =	sshrl.u32 s4, $0x3  }
.LBB2_1:
0xd: {  	[tilespmem:$0x280] =	vst v0  }
0xe: {  	[tilespmem:$0x290] =	vst v0  }
0xf: {  	[tilespmem:$0x2A0] =	vst v0  }
0x10: {  	[tilespmem:$0x2B0] =	vst v0  }
0x11: {  	[tilespmem:$0x2C0] =	vst v0  }
0x12: {  	[tilespmem:$0x2D0] =	vst v0  }
0x13: {  	[tilespmem:$0x2E0] =	vst v0  }
0x14: {  	[tilespmem:$0x2F0] =	vst v0  }
0x15: {  	[tilespmem:$0x300] =	vst v0  }
0x16: {  	[tilespmem:$0x310] =	vst v0  }
0x17: {  	[tilespmem:$0x320] =	vst v0  }
0x18: {  	[tilespmem:$0x330] =	vst v0  }
0x19: {  	[tilespmem:$0x340] =	vst v0  }
0x1a: {  	[tilespmem:$0x350] =	vst v0  }
0x1b: {  	[tilespmem:$0x360] =	vst v0  }
0x1c: {  	[tilespmem:$0x370] =	vst v0  }
0x1d: {  	[tilespmem:$0x380] =	vst v0  }
0x1e: {  	[tilespmem:$0x390] =	vst v0  }
0x1f: {  	[tilespmem:$0x3A0] =	vst v0  }
0x20: {  	[tilespmem:$0x3B0] =	vst v0  }
0x21: {  	[tilespmem:$0x3C0] =	vst v0  }
0x22: {  	[tilespmem:$0x3D0] =	vst v0  }
0x23: {  	[tilespmem:$0x3E0] =	vst v0  }
0x24: {  	[tilespmem:$0x3F0] =	vst v0  }
0x25: {  	[tilespmem:$0x400] =	vst v0  }
0x26: {  	[tilespmem:$0x410] =	vst v0  }
0x27: {  	[tilespmem:$0x420] =	vst v0  }
0x28: {  	[tilespmem:$0x430] =	vst v0  }
0x29: {  	[tilespmem:$0x440] =	vst v0  }
0x2a: {  	[tilespmem:$0x450] =	vst v0  }
0x2b: {  	[tilespmem:$0x460] =	vst v0  }
0x2c: {  	[tilespmem:$0x470] =	vst v0  }
0x2d: {  	[tilespmem:$0x480] =	vst v0  }
0x2e: {  	[tilespmem:$0x490] =	vst v0  }
0x2f: {  	[tilespmem:$0x4A0] =	vst v0  }
0x30: {  	[tilespmem:$0x4B0] =	vst v0  }
0x31: {  	[tilespmem:$0x4C0] =	vst v0  }
0x32: {  	[tilespmem:$0x4D0] =	vst v0  }
0x33: {  	[tilespmem:$0x4E0] =	vst v0  }
0x34: {  	[tilespmem:$0x4F0] =	vst v0  }
0x35: {  	[tilespmem:$0x500] =	vst v1  }
0x36: {  	[tilespmem:$0x510] =	vst v1  }
0x37: {  	[tilespmem:$0x520] =	vst v1  }
0x38: {  	[tilespmem:$0x530] =	vst v1  }
0x39: {  	[tilespmem:$0x540] =	vst v1  }
0x3a: {  	[tilespmem:$0x550] =	vst v1  }
0x3b: {  	[tilespmem:$0x560] =	vst v1  }
0x3c: {  	[tilespmem:$0x570] =	vst v1  }
0x3d: {  	[spmem:s4] =	stream.linear.scatter [tilespmem:s8], [sflag:$0x1], $0x280, $0x38;
	[tilespmem:$0x1980] =	vst v63  }
0x3e: {  	_ =	swait.ge [sflag:s9], $0x280  }
0x3f: {  	[sflag:s9] =	ssyncset.done $0x0  }
0x40: {  	[sflag:s9] =	ssyncadd.s32 $0xFFFFFD80  }
0x41: {  	[bflag:$0x0] =	sbarrier.arrive $0xFFFF  }
0x42: {  	[tilespmem:s10], [sflag:$0x1] =	stream.linear.gather [hbm4b:s5+s3], $0x1400, $0x38;
	[tilespmem:$0x1980] =	vst v63  }
0x43: {  	_ =	swait.ge [sflag:s9], $0x1400  }
0x44: {  	[sflag:s9] =	ssyncset.done $0x0  }
0x45: {  	s16 =	simm.s32 $0x580;
	[sflag:s9] =	ssyncadd.s32 $0xFFFFEC00  }
0x46: {  	[spmem:s2] =	stream.indirect.scatter.add.f32 [tilespmem:s12], [sflag:$0x1], $0x1, s16, s11, $0xb8;
	[tilespmem:$0x1980] =	vst v63  }
0x47: {  	s16 =	simm.s32 $0x200;
	_ =	swait.ge [sflag:s9], $0x80  }
.LBB2_2:
0x48: {  	s17 =	sshra.s32 s16, $0x2;
	[sflag:s9] =	ssyncset.done $0x0;
	p0 =	sne.s32 s16, $0x4E00  }
.Ltmp0:
0x49: {  	s17 =	sadd.s32 $0x580, s17;
	[sflag:s9] =	ssyncadd.s32 $0xFFFFFF80;
	(pc) =	sbr.rel @p0 .LBB2_2-.Ltmp0, $3  }
0x4a: {  	[spmem:s2] =	stream.indirect.scatter.add.f32 [tilespmem:s12], [sflag:$0x1], $0x1, s17, s11, $0xb8;
	[tilespmem:$0x1980] =	vst v63  }
0x4b: {  	s16 =	sadd.s32 $0x200, s16;
	_ =	sdelay $0x1  }
0x4c: {  	_ =	swait.ge [sflag:s9], $0x80  }
0x4d: {  	[sflag:s9] =	ssyncset.done $0x0;
	s15 =	sadd.s32 $0x1, s15  }
0x4e: {  	[sflag:s9] =	ssyncadd.s32 $0xFFFFFF80;
	p0 =	sne.s32 s15, s7  }
.Ltmp1:
0x4f: {  	[bflag:$0x0] =	sbarrier.arrive $0xFFFF;
	(pc) =	sbr.rel @p0 .LBB2_1-.Ltmp1, $4  }
0x50: {  	[hbm:s6], [sflag:s13] =	dma.local [spmem:s14], $0x50  }
0x51: {  	_ =	swait.ge [sflag:s9], $0x50  }
0x52: {  	[sflag:s9] =	ssyncset.done $0x0  }
0x53: {  	[sflag:s9] =	ssyncadd.s32 $0xFFFFFFB0  }
0x54: {  	_ =	sfence.sel $0x180000  }
0x55: {  	[bflag:$0x0] =	sbarrier.arrive $0xFFFF  }
0x56: {  	p0 =	sne.s32 s0, $0x0;
	_ =	strace $0x90000047  }
0x57: {  	s0 =	sadd.s32 @!p0 $0x100000, s1;
	[bflag:$0x2] =	sbarrier.arrive $0xFFFF  }
0x58: {  	[sflag:s0] =	ssyncadd.tile.s32 @!p0 $0x1;
	_ =	shalt  }
.Lfunc_end2:
_tile_overlayer_lowered:
.L_overlay_start_2:
0x59: {  	(tag) =	ssettag $0x2  }
0x5a: {  	s0 =	rddreg [dreg:$0x0];
	s2 =	stileid.u32  }
0x5b: {  	s1 =	rddreg [dreg:$0x1];
	p0 =	sne.s32 s2, $0x0  }
0x5c: {  	s3 =	rddreg [dreg:$0x2];
	[bflag:$0x3] =	sbarrier.arrive $0xFFFF;
	s2 =	simm.s32 @!p0 $0x1C01  }
0x5d: {  	[timem:s3], [sflag:s2] =	dma.local @!p0 [hbm:s0], s1  }
0x5e: {  	s0 =	simm.s32 @!p0 $0x1  }
0x5f: {  	_ =	swait.ge @!p0 [sflag:s0], s1  }
0x60: {  	s1 =	ssub.s32 @!p0 $0x0, s1;
	[sflag:s0] =	ssyncset.done @!p0 $0x0  }
0x61: {  	[sflag:s0] =	ssyncadd.s32 @!p0 s1  }
0x62: {  	[bflag:$0x3] =	sbarrier.arrive $0xFFFF  }
0x63: {  	_ =	shalt  }

// kernel: kernel.18.cloned.1.call-start
scs
__scs_entry_jumppad:
0x0: {  	(pc) =	sbr.rel $0x88, $3  }
0x1: {  	(tag) =	ssettag $0x0;
	lr =	simm.s32 $0x1  }
0x2: {  	[smem:$0x3F98] =	sst lr;
	_ =	strace $0xD0000000  }
0x3: {  	_ = 	snop  }
0x4: {  	_ = 	snop  }
0x5: {  	_ = 	snop  }
0x6: {  	_ = 	snop  }
0x7: {  	_ = 	snop  }
__scs_overlays_trampoline_lowered:
0x8: {  	[smem:$0x3FA7] =	sst s0  }
0x9: {  	[smem:$0x3FA8] =	sst s1  }
0xa: {  	[smem:$0x3FA9] =	sst s2  }
0xb: {  	[smem:$0x3FAA] =	sst s3  }
0xc: {  	[smem:$0x3FAB] =	sst s4  }
0xd: {  	[smem:$0x3FAC] =	sst s5  }
0xe: {  	[smem:$0x3FAD] =	sst s6  }
0xf: {  	[smem:$0x3FAE] =	sst s7  }
0x10: {  	[smem:$0x3FAF] =	sst s8  }
0x11: {  	[smem:$0x3FB0] =	sst s9;
	s0 =	simm.s32 @!p0 $0x0  }
0x12: {  	s1 =	sld [smem:$0x3F96];
	s0 =	simm.s32 @p0 $0x1  }
0x13: {  	[smem:$0x3FB1] =	sst s0;
	s0 =	simm.s32 @!p1 $0x0  }
0x14: {  	s2 =	sld [smem:$0x3F95];
	s0 =	simm.s32 @p1 $0x1  }
0x15: {  	[smem:$0x3FB2] =	sst s0;
	s0 =	simm.s32 @!p2 $0x0  }
0x16: {  	s3 =	sld [smem:$0x3FDB];
	s0 =	simm.s32 @p2 $0x1  }
0x17: {  	s4 =	simm.s32 $0x1BF5;
	[smem:$0x3FB4] =	sst s0  }
0x18: {  	s0 =	sld [smem:$0x3F97];
	_ =	swait.ge [sflag:s4], $0x0  }
0x19: {  	s7 =	sld [smem:$0x3F98]  }
0x1a: {  	s8 =	sadd.s32 $0xFFFFE003, lr  }
0x1b: {  	s9 =	sadd.s32 $0xFFFFFEF7, lr;
	s5 =	simm.s32 $0xFFFFFFFF;
	p2 =	slt.u32 s8, $0xFFFFF086  }
0x1c: {  	p1 =	slt.u32 s9, $0xF7A;
	s5 =	simm.s32 @!p2 $0x0  }
0x1d: {  	s5 =	simm.s32 @p1 $0x1;
	p0 =	seq.s32 s7, s2  }
0x1e: {  	s7 =	smul.u32 @!p0 $0xF7A, s2;
	p2 =	seq.s32 @!p0 s5, $0x0  }
0x1f: {  	s9 =	smul.u32 $0xF7A, s1;
	s8 =	simm.s32 @!p0 $0x1BF5;
	p2 =	por !p2, p0  }
0x20: {  	[sflag:s8] =	ssyncset.s32 @!p0 $0xFFFFF086;
	s6 =	sadd.s32 @!p0 s3, s7;
	s7 =	simm.s32 @!p0 $0x108  }
0x21: {  	s3 =	sadd.s32 s3, s9;
	s6 =	sadd.s32 @!p0 $0x88, s6;
	s7 =	simm.s32 @p2 $0x1082  }
0x22: {  	[simem:s7], [sflag:s8] =	dma.local @!p0 [hbm:s6], $0xF7A  }
0x23: {  	s9 =	sor.u32 $0xD0000000, s2;
	s6 =	simm.s32 $0x108;
	_ =	swait.ge @!p0 [sflag:s8], $0x0  }
0x24: {  	s3 =	sadd.s32 $0x88, s3;
	s6 =	simm.s32 @!p1 $0x1082;
	[sflag:s4] =	ssyncset.s32 $0xFFFFF086  }
0x25: {  	[simem:s6], [sflag:s4] =	dma.local [hbm:s3], $0xF7A  }
0x26: {  	[smem:$0x3F98] =	sst s1;
	(tag) =	ssettag s2;
	_ =	strace s9  }
0x27: {  	s1 =	sld [smem:$0x3FA8]  }
0x28: {  	s2 =	sld [smem:$0x3FA9]  }
0x29: {  	s4 =	sld [smem:$0x3FAB]  }
0x2a: {  	p0 =	seq.s32 s5, $0x0;
	s5 =	sld [smem:$0x3FAC]  }
0x2b: {  	s6 =	sld [smem:$0x3FAD]  }
0x2c: {  	s7 =	sld [smem:$0x3FAE]  }
0x2d: {  	s3 =	simm.s32 $0x108;
	s8 =	sld [smem:$0x3FAF]  }
0x2e: {  	s3 =	simm.s32 @!p0 $0x1082;
	s9 =	sld [smem:$0x3FB0]  }
0x2f: {  	lr =	sadd.s32 s0, s3;
	s0 =	sld [smem:$0x3FA7]  }
0x30: {  	s3 =	sld [smem:$0x3FAA]  }
0x31: {  	[smem:$0x3FB3] =	sst s10  }
0x32: {  	s10 =	sld [smem:$0x3FB1];
	_ =	sdelay $0x3  }
0x33: {  	p0 =	seq.s32 s10, $0x1;
	s10 =	sld [smem:$0x3FB3];
	_ =	sdelay $0x3  }
0x34: {  	[smem:$0x3FB3] =	sst s10  }
0x35: {  	s10 =	sld [smem:$0x3FB2];
	_ =	sdelay $0x3  }
0x36: {  	p1 =	seq.s32 s10, $0x1;
	s10 =	sld [smem:$0x3FB3];
	_ =	sdelay $0x3  }
0x37: {  	[smem:$0x3FB3] =	sst s10  }
0x38: {  	s10 =	sld [smem:$0x3FB4]  }
0x39: {  	_ = 	snop;
	(pc) =	sbr.ind lr, $3  }
0x3a: {  	_ = 	snop  }
0x3b: {  	_ = 	snop  }
0x3c: {  	p2 =	seq.s32 s10, $0x1;
	s10 =	sld [smem:$0x3FB3]  }
0x3d: {  	_ =	shalt  }
0x3e: {  	_ =	shalt  }
0x3f: {  	_ =	shalt  }
0x40: {  	_ =	shalt  }
0x41: {  	_ =	shalt  }
0x42: {  	_ =	shalt  }
0x43: {  	_ =	shalt  }
0x44: {  	_ =	shalt  }
0x45: {  	_ =	shalt  }
0x46: {  	_ =	shalt  }
0x47: {  	_ =	shalt  }
0x48: {  	_ =	shalt  }
0x49: {  	_ =	shalt  }
0x4a: {  	_ =	shalt  }
0x4b: {  	_ =	shalt  }
0x4c: {  	_ =	shalt  }
0x4d: {  	_ =	shalt  }
0x4e: {  	_ =	shalt  }
0x4f: {  	_ =	shalt  }
0x50: {  	_ =	shalt  }
0x51: {  	_ =	shalt  }
0x52: {  	_ =	shalt  }
0x53: {  	_ =	shalt  }
0x54: {  	_ =	shalt  }
0x55: {  	_ =	shalt  }
0x56: {  	_ =	shalt  }
0x57: {  	_ =	shalt  }
0x58: {  	_ =	shalt  }
0x59: {  	_ =	shalt  }
0x5a: {  	_ =	shalt  }
0x5b: {  	_ =	shalt  }
0x5c: {  	_ =	shalt  }
0x5d: {  	_ =	shalt  }
0x5e: {  	_ =	shalt  }
0x5f: {  	_ =	shalt  }
0x60: {  	_ =	shalt  }
0x61: {  	_ =	shalt  }
0x62: {  	_ =	shalt  }
0x63: {  	_ =	shalt  }
0x64: {  	_ =	shalt  }
0x65: {  	_ =	shalt  }
0x66: {  	_ =	shalt  }
0x67: {  	_ =	shalt  }
0x68: {  	_ =	shalt  }
0x69: {  	_ =	shalt  }
0x6a: {  	_ =	shalt  }
0x6b: {  	_ =	shalt  }
0x6c: {  	_ =	shalt  }
0x6d: {  	_ =	shalt  }
0x6e: {  	_ =	shalt  }
0x6f: {  	_ =	shalt  }
0x70: {  	_ =	shalt  }
0x71: {  	_ =	shalt  }
0x72: {  	_ =	shalt  }
0x73: {  	_ =	shalt  }
0x74: {  	_ =	shalt  }
0x75: {  	_ =	shalt  }
0x76: {  	_ =	shalt  }
0x77: {  	_ =	shalt  }
0x78: {  	_ =	shalt  }
0x79: {  	_ =	shalt  }
0x7a: {  	_ =	shalt  }
0x7b: {  	_ =	shalt  }
0x7c: {  	_ =	shalt  }
0x7d: {  	_ =	shalt  }
0x7e: {  	_ =	shalt  }
0x7f: {  	_ =	shalt  }
0x80: {  	_ =	shalt  }
0x81: {  	_ =	shalt  }
0x82: {  	_ =	shalt  }
0x83: {  	_ =	shalt  }
0x84: {  	_ =	shalt  }
0x85: {  	_ =	shalt  }
0x86: {  	_ =	shalt  }
0x87: {  	_ =	shalt  }
.Lfunc_end0:
.L_simem_size_0:
called_computation.1_lowered:
.L_overlay_start_0:
0x88: {  	s2 =	sld [smem:$0x3FD9]  }
0x89: {  	s3 =	sld [smem:$0x3FFE];
	_ =	sdelay $0x1  }
0x8a: {  	s1 =	srdreg.scid  }
0x8b: {  	s0 =	sand.u32 $0x1, s1  }
0x8c: {  	s17 =	sshll.u32 s0, $0xA;
	s2 =	sadd.s32 s3, s2  }
0x8d: {  	s2 =	sadd.s32 s2, s17  }
0x8e: {  	[smem:$0x3FBF] =	sst s2  }
0x8f: {  	_ = 	snop  }
0x90: {  	s2 =	sld [smem:$0x3FD0];
	(tm) =	ssettm $0x1  }
0x91: {  	s18 =	sld [smem:$0x3FFB];
	_ =	sdelay $0x3  }
0x92: {  	_ =	strace s18  }
0x93: {  	s3 =	sld [smem:$0x3FFC];
	_ =	sdelay $0x3  }
0x94: {  	_ =	strace s3  }
0x95: {  	s3 =	sld [smem:$0x3FFD];
	_ =	sdelay $0x3  }
0x96: {  	_ =	strace s3  }
0x97: {  	_ =	strace $0x8FFFFFFF  }
0x98: {  	s19 =	sld [smem:$0x3FDB];
	_ =	sdelay $0x1  }
0x99: {  	s4 =	simm.s32 $_scs_section_size  }
0x9a: {  	s5 =	simm.s32 $_size__tile_overlayer_lowered;
	s6 =	simm.s32 $_tile_overlayer_lowered  }
0x9b: {  	s22 =	simm.s32 $0x1BFF;
	s21 =	sshll.u32 s6, $0x1;
	s3 =	sadd.s32 s4, s19  }
0x9c: {  	s7 =	simm.s32 $0x0;
	s20 =	sshll.u32 s5, $0x1;
	s5 =	sadd.s32 s21, s3  }
0x9d: {  	[timem:s7], [sflag:s22] =	dma.local [hbm:s5], s20  }
0x9e: {  	_ =	swait.ge [sflag:s22], s20  }
0x9f: {  	s4 =	ssub.s32 $0x0, s20;
	[sflag:s22] =	ssyncset.done $0x0  }
0xa0: {  	[sflag:s22] =	ssyncadd.s32 s4;
	_ =	sdelay $0x1  }
0xa1: {  	s23 =	simm.s32 $0x1B8B  }
0xa2: {  	_ =	swait.ge [sflag:s23], $0x1  }
0xa3: {  	[sflag:s23] =	ssyncset.done $0x0  }
0xa4: {  	s25 =	simm.s32 $0x1B8E;
	s24 =	sld [smem:$0x3FFE];
	[sflag:s23] =	ssyncadd.s32 $0xFFFFFFFF  }
0xa5: {  	s26 =	simm.s32 $execute0_lowered;
	[smem:$0x3FD2] =	sst s25  }
0xa6: {  	s5 =	sshll.u32 s26, $0x1;
	_ =	strace $0x80000049;
	[dreg:$0x1] =	wrdreg $0xFFFFFFFF  }
0xa7: {  	s28 =	simm.s32 $_size_execute0_lowered;
	s3 =	sadd.s32 s3, s5;
	[dreg:$0x0] =	wrdreg $0x0  }
0xa8: {  	s5 =	sshll.u32 s28, $0x1;
	[dreg:$0x2] =	wrdreg s3  }
0xa9: {  	[dreg:$0x3] =	wrdreg s5  }
0xaa: {  	[dreg:$0x4] =	wrdreg $0xC0  }
0xab: {  	_ =	task [dreg:s7], $0x5FFFF  }
0xac: {  	[dreg:$0x1] =	wrdreg $0xFFFFFFFF  }
0xad: {  	[dreg:$0x0] =	wrdreg $0x60  }
0xae: {  	[dreg:$0x2] =	wrdreg s24  }
0xaf: {  	[dreg:$0x3] =	wrdreg s2  }
0xb0: {  	[dreg:$0x4] =	wrdreg $0x0  }
0xb1: {  	[dreg:$0x5] =	wrdreg $0x9  }
0xb2: {  	_ =	task.clear_ibuf [dreg:s7], $0x6FFFF;
	_ =	strace $0x90000049  }
0xb3: {  	s29 =	simm.s32 $0x9;
	_ =	strace $0x8000004B  }
0xb4: {  	_ =	swait.ge [sflag:s29], $0x1  }
0xb5: {  	[sflag:s29] =	ssyncadd.s32 $0xFFFFFFFF  }
0xb6: {  	_ =	strace $0x9000004B  }
0xb7: {  	_ =	sfence  }
0xb8: {  	s30 =	sld [smem:$0x0];
	_ =	sdelay $0x2  }
0xb9: {  	s31 =	sshll.u32 s1, $0xD;
	s1 =	sshrl.u32 s1, $0x2  }
0xba: {  	s3 =	sand.u32 $0x4000, s31;
	s1 =	sadd.s32 s1, s30  }
0xbb: {  	s0 =	sor.u32 s3, s0;
	s1 =	sshll.u32 s1, $0x11  }
0xbc: {  	s0 =	sor.u32 s1, s0  }
0xbd: {  	s0 =	sadd.s32 $0x8F2B, s0  }
0xbe: {  	[sflag:s0] =	ssyncadd.remote.s32 $0x1  }
0xbf: {  	_ =	sfence.sel $0xFFFF  }
0xc0: {  	[dreg:$0x0] =	wrdreg $0xFFFFFFFF;
	(pc) =	sbr.abs _section_cstart, $3  }
0xc1: {  	[dreg:$0x1] =	wrdreg $0xFFFFFFFF  }
0xc2: {  	_ =	task.clear_ibuf [dreg:s7], $0x2FFFF;
	_ =	strace $0x9FFFFFFF  }
0xc3: {  	(tm) =	ssettm $0x7FFFFFFF  }
tec
execute0_lowered:
.L_overlay_start_1:
0x0: {  	(tag) =	ssettag $0x1  }
0x1: {  	s0 =	srdreg.scid;
	s1 =	rddreg [dreg:$0x0]  }
0x2: {  	s8 =	stileid.u32;
	s6 =	rddreg [dreg:$0x1]  }
0x3: {  	s2 =	rddreg [dreg:$0x2];
	s5 =	smul.u32 $0x28, s8  }
0x4: {  	s3 =	simm.s32 $0x0;
	s30 =	simm.s32 $0x80;
	s20 =	smul.u32 $0x1E000, s8  }
0x5: {  	s31 =	simm.s32 $0x11380;
	s0 =	sand.u32 $0x1, s0;
	s8 =	smul.u32 $0x7800, s8  }
0x6: {  	s28 =	simm.s32 $0x11780;
	s29 =	simm.s32 $0x11880;
	s4 =	smul.u32 $0x280, s0  }
0x7: {  	[smem:$0x7FF] =	sst s3;
	s21 =	ssub.s32 $0x2, s0;
	s0 =	smul.u32 $0x78000, s0  }
0x8: {  	_ =	strace $0x8000004A;
	s7 =	sshrl.u32 s21, $0x1;
	s26 =	sadd.s32 s8, s2  }
0x9: {  	s4 =	sadd.s32 s5, s4;
	s5 =	sshrl.u32 s20, $0x2;
	s0 =	sadd.s32 s8, s0  }
0xa: {  	s20 =	simm.s32 $0x7800;
	s4 =	sshll.u32 s4, $0x4;
	s5 =	sadd.s32 s5, s2  }
0xb: {  	s0 =	sshrl.u32 s0, $0x3;
	s4 =	sadd.s32 s4, s1;
	s1 =	sadd.s32 $0x1CC00, s1  }
0xc: {  	s11 =	sadd.s32 s6, s0;
	s13 =	sadd.s32 $0xF00, s5;
	s14 =	sadd.s32 $0x1E00, s5  }
0xd: {  	s15 =	sadd.s32 $0x2D00, s5;
	s16 =	sadd.s32 $0x3C00, s5;
	s17 =	sadd.s32 $0x4B00, s5  }
0xe: {  	s18 =	sadd.s32 $0x5A00, s5;
	s19 =	sadd.s32 $0x6900, s5;
	s0 =	simm.s32 $0x11900  }
0xf: {  	s6 =	simm.s32 $0x2;
	[dreg:$0x4] =	wrdreg s1;
	s22 =	sadd.s32 $0x8C00, s4  }
0x10: {  	s1 =	ssub.s32 s21, s7;
	s23 =	sadd.s32 $0x3C00, s4;
	[dreg:$0x5] =	wrdreg s22  }
0x11: {  	s24 =	sadd.s32 $0x17C00, s4;
	s25 =	sadd.s32 $0x12C00, s4;
	[dreg:$0x6] =	wrdreg s23  }
0x12: {  	s10 =	sadd.s32 $0xDC00, s4;
	s21 =	simm.s32 $0x3;
	[dreg:$0x7] =	wrdreg s24  }
0x13: {  	s4 =	simm.s32 $0x1;
	[dreg:$0x8] =	wrdreg s25;
	s12 =	smax.u32 s1, $0x1  }
0x14: {  	s22 =	simm.s32 $0x8700;
	s25 =	sshrl.u32 s26, $0x3;
	s1 =	simm.s32 $0x11300  }
0x15: {  	v0 =	vimm.f32 $0.0e+00;
	s23 =	simm.s32 $0x11400;
	s24 =	simm.s32 $0x11480;
	s26 =	simm.s32 $0x11800  }
.LBB2_1:
0x16: {  	s7 =	simm.s32 $0x40;
	s8 =	simm.s32 $0x0  }
.LBB2_2:
0x17: {  	p0 =	sne.s32 s7, $0x3BC0;
	[tilespmem:s8+$0x7800] =	vst v0;
	s8 =	smov.u32 s7;
	s7 =	sadd.s32 $0x40, s7  }
.Ltmp0:
0x18: {  	(pc) =	sbr.rel @p0 .LBB2_2-.Ltmp0, $2  }
0x19: {  	_ =	sdelay $0x2  }
0x1a: {  	s8 =	sshra.s32 s8, $0x2  }
0x1b: {  	[tilespmem:s8+$0x7800] =	vst v0  }
0x1c: {  	[spmem:s5] =	stream.linear.scatter [tilespmem:s20], [sflag:$0x3], $0xF00, $0x38;
	[tilespmem:$0x11C00] =	vst v63  }
0x1d: {  	_ =	swait.ge [sflag:s21], $0xF00  }
0x1e: {  	[sflag:s21] =	ssyncset.done $0x0  }
0x1f: {  	[sflag:s21] =	ssyncadd.s32 $0xFFFFF100  }
0x20: {  	[spmem:s13] =	stream.linear.scatter [tilespmem:s20], [sflag:$0x3], $0xF00, $0x38;
	[tilespmem:$0x11C00] =	vst v63  }
0x21: {  	_ =	swait.ge [sflag:s21], $0xF00  }
0x22: {  	[sflag:s21] =	ssyncset.done $0x0  }
0x23: {  	[sflag:s21] =	ssyncadd.s32 $0xFFFFF100  }
0x24: {  	[spmem:s14] =	stream.linear.scatter [tilespmem:s20], [sflag:$0x3], $0xF00, $0x38;
	[tilespmem:$0x11C00] =	vst v63  }
0x25: {  	_ =	swait.ge [sflag:s21], $0xF00  }
0x26: {  	[sflag:s21] =	ssyncset.done $0x0  }
0x27: {  	[sflag:s21] =	ssyncadd.s32 $0xFFFFF100  }
0x28: {  	[spmem:s15] =	stream.linear.scatter [tilespmem:s20], [sflag:$0x3], $0xF00, $0x38;
	[tilespmem:$0x11C00] =	vst v63  }
0x29: {  	_ =	swait.ge [sflag:s21], $0xF00  }
0x2a: {  	[sflag:s21] =	ssyncset.done $0x0  }
0x2b: {  	[sflag:s21] =	ssyncadd.s32 $0xFFFFF100  }
0x2c: {  	[spmem:s16] =	stream.linear.scatter [tilespmem:s20], [sflag:$0x3], $0xF00, $0x38;
	[tilespmem:$0x11C00] =	vst v63  }
0x2d: {  	_ =	swait.ge [sflag:s21], $0xF00  }
0x2e: {  	[sflag:s21] =	ssyncset.done $0x0  }
0x2f: {  	[sflag:s21] =	ssyncadd.s32 $0xFFFFF100  }
0x30: {  	[spmem:s17] =	stream.linear.scatter [tilespmem:s20], [sflag:$0x3], $0xF00, $0x38;
	[tilespmem:$0x11C00] =	vst v63  }
0x31: {  	_ =	swait.ge [sflag:s21], $0xF00  }
0x32: {  	[sflag:s21] =	ssyncset.done $0x0  }
0x33: {  	[sflag:s21] =	ssyncadd.s32 $0xFFFFF100  }
0x34: {  	[spmem:s18] =	stream.linear.scatter [tilespmem:s20], [sflag:$0x3], $0xF00, $0x38;
	[tilespmem:$0x11C00] =	vst v63  }
0x35: {  	_ =	swait.ge [sflag:s21], $0xF00  }
0x36: {  	[sflag:s21] =	ssyncset.done $0x0  }
0x37: {  	[sflag:s21] =	ssyncadd.s32 $0xFFFFF100  }
0x38: {  	[spmem:s19] =	stream.linear.scatter [tilespmem:s20], [sflag:$0x3], $0xF00, $0x38;
	[tilespmem:$0x11C00] =	vst v63  }
0x39: {  	_ =	swait.ge [sflag:s21], $0xF00  }
0x3a: {  	[sflag:s21] =	ssyncset.done $0x0  }
0x3b: {  	[sflag:s21] =	ssyncadd.s32 $0xFFFFF100  }
0x3c: {  	[bflag:$0x0] =	sbarrier.arrive $0xFFFF  }
0x3d: {  	s7 =	simm.s32 $0x0;
	s9 =	rddreg [dreg:$0x4]  }
0x3e: {  	[tilespmem:s22], [sflag:$0x3] =	stream.linear.gather [hbm4b:s9+s7], $0x2800, $0x38;
	[tilespmem:$0x11C00] =	vst v63  }
0x3f: {  	_ =	swait.ge [sflag:s21], $0x2800  }
0x40: {  	[sflag:s21] =	ssyncset.done $0x0  }
0x41: {  	s9 =	simm.s32 $0xAF00;
	s8 =	rddreg [dreg:$0x5];
	[sflag:s21] =	ssyncadd.s32 $0xFFFFD800  }
0x42: {  	[tilespmem:s9], [sflag:$0x3] =	stream.linear.gather [hbm4b:s8+s7], $0x1400, $0x38;
	[tilespmem:$0x11C00] =	vst v63  }
0x43: {  	_ =	swait.ge [sflag:s21], $0x1400  }
0x44: {  	[sflag:s21] =	ssyncset.done $0x0  }
0x45: {  	s9 =	simm.s32 $0xC300;
	s8 =	rddreg [dreg:$0x6];
	[sflag:s21] =	ssyncadd.s32 $0xFFFFEC00  }
0x46: {  	[tilespmem:s9], [sflag:$0x3] =	stream.linear.gather [hbm4b:s8+s7], $0x1400, $0x38;
	[tilespmem:$0x11C00] =	vst v63  }
0x47: {  	_ =	swait.ge [sflag:s21], $0x1400  }
0x48: {  	[sflag:s21] =	ssyncset.done $0x0  }
0x49: {  	s9 =	simm.s32 $0xD700;
	s8 =	rddreg [dreg:$0x7];
	[sflag:s21] =	ssyncadd.s32 $0xFFFFEC00  }
0x4a: {  	[tilespmem:s9], [sflag:$0x3] =	stream.linear.gather [hbm4b:s8+s7], $0x1400, $0x38;
	[tilespmem:$0x11C00] =	vst v63  }
0x4b: {  	_ =	swait.ge [sflag:s21], $0x1400  }
0x4c: {  	[sflag:s21] =	ssyncset.done $0x0  }
0x4d: {  	s9 =	simm.s32 $0xEB00;
	s8 =	rddreg [dreg:$0x8];
	[sflag:s21] =	ssyncadd.s32 $0xFFFFEC00  }
0x4e: {  	[tilespmem:s9], [sflag:$0x3] =	stream.linear.gather [hbm4b:s8+s7], $0x1400, $0x38;
	[tilespmem:$0x11C00] =	vst v63  }
0x4f: {  	_ =	swait.ge [sflag:s21], $0x1400  }
0x50: {  	[sflag:s21] =	ssyncset.done $0x0  }
0x51: {  	s9 =	simm.s32 $0xFF00;
	[sflag:s21] =	ssyncadd.s32 $0xFFFFEC00  }
0x52: {  	[tilespmem:s9], [sflag:$0x3] =	stream.linear.gather [hbm4b:s10+s7], $0x1400, $0x38;
	[tilespmem:$0x11C00] =	vst v63  }
0x53: {  	_ =	swait.ge [sflag:s21], $0x1400  }
0x54: {  	[sflag:s21] =	ssyncset.done $0x0  }
0x55: {  	[sflag:s21] =	ssyncadd.s32 $0xFFFFEC00  }
.LBB2_4:
0x56: {  	p0 =	seq.s32 s7, $0x0  }
0x57: {  	s8 =	simm.s32 @!p0 $0x1  }
0x58: {  	_ =	swait.ge @!p0 [sflag:s8], $0x80  }
0x59: {  	[sflag:s8] =	ssyncset.done @!p0 $0x0  }
0x5a: {  	[sflag:s8] =	ssyncadd.s32 @!p0 $0xFFFFFF80  }
0x5b: {  	_ =	swait.ge @!p0 [sflag:s8], $0x80  }
0x5c: {  	[sflag:s8] =	ssyncset.done @!p0 $0x0  }
0x5d: {  	[sflag:s8] =	ssyncadd.s32 @!p0 $0xFFFFFF80  }
0x5e: {  	_ =	swait.ge @!p0 [sflag:s8], $0x80  }
0x5f: {  	[sflag:s8] =	ssyncset.done @!p0 $0x0  }
0x60: {  	[sflag:s8] =	ssyncadd.s32 @!p0 $0xFFFFFF80;
	s8 =	sshra.s32 s7, $0x2  }
0x61: {  	v1 =	vld [tilespmem:s8+$0xAF00];
	_ =	sdelay $0x7  }
0x62: {  	v1 =	vld.idx.msk [tilespmem:v1+s22+$0x0], $0xffff;
	_ =	sdelay $0x4  }
0x63: {  	[tilespmem:$0x11300] =	vst v1  }
0x64: {  	v1 =	vld [tilespmem:s8+$0xC300];
	_ =	sdelay $0x1  }
0x65: {  	v2 =	vld [tilespmem:s8+$0xD700];
	_ =	sdelay $0x2  }
0x66: {  	v1 =	vmul.u32 $0x30, v1;
	_ =	sdelay $0x1  }
0x67: {  	v2 =	vadd.s32 v2, v1  }
0x68: {  	[tilespmem:$0x11380] =	vst v2  }
0x69: {  	v2 =	vld [tilespmem:s8+$0xEB00];
	_ =	sdelay $0x4  }
0x6a: {  	v2 =	vadd.s32 v2, v1  }
0x6b: {  	v2 =	vadd.s32 $0x10, v2  }
0x6c: {  	[tilespmem:$0x11400] =	vst v2  }
0x6d: {  	v2 =	vld [tilespmem:s8+$0xFF00];
	_ =	sdelay $0x4  }
0x6e: {  	v1 =	vadd.s32 v2, v1  }
0x6f: {  	v1 =	vadd.s32 $0x20, v1  }
0x70: {  	[tilespmem:$0x11480] =	vst v1  }
0x71: {  	v1 =	vld [tilespmem:s8+$0xAF10];
	_ =	sdelay $0x7  }
0x72: {  	v1 =	vld.idx.msk [tilespmem:v1+s22+$0x0], $0xffff;
	_ =	sdelay $0x4  }
0x73: {  	[tilespmem:$0x11310] =	vst v1  }
0x74: {  	v1 =	vld [tilespmem:s8+$0xC310];
	_ =	sdelay $0x1  }
0x75: {  	v2 =	vld [tilespmem:s8+$0xD710];
	_ =	sdelay $0x2  }
0x76: {  	v1 =	vmul.u32 $0x30, v1;
	_ =	sdelay $0x1  }
0x77: {  	v2 =	vadd.s32 v2, v1  }
0x78: {  	[tilespmem:$0x11390] =	vst v2  }
0x79: {  	v2 =	vld [tilespmem:s8+$0xEB10];
	_ =	sdelay $0x4  }
0x7a: {  	v2 =	vadd.s32 v2, v1  }
0x7b: {  	v2 =	vadd.s32 $0x10, v2  }
0x7c: {  	[tilespmem:$0x11410] =	vst v2  }
0x7d: {  	v2 =	vld [tilespmem:s8+$0xFF10];
	_ =	sdelay $0x4  }
0x7e: {  	v1 =	vadd.s32 v2, v1  }
0x7f: {  	v1 =	vadd.s32 $0x20, v1  }
0x80: {  	[tilespmem:$0x11490] =	vst v1  }
0x81: {  	v1 =	vld [tilespmem:s8+$0xAF20];
	_ =	sdelay $0x7  }
0x82: {  	v1 =	vld.idx.msk [tilespmem:v1+s22+$0x0], $0xffff;
	_ =	sdelay $0x4  }
0x83: {  	[tilespmem:$0x11320] =	vst v1  }
0x84: {  	v1 =	vld [tilespmem:s8+$0xC320];
	_ =	sdelay $0x1  }
0x85: {  	v2 =	vld [tilespmem:s8+$0xD720];
	_ =	sdelay $0x2  }
0x86: {  	v1 =	vmul.u32 $0x30, v1;
	_ =	sdelay $0x1  }
0x87: {  	v2 =	vadd.s32 v2, v1  }
0x88: {  	[tilespmem:$0x113A0] =	vst v2  }
0x89: {  	v2 =	vld [tilespmem:s8+$0xEB20];
	_ =	sdelay $0x4  }
0x8a: {  	v2 =	vadd.s32 v2, v1  }
0x8b: {  	v2 =	vadd.s32 $0x10, v2  }
0x8c: {  	[tilespmem:$0x11420] =	vst v2  }
0x8d: {  	v2 =	vld [tilespmem:s8+$0xFF20];
	_ =	sdelay $0x4  }
0x8e: {  	v1 =	vadd.s32 v2, v1  }
0x8f: {  	v1 =	vadd.s32 $0x20, v1  }
0x90: {  	[tilespmem:$0x114A0] =	vst v1  }
0x91: {  	v1 =	vld [tilespmem:s8+$0xAF30];
	_ =	sdelay $0x7  }
0x92: {  	v1 =	vld.idx.msk [tilespmem:v1+s22+$0x0], $0xffff;
	_ =	sdelay $0x4  }
0x93: {  	[tilespmem:$0x11330] =	vst v1  }
0x94: {  	v1 =	vld [tilespmem:s8+$0xC330];
	_ =	sdelay $0x1  }
0x95: {  	v2 =	vld [tilespmem:s8+$0xD730];
	_ =	sdelay $0x2  }
0x96: {  	v1 =	vmul.u32 $0x30, v1;
	_ =	sdelay $0x1  }
0x97: {  	v2 =	vadd.s32 v2, v1  }
0x98: {  	[tilespmem:$0x113B0] =	vst v2  }
0x99: {  	v2 =	vld [tilespmem:s8+$0xEB30];
	_ =	sdelay $0x4  }
0x9a: {  	v2 =	vadd.s32 v2, v1  }
0x9b: {  	v2 =	vadd.s32 $0x10, v2  }
0x9c: {  	[tilespmem:$0x11430] =	vst v2  }
0x9d: {  	v2 =	vld [tilespmem:s8+$0xFF30];
	_ =	sdelay $0x4  }
0x9e: {  	v1 =	vadd.s32 v2, v1  }
0x9f: {  	v1 =	vadd.s32 $0x20, v1  }
0xa0: {  	[tilespmem:$0x114B0] =	vst v1  }
0xa1: {  	v1 =	vld [tilespmem:s8+$0xAF40];
	_ =	sdelay $0x7  }
0xa2: {  	v1 =	vld.idx.msk [tilespmem:v1+s22+$0x0], $0xffff;
	_ =	sdelay $0x4  }
0xa3: {  	[tilespmem:$0x11340] =	vst v1  }
0xa4: {  	v1 =	vld [tilespmem:s8+$0xC340];
	_ =	sdelay $0x1  }
0xa5: {  	v2 =	vld [tilespmem:s8+$0xD740];
	_ =	sdelay $0x2  }
0xa6: {  	v1 =	vmul.u32 $0x30, v1;
	_ =	sdelay $0x1  }
0xa7: {  	v2 =	vadd.s32 v2, v1  }
0xa8: {  	[tilespmem:$0x113C0] =	vst v2  }
0xa9: {  	v2 =	vld [tilespmem:s8+$0xEB40];
	_ =	sdelay $0x4  }
0xaa: {  	v2 =	vadd.s32 v2, v1  }
0xab: {  	v2 =	vadd.s32 $0x10, v2  }
0xac: {  	[tilespmem:$0x11440] =	vst v2  }
0xad: {  	v2 =	vld [tilespmem:s8+$0xFF40];
	_ =	sdelay $0x4  }
0xae: {  	v1 =	vadd.s32 v2, v1  }
0xaf: {  	v1 =	vadd.s32 $0x20, v1  }
0xb0: {  	[tilespmem:$0x114C0] =	vst v1  }
0xb1: {  	v1 =	vld [tilespmem:s8+$0xAF50];
	_ =	sdelay $0x7  }
0xb2: {  	v1 =	vld.idx.msk [tilespmem:v1+s22+$0x0], $0xffff;
	_ =	sdelay $0x4  }
0xb3: {  	[tilespmem:$0x11350] =	vst v1  }
0xb4: {  	v1 =	vld [tilespmem:s8+$0xC350];
	_ =	sdelay $0x1  }
0xb5: {  	v2 =	vld [tilespmem:s8+$0xD750];
	_ =	sdelay $0x2  }
0xb6: {  	v1 =	vmul.u32 $0x30, v1;
	_ =	sdelay $0x1  }
0xb7: {  	v2 =	vadd.s32 v2, v1  }
0xb8: {  	[tilespmem:$0x113D0] =	vst v2  }
0xb9: {  	v2 =	vld [tilespmem:s8+$0xEB50];
	_ =	sdelay $0x4  }
0xba: {  	v2 =	vadd.s32 v2, v1  }
0xbb: {  	v2 =	vadd.s32 $0x10, v2  }
0xbc: {  	[tilespmem:$0x11450] =	vst v2  }
0xbd: {  	v2 =	vld [tilespmem:s8+$0xFF50];
	_ =	sdelay $0x4  }
0xbe: {  	v1 =	vadd.s32 v2, v1  }
0xbf: {  	v1 =	vadd.s32 $0x20, v1  }
0xc0: {  	[tilespmem:$0x114D0] =	vst v1  }
0xc1: {  	v1 =	vld [tilespmem:s8+$0xAF60];
	_ =	sdelay $0x7  }
0xc2: {  	v1 =	vld.idx.msk [tilespmem:v1+s22+$0x0], $0xffff;
	_ =	sdelay $0x4  }
0xc3: {  	[tilespmem:$0x11360] =	vst v1  }
0xc4: {  	v1 =	vld [tilespmem:s8+$0xC360];
	_ =	sdelay $0x1  }
0xc5: {  	v2 =	vld [tilespmem:s8+$0xD760];
	_ =	sdelay $0x2  }
0xc6: {  	v1 =	vmul.u32 $0x30, v1;
	_ =	sdelay $0x1  }
0xc7: {  	v2 =	vadd.s32 v2, v1  }
0xc8: {  	[tilespmem:$0x113E0] =	vst v2  }
0xc9: {  	v2 =	vld [tilespmem:s8+$0xEB60];
	_ =	sdelay $0x4  }
0xca: {  	v2 =	vadd.s32 v2, v1  }
0xcb: {  	v2 =	vadd.s32 $0x10, v2  }
0xcc: {  	[tilespmem:$0x11460] =	vst v2  }
0xcd: {  	v2 =	vld [tilespmem:s8+$0xFF60];
	_ =	sdelay $0x4  }
0xce: {  	v1 =	vadd.s32 v2, v1  }
0xcf: {  	v1 =	vadd.s32 $0x20, v1  }
0xd0: {  	[tilespmem:$0x114E0] =	vst v1  }
0xd1: {  	v1 =	vld [tilespmem:s8+$0xAF70];
	_ =	sdelay $0x7  }
0xd2: {  	v1 =	vld.idx.msk [tilespmem:v1+s22+$0x0], $0xffff;
	_ =	sdelay $0x4  }
0xd3: {  	[tilespmem:$0x11370] =	vst v1  }
0xd4: {  	v1 =	vld [tilespmem:s8+$0xC370];
	_ =	sdelay $0x1  }
0xd5: {  	v2 =	vld [tilespmem:s8+$0xD770];
	_ =	sdelay $0x2  }
0xd6: {  	v1 =	vmul.u32 $0x30, v1;
	_ =	sdelay $0x1  }
0xd7: {  	v2 =	vadd.s32 v2, v1  }
0xd8: {  	[tilespmem:$0x113F0] =	vst v2  }
0xd9: {  	v2 =	vld [tilespmem:s8+$0xEB70];
	_ =	sdelay $0x4  }
0xda: {  	v2 =	vadd.s32 v2, v1  }
0xdb: {  	v2 =	vadd.s32 $0x10, v2  }
0xdc: {  	[tilespmem:$0x11470] =	vst v2  }
0xdd: {  	v2 =	vld [tilespmem:s8+$0xFF70];
	_ =	sdelay $0x4  }
0xde: {  	v1 =	vadd.s32 v2, v1  }
0xdf: {  	v1 =	vadd.s32 $0x20, v1  }
0xe0: {  	[tilespmem:$0x114F0] =	vst v1  }
0xe1: {  	[spmem:s2] =	stream.indirect.scatter.add.f32 [tilespmem:s1], [sflag:$0x1], $0x1, s31, s30, $0xb8;
	[tilespmem:$0x11C00] =	vst v63  }
0xe2: {  	_ = 	snop  }
0xe3: {  	[spmem:s2] =	stream.indirect.scatter.add.f32 [tilespmem:s1], [sflag:$0x1], $0x1, s23, s30, $0xb8;
	[tilespmem:$0x11C00] =	vst v63  }
0xe4: {  	s9 =	simm.s32 @!p0 $0x2  }
0xe5: {  	[spmem:s2] =	stream.indirect.scatter.add.f32 [tilespmem:s1], [sflag:$0x1], $0x1, s24, s30, $0xb8;
	[tilespmem:$0x11C00] =	vst v63  }
0xe6: {  	_ =	swait.ge @!p0 [sflag:s9], $0x80  }
0xe7: {  	[sflag:s9] =	ssyncset.done @!p0 $0x0  }
0xe8: {  	[sflag:s9] =	ssyncadd.s32 @!p0 $0xFFFFFF80  }
0xe9: {  	_ =	swait.ge @!p0 [sflag:s9], $0x80  }
0xea: {  	[sflag:s9] =	ssyncset.done @!p0 $0x0  }
0xeb: {  	[sflag:s9] =	ssyncadd.s32 @!p0 $0xFFFFFF80  }
0xec: {  	_ =	swait.ge @!p0 [sflag:s9], $0x80  }
0xed: {  	[sflag:s9] =	ssyncset.done @!p0 $0x0  }
0xee: {  	[sflag:s9] =	ssyncadd.s32 @!p0 $0xFFFFFF80  }
0xef: {  	v1 =	vld [tilespmem:s8+$0xAF80];
	_ =	sdelay $0x7  }
0xf0: {  	v1 =	vld.idx.msk [tilespmem:v1+s22+$0x0], $0xffff;
	_ =	sdelay $0x4  }
0xf1: {  	[tilespmem:$0x11780] =	vst v1  }
0xf2: {  	v1 =	vld [tilespmem:s8+$0xC380];
	_ =	sdelay $0x1  }
0xf3: {  	v2 =	vld [tilespmem:s8+$0xD780];
	_ =	sdelay $0x2  }
0xf4: {  	v1 =	vmul.u32 $0x30, v1;
	_ =	sdelay $0x1  }
0xf5: {  	v2 =	vadd.s32 v2, v1  }
0xf6: {  	[tilespmem:$0x11800] =	vst v2  }
0xf7: {  	v2 =	vld [tilespmem:s8+$0xEB80];
	_ =	sdelay $0x4  }
0xf8: {  	v2 =	vadd.s32 v2, v1  }
0xf9: {  	v2 =	vadd.s32 $0x10, v2  }
0xfa: {  	[tilespmem:$0x11880] =	vst v2  }
0xfb: {  	v2 =	vld [tilespmem:s8+$0xFF80];
	_ =	sdelay $0x4  }
0xfc: {  	v1 =	vadd.s32 v2, v1  }
0xfd: {  	v1 =	vadd.s32 $0x20, v1  }
0xfe: {  	[tilespmem:$0x11900] =	vst v1  }
0xff: {  	v1 =	vld [tilespmem:s8+$0xAF90];
	_ =	sdelay $0x7  }
0x100: {  	v1 =	vld.idx.msk [tilespmem:v1+s22+$0x0], $0xffff;
	_ =	sdelay $0x4  }
0x101: {  	[tilespmem:$0x11790] =	vst v1  }
0x102: {  	v1 =	vld [tilespmem:s8+$0xC390];
	_ =	sdelay $0x1  }
0x103: {  	v2 =	vld [tilespmem:s8+$0xD790];
	_ =	sdelay $0x2  }
0x104: {  	v1 =	vmul.u32 $0x30, v1;
	_ =	sdelay $0x1  }
0x105: {  	v2 =	vadd.s32 v2, v1  }
0x106: {  	[tilespmem:$0x11810] =	vst v2  }
0x107: {  	v2 =	vld [tilespmem:s8+$0xEB90];
	_ =	sdelay $0x4  }
0x108: {  	v2 =	vadd.s32 v2, v1  }
0x109: {  	v2 =	vadd.s32 $0x10, v2  }
0x10a: {  	[tilespmem:$0x11890] =	vst v2  }
0x10b: {  	v2 =	vld [tilespmem:s8+$0xFF90];
	_ =	sdelay $0x4  }
0x10c: {  	v1 =	vadd.s32 v2, v1  }
0x10d: {  	v1 =	vadd.s32 $0x20, v1  }
0x10e: {  	[tilespmem:$0x11910] =	vst v1  }
0x10f: {  	v1 =	vld [tilespmem:s8+$0xAFA0];
	_ =	sdelay $0x7  }
0x110: {  	v1 =	vld.idx.msk [tilespmem:v1+s22+$0x0], $0xffff;
	_ =	sdelay $0x4  }
0x111: {  	[tilespmem:$0x117A0] =	vst v1  }
0x112: {  	v1 =	vld [tilespmem:s8+$0xC3A0];
	_ =	sdelay $0x1  }
0x113: {  	v2 =	vld [tilespmem:s8+$0xD7A0];
	_ =	sdelay $0x2  }
0x114: {  	v1 =	vmul.u32 $0x30, v1;
	_ =	sdelay $0x1  }
0x115: {  	v2 =	vadd.s32 v2, v1  }
0x116: {  	[tilespmem:$0x11820] =	vst v2  }
0x117: {  	v2 =	vld [tilespmem:s8+$0xEBA0];
	_ =	sdelay $0x4  }
0x118: {  	v2 =	vadd.s32 v2, v1  }
0x119: {  	v2 =	vadd.s32 $0x10, v2  }
0x11a: {  	[tilespmem:$0x118A0] =	vst v2  }
0x11b: {  	v2 =	vld [tilespmem:s8+$0xFFA0];
	_ =	sdelay $0x4  }
0x11c: {  	v1 =	vadd.s32 v2, v1  }
0x11d: {  	v1 =	vadd.s32 $0x20, v1  }
0x11e: {  	[tilespmem:$0x11920] =	vst v1  }
0x11f: {  	v1 =	vld [tilespmem:s8+$0xAFB0];
	_ =	sdelay $0x7  }
0x120: {  	v1 =	vld.idx.msk [tilespmem:v1+s22+$0x0], $0xffff;
	_ =	sdelay $0x4  }
0x121: {  	[tilespmem:$0x117B0] =	vst v1  }
0x122: {  	v1 =	vld [tilespmem:s8+$0xC3B0];
	_ =	sdelay $0x1  }
0x123: {  	v2 =	vld [tilespmem:s8+$0xD7B0];
	_ =	sdelay $0x2  }
0x124: {  	v1 =	vmul.u32 $0x30, v1;
	_ =	sdelay $0x1  }
0x125: {  	v2 =	vadd.s32 v2, v1  }
0x126: {  	[tilespmem:$0x11830] =	vst v2  }
0x127: {  	v2 =	vld [tilespmem:s8+$0xEBB0];
	_ =	sdelay $0x4  }
0x128: {  	v2 =	vadd.s32 v2, v1  }
0x129: {  	v2 =	vadd.s32 $0x10, v2  }
0x12a: {  	[tilespmem:$0x118B0] =	vst v2  }
0x12b: {  	v2 =	vld [tilespmem:s8+$0xFFB0];
	_ =	sdelay $0x4  }
0x12c: {  	v1 =	vadd.s32 v2, v1  }
0x12d: {  	v1 =	vadd.s32 $0x20, v1  }
0x12e: {  	[tilespmem:$0x11930] =	vst v1  }
0x12f: {  	v1 =	vld [tilespmem:s8+$0xAFC0];
	_ =	sdelay $0x7  }
0x130: {  	v1 =	vld.idx.msk [tilespmem:v1+s22+$0x0], $0xffff;
	_ =	sdelay $0x4  }
0x131: {  	[tilespmem:$0x117C0] =	vst v1  }
0x132: {  	v1 =	vld [tilespmem:s8+$0xC3C0];
	_ =	sdelay $0x1  }
0x133: {  	v2 =	vld [tilespmem:s8+$0xD7C0];
	_ =	sdelay $0x2  }
0x134: {  	v1 =	vmul.u32 $0x30, v1;
	_ =	sdelay $0x1  }
0x135: {  	v2 =	vadd.s32 v2, v1  }
0x136: {  	[tilespmem:$0x11840] =	vst v2  }
0x137: {  	v2 =	vld [tilespmem:s8+$0xEBC0];
	_ =	sdelay $0x4  }
0x138: {  	v2 =	vadd.s32 v2, v1  }
0x139: {  	v2 =	vadd.s32 $0x10, v2  }
0x13a: {  	[tilespmem:$0x118C0] =	vst v2  }
0x13b: {  	v2 =	vld [tilespmem:s8+$0xFFC0];
	_ =	sdelay $0x4  }
0x13c: {  	v1 =	vadd.s32 v2, v1  }
0x13d: {  	v1 =	vadd.s32 $0x20, v1  }
0x13e: {  	[tilespmem:$0x11940] =	vst v1  }
0x13f: {  	v1 =	vld [tilespmem:s8+$0xAFD0];
	_ =	sdelay $0x7  }
0x140: {  	v1 =	vld.idx.msk [tilespmem:v1+s22+$0x0], $0xffff;
	_ =	sdelay $0x4  }
0x141: {  	[tilespmem:$0x117D0] =	vst v1  }
0x142: {  	v1 =	vld [tilespmem:s8+$0xC3D0];
	_ =	sdelay $0x1  }
0x143: {  	v2 =	vld [tilespmem:s8+$0xD7D0];
	_ =	sdelay $0x2  }
0x144: {  	v1 =	vmul.u32 $0x30, v1;
	_ =	sdelay $0x1  }
0x145: {  	v2 =	vadd.s32 v2, v1  }
0x146: {  	[tilespmem:$0x11850] =	vst v2  }
0x147: {  	v2 =	vld [tilespmem:s8+$0xEBD0];
	_ =	sdelay $0x4  }
0x148: {  	v2 =	vadd.s32 v2, v1  }
0x149: {  	v2 =	vadd.s32 $0x10, v2  }
0x14a: {  	[tilespmem:$0x118D0] =	vst v2  }
0x14b: {  	v2 =	vld [tilespmem:s8+$0xFFD0];
	_ =	sdelay $0x4  }
0x14c: {  	v1 =	vadd.s32 v2, v1  }
0x14d: {  	v1 =	vadd.s32 $0x20, v1  }
0x14e: {  	[tilespmem:$0x11950] =	vst v1  }
0x14f: {  	v1 =	vld [tilespmem:s8+$0xAFE0];
	_ =	sdelay $0x7  }
0x150: {  	v1 =	vld.idx.msk [tilespmem:v1+s22+$0x0], $0xffff;
	_ =	sdelay $0x4  }
0x151: {  	[tilespmem:$0x117E0] =	vst v1  }
0x152: {  	v1 =	vld [tilespmem:s8+$0xC3E0];
	_ =	sdelay $0x1  }
0x153: {  	v2 =	vld [tilespmem:s8+$0xD7E0];
	_ =	sdelay $0x2  }
0x154: {  	v1 =	vmul.u32 $0x30, v1;
	_ =	sdelay $0x1  }
0x155: {  	v2 =	vadd.s32 v2, v1  }
0x156: {  	[tilespmem:$0x11860] =	vst v2  }
0x157: {  	v2 =	vld [tilespmem:s8+$0xEBE0];
	_ =	sdelay $0x4  }
0x158: {  	v2 =	vadd.s32 v2, v1  }
0x159: {  	v2 =	vadd.s32 $0x10, v2  }
0x15a: {  	[tilespmem:$0x118E0] =	vst v2  }
0x15b: {  	v2 =	vld [tilespmem:s8+$0xFFE0];
	_ =	sdelay $0x4  }
0x15c: {  	v1 =	vadd.s32 v2, v1  }
0x15d: {  	v1 =	vadd.s32 $0x20, v1  }
0x15e: {  	[tilespmem:$0x11960] =	vst v1  }
0x15f: {  	v1 =	vld [tilespmem:s8+$0xAFF0];
	_ =	sdelay $0x7  }
0x160: {  	v1 =	vld.idx.msk [tilespmem:v1+s22+$0x0], $0xffff;
	_ =	sdelay $0x4  }
0x161: {  	[tilespmem:$0x117F0] =	vst v1  }
0x162: {  	v1 =	vld [tilespmem:s8+$0xC3F0];
	_ =	sdelay $0x1  }
0x163: {  	v2 =	vld [tilespmem:s8+$0xD7F0];
	_ =	sdelay $0x2  }
0x164: {  	v1 =	vmul.u32 $0x30, v1;
	_ =	sdelay $0x1  }
0x165: {  	v2 =	vadd.s32 v2, v1  }
0x166: {  	[tilespmem:$0x11870] =	vst v2  }
0x167: {  	v2 =	vld [tilespmem:s8+$0xEBF0];
	_ =	sdelay $0x4  }
0x168: {  	v2 =	vadd.s32 v2, v1  }
0x169: {  	v2 =	vadd.s32 $0x10, v2  }
0x16a: {  	[tilespmem:$0x118F0] =	vst v2  }
0x16b: {  	v2 =	vld [tilespmem:s8+$0xFFF0];
	_ =	sdelay $0x4  }
0x16c: {  	v1 =	vadd.s32 v2, v1  }
0x16d: {  	s7 =	sadd.s32 $0x400, s7;
	v1 =	vadd.s32 $0x20, v1  }
0x16e: {  	p0 =	sne.s32 s7, $0x5000;
	[tilespmem:$0x11970] =	vst v1  }
0x16f: {  	[spmem:s2] =	stream.indirect.scatter.add.f32 [tilespmem:s28], [sflag:$0x2], $0x1, s26, s30, $0xb8;
	[tilespmem:$0x11C00] =	vst v63  }
.Ltmp1:
0x170: {  	_ = 	snop;
	(pc) =	sbr.rel @p0 .LBB2_4-.Ltmp1, $4  }
0x171: {  	_ = 	snop  }
0x172: {  	[spmem:s2] =	stream.indirect.scatter.add.f32 [tilespmem:s28], [sflag:$0x2], $0x1, s29, s30, $0xb8;
	[tilespmem:$0x11C00] =	vst v63  }
0x173: {  	_ = 	snop  }
0x174: {  	[spmem:s2] =	stream.indirect.scatter.add.f32 [tilespmem:s28], [sflag:$0x2], $0x1, s0, s30, $0xb8;
	[tilespmem:$0x11C00] =	vst v63  }
0x175: {  	_ =	swait.ge [sflag:s4], $0x80  }
0x176: {  	[sflag:s4] =	ssyncset.done $0x0  }
0x177: {  	[sflag:s4] =	ssyncadd.s32 $0xFFFFFF80  }
0x178: {  	_ =	swait.ge [sflag:s4], $0x80  }
0x179: {  	[sflag:s4] =	ssyncset.done $0x0  }
0x17a: {  	[sflag:s4] =	ssyncadd.s32 $0xFFFFFF80  }
0x17b: {  	_ =	swait.ge [sflag:s4], $0x80  }
0x17c: {  	[sflag:s4] =	ssyncset.done $0x0  }
0x17d: {  	[sflag:s4] =	ssyncadd.s32 $0xFFFFFF80  }
0x17e: {  	_ =	swait.ge [sflag:s6], $0x80  }
0x17f: {  	[sflag:s6] =	ssyncset.done $0x0  }
0x180: {  	[sflag:s6] =	ssyncadd.s32 $0xFFFFFF80  }
0x181: {  	_ =	swait.ge [sflag:s6], $0x80  }
0x182: {  	[sflag:s6] =	ssyncset.done $0x0  }
0x183: {  	[sflag:s6] =	ssyncadd.s32 $0xFFFFFF80  }
0x184: {  	_ =	swait.ge [sflag:s6], $0x80  }
0x185: {  	s7 =	stileid.u32;
	s3 =	sadd.s32 $0x1, s3;
	[sflag:s6] =	ssyncset.done $0x0  }
0x186: {  	s7 =	sshll.u32 s7, $0x6;
	p0 =	sne.s32 s3, s12;
	[sflag:s6] =	ssyncadd.s32 $0xFFFFFF80  }
.Ltmp2:
0x187: {  	s7 =	sor.u32 $0x1C03, s7;
	[bflag:$0x0] =	sbarrier.arrive $0xFFFF;
	(pc) =	sbr.rel @p0 .LBB2_1-.Ltmp2, $4  }
0x188: {  	[hbm:s11], [sflag:s7] =	dma.local [spmem:s25], $0xF00  }
0x189: {  	_ =	swait.ge [sflag:s21], $0xF00  }
0x18a: {  	[sflag:s21] =	ssyncset.done $0x0  }
0x18b: {  	[sflag:s21] =	ssyncadd.s32 $0xFFFFF100  }
0x18c: {  	_ =	sfence.sel $0x180000  }
0x18d: {  	[bflag:$0x0] =	sbarrier.arrive $0xFFFF  }
0x18e: {  	_ =	strace $0x9000004A  }
0x18f: {  	s0 =	stileid.u32;
	[bflag:$0x2] =	sbarrier.arrive $0xFFFF  }
0x190: {  	p0 =	sne.s32 s0, $0x0;
	s0 =	rddreg [dreg:$0x3]  }
0x191: {  	s0 =	sadd.s32 @!p0 $0x100000, s0  }
0x192: {  	[sflag:s0] =	ssyncadd.tile.s32 @!p0 $0x1;
	_ =	shalt  }
.Lfunc_end2:
_tile_overlayer_lowered:
.L_overlay_start_2:
0x193: {  	(tag) =	ssettag $0x2  }
0x194: {  	s0 =	rddreg [dreg:$0x0];
	s2 =	stileid.u32  }
0x195: {  	s1 =	rddreg [dreg:$0x1];
	p0 =	sne.s32 s2, $0x0  }
0x196: {  	s3 =	rddreg [dreg:$0x2];
	[bflag:$0x3] =	sbarrier.arrive $0xFFFF;
	s2 =	simm.s32 @!p0 $0x1C03  }
0x197: {  	[timem:s3], [sflag:s2] =	dma.local @!p0 [hbm:s0], s1  }
0x198: {  	s0 =	simm.s32 @!p0 $0x3  }
0x199: {  	_ =	swait.ge @!p0 [sflag:s0], s1  }
0x19a: {  	s1 =	ssub.s32 @!p0 $0x0, s1;
	[sflag:s0] =	ssyncset.done @!p0 $0x0  }
0x19b: {  	[sflag:s0] =	ssyncadd.s32 @!p0 s1  }
0x19c: {  	[bflag:$0x3] =	sbarrier.arrive $0xFFFF  }
0x19d: {  	_ =	shalt  }

// kernel: kernel.21.cloned.1.call-start
scs
__scs_entry_jumppad:
0x0: {  	(pc) =	sbr.rel $0x88, $3  }
0x1: {  	(tag) =	ssettag $0x0;
	lr =	simm.s32 $0x1  }
0x2: {  	[smem:$0x3F98] =	sst lr;
	_ =	strace $0xD0000000  }
0x3: {  	_ = 	snop  }
0x4: {  	_ = 	snop  }
0x5: {  	_ = 	snop  }
0x6: {  	_ = 	snop  }
0x7: {  	_ = 	snop  }
__scs_overlays_trampoline_lowered:
0x8: {  	[smem:$0x3FA7] =	sst s0  }
0x9: {  	[smem:$0x3FA8] =	sst s1  }
0xa: {  	[smem:$0x3FA9] =	sst s2  }
0xb: {  	[smem:$0x3FAA] =	sst s3  }
0xc: {  	[smem:$0x3FAB] =	sst s4  }
0xd: {  	[smem:$0x3FAC] =	sst s5  }
0xe: {  	[smem:$0x3FAD] =	sst s6  }
0xf: {  	[smem:$0x3FAE] =	sst s7  }
0x10: {  	[smem:$0x3FAF] =	sst s8  }
0x11: {  	[smem:$0x3FB0] =	sst s9;
	s0 =	simm.s32 @!p0 $0x0  }
0x12: {  	s1 =	sld [smem:$0x3F96];
	s0 =	simm.s32 @p0 $0x1  }
0x13: {  	[smem:$0x3FB1] =	sst s0;
	s0 =	simm.s32 @!p1 $0x0  }
0x14: {  	s2 =	sld [smem:$0x3F95];
	s0 =	simm.s32 @p1 $0x1  }
0x15: {  	[smem:$0x3FB2] =	sst s0;
	s0 =	simm.s32 @!p2 $0x0  }
0x16: {  	s3 =	sld [smem:$0x3FDB];
	s0 =	simm.s32 @p2 $0x1  }
0x17: {  	s4 =	simm.s32 $0x1BF5;
	[smem:$0x3FB4] =	sst s0  }
0x18: {  	s0 =	sld [smem:$0x3F97];
	_ =	swait.ge [sflag:s4], $0x0  }
0x19: {  	s7 =	sld [smem:$0x3F98]  }
0x1a: {  	s8 =	sadd.s32 $0xFFFFE003, lr  }
0x1b: {  	s9 =	sadd.s32 $0xFFFFFEF7, lr;
	s5 =	simm.s32 $0xFFFFFFFF;
	p2 =	slt.u32 s8, $0xFFFFF086  }
0x1c: {  	p1 =	slt.u32 s9, $0xF7A;
	s5 =	simm.s32 @!p2 $0x0  }
0x1d: {  	s5 =	simm.s32 @p1 $0x1;
	p0 =	seq.s32 s7, s2  }
0x1e: {  	s7 =	smul.u32 @!p0 $0xF7A, s2;
	p2 =	seq.s32 @!p0 s5, $0x0  }
0x1f: {  	s9 =	smul.u32 $0xF7A, s1;
	s8 =	simm.s32 @!p0 $0x1BF5;
	p2 =	por !p2, p0  }
0x20: {  	[sflag:s8] =	ssyncset.s32 @!p0 $0xFFFFF086;
	s6 =	sadd.s32 @!p0 s3, s7;
	s7 =	simm.s32 @!p0 $0x108  }
0x21: {  	s3 =	sadd.s32 s3, s9;
	s6 =	sadd.s32 @!p0 $0x88, s6;
	s7 =	simm.s32 @p2 $0x1082  }
0x22: {  	[simem:s7], [sflag:s8] =	dma.local @!p0 [hbm:s6], $0xF7A  }
0x23: {  	s9 =	sor.u32 $0xD0000000, s2;
	s6 =	simm.s32 $0x108;
	_ =	swait.ge @!p0 [sflag:s8], $0x0  }
0x24: {  	s3 =	sadd.s32 $0x88, s3;
	s6 =	simm.s32 @!p1 $0x1082;
	[sflag:s4] =	ssyncset.s32 $0xFFFFF086  }
0x25: {  	[simem:s6], [sflag:s4] =	dma.local [hbm:s3], $0xF7A  }
0x26: {  	[smem:$0x3F98] =	sst s1;
	(tag) =	ssettag s2;
	_ =	strace s9  }
0x27: {  	s1 =	sld [smem:$0x3FA8]  }
0x28: {  	s2 =	sld [smem:$0x3FA9]  }
0x29: {  	s4 =	sld [smem:$0x3FAB]  }
0x2a: {  	p0 =	seq.s32 s5, $0x0;
	s5 =	sld [smem:$0x3FAC]  }
0x2b: {  	s6 =	sld [smem:$0x3FAD]  }
0x2c: {  	s7 =	sld [smem:$0x3FAE]  }
0x2d: {  	s3 =	simm.s32 $0x108;
	s8 =	sld [smem:$0x3FAF]  }
0x2e: {  	s3 =	simm.s32 @!p0 $0x1082;
	s9 =	sld [smem:$0x3FB0]  }
0x2f: {  	lr =	sadd.s32 s0, s3;
	s0 =	sld [smem:$0x3FA7]  }
0x30: {  	s3 =	sld [smem:$0x3FAA]  }
0x31: {  	[smem:$0x3FB3] =	sst s10  }
0x32: {  	s10 =	sld [smem:$0x3FB1];
	_ =	sdelay $0x3  }
0x33: {  	p0 =	seq.s32 s10, $0x1;
	s10 =	sld [smem:$0x3FB3];
	_ =	sdelay $0x3  }
0x34: {  	[smem:$0x3FB3] =	sst s10  }
0x35: {  	s10 =	sld [smem:$0x3FB2];
	_ =	sdelay $0x3  }
0x36: {  	p1 =	seq.s32 s10, $0x1;
	s10 =	sld [smem:$0x3FB3];
	_ =	sdelay $0x3  }
0x37: {  	[smem:$0x3FB3] =	sst s10  }
0x38: {  	s10 =	sld [smem:$0x3FB4]  }
0x39: {  	_ = 	snop;
	(pc) =	sbr.ind lr, $3  }
0x3a: {  	_ = 	snop  }
0x3b: {  	_ = 	snop  }
0x3c: {  	p2 =	seq.s32 s10, $0x1;
	s10 =	sld [smem:$0x3FB3]  }
0x3d: {  	_ =	shalt  }
0x3e: {  	_ =	shalt  }
0x3f: {  	_ =	shalt  }
0x40: {  	_ =	shalt  }
0x41: {  	_ =	shalt  }
0x42: {  	_ =	shalt  }
0x43: {  	_ =	shalt  }
0x44: {  	_ =	shalt  }
0x45: {  	_ =	shalt  }
0x46: {  	_ =	shalt  }
0x47: {  	_ =	shalt  }
0x48: {  	_ =	shalt  }
0x49: {  	_ =	shalt  }
0x4a: {  	_ =	shalt  }
0x4b: {  	_ =	shalt  }
0x4c: {  	_ =	shalt  }
0x4d: {  	_ =	shalt  }
0x4e: {  	_ =	shalt  }
0x4f: {  	_ =	shalt  }
0x50: {  	_ =	shalt  }
0x51: {  	_ =	shalt  }
0x52: {  	_ =	shalt  }
0x53: {  	_ =	shalt  }
0x54: {  	_ =	shalt  }
0x55: {  	_ =	shalt  }
0x56: {  	_ =	shalt  }
0x57: {  	_ =	shalt  }
0x58: {  	_ =	shalt  }
0x59: {  	_ =	shalt  }
0x5a: {  	_ =	shalt  }
0x5b: {  	_ =	shalt  }
0x5c: {  	_ =	shalt  }
0x5d: {  	_ =	shalt  }
0x5e: {  	_ =	shalt  }
0x5f: {  	_ =	shalt  }
0x60: {  	_ =	shalt  }
0x61: {  	_ =	shalt  }
0x62: {  	_ =	shalt  }
0x63: {  	_ =	shalt  }
0x64: {  	_ =	shalt  }
0x65: {  	_ =	shalt  }
0x66: {  	_ =	shalt  }
0x67: {  	_ =	shalt  }
0x68: {  	_ =	shalt  }
0x69: {  	_ =	shalt  }
0x6a: {  	_ =	shalt  }
0x6b: {  	_ =	shalt  }
0x6c: {  	_ =	shalt  }
0x6d: {  	_ =	shalt  }
0x6e: {  	_ =	shalt  }
0x6f: {  	_ =	shalt  }
0x70: {  	_ =	shalt  }
0x71: {  	_ =	shalt  }
0x72: {  	_ =	shalt  }
0x73: {  	_ =	shalt  }
0x74: {  	_ =	shalt  }
0x75: {  	_ =	shalt  }
0x76: {  	_ =	shalt  }
0x77: {  	_ =	shalt  }
0x78: {  	_ =	shalt  }
0x79: {  	_ =	shalt  }
0x7a: {  	_ =	shalt  }
0x7b: {  	_ =	shalt  }
0x7c: {  	_ =	shalt  }
0x7d: {  	_ =	shalt  }
0x7e: {  	_ =	shalt  }
0x7f: {  	_ =	shalt  }
0x80: {  	_ =	shalt  }
0x81: {  	_ =	shalt  }
0x82: {  	_ =	shalt  }
0x83: {  	_ =	shalt  }
0x84: {  	_ =	shalt  }
0x85: {  	_ =	shalt  }
0x86: {  	_ =	shalt  }
0x87: {  	_ =	shalt  }
.Lfunc_end0:
.L_simem_size_0:
called_computation.2_lowered:
.L_overlay_start_0:
0x88: {  	s2 =	sld [smem:$0x3FD9]  }
0x89: {  	s3 =	sld [smem:$0x3FFE];
	_ =	sdelay $0x1  }
0x8a: {  	s1 =	srdreg.scid  }
0x8b: {  	s0 =	sand.u32 $0x1, s1  }
0x8c: {  	s17 =	sshll.u32 s0, $0xA;
	s2 =	sadd.s32 s3, s2  }
0x8d: {  	s2 =	sadd.s32 s2, s17  }
0x8e: {  	[smem:$0x3FBF] =	sst s2  }
0x8f: {  	_ = 	snop  }
0x90: {  	(tm) =	ssettm $0x1  }
0x91: {  	s18 =	sld [smem:$0x3FFB];
	_ =	sdelay $0x3  }
0x92: {  	_ =	strace s18  }
0x93: {  	s2 =	sld [smem:$0x3FFC];
	_ =	sdelay $0x3  }
0x94: {  	_ =	strace s2  }
0x95: {  	s2 =	sld [smem:$0x3FFD];
	_ =	sdelay $0x3  }
0x96: {  	_ =	strace s2  }
0x97: {  	_ =	strace $0x8FFFFFFF  }
0x98: {  	s19 =	sld [smem:$0x3FDB];
	_ =	sdelay $0x1  }
0x99: {  	s20 =	simm.s32 $_scs_section_size  }
0x9a: {  	s4 =	simm.s32 $_size__tile_overlayer_lowered;
	s5 =	simm.s32 $_tile_overlayer_lowered  }
0x9b: {  	s6 =	simm.s32 $0x1BFF;
	s21 =	sshll.u32 s5, $0x1;
	s3 =	sadd.s32 s20, s19  }
0x9c: {  	s22 =	simm.s32 $0x0;
	s4 =	sshll.u32 s4, $0x1;
	s5 =	sadd.s32 s21, s3  }
0x9d: {  	[timem:s22], [sflag:s6] =	dma.local [hbm:s5], s4  }
0x9e: {  	_ =	swait.ge [sflag:s6], s4  }
0x9f: {  	s4 =	ssub.s32 $0x0, s4;
	[sflag:s6] =	ssyncset.done $0x0  }
0xa0: {  	[sflag:s6] =	ssyncadd.s32 s4;
	_ =	sdelay $0x1  }
0xa1: {  	s23 =	simm.s32 $0x1B8B  }
0xa2: {  	_ =	swait.ge [sflag:s23], $0x1  }
0xa3: {  	[sflag:s23] =	ssyncset.done $0x0  }
0xa4: {  	[sflag:s23] =	ssyncadd.s32 $0xFFFFFFFF  }
0xa5: {  	s4 =	sld [smem:$0x0]  }
0xa6: {  	s5 =	sand.u32 $0xFFFFFFFE, s1  }
0xa7: {  	p0 =	sne.s32 s1, s5  }
0xa8: {  	s5 =	sshll.u32 @p0 s5, $0xE  }
0xa9: {  	s5 =	sadd.s32 @p0 $0x11B8D, s5;
	s6 =	sshll.u32 @p0 s4, $0x11  }
0xaa: {  	s5 =	sor.u32 @p0 s6, s5  }
0xab: {  	[sflag:s5] =	ssyncadd.remote.s32 @p0 $0x1;
	_ =	sdelay $0x1  }
0xac: {  	s5 =	simm.s32 @p0 $0x1B8D  }
0xad: {  	_ =	swait.eq @p0 [sflag:s5], $0x1  }
0xae: {  	[sflag:s5] =	ssyncadd.s32 @p0 $0xFFFFFFFF  }
0xaf: {  	s6 =	sshll.u32 @!p0 s1, $0xE  }
0xb0: {  	s6 =	sor.u32 @!p0 $0x4000, s6;
	s5 =	simm.s32 @!p0 $0x1B8D  }
0xb1: {  	s4 =	sshll.u32 @!p0 s4, $0x11;
	s6 =	sadd.s32 @!p0 $0x11B8D, s6;
	_ =	swait.eq @!p0 [sflag:s5], $0x1  }
0xb2: {  	s4 =	sor.u32 @!p0 s4, s6;
	[sflag:s5] =	ssyncadd.s32 @!p0 $0xFFFFFFFF  }
0xb3: {  	s25 =	simm.s32 $0x1B8E;
	s24 =	sld [smem:$0x3FFE];
	[sflag:s4] =	ssyncadd.remote.s32 @!p0 $0x1  }
0xb4: {  	s26 =	simm.s32 $execute0_lowered;
	[smem:$0x3FD2] =	sst s25  }
0xb5: {  	s5 =	sshll.u32 s26, $0x1;
	_ =	strace $0x8000004C;
	[dreg:$0x1] =	wrdreg $0xFFFFFFFF  }
0xb6: {  	s28 =	simm.s32 $_size_execute0_lowered;
	s3 =	sadd.s32 s3, s5;
	[dreg:$0x0] =	wrdreg $0x0  }
0xb7: {  	s5 =	sshll.u32 s28, $0x1;
	[dreg:$0x2] =	wrdreg s3  }
0xb8: {  	[dreg:$0x3] =	wrdreg s5  }
0xb9: {  	[dreg:$0x4] =	wrdreg $0xC0  }
0xba: {  	_ =	task [dreg:s22], $0x5FFFF  }
0xbb: {  	[dreg:$0x1] =	wrdreg $0xFFFFFFFF  }
0xbc: {  	[dreg:$0x0] =	wrdreg $0x60  }
0xbd: {  	[dreg:$0x2] =	wrdreg s24  }
0xbe: {  	[dreg:$0x3] =	wrdreg $0x0  }
0xbf: {  	[dreg:$0x4] =	wrdreg $0xA  }
0xc0: {  	_ =	task.clear_ibuf [dreg:s22], $0x5FFFF;
	_ =	strace $0x9000004C  }
0xc1: {  	s29 =	simm.s32 $0xA;
	_ =	strace $0x8000004E  }
0xc2: {  	_ =	swait.ge [sflag:s29], $0x1  }
0xc3: {  	[sflag:s29] =	ssyncadd.s32 $0xFFFFFFFF  }
0xc4: {  	_ =	strace $0x9000004E  }
0xc5: {  	_ =	sfence  }
0xc6: {  	s30 =	sld [smem:$0x0];
	_ =	sdelay $0x2  }
0xc7: {  	s31 =	sshll.u32 s1, $0xD;
	s1 =	sshrl.u32 s1, $0x2  }
0xc8: {  	s4 =	sand.u32 $0x4000, s31;
	s1 =	sadd.s32 s1, s30  }
0xc9: {  	s0 =	sor.u32 s4, s0;
	s1 =	sshll.u32 s1, $0x11  }
0xca: {  	s0 =	sor.u32 s1, s0  }
0xcb: {  	s0 =	sadd.s32 $0x8F2B, s0  }
0xcc: {  	[sflag:s0] =	ssyncadd.remote.s32 $0x1  }
0xcd: {  	_ =	sfence.sel $0xFFFF  }
0xce: {  	[dreg:$0x0] =	wrdreg $0xFFFFFFFF;
	(pc) =	sbr.abs _section_cstart, $3  }
0xcf: {  	[dreg:$0x1] =	wrdreg $0xFFFFFFFF  }
0xd0: {  	_ =	task.clear_ibuf [dreg:s22], $0x2FFFF;
	_ =	strace $0x9FFFFFFF  }
0xd1: {  	(tm) =	ssettm $0x7FFFFFFF  }
tec
execute0_lowered:
.L_overlay_start_1:
0x0: {  	(tag) =	ssettag $0x1  }
0x1: {  	s0 =	rddreg [dreg:$0x0]  }
0x2: {  	s1 =	rddreg [dreg:$0x1]  }
0x3: {  	s2 =	srdreg.scid;
	s3 =	simm.s32 $0x0;
	s11 =	stileid.u32  }
0x4: {  	s28 =	simm.s32 $0x14080;
	s29 =	simm.s32 $0x1B000;
	s5 =	smul.u32 $0x280, s11  }
0x5: {  	s30 =	simm.s32 $0x14100;
	s31 =	simm.s32 $0x1D000;
	s7 =	smul.u32 $0x50000, s11  }
0x6: {  	s2 =	sand.u32 $0x1, s2;
	[smem:$0x7FF] =	sst s3;
	s8 =	smul.u32 $0x5000, s11  }
0x7: {  	s4 =	sadd.s32 $0x31200, s0;
	s6 =	sadd.s32 $0x1D200, s0;
	s11 =	smul.u32 $0xA00, s11  }
0x8: {  	s10 =	sadd.s32 $0x27200, s0;
	s9 =	smul.u32 $0x2800, s2;
	s2 =	ssub.s32 $0x2, s2  }
0x9: {  	_ =	strace $0x8000004D;
	s18 =	sshrl.u32 s2, $0x1;
	s7 =	sshrl.u32 s7, $0x2  }
0xa: {  	s8 =	sshrl.u32 s8, $0x3;
	s20 =	sadd.s32 s6, s11;
	s21 =	sadd.s32 s10, s11  }
0xb: {  	s11 =	simm.s32 $0x18F80;
	s5 =	sadd.s32 s5, s9;
	[dreg:$0x3] =	wrdreg s20  }
0xc: {  	s2 =	ssub.s32 s2, s18;
	s19 =	sadd.s32 $0x500, s8;
	[dreg:$0x4] =	wrdreg s21  }
0xd: {  	s21 =	simm.s32 $0x19000;
	s8 =	simm.s32 $0x5;
	v0 =	vmov s9;
	s9 =	simm.s32 $0x6  }
0xe: {  	s5 =	sshll.u32 s5, $0x4;
	s6 =	sadd.s32 s6, s19;
	s22 =	sadd.s32 s10, s19  }
0xf: {  	s23 =	smax.u32 s2, $0x1;
	s2 =	simm.s32 $0x16880;
	[dreg:$0x5] =	wrdreg s6  }
0x10: {  	s10 =	simm.s32 $0x16780;
	s0 =	sadd.s32 s5, s0;
	[dreg:$0x6] =	wrdreg s22  }
0x11: {  	s5 =	sadd.s32 s7, s1;
	[dreg:$0x8] =	wrdreg s23;
	s22 =	simm.s32 $0x1  }
0x12: {  	s23 =	simm.s32 $0x14000;
	s6 =	simm.s32 $0x4;
	s7 =	simm.s32 $0x3  }
0x13: {  	s0 =	sadd.s32 $0x81200, s0;
	s24 =	sadd.s32 $0x2000, s5;
	s25 =	sadd.s32 $0x4000, s5  }
0x14: {  	s26 =	sadd.s32 $0x6000, s5;
	s15 =	sadd.s32 $0x8000, s5;
	[dreg:$0x7] =	wrdreg s0  }
0x15: {  	s16 =	sadd.s32 $0xA000, s5;
	s17 =	sadd.s32 $0xC000, s5;
	[dreg:$0x9] =	wrdreg s24  }
0x16: {  	s18 =	sadd.s32 $0xE000, s5;
	s19 =	sadd.s32 $0x10000, s5;
	[dreg:$0xa] =	wrdreg s25  }
0x17: {  	s20 =	sadd.s32 $0x12000, s5;
	[dreg:$0xb] =	wrdreg s26;
	s24 =	simm.s32 $0x7  }
0x18: {  	v1 =	vimm.f32 $0.0e+00;
	s25 =	simm.s32 $0x16800;
	s26 =	simm.s32 $0x40;
	s0 =	simm.s32 $0x2  }
.LBB2_1:
0x19: {  	s12 =	simm.s32 $0x0;
	s13 =	simm.s32 $0x200  }
.LBB2_2:
0x1a: {  	p0 =	sne.s32 s13, $0x7E00;
	[tilespmem:s12+$0x19070] =	vst v1  }
0x1b: {  	[tilespmem:s12+$0x19000] =	vst v1  }
0x1c: {  	[tilespmem:s12+$0x19010] =	vst v1  }
.Ltmp0:
0x1d: {  	[tilespmem:s12+$0x19020] =	vst v1;
	(pc) =	sbr.rel @p0 .LBB2_2-.Ltmp0, $4  }
0x1e: {  	[tilespmem:s12+$0x19030] =	vst v1  }
0x1f: {  	[tilespmem:s12+$0x19040] =	vst v1  }
0x20: {  	[tilespmem:s12+$0x19050] =	vst v1  }
0x21: {  	[tilespmem:s12+$0x19060] =	vst v1;
	s12 =	sshra.s32 s13, $0x2;
	s13 =	sadd.s32 $0x200, s13  }
0x22: {  	[tilespmem:s12+$0x19070] =	vst v1  }
0x23: {  	[tilespmem:s12+$0x19000] =	vst v1  }
0x24: {  	[tilespmem:s12+$0x19010] =	vst v1  }
0x25: {  	[tilespmem:s12+$0x19020] =	vst v1  }
0x26: {  	[tilespmem:s12+$0x19030] =	vst v1  }
0x27: {  	[tilespmem:s12+$0x19040] =	vst v1  }
0x28: {  	[tilespmem:s12+$0x19050] =	vst v1  }
0x29: {  	[tilespmem:s12+$0x19060] =	vst v1  }
0x2a: {  	[spmem:s5] =	stream.linear.scatter [tilespmem:s21], [sflag:$0x1], $0x2000, $0x38;
	[tilespmem:$0x1F000] =	vst v63  }
0x2b: {  	s13 =	rddreg [dreg:$0x9]  }
0x2c: {  	[spmem:s13] =	stream.linear.scatter [tilespmem:s21], [sflag:$0x1], $0x2000, $0x38;
	[tilespmem:$0x1F000] =	vst v63  }
0x2d: {  	s14 =	rddreg [dreg:$0xa]  }
0x2e: {  	[spmem:s14] =	stream.linear.scatter [tilespmem:s21], [sflag:$0x1], $0x2000, $0x38;
	[tilespmem:$0x1F000] =	vst v63  }
0x2f: {  	s13 =	rddreg [dreg:$0xb]  }
0x30: {  	[spmem:s13] =	stream.linear.scatter [tilespmem:s21], [sflag:$0x1], $0x2000, $0x38;
	[tilespmem:$0x1F000] =	vst v63  }
0x31: {  	_ = 	snop  }
0x32: {  	[spmem:s15] =	stream.linear.scatter [tilespmem:s21], [sflag:$0x1], $0x2000, $0x38;
	[tilespmem:$0x1F000] =	vst v63  }
0x33: {  	_ = 	snop  }
0x34: {  	[spmem:s16] =	stream.linear.scatter [tilespmem:s21], [sflag:$0x1], $0x2000, $0x38;
	[tilespmem:$0x1F000] =	vst v63  }
0x35: {  	_ = 	snop  }
0x36: {  	[spmem:s17] =	stream.linear.scatter [tilespmem:s21], [sflag:$0x1], $0x2000, $0x38;
	[tilespmem:$0x1F000] =	vst v63  }
0x37: {  	_ = 	snop  }
0x38: {  	[spmem:s18] =	stream.linear.scatter [tilespmem:s21], [sflag:$0x1], $0x2000, $0x38;
	[tilespmem:$0x1F000] =	vst v63  }
0x39: {  	_ = 	snop  }
0x3a: {  	[spmem:s19] =	stream.linear.scatter [tilespmem:s21], [sflag:$0x1], $0x2000, $0x38;
	[tilespmem:$0x1F000] =	vst v63  }
0x3b: {  	_ = 	snop  }
0x3c: {  	[spmem:s20] =	stream.linear.scatter [tilespmem:s21], [sflag:$0x1], $0x2000, $0x38;
	[tilespmem:$0x1F000] =	vst v63  }
0x3d: {  	_ =	swait.ge [sflag:s22], $0x2000  }
0x3e: {  	[sflag:s22] =	ssyncset.done $0x0  }
0x3f: {  	[sflag:s22] =	ssyncadd.s32 $0xFFFFE000  }
0x40: {  	_ =	swait.ge [sflag:s22], $0x2000  }
0x41: {  	[sflag:s22] =	ssyncset.done $0x0  }
0x42: {  	[sflag:s22] =	ssyncadd.s32 $0xFFFFE000  }
0x43: {  	_ =	swait.ge [sflag:s22], $0x2000  }
0x44: {  	[sflag:s22] =	ssyncset.done $0x0  }
0x45: {  	[sflag:s22] =	ssyncadd.s32 $0xFFFFE000  }
0x46: {  	_ =	swait.ge [sflag:s22], $0x2000  }
0x47: {  	[sflag:s22] =	ssyncset.done $0x0  }
0x48: {  	[sflag:s22] =	ssyncadd.s32 $0xFFFFE000  }
0x49: {  	_ =	swait.ge [sflag:s22], $0x2000  }
0x4a: {  	[sflag:s22] =	ssyncset.done $0x0  }
0x4b: {  	[sflag:s22] =	ssyncadd.s32 $0xFFFFE000  }
0x4c: {  	_ =	swait.ge [sflag:s22], $0x2000  }
0x4d: {  	[sflag:s22] =	ssyncset.done $0x0  }
0x4e: {  	[sflag:s22] =	ssyncadd.s32 $0xFFFFE000  }
0x4f: {  	_ =	swait.ge [sflag:s22], $0x2000  }
0x50: {  	[sflag:s22] =	ssyncset.done $0x0  }
0x51: {  	[sflag:s22] =	ssyncadd.s32 $0xFFFFE000  }
0x52: {  	_ =	swait.ge [sflag:s22], $0x2000  }
0x53: {  	[sflag:s22] =	ssyncset.done $0x0  }
0x54: {  	[sflag:s22] =	ssyncadd.s32 $0xFFFFE000  }
0x55: {  	_ =	swait.ge [sflag:s22], $0x2000  }
0x56: {  	[sflag:s22] =	ssyncset.done $0x0  }
0x57: {  	[sflag:s22] =	ssyncadd.s32 $0xFFFFE000  }
0x58: {  	_ =	swait.ge [sflag:s22], $0x2000  }
0x59: {  	[sflag:s22] =	ssyncset.done $0x0  }
0x5a: {  	[sflag:s22] =	ssyncadd.s32 $0xFFFFE000  }
0x5b: {  	[bflag:$0x0] =	sbarrier.arrive $0xFFFF  }
0x5c: {  	s12 =	simm.s32 $0x0;
	s13 =	rddreg [dreg:$0x3]  }
0x5d: {  	[tilespmem:s23], [sflag:$0x7] =	stream.linear.gather [hbm4b:s13+s12], $0x2800, $0x38;
	[tilespmem:$0x1F000] =	vst v63  }
0x5e: {  	_ =	swait.ge [sflag:s24], $0x2800  }
0x5f: {  	[sflag:s24] =	ssyncset.done $0x0  }
0x60: {  	s14 =	rddreg [dreg:$0x4];
	[sflag:s24] =	ssyncadd.s32 $0xFFFFD800  }
0x61: {  	[tilespmem:s25], [sflag:$0x7] =	stream.linear.gather [hbm4b:s14+s12], $0x2800, $0x38;
	[tilespmem:$0x1F000] =	vst v63  }
0x62: {  	_ =	swait.ge [sflag:s24], $0x2800  }
0x63: {  	[sflag:s24] =	ssyncset.done $0x0  }
0x64: {  	s12 =	simm.s32 $0x0;
	[sflag:s24] =	ssyncadd.s32 $0xFFFFD800  }
0x65: {  	v4 =	vld [tilespmem:s12+$0x14000]  }
0x66: {  	v3 =	vld [tilespmem:s12+$0x14010]  }
0x67: {  	s13 =	simm.s32 $0x200;
	v2 =	vld [tilespmem:s12+$0x14020]  }
.LBB2_4:
0x68: {  	p0 =	sne.s32 s13, $0x9E00;
	v5 =	vld [tilespmem:s12+$0x14030];
	_ =	sdelay $0x1  }
.Ltmp1:
0x69: {  	v4 =	vadd.s32 v0, v4;
	(pc) =	sbr.rel @p0 .LBB2_4-.Ltmp1, $4  }
0x6a: {  	s14 =	sshra.s32 s13, $0x2;
	[tilespmem:s12+$0x14000] =	vst v4;
	v3 =	vadd.s32 v0, v3  }
0x6b: {  	v4 =	vld [tilespmem:s14+$0x14000];
	[tilespmem:s12+$0x14010] =	vst v3;
	v2 =	vadd.s32 v0, v2  }
0x6c: {  	v3 =	vld [tilespmem:s14+$0x14010];
	[tilespmem:s12+$0x14020] =	vst v2;
	v5 =	vadd.s32 v0, v5  }
0x6d: {  	s13 =	sadd.s32 $0x200, s13;
	v2 =	vld [tilespmem:s14+$0x14020];
	[tilespmem:s12+$0x14030] =	vst v5;
	s12 =	smov.u32 s14  }
0x6e: {  	v5 =	vld [tilespmem:s12+$0x14030];
	_ =	sdelay $0x1  }
0x6f: {  	v4 =	vadd.s32 v0, v4  }
0x70: {  	[tilespmem:s12+$0x14000] =	vst v4;
	v3 =	vadd.s32 v0, v3  }
0x71: {  	[tilespmem:s12+$0x14010] =	vst v3;
	v2 =	vadd.s32 v0, v2  }
0x72: {  	[tilespmem:s12+$0x14020] =	vst v2;
	v2 =	vadd.s32 v0, v5  }
0x73: {  	[tilespmem:s12+$0x14030] =	vst v2  }
0x74: {  	[tilespmem:s21], [sflag:$0x1] =	stream.indirect.gather [hbm4b:s4+s26], $0x80, s23, s26, $0xb8;
	[tilespmem:$0x1F000] =	vst v63  }
0x75: {  	_ = 	snop  }
0x76: {  	[tilespmem:s29], [sflag:$0x2] =	stream.indirect.gather [hbm4b:s4+s26], $0x80, s28, s26, $0xb8;
	[tilespmem:$0x1F000] =	vst v63  }
0x77: {  	_ =	swait.ge [sflag:s22], $0x2000  }
0x78: {  	[sflag:s22] =	ssyncset.done $0x0  }
0x79: {  	[sflag:s22] =	ssyncadd.s32 $0xFFFFE000  }
0x7a: {  	[spmem:s1] =	stream.indirect.scatter.add.f32 [tilespmem:s21], [sflag:$0x4], $0x80, s25, s26, $0xb8;
	[tilespmem:$0x1F000] =	vst v63  }
0x7b: {  	_ = 	snop  }
0x7c: {  	[tilespmem:s31], [sflag:$0x3] =	stream.indirect.gather [hbm4b:s4+s26], $0x80, s30, s26, $0xb8;
	[tilespmem:$0x1F000] =	vst v63  }
0x7d: {  	_ =	swait.ge [sflag:s0], $0x2000  }
0x7e: {  	[sflag:s0] =	ssyncset.done $0x0  }
0x7f: {  	[sflag:s0] =	ssyncadd.s32 $0xFFFFE000  }
0x80: {  	[spmem:s1] =	stream.indirect.scatter.add.f32 [tilespmem:s29], [sflag:$0x5], $0x80, s2, s26, $0xb8;
	[tilespmem:$0x1F000] =	vst v63  }
0x81: {  	_ =	swait.ge [sflag:s6], $0x2000  }
0x82: {  	[sflag:s6] =	ssyncset.done $0x0  }
0x83: {  	s14 =	simm.s32 $0x14180;
	[sflag:s6] =	ssyncadd.s32 $0xFFFFE000  }
0x84: {  	[tilespmem:s21], [sflag:$0x1] =	stream.indirect.gather [hbm4b:s4+s26], $0x80, s14, s26, $0xb8;
	[tilespmem:$0x1F000] =	vst v63  }
0x85: {  	_ =	swait.ge [sflag:s7], $0x2000  }
0x86: {  	[sflag:s7] =	ssyncset.done $0x0  }
0x87: {  	s13 =	simm.s32 $0x16900;
	[sflag:s7] =	ssyncadd.s32 $0xFFFFE000  }
0x88: {  	[spmem:s1] =	stream.indirect.scatter.add.f32 [tilespmem:s31], [sflag:$0x6], $0x80, s13, s26, $0xb8;
	[tilespmem:$0x1F000] =	vst v63  }
0x89: {  	_ =	swait.ge [sflag:s8], $0x2000  }
0x8a: {  	[sflag:s8] =	ssyncset.done $0x0  }
0x8b: {  	s14 =	simm.s32 $0x14200;
	[sflag:s8] =	ssyncadd.s32 $0xFFFFE000  }
0x8c: {  	[tilespmem:s29], [sflag:$0x2] =	stream.indirect.gather [hbm4b:s4+s26], $0x80, s14, s26, $0xb8;
	[tilespmem:$0x1F000] =	vst v63  }
0x8d: {  	_ =	swait.ge [sflag:s22], $0x2000  }
0x8e: {  	[sflag:s22] =	ssyncset.done $0x0  }
0x8f: {  	s13 =	simm.s32 $0x16980;
	[sflag:s22] =	ssyncadd.s32 $0xFFFFE000  }
0x90: {  	[spmem:s1] =	stream.indirect.scatter.add.f32 [tilespmem:s21], [sflag:$0x4], $0x80, s13, s26, $0xb8;
	[tilespmem:$0x1F000] =	vst v63  }
0x91: {  	_ =	swait.ge [sflag:s9], $0x2000  }
0x92: {  	[sflag:s9] =	ssyncset.done $0x0  }
0x93: {  	s14 =	simm.s32 $0x14280;
	[sflag:s9] =	ssyncadd.s32 $0xFFFFE000  }
0x94: {  	[tilespmem:s31], [sflag:$0x3] =	stream.indirect.gather [hbm4b:s4+s26], $0x80, s14, s26, $0xb8;
	[tilespmem:$0x1F000] =	vst v63  }
0x95: {  	_ =	swait.ge [sflag:s0], $0x2000  }
0x96: {  	[sflag:s0] =	ssyncset.done $0x0  }
0x97: {  	s12 =	simm.s32 $0x600;
	s13 =	simm.s32 $0x16A00;
	[sflag:s0] =	ssyncadd.s32 $0xFFFFE000  }
.LBB2_6:
0x98: {  	[spmem:s1] =	stream.indirect.scatter.add.f32 [tilespmem:s29], [sflag:$0x5], $0x80, s13, s26, $0xb8;
	[tilespmem:$0x1F000] =	vst v63  }
0x99: {  	s13 =	smov.u32 s12;
	s12 =	sadd.s32 $0x600, s12;
	_ =	swait.ge [sflag:s6], $0x2000  }
0x9a: {  	s13 =	sshra.s32 s13, $0x2;
	p0 =	sne.s32 s12, $0x9600;
	[sflag:s6] =	ssyncset.done $0x0  }
0x9b: {  	s14 =	sadd.s32 $0x14180, s13;
	[sflag:s6] =	ssyncadd.s32 $0xFFFFE000  }
0x9c: {  	[tilespmem:s21], [sflag:$0x1] =	stream.indirect.gather [hbm4b:s4+s26], $0x80, s14, s26, $0xb8;
	[tilespmem:$0x1F000] =	vst v63  }
0x9d: {  	_ =	swait.ge [sflag:s7], $0x2000  }
0x9e: {  	[sflag:s7] =	ssyncset.done $0x0  }
0x9f: {  	s14 =	sadd.s32 $0x16900, s13;
	[sflag:s7] =	ssyncadd.s32 $0xFFFFE000  }
0xa0: {  	[spmem:s1] =	stream.indirect.scatter.add.f32 [tilespmem:s31], [sflag:$0x6], $0x80, s14, s26, $0xb8;
	[tilespmem:$0x1F000] =	vst v63  }
0xa1: {  	_ =	swait.ge [sflag:s8], $0x2000  }
0xa2: {  	[sflag:s8] =	ssyncset.done $0x0  }
0xa3: {  	s14 =	sadd.s32 $0x14200, s13;
	[sflag:s8] =	ssyncadd.s32 $0xFFFFE000  }
0xa4: {  	[tilespmem:s29], [sflag:$0x2] =	stream.indirect.gather [hbm4b:s4+s26], $0x80, s14, s26, $0xb8;
	[tilespmem:$0x1F000] =	vst v63  }
0xa5: {  	_ =	swait.ge [sflag:s22], $0x2000  }
0xa6: {  	[sflag:s22] =	ssyncset.done $0x0  }
0xa7: {  	s14 =	sadd.s32 $0x16980, s13;
	[sflag:s22] =	ssyncadd.s32 $0xFFFFE000  }
0xa8: {  	[spmem:s1] =	stream.indirect.scatter.add.f32 [tilespmem:s21], [sflag:$0x4], $0x80, s14, s26, $0xb8;
	[tilespmem:$0x1F000] =	vst v63  }
0xa9: {  	_ =	swait.ge [sflag:s9], $0x2000  }
0xaa: {  	[sflag:s9] =	ssyncset.done $0x0  }
.Ltmp2:
0xab: {  	s14 =	sadd.s32 $0x14280, s13;
	[sflag:s9] =	ssyncadd.s32 $0xFFFFE000;
	(pc) =	sbr.rel @p0 .LBB2_6-.Ltmp2, $4  }
0xac: {  	[tilespmem:s31], [sflag:$0x3] =	stream.indirect.gather [hbm4b:s4+s26], $0x80, s14, s26, $0xb8;
	[tilespmem:$0x1F000] =	vst v63  }
0xad: {  	_ =	swait.ge [sflag:s0], $0x2000  }
0xae: {  	[sflag:s0] =	ssyncset.done $0x0  }
0xaf: {  	s13 =	sadd.s32 $0x16A00, s13;
	[sflag:s0] =	ssyncadd.s32 $0xFFFFE000  }
0xb0: {  	[spmem:s1] =	stream.indirect.scatter.add.f32 [tilespmem:s29], [sflag:$0x5], $0x80, s13, s26, $0xb8;
	[tilespmem:$0x1F000] =	vst v63  }
0xb1: {  	_ =	swait.ge [sflag:s6], $0x2000  }
0xb2: {  	s12 =	sshra.s32 s12, $0x2;
	[sflag:s6] =	ssyncset.done $0x0  }
0xb3: {  	s14 =	sadd.s32 $0x14180, s12;
	[sflag:s6] =	ssyncadd.s32 $0xFFFFE000  }
0xb4: {  	[tilespmem:s21], [sflag:$0x1] =	stream.indirect.gather [hbm4b:s4+s26], $0x80, s14, s26, $0xb8;
	[tilespmem:$0x1F000] =	vst v63  }
0xb5: {  	_ =	swait.ge [sflag:s7], $0x2000  }
0xb6: {  	[sflag:s7] =	ssyncset.done $0x0  }
0xb7: {  	s14 =	sadd.s32 $0x16900, s12;
	[sflag:s7] =	ssyncadd.s32 $0xFFFFE000  }
0xb8: {  	[spmem:s1] =	stream.indirect.scatter.add.f32 [tilespmem:s31], [sflag:$0x6], $0x80, s14, s26, $0xb8;
	[tilespmem:$0x1F000] =	vst v63  }
0xb9: {  	_ =	swait.ge [sflag:s8], $0x2000  }
0xba: {  	[sflag:s8] =	ssyncset.done $0x0  }
0xbb: {  	[sflag:s8] =	ssyncadd.s32 $0xFFFFE000  }
0xbc: {  	[tilespmem:s29], [sflag:$0x2] =	stream.indirect.gather [hbm4b:s4+s26], $0x80, s10, s26, $0xb8;
	[tilespmem:$0x1F000] =	vst v63  }
0xbd: {  	_ =	swait.ge [sflag:s22], $0x2000  }
0xbe: {  	[sflag:s22] =	ssyncset.done $0x0  }
0xbf: {  	s12 =	sadd.s32 $0x16980, s12;
	[sflag:s22] =	ssyncadd.s32 $0xFFFFE000  }
0xc0: {  	[spmem:s1] =	stream.indirect.scatter.add.f32 [tilespmem:s21], [sflag:$0x4], $0x80, s12, s26, $0xb8;
	[tilespmem:$0x1F000] =	vst v63  }
0xc1: {  	_ =	swait.ge [sflag:s0], $0x2000  }
0xc2: {  	[sflag:s0] =	ssyncset.done $0x0  }
0xc3: {  	[sflag:s0] =	ssyncadd.s32 $0xFFFFE000  }
0xc4: {  	[spmem:s1] =	stream.indirect.scatter.add.f32 [tilespmem:s29], [sflag:$0x5], $0x80, s11, s26, $0xb8;
	[tilespmem:$0x1F000] =	vst v63  }
0xc5: {  	_ =	swait.ge [sflag:s6], $0x2000  }
0xc6: {  	[sflag:s6] =	ssyncset.done $0x0  }
0xc7: {  	[sflag:s6] =	ssyncadd.s32 $0xFFFFE000  }
0xc8: {  	_ =	swait.ge [sflag:s8], $0x2000  }
0xc9: {  	[sflag:s8] =	ssyncset.done $0x0  }
0xca: {  	[sflag:s8] =	ssyncadd.s32 $0xFFFFE000  }
0xcb: {  	_ =	swait.ge [sflag:s9], $0x2000  }
0xcc: {  	[sflag:s9] =	ssyncset.done $0x0  }
0xcd: {  	s12 =	simm.s32 $0x0;
	s14 =	rddreg [dreg:$0x5];
	[sflag:s9] =	ssyncadd.s32 $0xFFFFE000  }
0xce: {  	[tilespmem:s23], [sflag:$0x7] =	stream.linear.gather [hbm4b:s14+s12], $0x2800, $0x38;
	[tilespmem:$0x1F000] =	vst v63  }
0xcf: {  	_ =	swait.ge [sflag:s24], $0x2800  }
0xd0: {  	[sflag:s24] =	ssyncset.done $0x0  }
0xd1: {  	s14 =	rddreg [dreg:$0x6];
	[sflag:s24] =	ssyncadd.s32 $0xFFFFD800  }
0xd2: {  	[tilespmem:s25], [sflag:$0x7] =	stream.linear.gather [hbm4b:s14+s12], $0x2800, $0x38;
	[tilespmem:$0x1F000] =	vst v63  }
0xd3: {  	_ =	swait.ge [sflag:s24], $0x2800  }
0xd4: {  	[sflag:s24] =	ssyncset.done $0x0  }
0xd5: {  	s12 =	simm.s32 $0x0;
	[sflag:s24] =	ssyncadd.s32 $0xFFFFD800  }
0xd6: {  	v4 =	vld [tilespmem:s12+$0x14000]  }
0xd7: {  	v3 =	vld [tilespmem:s12+$0x14010]  }
0xd8: {  	s13 =	simm.s32 $0x200;
	v2 =	vld [tilespmem:s12+$0x14020]  }
.LBB2_8:
0xd9: {  	p0 =	sne.s32 s13, $0x9E00;
	v5 =	vld [tilespmem:s12+$0x14030];
	_ =	sdelay $0x1  }
.Ltmp3:
0xda: {  	v4 =	vadd.s32 v0, v4;
	(pc) =	sbr.rel @p0 .LBB2_8-.Ltmp3, $4  }
0xdb: {  	s14 =	sshra.s32 s13, $0x2;
	[tilespmem:s12+$0x14000] =	vst v4;
	v3 =	vadd.s32 v0, v3  }
0xdc: {  	v4 =	vld [tilespmem:s14+$0x14000];
	[tilespmem:s12+$0x14010] =	vst v3;
	v2 =	vadd.s32 v0, v2  }
0xdd: {  	v3 =	vld [tilespmem:s14+$0x14010];
	[tilespmem:s12+$0x14020] =	vst v2;
	v5 =	vadd.s32 v0, v5  }
0xde: {  	s13 =	sadd.s32 $0x200, s13;
	v2 =	vld [tilespmem:s14+$0x14020];
	[tilespmem:s12+$0x14030] =	vst v5;
	s12 =	smov.u32 s14  }
0xdf: {  	v5 =	vld [tilespmem:s12+$0x14030];
	_ =	sdelay $0x1  }
0xe0: {  	v4 =	vadd.s32 v0, v4  }
0xe1: {  	[tilespmem:s12+$0x14000] =	vst v4;
	v3 =	vadd.s32 v0, v3  }
0xe2: {  	[tilespmem:s12+$0x14010] =	vst v3;
	v2 =	vadd.s32 v0, v2  }
0xe3: {  	[tilespmem:s12+$0x14020] =	vst v2;
	v2 =	vadd.s32 v0, v5  }
0xe4: {  	[tilespmem:s12+$0x14030] =	vst v2  }
0xe5: {  	[tilespmem:s21], [sflag:$0x1] =	stream.indirect.gather [hbm4b:s4+s26], $0x80, s23, s26, $0xb8;
	[tilespmem:$0x1F000] =	vst v63  }
0xe6: {  	_ = 	snop  }
0xe7: {  	[tilespmem:s29], [sflag:$0x2] =	stream.indirect.gather [hbm4b:s4+s26], $0x80, s28, s26, $0xb8;
	[tilespmem:$0x1F000] =	vst v63  }
0xe8: {  	_ =	swait.ge [sflag:s22], $0x2000  }
0xe9: {  	[sflag:s22] =	ssyncset.done $0x0  }
0xea: {  	[sflag:s22] =	ssyncadd.s32 $0xFFFFE000  }
0xeb: {  	[spmem:s1] =	stream.indirect.scatter.add.f32 [tilespmem:s21], [sflag:$0x4], $0x80, s25, s26, $0xb8;
	[tilespmem:$0x1F000] =	vst v63  }
0xec: {  	_ = 	snop  }
0xed: {  	[tilespmem:s31], [sflag:$0x3] =	stream.indirect.gather [hbm4b:s4+s26], $0x80, s30, s26, $0xb8;
	[tilespmem:$0x1F000] =	vst v63  }
0xee: {  	_ =	swait.ge [sflag:s0], $0x2000  }
0xef: {  	[sflag:s0] =	ssyncset.done $0x0  }
0xf0: {  	[sflag:s0] =	ssyncadd.s32 $0xFFFFE000  }
0xf1: {  	[spmem:s1] =	stream.indirect.scatter.add.f32 [tilespmem:s29], [sflag:$0x5], $0x80, s2, s26, $0xb8;
	[tilespmem:$0x1F000] =	vst v63  }
0xf2: {  	_ =	swait.ge [sflag:s6], $0x2000  }
0xf3: {  	[sflag:s6] =	ssyncset.done $0x0  }
0xf4: {  	s14 =	simm.s32 $0x14180;
	[sflag:s6] =	ssyncadd.s32 $0xFFFFE000  }
0xf5: {  	[tilespmem:s21], [sflag:$0x1] =	stream.indirect.gather [hbm4b:s4+s26], $0x80, s14, s26, $0xb8;
	[tilespmem:$0x1F000] =	vst v63  }
0xf6: {  	_ =	swait.ge [sflag:s7], $0x2000  }
0xf7: {  	[sflag:s7] =	ssyncset.done $0x0  }
0xf8: {  	s13 =	simm.s32 $0x16900;
	[sflag:s7] =	ssyncadd.s32 $0xFFFFE000  }
0xf9: {  	[spmem:s1] =	stream.indirect.scatter.add.f32 [tilespmem:s31], [sflag:$0x6], $0x80, s13, s26, $0xb8;
	[tilespmem:$0x1F000] =	vst v63  }
0xfa: {  	_ =	swait.ge [sflag:s8], $0x2000  }
0xfb: {  	[sflag:s8] =	ssyncset.done $0x0  }
0xfc: {  	s14 =	simm.s32 $0x14200;
	[sflag:s8] =	ssyncadd.s32 $0xFFFFE000  }
0xfd: {  	[tilespmem:s29], [sflag:$0x2] =	stream.indirect.gather [hbm4b:s4+s26], $0x80, s14, s26, $0xb8;
	[tilespmem:$0x1F000] =	vst v63  }
0xfe: {  	_ =	swait.ge [sflag:s22], $0x2000  }
0xff: {  	[sflag:s22] =	ssyncset.done $0x0  }
0x100: {  	s13 =	simm.s32 $0x16980;
	[sflag:s22] =	ssyncadd.s32 $0xFFFFE000  }
0x101: {  	[spmem:s1] =	stream.indirect.scatter.add.f32 [tilespmem:s21], [sflag:$0x4], $0x80, s13, s26, $0xb8;
	[tilespmem:$0x1F000] =	vst v63  }
0x102: {  	_ =	swait.ge [sflag:s9], $0x2000  }
0x103: {  	[sflag:s9] =	ssyncset.done $0x0  }
0x104: {  	s14 =	simm.s32 $0x14280;
	[sflag:s9] =	ssyncadd.s32 $0xFFFFE000  }
0x105: {  	[tilespmem:s31], [sflag:$0x3] =	stream.indirect.gather [hbm4b:s4+s26], $0x80, s14, s26, $0xb8;
	[tilespmem:$0x1F000] =	vst v63  }
0x106: {  	_ =	swait.ge [sflag:s0], $0x2000  }
0x107: {  	[sflag:s0] =	ssyncset.done $0x0  }
0x108: {  	s12 =	simm.s32 $0x600;
	s13 =	simm.s32 $0x16A00;
	[sflag:s0] =	ssyncadd.s32 $0xFFFFE000  }
.LBB2_10:
0x109: {  	[spmem:s1] =	stream.indirect.scatter.add.f32 [tilespmem:s29], [sflag:$0x5], $0x80, s13, s26, $0xb8;
	[tilespmem:$0x1F000] =	vst v63  }
0x10a: {  	s13 =	smov.u32 s12;
	s12 =	sadd.s32 $0x600, s12;
	_ =	swait.ge [sflag:s6], $0x2000  }
0x10b: {  	s13 =	sshra.s32 s13, $0x2;
	p0 =	sne.s32 s12, $0x9600;
	[sflag:s6] =	ssyncset.done $0x0  }
0x10c: {  	s14 =	sadd.s32 $0x14180, s13;
	[sflag:s6] =	ssyncadd.s32 $0xFFFFE000  }
0x10d: {  	[tilespmem:s21], [sflag:$0x1] =	stream.indirect.gather [hbm4b:s4+s26], $0x80, s14, s26, $0xb8;
	[tilespmem:$0x1F000] =	vst v63  }
0x10e: {  	_ =	swait.ge [sflag:s7], $0x2000  }
0x10f: {  	[sflag:s7] =	ssyncset.done $0x0  }
0x110: {  	s14 =	sadd.s32 $0x16900, s13;
	[sflag:s7] =	ssyncadd.s32 $0xFFFFE000  }
0x111: {  	[spmem:s1] =	stream.indirect.scatter.add.f32 [tilespmem:s31], [sflag:$0x6], $0x80, s14, s26, $0xb8;
	[tilespmem:$0x1F000] =	vst v63  }
0x112: {  	_ =	swait.ge [sflag:s8], $0x2000  }
0x113: {  	[sflag:s8] =	ssyncset.done $0x0  }
0x114: {  	s14 =	sadd.s32 $0x14200, s13;
	[sflag:s8] =	ssyncadd.s32 $0xFFFFE000  }
0x115: {  	[tilespmem:s29], [sflag:$0x2] =	stream.indirect.gather [hbm4b:s4+s26], $0x80, s14, s26, $0xb8;
	[tilespmem:$0x1F000] =	vst v63  }
0x116: {  	_ =	swait.ge [sflag:s22], $0x2000  }
0x117: {  	[sflag:s22] =	ssyncset.done $0x0  }
0x118: {  	s14 =	sadd.s32 $0x16980, s13;
	[sflag:s22] =	ssyncadd.s32 $0xFFFFE000  }
0x119: {  	[spmem:s1] =	stream.indirect.scatter.add.f32 [tilespmem:s21], [sflag:$0x4], $0x80, s14, s26, $0xb8;
	[tilespmem:$0x1F000] =	vst v63  }
0x11a: {  	_ =	swait.ge [sflag:s9], $0x2000  }
0x11b: {  	[sflag:s9] =	ssyncset.done $0x0  }
.Ltmp4:
0x11c: {  	s14 =	sadd.s32 $0x14280, s13;
	[sflag:s9] =	ssyncadd.s32 $0xFFFFE000;
	(pc) =	sbr.rel @p0 .LBB2_10-.Ltmp4, $4  }
0x11d: {  	[tilespmem:s31], [sflag:$0x3] =	stream.indirect.gather [hbm4b:s4+s26], $0x80, s14, s26, $0xb8;
	[tilespmem:$0x1F000] =	vst v63  }
0x11e: {  	_ =	swait.ge [sflag:s0], $0x2000  }
0x11f: {  	[sflag:s0] =	ssyncset.done $0x0  }
0x120: {  	s13 =	sadd.s32 $0x16A00, s13;
	[sflag:s0] =	ssyncadd.s32 $0xFFFFE000  }
0x121: {  	[spmem:s1] =	stream.indirect.scatter.add.f32 [tilespmem:s29], [sflag:$0x5], $0x80, s13, s26, $0xb8;
	[tilespmem:$0x1F000] =	vst v63  }
0x122: {  	_ =	swait.ge [sflag:s6], $0x2000  }
0x123: {  	s12 =	sshra.s32 s12, $0x2;
	[sflag:s6] =	ssyncset.done $0x0  }
0x124: {  	s14 =	sadd.s32 $0x14180, s12;
	[sflag:s6] =	ssyncadd.s32 $0xFFFFE000  }
0x125: {  	[tilespmem:s21], [sflag:$0x1] =	stream.indirect.gather [hbm4b:s4+s26], $0x80, s14, s26, $0xb8;
	[tilespmem:$0x1F000] =	vst v63  }
0x126: {  	_ =	swait.ge [sflag:s7], $0x2000  }
0x127: {  	[sflag:s7] =	ssyncset.done $0x0  }
0x128: {  	s14 =	sadd.s32 $0x16900, s12;
	[sflag:s7] =	ssyncadd.s32 $0xFFFFE000  }
0x129: {  	[spmem:s1] =	stream.indirect.scatter.add.f32 [tilespmem:s31], [sflag:$0x6], $0x80, s14, s26, $0xb8;
	[tilespmem:$0x1F000] =	vst v63  }
0x12a: {  	_ =	swait.ge [sflag:s8], $0x2000  }
0x12b: {  	[sflag:s8] =	ssyncset.done $0x0  }
0x12c: {  	[sflag:s8] =	ssyncadd.s32 $0xFFFFE000  }
0x12d: {  	[tilespmem:s29], [sflag:$0x2] =	stream.indirect.gather [hbm4b:s4+s26], $0x80, s10, s26, $0xb8;
	[tilespmem:$0x1F000] =	vst v63  }
0x12e: {  	_ =	swait.ge [sflag:s22], $0x2000  }
0x12f: {  	[sflag:s22] =	ssyncset.done $0x0  }
0x130: {  	s12 =	sadd.s32 $0x16980, s12;
	[sflag:s22] =	ssyncadd.s32 $0xFFFFE000  }
0x131: {  	[spmem:s1] =	stream.indirect.scatter.add.f32 [tilespmem:s21], [sflag:$0x4], $0x80, s12, s26, $0xb8;
	[tilespmem:$0x1F000] =	vst v63  }
0x132: {  	_ =	swait.ge [sflag:s0], $0x2000  }
0x133: {  	[sflag:s0] =	ssyncset.done $0x0  }
0x134: {  	[sflag:s0] =	ssyncadd.s32 $0xFFFFE000  }
0x135: {  	[spmem:s1] =	stream.indirect.scatter.add.f32 [tilespmem:s29], [sflag:$0x5], $0x80, s11, s26, $0xb8;
	[tilespmem:$0x1F000] =	vst v63  }
0x136: {  	_ =	swait.ge [sflag:s6], $0x2000  }
0x137: {  	[sflag:s6] =	ssyncset.done $0x0  }
0x138: {  	[sflag:s6] =	ssyncadd.s32 $0xFFFFE000  }
0x139: {  	_ =	swait.ge [sflag:s8], $0x2000  }
0x13a: {  	[sflag:s8] =	ssyncset.done $0x0  }
0x13b: {  	[sflag:s8] =	ssyncadd.s32 $0xFFFFE000  }
0x13c: {  	_ =	swait.ge [sflag:s9], $0x2000  }
0x13d: {  	[sflag:s9] =	ssyncset.done $0x0  }
0x13e: {  	s13 =	stileid.u32;
	[sflag:s9] =	ssyncadd.s32 $0xFFFFE000  }
0x13f: {  	s12 =	sshll.u32 s13, $0x6;
	[bflag:$0x0] =	sbarrier.arrive $0xFFFF  }
0x140: {  	s13 =	sshrl.u32 s5, $0x3;
	s12 =	sor.u32 $0x1C07, s12;
	s14 =	rddreg [dreg:$0x7]  }
0x141: {  	[hbm:s14], [sflag:s12] =	dma.local [spmem:s13], $0x2800  }
0x142: {  	_ =	swait.ge [sflag:s24], $0x2800  }
0x143: {  	s3 =	sadd.s32 $0x1, s3;
	s14 =	rddreg [dreg:$0x8]  }
0x144: {  	p0 =	sne.s32 s3, s14  }
.Ltmp5:
0x145: {  	_ = 	snop;
	(pc) =	sbr.rel @p0 .LBB2_1-.Ltmp5, $3  }
0x146: {  	_ =	sdelay $0x1  }
0x147: {  	[sflag:s24] =	ssyncset.done $0x0  }
0x148: {  	[sflag:s24] =	ssyncadd.s32 $0xFFFFD800  }
0x149: {  	_ =	sfence.sel $0x180000  }
0x14a: {  	[bflag:$0x0] =	sbarrier.arrive $0xFFFF  }
0x14b: {  	_ =	strace $0x9000004D  }
0x14c: {  	s0 =	stileid.u32;
	[bflag:$0x2] =	sbarrier.arrive $0xFFFF  }
0x14d: {  	p0 =	sne.s32 s0, $0x0;
	s0 =	rddreg [dreg:$0x2]  }
0x14e: {  	s0 =	sadd.s32 @!p0 $0x100000, s0  }
0x14f: {  	[sflag:s0] =	ssyncadd.tile.s32 @!p0 $0x1;
	_ =	shalt  }
.Lfunc_end2:
_tile_overlayer_lowered:
.L_overlay_start_2:
0x150: {  	(tag) =	ssettag $0x2  }
0x151: {  	s0 =	rddreg [dreg:$0x0];
	s2 =	stileid.u32  }
0x152: {  	s1 =	rddreg [dreg:$0x1];
	p0 =	sne.s32 s2, $0x0  }
0x153: {  	s3 =	rddreg [dreg:$0x2];
	[bflag:$0x3] =	sbarrier.arrive $0xFFFF;
	s2 =	simm.s32 @!p0 $0x1C07  }
0x154: {  	[timem:s3], [sflag:s2] =	dma.local @!p0 [hbm:s0], s1  }
0x155: {  	s0 =	simm.s32 @!p0 $0x7  }
0x156: {  	_ =	swait.ge @!p0 [sflag:s0], s1  }
0x157: {  	s1 =	ssub.s32 @!p0 $0x0, s1;
	[sflag:s0] =	ssyncset.done @!p0 $0x0  }
0x158: {  	[sflag:s0] =	ssyncadd.s32 @!p0 s1  }
0x159: {  	[bflag:$0x3] =	sbarrier.arrive $0xFFFF  }
0x15a: {  	_ =	shalt  }

// kernel: kernel.24.cloned.1.call-start
scs
__scs_entry_jumppad:
0x0: {  	(pc) =	sbr.rel $0x88, $3  }
0x1: {  	(tag) =	ssettag $0x0;
	lr =	simm.s32 $0x1  }
0x2: {  	[smem:$0x3F98] =	sst lr;
	_ =	strace $0xD0000000  }
0x3: {  	_ = 	snop  }
0x4: {  	_ = 	snop  }
0x5: {  	_ = 	snop  }
0x6: {  	_ = 	snop  }
0x7: {  	_ = 	snop  }
__scs_overlays_trampoline_lowered:
0x8: {  	[smem:$0x3FA7] =	sst s0  }
0x9: {  	[smem:$0x3FA8] =	sst s1  }
0xa: {  	[smem:$0x3FA9] =	sst s2  }
0xb: {  	[smem:$0x3FAA] =	sst s3  }
0xc: {  	[smem:$0x3FAB] =	sst s4  }
0xd: {  	[smem:$0x3FAC] =	sst s5  }
0xe: {  	[smem:$0x3FAD] =	sst s6  }
0xf: {  	[smem:$0x3FAE] =	sst s7  }
0x10: {  	[smem:$0x3FAF] =	sst s8  }
0x11: {  	[smem:$0x3FB0] =	sst s9;
	s0 =	simm.s32 @!p0 $0x0  }
0x12: {  	s1 =	sld [smem:$0x3F96];
	s0 =	simm.s32 @p0 $0x1  }
0x13: {  	[smem:$0x3FB1] =	sst s0;
	s0 =	simm.s32 @!p1 $0x0  }
0x14: {  	s2 =	sld [smem:$0x3F95];
	s0 =	simm.s32 @p1 $0x1  }
0x15: {  	[smem:$0x3FB2] =	sst s0;
	s0 =	simm.s32 @!p2 $0x0  }
0x16: {  	s3 =	sld [smem:$0x3FDB];
	s0 =	simm.s32 @p2 $0x1  }
0x17: {  	s4 =	simm.s32 $0x1BF5;
	[smem:$0x3FB4] =	sst s0  }
0x18: {  	s0 =	sld [smem:$0x3F97];
	_ =	swait.ge [sflag:s4], $0x0  }
0x19: {  	s7 =	sld [smem:$0x3F98]  }
0x1a: {  	s8 =	sadd.s32 $0xFFFFE003, lr  }
0x1b: {  	s9 =	sadd.s32 $0xFFFFFEF7, lr;
	s5 =	simm.s32 $0xFFFFFFFF;
	p2 =	slt.u32 s8, $0xFFFFF086  }
0x1c: {  	p1 =	slt.u32 s9, $0xF7A;
	s5 =	simm.s32 @!p2 $0x0  }
0x1d: {  	s5 =	simm.s32 @p1 $0x1;
	p0 =	seq.s32 s7, s2  }
0x1e: {  	s7 =	smul.u32 @!p0 $0xF7A, s2;
	p2 =	seq.s32 @!p0 s5, $0x0  }
0x1f: {  	s9 =	smul.u32 $0xF7A, s1;
	s8 =	simm.s32 @!p0 $0x1BF5;
	p2 =	por !p2, p0  }
0x20: {  	[sflag:s8] =	ssyncset.s32 @!p0 $0xFFFFF086;
	s6 =	sadd.s32 @!p0 s3, s7;
	s7 =	simm.s32 @!p0 $0x108  }
0x21: {  	s3 =	sadd.s32 s3, s9;
	s6 =	sadd.s32 @!p0 $0x88, s6;
	s7 =	simm.s32 @p2 $0x1082  }
0x22: {  	[simem:s7], [sflag:s8] =	dma.local @!p0 [hbm:s6], $0xF7A  }
0x23: {  	s9 =	sor.u32 $0xD0000000, s2;
	s6 =	simm.s32 $0x108;
	_ =	swait.ge @!p0 [sflag:s8], $0x0  }
0x24: {  	s3 =	sadd.s32 $0x88, s3;
	s6 =	simm.s32 @!p1 $0x1082;
	[sflag:s4] =	ssyncset.s32 $0xFFFFF086  }
0x25: {  	[simem:s6], [sflag:s4] =	dma.local [hbm:s3], $0xF7A  }
0x26: {  	[smem:$0x3F98] =	sst s1;
	(tag) =	ssettag s2;
	_ =	strace s9  }
0x27: {  	s1 =	sld [smem:$0x3FA8]  }
0x28: {  	s2 =	sld [smem:$0x3FA9]  }
0x29: {  	s4 =	sld [smem:$0x3FAB]  }
0x2a: {  	p0 =	seq.s32 s5, $0x0;
	s5 =	sld [smem:$0x3FAC]  }
0x2b: {  	s6 =	sld [smem:$0x3FAD]  }
0x2c: {  	s7 =	sld [smem:$0x3FAE]  }
0x2d: {  	s3 =	simm.s32 $0x108;
	s8 =	sld [smem:$0x3FAF]  }
0x2e: {  	s3 =	simm.s32 @!p0 $0x1082;
	s9 =	sld [smem:$0x3FB0]  }
0x2f: {  	lr =	sadd.s32 s0, s3;
	s0 =	sld [smem:$0x3FA7]  }
0x30: {  	s3 =	sld [smem:$0x3FAA]  }
0x31: {  	[smem:$0x3FB3] =	sst s10  }
0x32: {  	s10 =	sld [smem:$0x3FB1];
	_ =	sdelay $0x3  }
0x33: {  	p0 =	seq.s32 s10, $0x1;
	s10 =	sld [smem:$0x3FB3];
	_ =	sdelay $0x3  }
0x34: {  	[smem:$0x3FB3] =	sst s10  }
0x35: {  	s10 =	sld [smem:$0x3FB2];
	_ =	sdelay $0x3  }
0x36: {  	p1 =	seq.s32 s10, $0x1;
	s10 =	sld [smem:$0x3FB3];
	_ =	sdelay $0x3  }
0x37: {  	[smem:$0x3FB3] =	sst s10  }
0x38: {  	s10 =	sld [smem:$0x3FB4]  }
0x39: {  	_ = 	snop;
	(pc) =	sbr.ind lr, $3  }
0x3a: {  	_ = 	snop  }
0x3b: {  	_ = 	snop  }
0x3c: {  	p2 =	seq.s32 s10, $0x1;
	s10 =	sld [smem:$0x3FB3]  }
0x3d: {  	_ =	shalt  }
0x3e: {  	_ =	shalt  }
0x3f: {  	_ =	shalt  }
0x40: {  	_ =	shalt  }
0x41: {  	_ =	shalt  }
0x42: {  	_ =	shalt  }
0x43: {  	_ =	shalt  }
0x44: {  	_ =	shalt  }
0x45: {  	_ =	shalt  }
0x46: {  	_ =	shalt  }
0x47: {  	_ =	shalt  }
0x48: {  	_ =	shalt  }
0x49: {  	_ =	shalt  }
0x4a: {  	_ =	shalt  }
0x4b: {  	_ =	shalt  }
0x4c: {  	_ =	shalt  }
0x4d: {  	_ =	shalt  }
0x4e: {  	_ =	shalt  }
0x4f: {  	_ =	shalt  }
0x50: {  	_ =	shalt  }
0x51: {  	_ =	shalt  }
0x52: {  	_ =	shalt  }
0x53: {  	_ =	shalt  }
0x54: {  	_ =	shalt  }
0x55: {  	_ =	shalt  }
0x56: {  	_ =	shalt  }
0x57: {  	_ =	shalt  }
0x58: {  	_ =	shalt  }
0x59: {  	_ =	shalt  }
0x5a: {  	_ =	shalt  }
0x5b: {  	_ =	shalt  }
0x5c: {  	_ =	shalt  }
0x5d: {  	_ =	shalt  }
0x5e: {  	_ =	shalt  }
0x5f: {  	_ =	shalt  }
0x60: {  	_ =	shalt  }
0x61: {  	_ =	shalt  }
0x62: {  	_ =	shalt  }
0x63: {  	_ =	shalt  }
0x64: {  	_ =	shalt  }
0x65: {  	_ =	shalt  }
0x66: {  	_ =	shalt  }
0x67: {  	_ =	shalt  }
0x68: {  	_ =	shalt  }
0x69: {  	_ =	shalt  }
0x6a: {  	_ =	shalt  }
0x6b: {  	_ =	shalt  }
0x6c: {  	_ =	shalt  }
0x6d: {  	_ =	shalt  }
0x6e: {  	_ =	shalt  }
0x6f: {  	_ =	shalt  }
0x70: {  	_ =	shalt  }
0x71: {  	_ =	shalt  }
0x72: {  	_ =	shalt  }
0x73: {  	_ =	shalt  }
0x74: {  	_ =	shalt  }
0x75: {  	_ =	shalt  }
0x76: {  	_ =	shalt  }
0x77: {  	_ =	shalt  }
0x78: {  	_ =	shalt  }
0x79: {  	_ =	shalt  }
0x7a: {  	_ =	shalt  }
0x7b: {  	_ =	shalt  }
0x7c: {  	_ =	shalt  }
0x7d: {  	_ =	shalt  }
0x7e: {  	_ =	shalt  }
0x7f: {  	_ =	shalt  }
0x80: {  	_ =	shalt  }
0x81: {  	_ =	shalt  }
0x82: {  	_ =	shalt  }
0x83: {  	_ =	shalt  }
0x84: {  	_ =	shalt  }
0x85: {  	_ =	shalt  }
0x86: {  	_ =	shalt  }
0x87: {  	_ =	shalt  }
.Lfunc_end0:
.L_simem_size_0:
called_computation.3_lowered:
.L_overlay_start_0:
0x88: {  	s2 =	sld [smem:$0x3FD9]  }
0x89: {  	s3 =	sld [smem:$0x3FFE];
	_ =	sdelay $0x1  }
0x8a: {  	s1 =	srdreg.scid  }
0x8b: {  	s0 =	sand.u32 $0x1, s1  }
0x8c: {  	s16 =	sshll.u32 s0, $0xA;
	s2 =	sadd.s32 s3, s2  }
0x8d: {  	s2 =	sadd.s32 s2, s16  }
0x8e: {  	[smem:$0x3FBF] =	sst s2  }
0x8f: {  	_ = 	snop  }
0x90: {  	(tm) =	ssettm $0x1  }
0x91: {  	s17 =	sld [smem:$0x3FFB];
	_ =	sdelay $0x3  }
0x92: {  	_ =	strace s17  }
0x93: {  	s2 =	sld [smem:$0x3FFC];
	_ =	sdelay $0x3  }
0x94: {  	_ =	strace s2  }
0x95: {  	s2 =	sld [smem:$0x3FFD];
	_ =	sdelay $0x3  }
0x96: {  	_ =	strace s2  }
0x97: {  	_ =	strace $0x8FFFFFFF  }
0x98: {  	s18 =	sld [smem:$0x3FDB];
	_ =	sdelay $0x1  }
0x99: {  	s19 =	simm.s32 $_scs_section_size  }
0x9a: {  	s4 =	simm.s32 $_size__tile_overlayer_lowered;
	s5 =	simm.s32 $_tile_overlayer_lowered  }
0x9b: {  	s22 =	simm.s32 $0x1BFF;
	s21 =	sshll.u32 s5, $0x1;
	s2 =	sadd.s32 s19, s18  }
0x9c: {  	s6 =	simm.s32 $0x0;
	s20 =	sshll.u32 s4, $0x1;
	s4 =	sadd.s32 s21, s2  }
0x9d: {  	[timem:s6], [sflag:s22] =	dma.local [hbm:s4], s20  }
0x9e: {  	_ =	swait.ge [sflag:s22], s20  }
0x9f: {  	s3 =	ssub.s32 $0x0, s20;
	[sflag:s22] =	ssyncset.done $0x0  }
0xa0: {  	[sflag:s22] =	ssyncadd.s32 s3;
	_ =	sdelay $0x1  }
0xa1: {  	s23 =	simm.s32 $0x1B8B  }
0xa2: {  	_ =	swait.ge [sflag:s23], $0x1  }
0xa3: {  	[sflag:s23] =	ssyncset.done $0x0  }
0xa4: {  	s25 =	simm.s32 $0x1B8E;
	s24 =	sld [smem:$0x3FFE];
	[sflag:s23] =	ssyncadd.s32 $0xFFFFFFFF  }
0xa5: {  	s26 =	simm.s32 $execute0_lowered;
	[smem:$0x3FD2] =	sst s25  }
0xa6: {  	s4 =	sshll.u32 s26, $0x1;
	_ =	strace $0x8000004F;
	[dreg:$0x1] =	wrdreg $0xFFFFFFFF  }
0xa7: {  	s28 =	simm.s32 $_size_execute0_lowered;
	s2 =	sadd.s32 s2, s4;
	[dreg:$0x0] =	wrdreg $0x0  }
0xa8: {  	s4 =	sshll.u32 s28, $0x1;
	[dreg:$0x2] =	wrdreg s2  }
0xa9: {  	[dreg:$0x3] =	wrdreg s4  }
0xaa: {  	[dreg:$0x4] =	wrdreg $0xC0  }
0xab: {  	_ =	task [dreg:s6], $0x5FFFF  }
0xac: {  	[dreg:$0x1] =	wrdreg $0xFFFFFFFF  }
0xad: {  	[dreg:$0x0] =	wrdreg $0x60  }
0xae: {  	[dreg:$0x2] =	wrdreg s24  }
0xaf: {  	[dreg:$0x3] =	wrdreg $0x0  }
0xb0: {  	[dreg:$0x4] =	wrdreg $0x9  }
0xb1: {  	_ =	task.clear_ibuf [dreg:s6], $0x5FFFF;
	_ =	strace $0x9000004F  }
0xb2: {  	s29 =	simm.s32 $0x9;
	_ =	strace $0x80000051  }
0xb3: {  	_ =	swait.ge [sflag:s29], $0x1  }
0xb4: {  	[sflag:s29] =	ssyncadd.s32 $0xFFFFFFFF  }
0xb5: {  	_ =	strace $0x90000051  }
0xb6: {  	_ =	sfence  }
0xb7: {  	s30 =	sld [smem:$0x0];
	_ =	sdelay $0x2  }
0xb8: {  	s31 =	sshll.u32 s1, $0xD;
	s1 =	sshrl.u32 s1, $0x2  }
0xb9: {  	s3 =	sand.u32 $0x4000, s31;
	s1 =	sadd.s32 s1, s30  }
0xba: {  	s0 =	sor.u32 s3, s0;
	s1 =	sshll.u32 s1, $0x11  }
0xbb: {  	s0 =	sor.u32 s1, s0  }
0xbc: {  	s0 =	sadd.s32 $0x8F2B, s0  }
0xbd: {  	[sflag:s0] =	ssyncadd.remote.s32 $0x1  }
0xbe: {  	_ =	sfence.sel $0xFFFF  }
0xbf: {  	[dreg:$0x0] =	wrdreg $0xFFFFFFFF;
	(pc) =	sbr.abs _section_cstart, $3  }
0xc0: {  	[dreg:$0x1] =	wrdreg $0xFFFFFFFF  }
0xc1: {  	_ =	task.clear_ibuf [dreg:s6], $0x2FFFF;
	_ =	strace $0x9FFFFFFF  }
0xc2: {  	(tm) =	ssettm $0x7FFFFFFF  }
0xc3: {  	_ =	shalt  }
tec
execute0_lowered:
.L_overlay_start_1:
0x0: {  	(tag) =	ssettag $0x1  }
0x1: {  	s0 =	rddreg [dreg:$0x0]  }
0x2: {  	s1 =	rddreg [dreg:$0x1]  }
0x3: {  	s2 =	srdreg.scid;
	s3 =	simm.s32 $0x0;
	s11 =	stileid.u32  }
0x4: {  	s28 =	simm.s32 $0x14080;
	s29 =	simm.s32 $0x1B000;
	s5 =	smul.u32 $0x280, s11  }
0x5: {  	s30 =	simm.s32 $0x14100;
	s31 =	simm.s32 $0x1D000;
	s7 =	smul.u32 $0x50000, s11  }
0x6: {  	s2 =	sand.u32 $0x1, s2;
	[smem:$0x7FF] =	sst s3;
	s8 =	smul.u32 $0x5000, s11  }
0x7: {  	s4 =	sadd.s32 $0x31200, s0;
	s6 =	sadd.s32 $0x1D200, s0;
	s11 =	smul.u32 $0xA00, s11  }
0x8: {  	s10 =	sadd.s32 $0x27200, s0;
	s9 =	smul.u32 $0x2800, s2;
	s2 =	ssub.s32 $0x2, s2  }
0x9: {  	_ =	strace $0x80000050;
	s18 =	sshrl.u32 s2, $0x1;
	s7 =	sshrl.u32 s7, $0x2  }
0xa: {  	s8 =	sshrl.u32 s8, $0x3;
	s20 =	sadd.s32 s6, s11;
	s21 =	sadd.s32 s10, s11  }
0xb: {  	s11 =	simm.s32 $0x18F80;
	s5 =	sadd.s32 s5, s9;
	[dreg:$0x3] =	wrdreg s20  }
0xc: {  	s2 =	ssub.s32 s2, s18;
	s19 =	sadd.s32 $0x500, s8;
	[dreg:$0x4] =	wrdreg s21  }
0xd: {  	s21 =	simm.s32 $0x19000;
	s8 =	simm.s32 $0x5;
	v0 =	vmov s9;
	s9 =	simm.s32 $0x6  }
0xe: {  	s5 =	sshll.u32 s5, $0x4;
	s6 =	sadd.s32 s6, s19;
	s22 =	sadd.s32 s10, s19  }
0xf: {  	s23 =	smax.u32 s2, $0x1;
	s2 =	simm.s32 $0x16880;
	[dreg:$0x5] =	wrdreg s6  }
0x10: {  	s10 =	simm.s32 $0x16780;
	s0 =	sadd.s32 s5, s0;
	[dreg:$0x6] =	wrdreg s22  }
0x11: {  	s5 =	sadd.s32 s7, s1;
	[dreg:$0x8] =	wrdreg s23;
	s22 =	simm.s32 $0x1  }
0x12: {  	s23 =	simm.s32 $0x14000;
	s6 =	simm.s32 $0x4;
	s7 =	simm.s32 $0x3  }
0x13: {  	s0 =	sadd.s32 $0x81200, s0;
	s24 =	sadd.s32 $0x2000, s5;
	s25 =	sadd.s32 $0x4000, s5  }
0x14: {  	s26 =	sadd.s32 $0x6000, s5;
	s15 =	sadd.s32 $0x8000, s5;
	[dreg:$0x7] =	wrdreg s0  }
0x15: {  	s16 =	sadd.s32 $0xA000, s5;
	s17 =	sadd.s32 $0xC000, s5;
	[dreg:$0x9] =	wrdreg s24  }
0x16: {  	s18 =	sadd.s32 $0xE000, s5;
	s19 =	sadd.s32 $0x10000, s5;
	[dreg:$0xa] =	wrdreg s25  }
0x17: {  	s20 =	sadd.s32 $0x12000, s5;
	[dreg:$0xb] =	wrdreg s26;
	s24 =	simm.s32 $0x7  }
0x18: {  	v1 =	vimm.f32 $0.0e+00;
	s25 =	simm.s32 $0x16800;
	s26 =	simm.s32 $0x40;
	s0 =	simm.s32 $0x2  }
.LBB2_1:
0x19: {  	s12 =	simm.s32 $0x0;
	s13 =	simm.s32 $0x200  }
.LBB2_2:
0x1a: {  	p0 =	sne.s32 s13, $0x7E00;
	[tilespmem:s12+$0x19070] =	vst v1  }
0x1b: {  	[tilespmem:s12+$0x19000] =	vst v1  }
0x1c: {  	[tilespmem:s12+$0x19010] =	vst v1  }
.Ltmp0:
0x1d: {  	[tilespmem:s12+$0x19020] =	vst v1;
	(pc) =	sbr.rel @p0 .LBB2_2-.Ltmp0, $4  }
0x1e: {  	[tilespmem:s12+$0x19030] =	vst v1  }
0x1f: {  	[tilespmem:s12+$0x19040] =	vst v1  }
0x20: {  	[tilespmem:s12+$0x19050] =	vst v1  }
0x21: {  	[tilespmem:s12+$0x19060] =	vst v1;
	s12 =	sshra.s32 s13, $0x2;
	s13 =	sadd.s32 $0x200, s13  }
0x22: {  	[tilespmem:s12+$0x19070] =	vst v1  }
0x23: {  	[tilespmem:s12+$0x19000] =	vst v1  }
0x24: {  	[tilespmem:s12+$0x19010] =	vst v1  }
0x25: {  	[tilespmem:s12+$0x19020] =	vst v1  }
0x26: {  	[tilespmem:s12+$0x19030] =	vst v1  }
0x27: {  	[tilespmem:s12+$0x19040] =	vst v1  }
0x28: {  	[tilespmem:s12+$0x19050] =	vst v1  }
0x29: {  	[tilespmem:s12+$0x19060] =	vst v1  }
0x2a: {  	[spmem:s5] =	stream.linear.scatter [tilespmem:s21], [sflag:$0x1], $0x2000, $0x38;
	[tilespmem:$0x1F000] =	vst v63  }
0x2b: {  	s13 =	rddreg [dreg:$0x9]  }
0x2c: {  	[spmem:s13] =	stream.linear.scatter [tilespmem:s21], [sflag:$0x1], $0x2000, $0x38;
	[tilespmem:$0x1F000] =	vst v63  }
0x2d: {  	s14 =	rddreg [dreg:$0xa]  }
0x2e: {  	[spmem:s14] =	stream.linear.scatter [tilespmem:s21], [sflag:$0x1], $0x2000, $0x38;
	[tilespmem:$0x1F000] =	vst v63  }
0x2f: {  	s13 =	rddreg [dreg:$0xb]  }
0x30: {  	[spmem:s13] =	stream.linear.scatter [tilespmem:s21], [sflag:$0x1], $0x2000, $0x38;
	[tilespmem:$0x1F000] =	vst v63  }
0x31: {  	_ = 	snop  }
0x32: {  	[spmem:s15] =	stream.linear.scatter [tilespmem:s21], [sflag:$0x1], $0x2000, $0x38;
	[tilespmem:$0x1F000] =	vst v63  }
0x33: {  	_ = 	snop  }
0x34: {  	[spmem:s16] =	stream.linear.scatter [tilespmem:s21], [sflag:$0x1], $0x2000, $0x38;
	[tilespmem:$0x1F000] =	vst v63  }
0x35: {  	_ = 	snop  }
0x36: {  	[spmem:s17] =	stream.linear.scatter [tilespmem:s21], [sflag:$0x1], $0x2000, $0x38;
	[tilespmem:$0x1F000] =	vst v63  }
0x37: {  	_ = 	snop  }
0x38: {  	[spmem:s18] =	stream.linear.scatter [tilespmem:s21], [sflag:$0x1], $0x2000, $0x38;
	[tilespmem:$0x1F000] =	vst v63  }
0x39: {  	_ = 	snop  }
0x3a: {  	[spmem:s19] =	stream.linear.scatter [tilespmem:s21], [sflag:$0x1], $0x2000, $0x38;
	[tilespmem:$0x1F000] =	vst v63  }
0x3b: {  	_ = 	snop  }
0x3c: {  	[spmem:s20] =	stream.linear.scatter [tilespmem:s21], [sflag:$0x1], $0x2000, $0x38;
	[tilespmem:$0x1F000] =	vst v63  }
0x3d: {  	_ =	swait.ge [sflag:s22], $0x2000  }
0x3e: {  	[sflag:s22] =	ssyncset.done $0x0  }
0x3f: {  	[sflag:s22] =	ssyncadd.s32 $0xFFFFE000  }
0x40: {  	_ =	swait.ge [sflag:s22], $0x2000  }
0x41: {  	[sflag:s22] =	ssyncset.done $0x0  }
0x42: {  	[sflag:s22] =	ssyncadd.s32 $0xFFFFE000  }
0x43: {  	_ =	swait.ge [sflag:s22], $0x2000  }
0x44: {  	[sflag:s22] =	ssyncset.done $0x0  }
0x45: {  	[sflag:s22] =	ssyncadd.s32 $0xFFFFE000  }
0x46: {  	_ =	swait.ge [sflag:s22], $0x2000  }
0x47: {  	[sflag:s22] =	ssyncset.done $0x0  }
0x48: {  	[sflag:s22] =	ssyncadd.s32 $0xFFFFE000  }
0x49: {  	_ =	swait.ge [sflag:s22], $0x2000  }
0x4a: {  	[sflag:s22] =	ssyncset.done $0x0  }
0x4b: {  	[sflag:s22] =	ssyncadd.s32 $0xFFFFE000  }
0x4c: {  	_ =	swait.ge [sflag:s22], $0x2000  }
0x4d: {  	[sflag:s22] =	ssyncset.done $0x0  }
0x4e: {  	[sflag:s22] =	ssyncadd.s32 $0xFFFFE000  }
0x4f: {  	_ =	swait.ge [sflag:s22], $0x2000  }
0x50: {  	[sflag:s22] =	ssyncset.done $0x0  }
0x51: {  	[sflag:s22] =	ssyncadd.s32 $0xFFFFE000  }
0x52: {  	_ =	swait.ge [sflag:s22], $0x2000  }
0x53: {  	[sflag:s22] =	ssyncset.done $0x0  }
0x54: {  	[sflag:s22] =	ssyncadd.s32 $0xFFFFE000  }
0x55: {  	_ =	swait.ge [sflag:s22], $0x2000  }
0x56: {  	[sflag:s22] =	ssyncset.done $0x0  }
0x57: {  	[sflag:s22] =	ssyncadd.s32 $0xFFFFE000  }
0x58: {  	_ =	swait.ge [sflag:s22], $0x2000  }
0x59: {  	[sflag:s22] =	ssyncset.done $0x0  }
0x5a: {  	[sflag:s22] =	ssyncadd.s32 $0xFFFFE000  }
0x5b: {  	[bflag:$0x0] =	sbarrier.arrive $0xFFFF  }
0x5c: {  	s12 =	simm.s32 $0x0;
	s13 =	rddreg [dreg:$0x3]  }
0x5d: {  	[tilespmem:s23], [sflag:$0x7] =	stream.linear.gather [hbm4b:s13+s12], $0x2800, $0x38;
	[tilespmem:$0x1F000] =	vst v63  }
0x5e: {  	_ =	swait.ge [sflag:s24], $0x2800  }
0x5f: {  	[sflag:s24] =	ssyncset.done $0x0  }
0x60: {  	s14 =	rddreg [dreg:$0x4];
	[sflag:s24] =	ssyncadd.s32 $0xFFFFD800  }
0x61: {  	[tilespmem:s25], [sflag:$0x7] =	stream.linear.gather [hbm4b:s14+s12], $0x2800, $0x38;
	[tilespmem:$0x1F000] =	vst v63  }
0x62: {  	_ =	swait.ge [sflag:s24], $0x2800  }
0x63: {  	[sflag:s24] =	ssyncset.done $0x0  }
0x64: {  	s12 =	simm.s32 $0x0;
	[sflag:s24] =	ssyncadd.s32 $0xFFFFD800  }
0x65: {  	v4 =	vld [tilespmem:s12+$0x14000]  }
0x66: {  	v3 =	vld [tilespmem:s12+$0x14010]  }
0x67: {  	s13 =	simm.s32 $0x200;
	v2 =	vld [tilespmem:s12+$0x14020]  }
.LBB2_4:
0x68: {  	p0 =	sne.s32 s13, $0x9E00;
	v5 =	vld [tilespmem:s12+$0x14030];
	_ =	sdelay $0x1  }
.Ltmp1:
0x69: {  	v4 =	vadd.s32 v0, v4;
	(pc) =	sbr.rel @p0 .LBB2_4-.Ltmp1, $4  }
0x6a: {  	s14 =	sshra.s32 s13, $0x2;
	[tilespmem:s12+$0x14000] =	vst v4;
	v3 =	vadd.s32 v0, v3  }
0x6b: {  	v4 =	vld [tilespmem:s14+$0x14000];
	[tilespmem:s12+$0x14010] =	vst v3;
	v2 =	vadd.s32 v0, v2  }
0x6c: {  	v3 =	vld [tilespmem:s14+$0x14010];
	[tilespmem:s12+$0x14020] =	vst v2;
	v5 =	vadd.s32 v0, v5  }
0x6d: {  	s13 =	sadd.s32 $0x200, s13;
	v2 =	vld [tilespmem:s14+$0x14020];
	[tilespmem:s12+$0x14030] =	vst v5;
	s12 =	smov.u32 s14  }
0x6e: {  	v5 =	vld [tilespmem:s12+$0x14030];
	_ =	sdelay $0x1  }
0x6f: {  	v4 =	vadd.s32 v0, v4  }
0x70: {  	[tilespmem:s12+$0x14000] =	vst v4;
	v3 =	vadd.s32 v0, v3  }
0x71: {  	[tilespmem:s12+$0x14010] =	vst v3;
	v2 =	vadd.s32 v0, v2  }
0x72: {  	[tilespmem:s12+$0x14020] =	vst v2;
	v2 =	vadd.s32 v0, v5  }
0x73: {  	[tilespmem:s12+$0x14030] =	vst v2  }
0x74: {  	[tilespmem:s21], [sflag:$0x1] =	stream.indirect.gather [hbm4b:s4+s26], $0x80, s23, s26, $0xb8;
	[tilespmem:$0x1F000] =	vst v63  }
0x75: {  	_ = 	snop  }
0x76: {  	[tilespmem:s29], [sflag:$0x2] =	stream.indirect.gather [hbm4b:s4+s26], $0x80, s28, s26, $0xb8;
	[tilespmem:$0x1F000] =	vst v63  }
0x77: {  	_ =	swait.ge [sflag:s22], $0x2000  }
0x78: {  	[sflag:s22] =	ssyncset.done $0x0  }
0x79: {  	[sflag:s22] =	ssyncadd.s32 $0xFFFFE000  }
0x7a: {  	[spmem:s1] =	stream.indirect.scatter.add.f32 [tilespmem:s21], [sflag:$0x4], $0x80, s25, s26, $0xb8;
	[tilespmem:$0x1F000] =	vst v63  }
0x7b: {  	_ = 	snop  }
0x7c: {  	[tilespmem:s31], [sflag:$0x3] =	stream.indirect.gather [hbm4b:s4+s26], $0x80, s30, s26, $0xb8;
	[tilespmem:$0x1F000] =	vst v63  }
0x7d: {  	_ =	swait.ge [sflag:s0], $0x2000  }
0x7e: {  	[sflag:s0] =	ssyncset.done $0x0  }
0x7f: {  	[sflag:s0] =	ssyncadd.s32 $0xFFFFE000  }
0x80: {  	[spmem:s1] =	stream.indirect.scatter.add.f32 [tilespmem:s29], [sflag:$0x5], $0x80, s2, s26, $0xb8;
	[tilespmem:$0x1F000] =	vst v63  }
0x81: {  	_ =	swait.ge [sflag:s6], $0x2000  }
0x82: {  	[sflag:s6] =	ssyncset.done $0x0  }
0x83: {  	s14 =	simm.s32 $0x14180;
	[sflag:s6] =	ssyncadd.s32 $0xFFFFE000  }
0x84: {  	[tilespmem:s21], [sflag:$0x1] =	stream.indirect.gather [hbm4b:s4+s26], $0x80, s14, s26, $0xb8;
	[tilespmem:$0x1F000] =	vst v63  }
0x85: {  	_ =	swait.ge [sflag:s7], $0x2000  }
0x86: {  	[sflag:s7] =	ssyncset.done $0x0  }
0x87: {  	s13 =	simm.s32 $0x16900;
	[sflag:s7] =	ssyncadd.s32 $0xFFFFE000  }
0x88: {  	[spmem:s1] =	stream.indirect.scatter.add.f32 [tilespmem:s31], [sflag:$0x6], $0x80, s13, s26, $0xb8;
	[tilespmem:$0x1F000] =	vst v63  }
0x89: {  	_ =	swait.ge [sflag:s8], $0x2000  }
0x8a: {  	[sflag:s8] =	ssyncset.done $0x0  }
0x8b: {  	s14 =	simm.s32 $0x14200;
	[sflag:s8] =	ssyncadd.s32 $0xFFFFE000  }
0x8c: {  	[tilespmem:s29], [sflag:$0x2] =	stream.indirect.gather [hbm4b:s4+s26], $0x80, s14, s26, $0xb8;
	[tilespmem:$0x1F000] =	vst v63  }
0x8d: {  	_ =	swait.ge [sflag:s22], $0x2000  }
0x8e: {  	[sflag:s22] =	ssyncset.done $0x0  }
0x8f: {  	s13 =	simm.s32 $0x16980;
	[sflag:s22] =	ssyncadd.s32 $0xFFFFE000  }
0x90: {  	[spmem:s1] =	stream.indirect.scatter.add.f32 [tilespmem:s21], [sflag:$0x4], $0x80, s13, s26, $0xb8;
	[tilespmem:$0x1F000] =	vst v63  }
0x91: {  	_ =	swait.ge [sflag:s9], $0x2000  }
0x92: {  	[sflag:s9] =	ssyncset.done $0x0  }
0x93: {  	s14 =	simm.s32 $0x14280;
	[sflag:s9] =	ssyncadd.s32 $0xFFFFE000  }
0x94: {  	[tilespmem:s31], [sflag:$0x3] =	stream.indirect.gather [hbm4b:s4+s26], $0x80, s14, s26, $0xb8;
	[tilespmem:$0x1F000] =	vst v63  }
0x95: {  	_ =	swait.ge [sflag:s0], $0x2000  }
0x96: {  	[sflag:s0] =	ssyncset.done $0x0  }
0x97: {  	s12 =	simm.s32 $0x600;
	s13 =	simm.s32 $0x16A00;
	[sflag:s0] =	ssyncadd.s32 $0xFFFFE000  }
.LBB2_6:
0x98: {  	[spmem:s1] =	stream.indirect.scatter.add.f32 [tilespmem:s29], [sflag:$0x5], $0x80, s13, s26, $0xb8;
	[tilespmem:$0x1F000] =	vst v63  }
0x99: {  	s13 =	smov.u32 s12;
	s12 =	sadd.s32 $0x600, s12;
	_ =	swait.ge [sflag:s6], $0x2000  }
0x9a: {  	s13 =	sshra.s32 s13, $0x2;
	p0 =	sne.s32 s12, $0x9600;
	[sflag:s6] =	ssyncset.done $0x0  }
0x9b: {  	s14 =	sadd.s32 $0x14180, s13;
	[sflag:s6] =	ssyncadd.s32 $0xFFFFE000  }
0x9c: {  	[tilespmem:s21], [sflag:$0x1] =	stream.indirect.gather [hbm4b:s4+s26], $0x80, s14, s26, $0xb8;
	[tilespmem:$0x1F000] =	vst v63  }
0x9d: {  	_ =	swait.ge [sflag:s7], $0x2000  }
0x9e: {  	[sflag:s7] =	ssyncset.done $0x0  }
0x9f: {  	s14 =	sadd.s32 $0x16900, s13;
	[sflag:s7] =	ssyncadd.s32 $0xFFFFE000  }
0xa0: {  	[spmem:s1] =	stream.indirect.scatter.add.f32 [tilespmem:s31], [sflag:$0x6], $0x80, s14, s26, $0xb8;
	[tilespmem:$0x1F000] =	vst v63  }
0xa1: {  	_ =	swait.ge [sflag:s8], $0x2000  }
0xa2: {  	[sflag:s8] =	ssyncset.done $0x0  }
0xa3: {  	s14 =	sadd.s32 $0x14200, s13;
	[sflag:s8] =	ssyncadd.s32 $0xFFFFE000  }
0xa4: {  	[tilespmem:s29], [sflag:$0x2] =	stream.indirect.gather [hbm4b:s4+s26], $0x80, s14, s26, $0xb8;
	[tilespmem:$0x1F000] =	vst v63  }
0xa5: {  	_ =	swait.ge [sflag:s22], $0x2000  }
0xa6: {  	[sflag:s22] =	ssyncset.done $0x0  }
0xa7: {  	s14 =	sadd.s32 $0x16980, s13;
	[sflag:s22] =	ssyncadd.s32 $0xFFFFE000  }
0xa8: {  	[spmem:s1] =	stream.indirect.scatter.add.f32 [tilespmem:s21], [sflag:$0x4], $0x80, s14, s26, $0xb8;
	[tilespmem:$0x1F000] =	vst v63  }
0xa9: {  	_ =	swait.ge [sflag:s9], $0x2000  }
0xaa: {  	[sflag:s9] =	ssyncset.done $0x0  }
.Ltmp2:
0xab: {  	s14 =	sadd.s32 $0x14280, s13;
	[sflag:s9] =	ssyncadd.s32 $0xFFFFE000;
	(pc) =	sbr.rel @p0 .LBB2_6-.Ltmp2, $4  }
0xac: {  	[tilespmem:s31], [sflag:$0x3] =	stream.indirect.gather [hbm4b:s4+s26], $0x80, s14, s26, $0xb8;
	[tilespmem:$0x1F000] =	vst v63  }
0xad: {  	_ =	swait.ge [sflag:s0], $0x2000  }
0xae: {  	[sflag:s0] =	ssyncset.done $0x0  }
0xaf: {  	s13 =	sadd.s32 $0x16A00, s13;
	[sflag:s0] =	ssyncadd.s32 $0xFFFFE000  }
0xb0: {  	[spmem:s1] =	stream.indirect.scatter.add.f32 [tilespmem:s29], [sflag:$0x5], $0x80, s13, s26, $0xb8;
	[tilespmem:$0x1F000] =	vst v63  }
0xb1: {  	_ =	swait.ge [sflag:s6], $0x2000  }
0xb2: {  	s12 =	sshra.s32 s12, $0x2;
	[sflag:s6] =	ssyncset.done $0x0  }
0xb3: {  	s14 =	sadd.s32 $0x14180, s12;
	[sflag:s6] =	ssyncadd.s32 $0xFFFFE000  }
0xb4: {  	[tilespmem:s21], [sflag:$0x1] =	stream.indirect.gather [hbm4b:s4+s26], $0x80, s14, s26, $0xb8;
	[tilespmem:$0x1F000] =	vst v63  }
0xb5: {  	_ =	swait.ge [sflag:s7], $0x2000  }
0xb6: {  	[sflag:s7] =	ssyncset.done $0x0  }
0xb7: {  	s14 =	sadd.s32 $0x16900, s12;
	[sflag:s7] =	ssyncadd.s32 $0xFFFFE000  }
0xb8: {  	[spmem:s1] =	stream.indirect.scatter.add.f32 [tilespmem:s31], [sflag:$0x6], $0x80, s14, s26, $0xb8;
	[tilespmem:$0x1F000] =	vst v63  }
0xb9: {  	_ =	swait.ge [sflag:s8], $0x2000  }
0xba: {  	[sflag:s8] =	ssyncset.done $0x0  }
0xbb: {  	[sflag:s8] =	ssyncadd.s32 $0xFFFFE000  }
0xbc: {  	[tilespmem:s29], [sflag:$0x2] =	stream.indirect.gather [hbm4b:s4+s26], $0x80, s10, s26, $0xb8;
	[tilespmem:$0x1F000] =	vst v63  }
0xbd: {  	_ =	swait.ge [sflag:s22], $0x2000  }
0xbe: {  	[sflag:s22] =	ssyncset.done $0x0  }
0xbf: {  	s12 =	sadd.s32 $0x16980, s12;
	[sflag:s22] =	ssyncadd.s32 $0xFFFFE000  }
0xc0: {  	[spmem:s1] =	stream.indirect.scatter.add.f32 [tilespmem:s21], [sflag:$0x4], $0x80, s12, s26, $0xb8;
	[tilespmem:$0x1F000] =	vst v63  }
0xc1: {  	_ =	swait.ge [sflag:s0], $0x2000  }
0xc2: {  	[sflag:s0] =	ssyncset.done $0x0  }
0xc3: {  	[sflag:s0] =	ssyncadd.s32 $0xFFFFE000  }
0xc4: {  	[spmem:s1] =	stream.indirect.scatter.add.f32 [tilespmem:s29], [sflag:$0x5], $0x80, s11, s26, $0xb8;
	[tilespmem:$0x1F000] =	vst v63  }
0xc5: {  	_ =	swait.ge [sflag:s6], $0x2000  }
0xc6: {  	[sflag:s6] =	ssyncset.done $0x0  }
0xc7: {  	[sflag:s6] =	ssyncadd.s32 $0xFFFFE000  }
0xc8: {  	_ =	swait.ge [sflag:s8], $0x2000  }
0xc9: {  	[sflag:s8] =	ssyncset.done $0x0  }
0xca: {  	[sflag:s8] =	ssyncadd.s32 $0xFFFFE000  }
0xcb: {  	_ =	swait.ge [sflag:s9], $0x2000  }
0xcc: {  	[sflag:s9] =	ssyncset.done $0x0  }
0xcd: {  	s12 =	simm.s32 $0x0;
	s14 =	rddreg [dreg:$0x5];
	[sflag:s9] =	ssyncadd.s32 $0xFFFFE000  }
0xce: {  	[tilespmem:s23], [sflag:$0x7] =	stream.linear.gather [hbm4b:s14+s12], $0x2800, $0x38;
	[tilespmem:$0x1F000] =	vst v63  }
0xcf: {  	_ =	swait.ge [sflag:s24], $0x2800  }
0xd0: {  	[sflag:s24] =	ssyncset.done $0x0  }
0xd1: {  	s14 =	rddreg [dreg:$0x6];
	[sflag:s24] =	ssyncadd.s32 $0xFFFFD800  }
0xd2: {  	[tilespmem:s25], [sflag:$0x7] =	stream.linear.gather [hbm4b:s14+s12], $0x2800, $0x38;
	[tilespmem:$0x1F000] =	vst v63  }
0xd3: {  	_ =	swait.ge [sflag:s24], $0x2800  }
0xd4: {  	[sflag:s24] =	ssyncset.done $0x0  }
0xd5: {  	s12 =	simm.s32 $0x0;
	[sflag:s24] =	ssyncadd.s32 $0xFFFFD800  }
0xd6: {  	v4 =	vld [tilespmem:s12+$0x14000]  }
0xd7: {  	v3 =	vld [tilespmem:s12+$0x14010]  }
0xd8: {  	s13 =	simm.s32 $0x200;
	v2 =	vld [tilespmem:s12+$0x14020]  }
.LBB2_8:
0xd9: {  	p0 =	sne.s32 s13, $0x9E00;
	v5 =	vld [tilespmem:s12+$0x14030];
	_ =	sdelay $0x1  }
.Ltmp3:
0xda: {  	v4 =	vadd.s32 v0, v4;
	(pc) =	sbr.rel @p0 .LBB2_8-.Ltmp3, $4  }
0xdb: {  	s14 =	sshra.s32 s13, $0x2;
	[tilespmem:s12+$0x14000] =	vst v4;
	v3 =	vadd.s32 v0, v3  }
0xdc: {  	v4 =	vld [tilespmem:s14+$0x14000];
	[tilespmem:s12+$0x14010] =	vst v3;
	v2 =	vadd.s32 v0, v2  }
0xdd: {  	v3 =	vld [tilespmem:s14+$0x14010];
	[tilespmem:s12+$0x14020] =	vst v2;
	v5 =	vadd.s32 v0, v5  }
0xde: {  	s13 =	sadd.s32 $0x200, s13;
	v2 =	vld [tilespmem:s14+$0x14020];
	[tilespmem:s12+$0x14030] =	vst v5;
	s12 =	smov.u32 s14  }
0xdf: {  	v5 =	vld [tilespmem:s12+$0x14030];
	_ =	sdelay $0x1  }
0xe0: {  	v4 =	vadd.s32 v0, v4  }
0xe1: {  	[tilespmem:s12+$0x14000] =	vst v4;
	v3 =	vadd.s32 v0, v3  }
0xe2: {  	[tilespmem:s12+$0x14010] =	vst v3;
	v2 =	vadd.s32 v0, v2  }
0xe3: {  	[tilespmem:s12+$0x14020] =	vst v2;
	v2 =	vadd.s32 v0, v5  }
0xe4: {  	[tilespmem:s12+$0x14030] =	vst v2  }
0xe5: {  	[tilespmem:s21], [sflag:$0x1] =	stream.indirect.gather [hbm4b:s4+s26], $0x80, s23, s26, $0xb8;
	[tilespmem:$0x1F000] =	vst v63  }
0xe6: {  	_ = 	snop  }
0xe7: {  	[tilespmem:s29], [sflag:$0x2] =	stream.indirect.gather [hbm4b:s4+s26], $0x80, s28, s26, $0xb8;
	[tilespmem:$0x1F000] =	vst v63  }
0xe8: {  	_ =	swait.ge [sflag:s22], $0x2000  }
0xe9: {  	[sflag:s22] =	ssyncset.done $0x0  }
0xea: {  	[sflag:s22] =	ssyncadd.s32 $0xFFFFE000  }
0xeb: {  	[spmem:s1] =	stream.indirect.scatter.add.f32 [tilespmem:s21], [sflag:$0x4], $0x80, s25, s26, $0xb8;
	[tilespmem:$0x1F000] =	vst v63  }
0xec: {  	_ = 	snop  }
0xed: {  	[tilespmem:s31], [sflag:$0x3] =	stream.indirect.gather [hbm4b:s4+s26], $0x80, s30, s26, $0xb8;
	[tilespmem:$0x1F000] =	vst v63  }
0xee: {  	_ =	swait.ge [sflag:s0], $0x2000  }
0xef: {  	[sflag:s0] =	ssyncset.done $0x0  }
0xf0: {  	[sflag:s0] =	ssyncadd.s32 $0xFFFFE000  }
0xf1: {  	[spmem:s1] =	stream.indirect.scatter.add.f32 [tilespmem:s29], [sflag:$0x5], $0x80, s2, s26, $0xb8;
	[tilespmem:$0x1F000] =	vst v63  }
0xf2: {  	_ =	swait.ge [sflag:s6], $0x2000  }
0xf3: {  	[sflag:s6] =	ssyncset.done $0x0  }
0xf4: {  	s14 =	simm.s32 $0x14180;
	[sflag:s6] =	ssyncadd.s32 $0xFFFFE000  }
0xf5: {  	[tilespmem:s21], [sflag:$0x1] =	stream.indirect.gather [hbm4b:s4+s26], $0x80, s14, s26, $0xb8;
	[tilespmem:$0x1F000] =	vst v63  }
0xf6: {  	_ =	swait.ge [sflag:s7], $0x2000  }
0xf7: {  	[sflag:s7] =	ssyncset.done $0x0  }
0xf8: {  	s13 =	simm.s32 $0x16900;
	[sflag:s7] =	ssyncadd.s32 $0xFFFFE000  }
0xf9: {  	[spmem:s1] =	stream.indirect.scatter.add.f32 [tilespmem:s31], [sflag:$0x6], $0x80, s13, s26, $0xb8;
	[tilespmem:$0x1F000] =	vst v63  }
0xfa: {  	_ =	swait.ge [sflag:s8], $0x2000  }
0xfb: {  	[sflag:s8] =	ssyncset.done $0x0  }
0xfc: {  	s14 =	simm.s32 $0x14200;
	[sflag:s8] =	ssyncadd.s32 $0xFFFFE000  }
0xfd: {  	[tilespmem:s29], [sflag:$0x2] =	stream.indirect.gather [hbm4b:s4+s26], $0x80, s14, s26, $0xb8;
	[tilespmem:$0x1F000] =	vst v63  }
0xfe: {  	_ =	swait.ge [sflag:s22], $0x2000  }
0xff: {  	[sflag:s22] =	ssyncset.done $0x0  }
0x100: {  	s13 =	simm.s32 $0x16980;
	[sflag:s22] =	ssyncadd.s32 $0xFFFFE000  }
0x101: {  	[spmem:s1] =	stream.indirect.scatter.add.f32 [tilespmem:s21], [sflag:$0x4], $0x80, s13, s26, $0xb8;
	[tilespmem:$0x1F000] =	vst v63  }
0x102: {  	_ =	swait.ge [sflag:s9], $0x2000  }
0x103: {  	[sflag:s9] =	ssyncset.done $0x0  }
0x104: {  	s14 =	simm.s32 $0x14280;
	[sflag:s9] =	ssyncadd.s32 $0xFFFFE000  }
0x105: {  	[tilespmem:s31], [sflag:$0x3] =	stream.indirect.gather [hbm4b:s4+s26], $0x80, s14, s26, $0xb8;
	[tilespmem:$0x1F000] =	vst v63  }
0x106: {  	_ =	swait.ge [sflag:s0], $0x2000  }
0x107: {  	[sflag:s0] =	ssyncset.done $0x0  }
0x108: {  	s12 =	simm.s32 $0x600;
	s13 =	simm.s32 $0x16A00;
	[sflag:s0] =	ssyncadd.s32 $0xFFFFE000  }
.LBB2_10:
0x109: {  	[spmem:s1] =	stream.indirect.scatter.add.f32 [tilespmem:s29], [sflag:$0x5], $0x80, s13, s26, $0xb8;
	[tilespmem:$0x1F000] =	vst v63  }
0x10a: {  	s13 =	smov.u32 s12;
	s12 =	sadd.s32 $0x600, s12;
	_ =	swait.ge [sflag:s6], $0x2000  }
0x10b: {  	s13 =	sshra.s32 s13, $0x2;
	p0 =	sne.s32 s12, $0x9600;
	[sflag:s6] =	ssyncset.done $0x0  }
0x10c: {  	s14 =	sadd.s32 $0x14180, s13;
	[sflag:s6] =	ssyncadd.s32 $0xFFFFE000  }
0x10d: {  	[tilespmem:s21], [sflag:$0x1] =	stream.indirect.gather [hbm4b:s4+s26], $0x80, s14, s26, $0xb8;
	[tilespmem:$0x1F000] =	vst v63  }
0x10e: {  	_ =	swait.ge [sflag:s7], $0x2000  }
0x10f: {  	[sflag:s7] =	ssyncset.done $0x0  }
0x110: {  	s14 =	sadd.s32 $0x16900, s13;
	[sflag:s7] =	ssyncadd.s32 $0xFFFFE000  }
0x111: {  	[spmem:s1] =	stream.indirect.scatter.add.f32 [tilespmem:s31], [sflag:$0x6], $0x80, s14, s26, $0xb8;
	[tilespmem:$0x1F000] =	vst v63  }
0x112: {  	_ =	swait.ge [sflag:s8], $0x2000  }
0x113: {  	[sflag:s8] =	ssyncset.done $0x0  }
0x114: {  	s14 =	sadd.s32 $0x14200, s13;
	[sflag:s8] =	ssyncadd.s32 $0xFFFFE000  }
0x115: {  	[tilespmem:s29], [sflag:$0x2] =	stream.indirect.gather [hbm4b:s4+s26], $0x80, s14, s26, $0xb8;
	[tilespmem:$0x1F000] =	vst v63  }
0x116: {  	_ =	swait.ge [sflag:s22], $0x2000  }
0x117: {  	[sflag:s22] =	ssyncset.done $0x0  }
0x118: {  	s14 =	sadd.s32 $0x16980, s13;
	[sflag:s22] =	ssyncadd.s32 $0xFFFFE000  }
0x119: {  	[spmem:s1] =	stream.indirect.scatter.add.f32 [tilespmem:s21], [sflag:$0x4], $0x80, s14, s26, $0xb8;
	[tilespmem:$0x1F000] =	vst v63  }
0x11a: {  	_ =	swait.ge [sflag:s9], $0x2000  }
0x11b: {  	[sflag:s9] =	ssyncset.done $0x0  }
.Ltmp4:
0x11c: {  	s14 =	sadd.s32 $0x14280, s13;
	[sflag:s9] =	ssyncadd.s32 $0xFFFFE000;
	(pc) =	sbr.rel @p0 .LBB2_10-.Ltmp4, $4  }
0x11d: {  	[tilespmem:s31], [sflag:$0x3] =	stream.indirect.gather [hbm4b:s4+s26], $0x80, s14, s26, $0xb8;
	[tilespmem:$0x1F000] =	vst v63  }
0x11e: {  	_ =	swait.ge [sflag:s0], $0x2000  }
0x11f: {  	[sflag:s0] =	ssyncset.done $0x0  }
0x120: {  	s13 =	sadd.s32 $0x16A00, s13;
	[sflag:s0] =	ssyncadd.s32 $0xFFFFE000  }
0x121: {  	[spmem:s1] =	stream.indirect.scatter.add.f32 [tilespmem:s29], [sflag:$0x5], $0x80, s13, s26, $0xb8;
	[tilespmem:$0x1F000] =	vst v63  }
0x122: {  	_ =	swait.ge [sflag:s6], $0x2000  }
0x123: {  	s12 =	sshra.s32 s12, $0x2;
	[sflag:s6] =	ssyncset.done $0x0  }
0x124: {  	s14 =	sadd.s32 $0x14180, s12;
	[sflag:s6] =	ssyncadd.s32 $0xFFFFE000  }
0x125: {  	[tilespmem:s21], [sflag:$0x1] =	stream.indirect.gather [hbm4b:s4+s26], $0x80, s14, s26, $0xb8;
	[tilespmem:$0x1F000] =	vst v63  }
0x126: {  	_ =	swait.ge [sflag:s7], $0x2000  }
0x127: {  	[sflag:s7] =	ssyncset.done $0x0  }
0x128: {  	s14 =	sadd.s32 $0x16900, s12;
	[sflag:s7] =	ssyncadd.s32 $0xFFFFE000  }
0x129: {  	[spmem:s1] =	stream.indirect.scatter.add.f32 [tilespmem:s31], [sflag:$0x6], $0x80, s14, s26, $0xb8;
	[tilespmem:$0x1F000] =	vst v63  }
0x12a: {  	_ =	swait.ge [sflag:s8], $0x2000  }
0x12b: {  	[sflag:s8] =	ssyncset.done $0x0  }
0x12c: {  	[sflag:s8] =	ssyncadd.s32 $0xFFFFE000  }
0x12d: {  	[tilespmem:s29], [sflag:$0x2] =	stream.indirect.gather [hbm4b:s4+s26], $0x80, s10, s26, $0xb8;
	[tilespmem:$0x1F000] =	vst v63  }
0x12e: {  	_ =	swait.ge [sflag:s22], $0x2000  }
0x12f: {  	[sflag:s22] =	ssyncset.done $0x0  }
0x130: {  	s12 =	sadd.s32 $0x16980, s12;
	[sflag:s22] =	ssyncadd.s32 $0xFFFFE000  }
0x131: {  	[spmem:s1] =	stream.indirect.scatter.add.f32 [tilespmem:s21], [sflag:$0x4], $0x80, s12, s26, $0xb8;
	[tilespmem:$0x1F000] =	vst v63  }
0x132: {  	_ =	swait.ge [sflag:s0], $0x2000  }
0x133: {  	[sflag:s0] =	ssyncset.done $0x0  }
0x134: {  	[sflag:s0] =	ssyncadd.s32 $0xFFFFE000  }
0x135: {  	[spmem:s1] =	stream.indirect.scatter.add.f32 [tilespmem:s29], [sflag:$0x5], $0x80, s11, s26, $0xb8;
	[tilespmem:$0x1F000] =	vst v63  }
0x136: {  	_ =	swait.ge [sflag:s6], $0x2000  }
0x137: {  	[sflag:s6] =	ssyncset.done $0x0  }
0x138: {  	[sflag:s6] =	ssyncadd.s32 $0xFFFFE000  }
0x139: {  	_ =	swait.ge [sflag:s8], $0x2000  }
0x13a: {  	[sflag:s8] =	ssyncset.done $0x0  }
0x13b: {  	[sflag:s8] =	ssyncadd.s32 $0xFFFFE000  }
0x13c: {  	_ =	swait.ge [sflag:s9], $0x2000  }
0x13d: {  	[sflag:s9] =	ssyncset.done $0x0  }
0x13e: {  	s13 =	stileid.u32;
	[sflag:s9] =	ssyncadd.s32 $0xFFFFE000  }
0x13f: {  	s12 =	sshll.u32 s13, $0x6;
	[bflag:$0x0] =	sbarrier.arrive $0xFFFF  }
0x140: {  	s13 =	sshrl.u32 s5, $0x3;
	s12 =	sor.u32 $0x1C07, s12;
	s14 =	rddreg [dreg:$0x7]  }
0x141: {  	[hbm:s14], [sflag:s12] =	dma.local [spmem:s13], $0x2800  }
0x142: {  	_ =	swait.ge [sflag:s24], $0x2800  }
0x143: {  	s3 =	sadd.s32 $0x1, s3;
	s14 =	rddreg [dreg:$0x8]  }
0x144: {  	p0 =	sne.s32 s3, s14  }
.Ltmp5:
0x145: {  	_ = 	snop;
	(pc) =	sbr.rel @p0 .LBB2_1-.Ltmp5, $3  }
0x146: {  	_ =	sdelay $0x1  }
0x147: {  	[sflag:s24] =	ssyncset.done $0x0  }
0x148: {  	[sflag:s24] =	ssyncadd.s32 $0xFFFFD800  }
0x149: {  	_ =	sfence.sel $0x180000  }
0x14a: {  	[bflag:$0x0] =	sbarrier.arrive $0xFFFF  }
0x14b: {  	_ =	strace $0x90000050  }
0x14c: {  	s0 =	stileid.u32;
	[bflag:$0x2] =	sbarrier.arrive $0xFFFF  }
0x14d: {  	p0 =	sne.s32 s0, $0x0;
	s0 =	rddreg [dreg:$0x2]  }
0x14e: {  	s0 =	sadd.s32 @!p0 $0x100000, s0  }
0x14f: {  	[sflag:s0] =	ssyncadd.tile.s32 @!p0 $0x1;
	_ =	shalt  }
.Lfunc_end2:
_tile_overlayer_lowered:
.L_overlay_start_2:
0x150: {  	(tag) =	ssettag $0x2  }
0x151: {  	s0 =	rddreg [dreg:$0x0];
	s2 =	stileid.u32  }
0x152: {  	s1 =	rddreg [dreg:$0x1];
	p0 =	sne.s32 s2, $0x0  }
0x153: {  	s3 =	rddreg [dreg:$0x2];
	[bflag:$0x3] =	sbarrier.arrive $0xFFFF;
	s2 =	simm.s32 @!p0 $0x1C07  }
0x154: {  	[timem:s3], [sflag:s2] =	dma.local @!p0 [hbm:s0], s1  }
0x155: {  	s0 =	simm.s32 @!p0 $0x7  }
0x156: {  	_ =	swait.ge @!p0 [sflag:s0], s1  }
0x157: {  	s1 =	ssub.s32 @!p0 $0x0, s1;
	[sflag:s0] =	ssyncset.done @!p0 $0x0  }
0x158: {  	[sflag:s0] =	ssyncadd.s32 @!p0 s1  }
0x159: {  	[bflag:$0x3] =	sbarrier.arrive $0xFFFF  }
0x15a: {  	_ =	shalt  }

// kernel: kernel.27.cloned.1.call-start
scs
__scs_entry_jumppad:
0x0: {  	(pc) =	sbr.rel $0x88, $3  }
0x1: {  	(tag) =	ssettag $0x0;
	lr =	simm.s32 $0x1  }
0x2: {  	[smem:$0x3F98] =	sst lr;
	_ =	strace $0xD0000000  }
0x3: {  	_ = 	snop  }
0x4: {  	_ = 	snop  }
0x5: {  	_ = 	snop  }
0x6: {  	_ = 	snop  }
0x7: {  	_ = 	snop  }
__scs_overlays_trampoline_lowered:
0x8: {  	[smem:$0x3FA7] =	sst s0  }
0x9: {  	[smem:$0x3FA8] =	sst s1  }
0xa: {  	[smem:$0x3FA9] =	sst s2  }
0xb: {  	[smem:$0x3FAA] =	sst s3  }
0xc: {  	[smem:$0x3FAB] =	sst s4  }
0xd: {  	[smem:$0x3FAC] =	sst s5  }
0xe: {  	[smem:$0x3FAD] =	sst s6  }
0xf: {  	[smem:$0x3FAE] =	sst s7  }
0x10: {  	[smem:$0x3FAF] =	sst s8  }
0x11: {  	[smem:$0x3FB0] =	sst s9;
	s0 =	simm.s32 @!p0 $0x0  }
0x12: {  	s1 =	sld [smem:$0x3F96];
	s0 =	simm.s32 @p0 $0x1  }
0x13: {  	[smem:$0x3FB1] =	sst s0;
	s0 =	simm.s32 @!p1 $0x0  }
0x14: {  	s2 =	sld [smem:$0x3F95];
	s0 =	simm.s32 @p1 $0x1  }
0x15: {  	[smem:$0x3FB2] =	sst s0;
	s0 =	simm.s32 @!p2 $0x0  }
0x16: {  	s3 =	sld [smem:$0x3FDB];
	s0 =	simm.s32 @p2 $0x1  }
0x17: {  	s4 =	simm.s32 $0x1BF5;
	[smem:$0x3FB4] =	sst s0  }
0x18: {  	s0 =	sld [smem:$0x3F97];
	_ =	swait.ge [sflag:s4], $0x0  }
0x19: {  	s7 =	sld [smem:$0x3F98]  }
0x1a: {  	s8 =	sadd.s32 $0xFFFFE003, lr  }
0x1b: {  	s9 =	sadd.s32 $0xFFFFFEF7, lr;
	s5 =	simm.s32 $0xFFFFFFFF;
	p2 =	slt.u32 s8, $0xFFFFF086  }
0x1c: {  	p1 =	slt.u32 s9, $0xF7A;
	s5 =	simm.s32 @!p2 $0x0  }
0x1d: {  	s5 =	simm.s32 @p1 $0x1;
	p0 =	seq.s32 s7, s2  }
0x1e: {  	s7 =	smul.u32 @!p0 $0xF7A, s2;
	p2 =	seq.s32 @!p0 s5, $0x0  }
0x1f: {  	s9 =	smul.u32 $0xF7A, s1;
	s8 =	simm.s32 @!p0 $0x1BF5;
	p2 =	por !p2, p0  }
0x20: {  	[sflag:s8] =	ssyncset.s32 @!p0 $0xFFFFF086;
	s6 =	sadd.s32 @!p0 s3, s7;
	s7 =	simm.s32 @!p0 $0x108  }
0x21: {  	s3 =	sadd.s32 s3, s9;
	s6 =	sadd.s32 @!p0 $0x88, s6;
	s7 =	simm.s32 @p2 $0x1082  }
0x22: {  	[simem:s7], [sflag:s8] =	dma.local @!p0 [hbm:s6], $0xF7A  }
0x23: {  	s9 =	sor.u32 $0xD0000000, s2;
	s6 =	simm.s32 $0x108;
	_ =	swait.ge @!p0 [sflag:s8], $0x0  }
0x24: {  	s3 =	sadd.s32 $0x88, s3;
	s6 =	simm.s32 @!p1 $0x1082;
	[sflag:s4] =	ssyncset.s32 $0xFFFFF086  }
0x25: {  	[simem:s6], [sflag:s4] =	dma.local [hbm:s3], $0xF7A  }
0x26: {  	[smem:$0x3F98] =	sst s1;
	(tag) =	ssettag s2;
	_ =	strace s9  }
0x27: {  	s1 =	sld [smem:$0x3FA8]  }
0x28: {  	s2 =	sld [smem:$0x3FA9]  }
0x29: {  	s4 =	sld [smem:$0x3FAB]  }
0x2a: {  	p0 =	seq.s32 s5, $0x0;
	s5 =	sld [smem:$0x3FAC]  }
0x2b: {  	s6 =	sld [smem:$0x3FAD]  }
0x2c: {  	s7 =	sld [smem:$0x3FAE]  }
0x2d: {  	s3 =	simm.s32 $0x108;
	s8 =	sld [smem:$0x3FAF]  }
0x2e: {  	s3 =	simm.s32 @!p0 $0x1082;
	s9 =	sld [smem:$0x3FB0]  }
0x2f: {  	lr =	sadd.s32 s0, s3;
	s0 =	sld [smem:$0x3FA7]  }
0x30: {  	s3 =	sld [smem:$0x3FAA]  }
0x31: {  	[smem:$0x3FB3] =	sst s10  }
0x32: {  	s10 =	sld [smem:$0x3FB1];
	_ =	sdelay $0x3  }
0x33: {  	p0 =	seq.s32 s10, $0x1;
	s10 =	sld [smem:$0x3FB3];
	_ =	sdelay $0x3  }
0x34: {  	[smem:$0x3FB3] =	sst s10  }
0x35: {  	s10 =	sld [smem:$0x3FB2];
	_ =	sdelay $0x3  }
0x36: {  	p1 =	seq.s32 s10, $0x1;
	s10 =	sld [smem:$0x3FB3];
	_ =	sdelay $0x3  }
0x37: {  	[smem:$0x3FB3] =	sst s10  }
0x38: {  	s10 =	sld [smem:$0x3FB4]  }
0x39: {  	_ = 	snop;
	(pc) =	sbr.ind lr, $3  }
0x3a: {  	_ = 	snop  }
0x3b: {  	_ = 	snop  }
0x3c: {  	p2 =	seq.s32 s10, $0x1;
	s10 =	sld [smem:$0x3FB3]  }
0x3d: {  	_ =	shalt  }
0x3e: {  	_ =	shalt  }
0x3f: {  	_ =	shalt  }
0x40: {  	_ =	shalt  }
0x41: {  	_ =	shalt  }
0x42: {  	_ =	shalt  }
0x43: {  	_ =	shalt  }
0x44: {  	_ =	shalt  }
0x45: {  	_ =	shalt  }
0x46: {  	_ =	shalt  }
0x47: {  	_ =	shalt  }
0x48: {  	_ =	shalt  }
0x49: {  	_ =	shalt  }
0x4a: {  	_ =	shalt  }
0x4b: {  	_ =	shalt  }
0x4c: {  	_ =	shalt  }
0x4d: {  	_ =	shalt  }
0x4e: {  	_ =	shalt  }
0x4f: {  	_ =	shalt  }
0x50: {  	_ =	shalt  }
0x51: {  	_ =	shalt  }
0x52: {  	_ =	shalt  }
0x53: {  	_ =	shalt  }
0x54: {  	_ =	shalt  }
0x55: {  	_ =	shalt  }
0x56: {  	_ =	shalt  }
0x57: {  	_ =	shalt  }
0x58: {  	_ =	shalt  }
0x59: {  	_ =	shalt  }
0x5a: {  	_ =	shalt  }
0x5b: {  	_ =	shalt  }
0x5c: {  	_ =	shalt  }
0x5d: {  	_ =	shalt  }
0x5e: {  	_ =	shalt  }
0x5f: {  	_ =	shalt  }
0x60: {  	_ =	shalt  }
0x61: {  	_ =	shalt  }
0x62: {  	_ =	shalt  }
0x63: {  	_ =	shalt  }
0x64: {  	_ =	shalt  }
0x65: {  	_ =	shalt  }
0x66: {  	_ =	shalt  }
0x67: {  	_ =	shalt  }
0x68: {  	_ =	shalt  }
0x69: {  	_ =	shalt  }
0x6a: {  	_ =	shalt  }
0x6b: {  	_ =	shalt  }
0x6c: {  	_ =	shalt  }
0x6d: {  	_ =	shalt  }
0x6e: {  	_ =	shalt  }
0x6f: {  	_ =	shalt  }
0x70: {  	_ =	shalt  }
0x71: {  	_ =	shalt  }
0x72: {  	_ =	shalt  }
0x73: {  	_ =	shalt  }
0x74: {  	_ =	shalt  }
0x75: {  	_ =	shalt  }
0x76: {  	_ =	shalt  }
0x77: {  	_ =	shalt  }
0x78: {  	_ =	shalt  }
0x79: {  	_ =	shalt  }
0x7a: {  	_ =	shalt  }
0x7b: {  	_ =	shalt  }
0x7c: {  	_ =	shalt  }
0x7d: {  	_ =	shalt  }
0x7e: {  	_ =	shalt  }
0x7f: {  	_ =	shalt  }
0x80: {  	_ =	shalt  }
0x81: {  	_ =	shalt  }
0x82: {  	_ =	shalt  }
0x83: {  	_ =	shalt  }
0x84: {  	_ =	shalt  }
0x85: {  	_ =	shalt  }
0x86: {  	_ =	shalt  }
0x87: {  	_ =	shalt  }
.Lfunc_end0:
.L_simem_size_0:
called_computation.4_lowered:
.L_overlay_start_0:
0x88: {  	s2 =	sld [smem:$0x3FD9]  }
0x89: {  	s3 =	sld [smem:$0x3FFE];
	_ =	sdelay $0x1  }
0x8a: {  	s1 =	srdreg.scid  }
0x8b: {  	s0 =	sand.u32 $0x1, s1  }
0x8c: {  	s16 =	sshll.u32 s0, $0xA;
	s2 =	sadd.s32 s3, s2  }
0x8d: {  	s2 =	sadd.s32 s2, s16  }
0x8e: {  	[smem:$0x3FBF] =	sst s2  }
0x8f: {  	_ = 	snop  }
0x90: {  	(tm) =	ssettm $0x1  }
0x91: {  	s17 =	sld [smem:$0x3FFB];
	_ =	sdelay $0x3  }
0x92: {  	_ =	strace s17  }
0x93: {  	s2 =	sld [smem:$0x3FFC];
	_ =	sdelay $0x3  }
0x94: {  	_ =	strace s2  }
0x95: {  	s2 =	sld [smem:$0x3FFD];
	_ =	sdelay $0x3  }
0x96: {  	_ =	strace s2  }
0x97: {  	_ =	strace $0x8FFFFFFF  }
0x98: {  	s18 =	sld [smem:$0x3FDB];
	_ =	sdelay $0x1  }
0x99: {  	s19 =	simm.s32 $_scs_section_size  }
0x9a: {  	s4 =	simm.s32 $_size__tile_overlayer_lowered;
	s5 =	simm.s32 $_tile_overlayer_lowered  }
0x9b: {  	s22 =	simm.s32 $0x1BFF;
	s21 =	sshll.u32 s5, $0x1;
	s2 =	sadd.s32 s19, s18  }
0x9c: {  	s6 =	simm.s32 $0x0;
	s20 =	sshll.u32 s4, $0x1;
	s4 =	sadd.s32 s21, s2  }
0x9d: {  	[timem:s6], [sflag:s22] =	dma.local [hbm:s4], s20  }
0x9e: {  	_ =	swait.ge [sflag:s22], s20  }
0x9f: {  	s3 =	ssub.s32 $0x0, s20;
	[sflag:s22] =	ssyncset.done $0x0  }
0xa0: {  	[sflag:s22] =	ssyncadd.s32 s3;
	_ =	sdelay $0x1  }
0xa1: {  	s23 =	simm.s32 $0x1B8B  }
0xa2: {  	_ =	swait.ge [sflag:s23], $0x1  }
0xa3: {  	[sflag:s23] =	ssyncset.done $0x0  }
0xa4: {  	s25 =	simm.s32 $0x1B8E;
	s24 =	sld [smem:$0x3FFE];
	[sflag:s23] =	ssyncadd.s32 $0xFFFFFFFF  }
0xa5: {  	s26 =	simm.s32 $execute0_lowered;
	[smem:$0x3FD2] =	sst s25  }
0xa6: {  	s4 =	sshll.u32 s26, $0x1;
	_ =	strace $0x80000052;
	[dreg:$0x1] =	wrdreg $0xFFFFFFFF  }
0xa7: {  	s28 =	simm.s32 $_size_execute0_lowered;
	s2 =	sadd.s32 s2, s4;
	[dreg:$0x0] =	wrdreg $0x0  }
0xa8: {  	s4 =	sshll.u32 s28, $0x1;
	[dreg:$0x2] =	wrdreg s2  }
0xa9: {  	[dreg:$0x3] =	wrdreg s4  }
0xaa: {  	[dreg:$0x4] =	wrdreg $0xC0  }
0xab: {  	_ =	task [dreg:s6], $0x5FFFF  }
0xac: {  	[dreg:$0x1] =	wrdreg $0xFFFFFFFF  }
0xad: {  	[dreg:$0x0] =	wrdreg $0x60  }
0xae: {  	[dreg:$0x2] =	wrdreg s24  }
0xaf: {  	[dreg:$0x3] =	wrdreg $0x0  }
0xb0: {  	[dreg:$0x4] =	wrdreg $0x9  }
0xb1: {  	_ =	task.clear_ibuf [dreg:s6], $0x5FFFF;
	_ =	strace $0x90000052  }
0xb2: {  	s29 =	simm.s32 $0x9;
	_ =	strace $0x80000054  }
0xb3: {  	_ =	swait.ge [sflag:s29], $0x1  }
0xb4: {  	[sflag:s29] =	ssyncadd.s32 $0xFFFFFFFF  }
0xb5: {  	_ =	strace $0x90000054  }
0xb6: {  	_ =	sfence  }
0xb7: {  	s30 =	sld [smem:$0x0];
	_ =	sdelay $0x2  }
0xb8: {  	s31 =	sshll.u32 s1, $0xD;
	s1 =	sshrl.u32 s1, $0x2  }
0xb9: {  	s3 =	sand.u32 $0x4000, s31;
	s1 =	sadd.s32 s1, s30  }
0xba: {  	s0 =	sor.u32 s3, s0;
	s1 =	sshll.u32 s1, $0x11  }
0xbb: {  	s0 =	sor.u32 s1, s0  }
0xbc: {  	s0 =	sadd.s32 $0x8F2B, s0  }
0xbd: {  	[sflag:s0] =	ssyncadd.remote.s32 $0x1  }
0xbe: {  	_ =	sfence.sel $0xFFFF  }
0xbf: {  	[dreg:$0x0] =	wrdreg $0xFFFFFFFF;
	(pc) =	sbr.abs _section_cstart, $3  }
0xc0: {  	[dreg:$0x1] =	wrdreg $0xFFFFFFFF  }
0xc1: {  	_ =	task.clear_ibuf [dreg:s6], $0x2FFFF;
	_ =	strace $0x9FFFFFFF  }
0xc2: {  	(tm) =	ssettm $0x7FFFFFFF  }
0xc3: {  	_ =	shalt  }
tec
execute0_lowered:
.L_overlay_start_1:
0x0: {  	(tag) =	ssettag $0x1  }
0x1: {  	s0 =	rddreg [dreg:$0x0]  }
0x2: {  	s1 =	rddreg [dreg:$0x1]  }
0x3: {  	s2 =	srdreg.scid;
	s3 =	simm.s32 $0x0;
	s11 =	stileid.u32  }
0x4: {  	s28 =	simm.s32 $0x14080;
	s29 =	simm.s32 $0x1B000;
	s5 =	smul.u32 $0x280, s11  }
0x5: {  	s30 =	simm.s32 $0x14100;
	s31 =	simm.s32 $0x1D000;
	s7 =	smul.u32 $0x50000, s11  }
0x6: {  	s2 =	sand.u32 $0x1, s2;
	[smem:$0x7FF] =	sst s3;
	s8 =	smul.u32 $0x5000, s11  }
0x7: {  	s4 =	sadd.s32 $0x31200, s0;
	s6 =	sadd.s32 $0x1D200, s0;
	s11 =	smul.u32 $0xA00, s11  }
0x8: {  	s10 =	sadd.s32 $0x27200, s0;
	s9 =	smul.u32 $0x2800, s2;
	s2 =	ssub.s32 $0x2, s2  }
0x9: {  	_ =	strace $0x80000053;
	s18 =	sshrl.u32 s2, $0x1;
	s7 =	sshrl.u32 s7, $0x2  }
0xa: {  	s8 =	sshrl.u32 s8, $0x3;
	s20 =	sadd.s32 s6, s11;
	s21 =	sadd.s32 s10, s11  }
0xb: {  	s11 =	simm.s32 $0x18F80;
	s5 =	sadd.s32 s5, s9;
	[dreg:$0x3] =	wrdreg s20  }
0xc: {  	s2 =	ssub.s32 s2, s18;
	s19 =	sadd.s32 $0x500, s8;
	[dreg:$0x4] =	wrdreg s21  }
0xd: {  	s21 =	simm.s32 $0x19000;
	s8 =	simm.s32 $0x5;
	v0 =	vmov s9;
	s9 =	simm.s32 $0x6  }
0xe: {  	s5 =	sshll.u32 s5, $0x4;
	s6 =	sadd.s32 s6, s19;
	s22 =	sadd.s32 s10, s19  }
0xf: {  	s23 =	smax.u32 s2, $0x1;
	s2 =	simm.s32 $0x16880;
	[dreg:$0x5] =	wrdreg s6  }
0x10: {  	s10 =	simm.s32 $0x16780;
	s0 =	sadd.s32 s5, s0;
	[dreg:$0x6] =	wrdreg s22  }
0x11: {  	s5 =	sadd.s32 s7, s1;
	[dreg:$0x8] =	wrdreg s23;
	s22 =	simm.s32 $0x1  }
0x12: {  	s23 =	simm.s32 $0x14000;
	s6 =	simm.s32 $0x4;
	s7 =	simm.s32 $0x3  }
0x13: {  	s0 =	sadd.s32 $0x81200, s0;
	s24 =	sadd.s32 $0x2000, s5;
	s25 =	sadd.s32 $0x4000, s5  }
0x14: {  	s26 =	sadd.s32 $0x6000, s5;
	s15 =	sadd.s32 $0x8000, s5;
	[dreg:$0x7] =	wrdreg s0  }
0x15: {  	s16 =	sadd.s32 $0xA000, s5;
	s17 =	sadd.s32 $0xC000, s5;
	[dreg:$0x9] =	wrdreg s24  }
0x16: {  	s18 =	sadd.s32 $0xE000, s5;
	s19 =	sadd.s32 $0x10000, s5;
	[dreg:$0xa] =	wrdreg s25  }
0x17: {  	s20 =	sadd.s32 $0x12000, s5;
	[dreg:$0xb] =	wrdreg s26;
	s24 =	simm.s32 $0x7  }
0x18: {  	v1 =	vimm.f32 $0.0e+00;
	s25 =	simm.s32 $0x16800;
	s26 =	simm.s32 $0x40;
	s0 =	simm.s32 $0x2  }
.LBB2_1:
0x19: {  	s12 =	simm.s32 $0x0;
	s13 =	simm.s32 $0x200  }
.LBB2_2:
0x1a: {  	p0 =	sne.s32 s13, $0x7E00;
	[tilespmem:s12+$0x19070] =	vst v1  }
0x1b: {  	[tilespmem:s12+$0x19000] =	vst v1  }
0x1c: {  	[tilespmem:s12+$0x19010] =	vst v1  }
.Ltmp0:
0x1d: {  	[tilespmem:s12+$0x19020] =	vst v1;
	(pc) =	sbr.rel @p0 .LBB2_2-.Ltmp0, $4  }
0x1e: {  	[tilespmem:s12+$0x19030] =	vst v1  }
0x1f: {  	[tilespmem:s12+$0x19040] =	vst v1  }
0x20: {  	[tilespmem:s12+$0x19050] =	vst v1  }
0x21: {  	[tilespmem:s12+$0x19060] =	vst v1;
	s12 =	sshra.s32 s13, $0x2;
	s13 =	sadd.s32 $0x200, s13  }
0x22: {  	[tilespmem:s12+$0x19070] =	vst v1  }
0x23: {  	[tilespmem:s12+$0x19000] =	vst v1  }
0x24: {  	[tilespmem:s12+$0x19010] =	vst v1  }
0x25: {  	[tilespmem:s12+$0x19020] =	vst v1  }
0x26: {  	[tilespmem:s12+$0x19030] =	vst v1  }
0x27: {  	[tilespmem:s12+$0x19040] =	vst v1  }
0x28: {  	[tilespmem:s12+$0x19050] =	vst v1  }
0x29: {  	[tilespmem:s12+$0x19060] =	vst v1  }
0x2a: {  	[spmem:s5] =	stream.linear.scatter [tilespmem:s21], [sflag:$0x1], $0x2000, $0x38;
	[tilespmem:$0x1F000] =	vst v63  }
0x2b: {  	s13 =	rddreg [dreg:$0x9]  }
0x2c: {  	[spmem:s13] =	stream.linear.scatter [tilespmem:s21], [sflag:$0x1], $0x2000, $0x38;
	[tilespmem:$0x1F000] =	vst v63  }
0x2d: {  	s14 =	rddreg [dreg:$0xa]  }
0x2e: {  	[spmem:s14] =	stream.linear.scatter [tilespmem:s21], [sflag:$0x1], $0x2000, $0x38;
	[tilespmem:$0x1F000] =	vst v63  }
0x2f: {  	s13 =	rddreg [dreg:$0xb]  }
0x30: {  	[spmem:s13] =	stream.linear.scatter [tilespmem:s21], [sflag:$0x1], $0x2000, $0x38;
	[tilespmem:$0x1F000] =	vst v63  }
0x31: {  	_ = 	snop  }
0x32: {  	[spmem:s15] =	stream.linear.scatter [tilespmem:s21], [sflag:$0x1], $0x2000, $0x38;
	[tilespmem:$0x1F000] =	vst v63  }
0x33: {  	_ = 	snop  }
0x34: {  	[spmem:s16] =	stream.linear.scatter [tilespmem:s21], [sflag:$0x1], $0x2000, $0x38;
	[tilespmem:$0x1F000] =	vst v63  }
0x35: {  	_ = 	snop  }
0x36: {  	[spmem:s17] =	stream.linear.scatter [tilespmem:s21], [sflag:$0x1], $0x2000, $0x38;
	[tilespmem:$0x1F000] =	vst v63  }
0x37: {  	_ = 	snop  }
0x38: {  	[spmem:s18] =	stream.linear.scatter [tilespmem:s21], [sflag:$0x1], $0x2000, $0x38;
	[tilespmem:$0x1F000] =	vst v63  }
0x39: {  	_ = 	snop  }
0x3a: {  	[spmem:s19] =	stream.linear.scatter [tilespmem:s21], [sflag:$0x1], $0x2000, $0x38;
	[tilespmem:$0x1F000] =	vst v63  }
0x3b: {  	_ = 	snop  }
0x3c: {  	[spmem:s20] =	stream.linear.scatter [tilespmem:s21], [sflag:$0x1], $0x2000, $0x38;
	[tilespmem:$0x1F000] =	vst v63  }
0x3d: {  	_ =	swait.ge [sflag:s22], $0x2000  }
0x3e: {  	[sflag:s22] =	ssyncset.done $0x0  }
0x3f: {  	[sflag:s22] =	ssyncadd.s32 $0xFFFFE000  }
0x40: {  	_ =	swait.ge [sflag:s22], $0x2000  }
0x41: {  	[sflag:s22] =	ssyncset.done $0x0  }
0x42: {  	[sflag:s22] =	ssyncadd.s32 $0xFFFFE000  }
0x43: {  	_ =	swait.ge [sflag:s22], $0x2000  }
0x44: {  	[sflag:s22] =	ssyncset.done $0x0  }
0x45: {  	[sflag:s22] =	ssyncadd.s32 $0xFFFFE000  }
0x46: {  	_ =	swait.ge [sflag:s22], $0x2000  }
0x47: {  	[sflag:s22] =	ssyncset.done $0x0  }
0x48: {  	[sflag:s22] =	ssyncadd.s32 $0xFFFFE000  }
0x49: {  	_ =	swait.ge [sflag:s22], $0x2000  }
0x4a: {  	[sflag:s22] =	ssyncset.done $0x0  }
0x4b: {  	[sflag:s22] =	ssyncadd.s32 $0xFFFFE000  }
0x4c: {  	_ =	swait.ge [sflag:s22], $0x2000  }
0x4d: {  	[sflag:s22] =	ssyncset.done $0x0  }
0x4e: {  	[sflag:s22] =	ssyncadd.s32 $0xFFFFE000  }
0x4f: {  	_ =	swait.ge [sflag:s22], $0x2000  }
0x50: {  	[sflag:s22] =	ssyncset.done $0x0  }
0x51: {  	[sflag:s22] =	ssyncadd.s32 $0xFFFFE000  }
0x52: {  	_ =	swait.ge [sflag:s22], $0x2000  }
0x53: {  	[sflag:s22] =	ssyncset.done $0x0  }
0x54: {  	[sflag:s22] =	ssyncadd.s32 $0xFFFFE000  }
0x55: {  	_ =	swait.ge [sflag:s22], $0x2000  }
0x56: {  	[sflag:s22] =	ssyncset.done $0x0  }
0x57: {  	[sflag:s22] =	ssyncadd.s32 $0xFFFFE000  }
0x58: {  	_ =	swait.ge [sflag:s22], $0x2000  }
0x59: {  	[sflag:s22] =	ssyncset.done $0x0  }
0x5a: {  	[sflag:s22] =	ssyncadd.s32 $0xFFFFE000  }
0x5b: {  	[bflag:$0x0] =	sbarrier.arrive $0xFFFF  }
0x5c: {  	s12 =	simm.s32 $0x0;
	s13 =	rddreg [dreg:$0x3]  }
0x5d: {  	[tilespmem:s23], [sflag:$0x7] =	stream.linear.gather [hbm4b:s13+s12], $0x2800, $0x38;
	[tilespmem:$0x1F000] =	vst v63  }
0x5e: {  	_ =	swait.ge [sflag:s24], $0x2800  }
0x5f: {  	[sflag:s24] =	ssyncset.done $0x0  }
0x60: {  	s14 =	rddreg [dreg:$0x4];
	[sflag:s24] =	ssyncadd.s32 $0xFFFFD800  }
0x61: {  	[tilespmem:s25], [sflag:$0x7] =	stream.linear.gather [hbm4b:s14+s12], $0x2800, $0x38;
	[tilespmem:$0x1F000] =	vst v63  }
0x62: {  	_ =	swait.ge [sflag:s24], $0x2800  }
0x63: {  	[sflag:s24] =	ssyncset.done $0x0  }
0x64: {  	s12 =	simm.s32 $0x0;
	[sflag:s24] =	ssyncadd.s32 $0xFFFFD800  }
0x65: {  	v4 =	vld [tilespmem:s12+$0x14000]  }
0x66: {  	v3 =	vld [tilespmem:s12+$0x14010]  }
0x67: {  	s13 =	simm.s32 $0x200;
	v2 =	vld [tilespmem:s12+$0x14020]  }
.LBB2_4:
0x68: {  	p0 =	sne.s32 s13, $0x9E00;
	v5 =	vld [tilespmem:s12+$0x14030];
	_ =	sdelay $0x1  }
.Ltmp1:
0x69: {  	v4 =	vadd.s32 v0, v4;
	(pc) =	sbr.rel @p0 .LBB2_4-.Ltmp1, $4  }
0x6a: {  	s14 =	sshra.s32 s13, $0x2;
	[tilespmem:s12+$0x14000] =	vst v4;
	v3 =	vadd.s32 v0, v3  }
0x6b: {  	v4 =	vld [tilespmem:s14+$0x14000];
	[tilespmem:s12+$0x14010] =	vst v3;
	v2 =	vadd.s32 v0, v2  }
0x6c: {  	v3 =	vld [tilespmem:s14+$0x14010];
	[tilespmem:s12+$0x14020] =	vst v2;
	v5 =	vadd.s32 v0, v5  }
0x6d: {  	s13 =	sadd.s32 $0x200, s13;
	v2 =	vld [tilespmem:s14+$0x14020];
	[tilespmem:s12+$0x14030] =	vst v5;
	s12 =	smov.u32 s14  }
0x6e: {  	v5 =	vld [tilespmem:s12+$0x14030];
	_ =	sdelay $0x1  }
0x6f: {  	v4 =	vadd.s32 v0, v4  }
0x70: {  	[tilespmem:s12+$0x14000] =	vst v4;
	v3 =	vadd.s32 v0, v3  }
0x71: {  	[tilespmem:s12+$0x14010] =	vst v3;
	v2 =	vadd.s32 v0, v2  }
0x72: {  	[tilespmem:s12+$0x14020] =	vst v2;
	v2 =	vadd.s32 v0, v5  }
0x73: {  	[tilespmem:s12+$0x14030] =	vst v2  }
0x74: {  	[tilespmem:s21], [sflag:$0x1] =	stream.indirect.gather [hbm4b:s4+s26], $0x80, s23, s26, $0xb8;
	[tilespmem:$0x1F000] =	vst v63  }
0x75: {  	_ = 	snop  }
0x76: {  	[tilespmem:s29], [sflag:$0x2] =	stream.indirect.gather [hbm4b:s4+s26], $0x80, s28, s26, $0xb8;
	[tilespmem:$0x1F000] =	vst v63  }
0x77: {  	_ =	swait.ge [sflag:s22], $0x2000  }
0x78: {  	[sflag:s22] =	ssyncset.done $0x0  }
0x79: {  	[sflag:s22] =	ssyncadd.s32 $0xFFFFE000  }
0x7a: {  	[spmem:s1] =	stream.indirect.scatter.add.f32 [tilespmem:s21], [sflag:$0x4], $0x80, s25, s26, $0xb8;
	[tilespmem:$0x1F000] =	vst v63  }
0x7b: {  	_ = 	snop  }
0x7c: {  	[tilespmem:s31], [sflag:$0x3] =	stream.indirect.gather [hbm4b:s4+s26], $0x80, s30, s26, $0xb8;
	[tilespmem:$0x1F000] =	vst v63  }
0x7d: {  	_ =	swait.ge [sflag:s0], $0x2000  }
0x7e: {  	[sflag:s0] =	ssyncset.done $0x0  }
0x7f: {  	[sflag:s0] =	ssyncadd.s32 $0xFFFFE000  }
0x80: {  	[spmem:s1] =	stream.indirect.scatter.add.f32 [tilespmem:s29], [sflag:$0x5], $0x80, s2, s26, $0xb8;
	[tilespmem:$0x1F000] =	vst v63  }
0x81: {  	_ =	swait.ge [sflag:s6], $0x2000  }
0x82: {  	[sflag:s6] =	ssyncset.done $0x0  }
0x83: {  	s14 =	simm.s32 $0x14180;
	[sflag:s6] =	ssyncadd.s32 $0xFFFFE000  }
0x84: {  	[tilespmem:s21], [sflag:$0x1] =	stream.indirect.gather [hbm4b:s4+s26], $0x80, s14, s26, $0xb8;
	[tilespmem:$0x1F000] =	vst v63  }
0x85: {  	_ =	swait.ge [sflag:s7], $0x2000  }
0x86: {  	[sflag:s7] =	ssyncset.done $0x0  }
0x87: {  	s13 =	simm.s32 $0x16900;
	[sflag:s7] =	ssyncadd.s32 $0xFFFFE000  }
0x88: {  	[spmem:s1] =	stream.indirect.scatter.add.f32 [tilespmem:s31], [sflag:$0x6], $0x80, s13, s26, $0xb8;
	[tilespmem:$0x1F000] =	vst v63  }
0x89: {  	_ =	swait.ge [sflag:s8], $0x2000  }
0x8a: {  	[sflag:s8] =	ssyncset.done $0x0  }
0x8b: {  	s14 =	simm.s32 $0x14200;
	[sflag:s8] =	ssyncadd.s32 $0xFFFFE000  }
0x8c: {  	[tilespmem:s29], [sflag:$0x2] =	stream.indirect.gather [hbm4b:s4+s26], $0x80, s14, s26, $0xb8;
	[tilespmem:$0x1F000] =	vst v63  }
0x8d: {  	_ =	swait.ge [sflag:s22], $0x2000  }
0x8e: {  	[sflag:s22] =	ssyncset.done $0x0  }
0x8f: {  	s13 =	simm.s32 $0x16980;
	[sflag:s22] =	ssyncadd.s32 $0xFFFFE000  }
0x90: {  	[spmem:s1] =	stream.indirect.scatter.add.f32 [tilespmem:s21], [sflag:$0x4], $0x80, s13, s26, $0xb8;
	[tilespmem:$0x1F000] =	vst v63  }
0x91: {  	_ =	swait.ge [sflag:s9], $0x2000  }
0x92: {  	[sflag:s9] =	ssyncset.done $0x0  }
0x93: {  	s14 =	simm.s32 $0x14280;
	[sflag:s9] =	ssyncadd.s32 $0xFFFFE000  }
0x94: {  	[tilespmem:s31], [sflag:$0x3] =	stream.indirect.gather [hbm4b:s4+s26], $0x80, s14, s26, $0xb8;
	[tilespmem:$0x1F000] =	vst v63  }
0x95: {  	_ =	swait.ge [sflag:s0], $0x2000  }
0x96: {  	[sflag:s0] =	ssyncset.done $0x0  }
0x97: {  	s12 =	simm.s32 $0x600;
	s13 =	simm.s32 $0x16A00;
	[sflag:s0] =	ssyncadd.s32 $0xFFFFE000  }
.LBB2_6:
0x98: {  	[spmem:s1] =	stream.indirect.scatter.add.f32 [tilespmem:s29], [sflag:$0x5], $0x80, s13, s26, $0xb8;
	[tilespmem:$0x1F000] =	vst v63  }
0x99: {  	s13 =	smov.u32 s12;
	s12 =	sadd.s32 $0x600, s12;
	_ =	swait.ge [sflag:s6], $0x2000  }
0x9a: {  	s13 =	sshra.s32 s13, $0x2;
	p0 =	sne.s32 s12, $0x9600;
	[sflag:s6] =	ssyncset.done $0x0  }
0x9b: {  	s14 =	sadd.s32 $0x14180, s13;
	[sflag:s6] =	ssyncadd.s32 $0xFFFFE000  }
0x9c: {  	[tilespmem:s21], [sflag:$0x1] =	stream.indirect.gather [hbm4b:s4+s26], $0x80, s14, s26, $0xb8;
	[tilespmem:$0x1F000] =	vst v63  }
0x9d: {  	_ =	swait.ge [sflag:s7], $0x2000  }
0x9e: {  	[sflag:s7] =	ssyncset.done $0x0  }
0x9f: {  	s14 =	sadd.s32 $0x16900, s13;
	[sflag:s7] =	ssyncadd.s32 $0xFFFFE000  }
0xa0: {  	[spmem:s1] =	stream.indirect.scatter.add.f32 [tilespmem:s31], [sflag:$0x6], $0x80, s14, s26, $0xb8;
	[tilespmem:$0x1F000] =	vst v63  }
0xa1: {  	_ =	swait.ge [sflag:s8], $0x2000  }
0xa2: {  	[sflag:s8] =	ssyncset.done $0x0  }
0xa3: {  	s14 =	sadd.s32 $0x14200, s13;
	[sflag:s8] =	ssyncadd.s32 $0xFFFFE000  }
0xa4: {  	[tilespmem:s29], [sflag:$0x2] =	stream.indirect.gather [hbm4b:s4+s26], $0x80, s14, s26, $0xb8;
	[tilespmem:$0x1F000] =	vst v63  }
0xa5: {  	_ =	swait.ge [sflag:s22], $0x2000  }
0xa6: {  	[sflag:s22] =	ssyncset.done $0x0  }
0xa7: {  	s14 =	sadd.s32 $0x16980, s13;
	[sflag:s22] =	ssyncadd.s32 $0xFFFFE000  }
0xa8: {  	[spmem:s1] =	stream.indirect.scatter.add.f32 [tilespmem:s21], [sflag:$0x4], $0x80, s14, s26, $0xb8;
	[tilespmem:$0x1F000] =	vst v63  }
0xa9: {  	_ =	swait.ge [sflag:s9], $0x2000  }
0xaa: {  	[sflag:s9] =	ssyncset.done $0x0  }
.Ltmp2:
0xab: {  	s14 =	sadd.s32 $0x14280, s13;
	[sflag:s9] =	ssyncadd.s32 $0xFFFFE000;
	(pc) =	sbr.rel @p0 .LBB2_6-.Ltmp2, $4  }
0xac: {  	[tilespmem:s31], [sflag:$0x3] =	stream.indirect.gather [hbm4b:s4+s26], $0x80, s14, s26, $0xb8;
	[tilespmem:$0x1F000] =	vst v63  }
0xad: {  	_ =	swait.ge [sflag:s0], $0x2000  }
0xae: {  	[sflag:s0] =	ssyncset.done $0x0  }
0xaf: {  	s13 =	sadd.s32 $0x16A00, s13;
	[sflag:s0] =	ssyncadd.s32 $0xFFFFE000  }
0xb0: {  	[spmem:s1] =	stream.indirect.scatter.add.f32 [tilespmem:s29], [sflag:$0x5], $0x80, s13, s26, $0xb8;
	[tilespmem:$0x1F000] =	vst v63  }
0xb1: {  	_ =	swait.ge [sflag:s6], $0x2000  }
0xb2: {  	s12 =	sshra.s32 s12, $0x2;
	[sflag:s6] =	ssyncset.done $0x0  }
0xb3: {  	s14 =	sadd.s32 $0x14180, s12;
	[sflag:s6] =	ssyncadd.s32 $0xFFFFE000  }
0xb4: {  	[tilespmem:s21], [sflag:$0x1] =	stream.indirect.gather [hbm4b:s4+s26], $0x80, s14, s26, $0xb8;
	[tilespmem:$0x1F000] =	vst v63  }
0xb5: {  	_ =	swait.ge [sflag:s7], $0x2000  }
0xb6: {  	[sflag:s7] =	ssyncset.done $0x0  }
0xb7: {  	s14 =	sadd.s32 $0x16900, s12;
	[sflag:s7] =	ssyncadd.s32 $0xFFFFE000  }
0xb8: {  	[spmem:s1] =	stream.indirect.scatter.add.f32 [tilespmem:s31], [sflag:$0x6], $0x80, s14, s26, $0xb8;
	[tilespmem:$0x1F000] =	vst v63  }
0xb9: {  	_ =	swait.ge [sflag:s8], $0x2000  }
0xba: {  	[sflag:s8] =	ssyncset.done $0x0  }
0xbb: {  	[sflag:s8] =	ssyncadd.s32 $0xFFFFE000  }
0xbc: {  	[tilespmem:s29], [sflag:$0x2] =	stream.indirect.gather [hbm4b:s4+s26], $0x80, s10, s26, $0xb8;
	[tilespmem:$0x1F000] =	vst v63  }
0xbd: {  	_ =	swait.ge [sflag:s22], $0x2000  }
0xbe: {  	[sflag:s22] =	ssyncset.done $0x0  }
0xbf: {  	s12 =	sadd.s32 $0x16980, s12;
	[sflag:s22] =	ssyncadd.s32 $0xFFFFE000  }
0xc0: {  	[spmem:s1] =	stream.indirect.scatter.add.f32 [tilespmem:s21], [sflag:$0x4], $0x80, s12, s26, $0xb8;
	[tilespmem:$0x1F000] =	vst v63  }
0xc1: {  	_ =	swait.ge [sflag:s0], $0x2000  }
0xc2: {  	[sflag:s0] =	ssyncset.done $0x0  }
0xc3: {  	[sflag:s0] =	ssyncadd.s32 $0xFFFFE000  }
0xc4: {  	[spmem:s1] =	stream.indirect.scatter.add.f32 [tilespmem:s29], [sflag:$0x5], $0x80, s11, s26, $0xb8;
	[tilespmem:$0x1F000] =	vst v63  }
0xc5: {  	_ =	swait.ge [sflag:s6], $0x2000  }
0xc6: {  	[sflag:s6] =	ssyncset.done $0x0  }
0xc7: {  	[sflag:s6] =	ssyncadd.s32 $0xFFFFE000  }
0xc8: {  	_ =	swait.ge [sflag:s8], $0x2000  }
0xc9: {  	[sflag:s8] =	ssyncset.done $0x0  }
0xca: {  	[sflag:s8] =	ssyncadd.s32 $0xFFFFE000  }
0xcb: {  	_ =	swait.ge [sflag:s9], $0x2000  }
0xcc: {  	[sflag:s9] =	ssyncset.done $0x0  }
0xcd: {  	s12 =	simm.s32 $0x0;
	s14 =	rddreg [dreg:$0x5];
	[sflag:s9] =	ssyncadd.s32 $0xFFFFE000  }
0xce: {  	[tilespmem:s23], [sflag:$0x7] =	stream.linear.gather [hbm4b:s14+s12], $0x2800, $0x38;
	[tilespmem:$0x1F000] =	vst v63  }
0xcf: {  	_ =	swait.ge [sflag:s24], $0x2800  }
0xd0: {  	[sflag:s24] =	ssyncset.done $0x0  }
0xd1: {  	s14 =	rddreg [dreg:$0x6];
	[sflag:s24] =	ssyncadd.s32 $0xFFFFD800  }
0xd2: {  	[tilespmem:s25], [sflag:$0x7] =	stream.linear.gather [hbm4b:s14+s12], $0x2800, $0x38;
	[tilespmem:$0x1F000] =	vst v63  }
0xd3: {  	_ =	swait.ge [sflag:s24], $0x2800  }
0xd4: {  	[sflag:s24] =	ssyncset.done $0x0  }
0xd5: {  	s12 =	simm.s32 $0x0;
	[sflag:s24] =	ssyncadd.s32 $0xFFFFD800  }
0xd6: {  	v4 =	vld [tilespmem:s12+$0x14000]  }
0xd7: {  	v3 =	vld [tilespmem:s12+$0x14010]  }
0xd8: {  	s13 =	simm.s32 $0x200;
	v2 =	vld [tilespmem:s12+$0x14020]  }
.LBB2_8:
0xd9: {  	p0 =	sne.s32 s13, $0x9E00;
	v5 =	vld [tilespmem:s12+$0x14030];
	_ =	sdelay $0x1  }
.Ltmp3:
0xda: {  	v4 =	vadd.s32 v0, v4;
	(pc) =	sbr.rel @p0 .LBB2_8-.Ltmp3, $4  }
0xdb: {  	s14 =	sshra.s32 s13, $0x2;
	[tilespmem:s12+$0x14000] =	vst v4;
	v3 =	vadd.s32 v0, v3  }
0xdc: {  	v4 =	vld [tilespmem:s14+$0x14000];
	[tilespmem:s12+$0x14010] =	vst v3;
	v2 =	vadd.s32 v0, v2  }
0xdd: {  	v3 =	vld [tilespmem:s14+$0x14010];
	[tilespmem:s12+$0x14020] =	vst v2;
	v5 =	vadd.s32 v0, v5  }
0xde: {  	s13 =	sadd.s32 $0x200, s13;
	v2 =	vld [tilespmem:s14+$0x14020];
	[tilespmem:s12+$0x14030] =	vst v5;
	s12 =	smov.u32 s14  }
0xdf: {  	v5 =	vld [tilespmem:s12+$0x14030];
	_ =	sdelay $0x1  }
0xe0: {  	v4 =	vadd.s32 v0, v4  }
0xe1: {  	[tilespmem:s12+$0x14000] =	vst v4;
	v3 =	vadd.s32 v0, v3  }
0xe2: {  	[tilespmem:s12+$0x14010] =	vst v3;
	v2 =	vadd.s32 v0, v2  }
0xe3: {  	[tilespmem:s12+$0x14020] =	vst v2;
	v2 =	vadd.s32 v0, v5  }
0xe4: {  	[tilespmem:s12+$0x14030] =	vst v2  }
0xe5: {  	[tilespmem:s21], [sflag:$0x1] =	stream.indirect.gather [hbm4b:s4+s26], $0x80, s23, s26, $0xb8;
	[tilespmem:$0x1F000] =	vst v63  }
0xe6: {  	_ = 	snop  }
0xe7: {  	[tilespmem:s29], [sflag:$0x2] =	stream.indirect.gather [hbm4b:s4+s26], $0x80, s28, s26, $0xb8;
	[tilespmem:$0x1F000] =	vst v63  }
0xe8: {  	_ =	swait.ge [sflag:s22], $0x2000  }
0xe9: {  	[sflag:s22] =	ssyncset.done $0x0  }
0xea: {  	[sflag:s22] =	ssyncadd.s32 $0xFFFFE000  }
0xeb: {  	[spmem:s1] =	stream.indirect.scatter.add.f32 [tilespmem:s21], [sflag:$0x4], $0x80, s25, s26, $0xb8;
	[tilespmem:$0x1F000] =	vst v63  }
0xec: {  	_ = 	snop  }
0xed: {  	[tilespmem:s31], [sflag:$0x3] =	stream.indirect.gather [hbm4b:s4+s26], $0x80, s30, s26, $0xb8;
	[tilespmem:$0x1F000] =	vst v63  }
0xee: {  	_ =	swait.ge [sflag:s0], $0x2000  }
0xef: {  	[sflag:s0] =	ssyncset.done $0x0  }
0xf0: {  	[sflag:s0] =	ssyncadd.s32 $0xFFFFE000  }
0xf1: {  	[spmem:s1] =	stream.indirect.scatter.add.f32 [tilespmem:s29], [sflag:$0x5], $0x80, s2, s26, $0xb8;
	[tilespmem:$0x1F000] =	vst v63  }
0xf2: {  	_ =	swait.ge [sflag:s6], $0x2000  }
0xf3: {  	[sflag:s6] =	ssyncset.done $0x0  }
0xf4: {  	s14 =	simm.s32 $0x14180;
	[sflag:s6] =	ssyncadd.s32 $0xFFFFE000  }
0xf5: {  	[tilespmem:s21], [sflag:$0x1] =	stream.indirect.gather [hbm4b:s4+s26], $0x80, s14, s26, $0xb8;
	[tilespmem:$0x1F000] =	vst v63  }
0xf6: {  	_ =	swait.ge [sflag:s7], $0x2000  }
0xf7: {  	[sflag:s7] =	ssyncset.done $0x0  }
0xf8: {  	s13 =	simm.s32 $0x16900;
	[sflag:s7] =	ssyncadd.s32 $0xFFFFE000  }
0xf9: {  	[spmem:s1] =	stream.indirect.scatter.add.f32 [tilespmem:s31], [sflag:$0x6], $0x80, s13, s26, $0xb8;
	[tilespmem:$0x1F000] =	vst v63  }
0xfa: {  	_ =	swait.ge [sflag:s8], $0x2000  }
0xfb: {  	[sflag:s8] =	ssyncset.done $0x0  }
0xfc: {  	s14 =	simm.s32 $0x14200;
	[sflag:s8] =	ssyncadd.s32 $0xFFFFE000  }
0xfd: {  	[tilespmem:s29], [sflag:$0x2] =	stream.indirect.gather [hbm4b:s4+s26], $0x80, s14, s26, $0xb8;
	[tilespmem:$0x1F000] =	vst v63  }
0xfe: {  	_ =	swait.ge [sflag:s22], $0x2000  }
0xff: {  	[sflag:s22] =	ssyncset.done $0x0  }
0x100: {  	s13 =	simm.s32 $0x16980;
	[sflag:s22] =	ssyncadd.s32 $0xFFFFE000  }
0x101: {  	[spmem:s1] =	stream.indirect.scatter.add.f32 [tilespmem:s21], [sflag:$0x4], $0x80, s13, s26, $0xb8;
	[tilespmem:$0x1F000] =	vst v63  }
0x102: {  	_ =	swait.ge [sflag:s9], $0x2000  }
0x103: {  	[sflag:s9] =	ssyncset.done $0x0  }
0x104: {  	s14 =	simm.s32 $0x14280;
	[sflag:s9] =	ssyncadd.s32 $0xFFFFE000  }
0x105: {  	[tilespmem:s31], [sflag:$0x3] =	stream.indirect.gather [hbm4b:s4+s26], $0x80, s14, s26, $0xb8;
	[tilespmem:$0x1F000] =	vst v63  }
0x106: {  	_ =	swait.ge [sflag:s0], $0x2000  }
0x107: {  	[sflag:s0] =	ssyncset.done $0x0  }
0x108: {  	s12 =	simm.s32 $0x600;
	s13 =	simm.s32 $0x16A00;
	[sflag:s0] =	ssyncadd.s32 $0xFFFFE000  }
.LBB2_10:
0x109: {  	[spmem:s1] =	stream.indirect.scatter.add.f32 [tilespmem:s29], [sflag:$0x5], $0x80, s13, s26, $0xb8;
	[tilespmem:$0x1F000] =	vst v63  }
0x10a: {  	s13 =	smov.u32 s12;
	s12 =	sadd.s32 $0x600, s12;
	_ =	swait.ge [sflag:s6], $0x2000  }
0x10b: {  	s13 =	sshra.s32 s13, $0x2;
	p0 =	sne.s32 s12, $0x9600;
	[sflag:s6] =	ssyncset.done $0x0  }
0x10c: {  	s14 =	sadd.s32 $0x14180, s13;
	[sflag:s6] =	ssyncadd.s32 $0xFFFFE000  }
0x10d: {  	[tilespmem:s21], [sflag:$0x1] =	stream.indirect.gather [hbm4b:s4+s26], $0x80, s14, s26, $0xb8;
	[tilespmem:$0x1F000] =	vst v63  }
0x10e: {  	_ =	swait.ge [sflag:s7], $0x2000  }
0x10f: {  	[sflag:s7] =	ssyncset.done $0x0  }
0x110: {  	s14 =	sadd.s32 $0x16900, s13;
	[sflag:s7] =	ssyncadd.s32 $0xFFFFE000  }
0x111: {  	[spmem:s1] =	stream.indirect.scatter.add.f32 [tilespmem:s31], [sflag:$0x6], $0x80, s14, s26, $0xb8;
	[tilespmem:$0x1F000] =	vst v63  }
0x112: {  	_ =	swait.ge [sflag:s8], $0x2000  }
0x113: {  	[sflag:s8] =	ssyncset.done $0x0  }
0x114: {  	s14 =	sadd.s32 $0x14200, s13;
	[sflag:s8] =	ssyncadd.s32 $0xFFFFE000  }
0x115: {  	[tilespmem:s29], [sflag:$0x2] =	stream.indirect.gather [hbm4b:s4+s26], $0x80, s14, s26, $0xb8;
	[tilespmem:$0x1F000] =	vst v63  }
0x116: {  	_ =	swait.ge [sflag:s22], $0x2000  }
0x117: {  	[sflag:s22] =	ssyncset.done $0x0  }
0x118: {  	s14 =	sadd.s32 $0x16980, s13;
	[sflag:s22] =	ssyncadd.s32 $0xFFFFE000  }
0x119: {  	[spmem:s1] =	stream.indirect.scatter.add.f32 [tilespmem:s21], [sflag:$0x4], $0x80, s14, s26, $0xb8;
	[tilespmem:$0x1F000] =	vst v63  }
0x11a: {  	_ =	swait.ge [sflag:s9], $0x2000  }
0x11b: {  	[sflag:s9] =	ssyncset.done $0x0  }
.Ltmp4:
0x11c: {  	s14 =	sadd.s32 $0x14280, s13;
	[sflag:s9] =	ssyncadd.s32 $0xFFFFE000;
	(pc) =	sbr.rel @p0 .LBB2_10-.Ltmp4, $4  }
0x11d: {  	[tilespmem:s31], [sflag:$0x3] =	stream.indirect.gather [hbm4b:s4+s26], $0x80, s14, s26, $0xb8;
	[tilespmem:$0x1F000] =	vst v63  }
0x11e: {  	_ =	swait.ge [sflag:s0], $0x2000  }
0x11f: {  	[sflag:s0] =	ssyncset.done $0x0  }
0x120: {  	s13 =	sadd.s32 $0x16A00, s13;
	[sflag:s0] =	ssyncadd.s32 $0xFFFFE000  }
0x121: {  	[spmem:s1] =	stream.indirect.scatter.add.f32 [tilespmem:s29], [sflag:$0x5], $0x80, s13, s26, $0xb8;
	[tilespmem:$0x1F000] =	vst v63  }
0x122: {  	_ =	swait.ge [sflag:s6], $0x2000  }
0x123: {  	s12 =	sshra.s32 s12, $0x2;
	[sflag:s6] =	ssyncset.done $0x0  }
0x124: {  	s14 =	sadd.s32 $0x14180, s12;
	[sflag:s6] =	ssyncadd.s32 $0xFFFFE000  }
0x125: {  	[tilespmem:s21], [sflag:$0x1] =	stream.indirect.gather [hbm4b:s4+s26], $0x80, s14, s26, $0xb8;
	[tilespmem:$0x1F000] =	vst v63  }
0x126: {  	_ =	swait.ge [sflag:s7], $0x2000  }
0x127: {  	[sflag:s7] =	ssyncset.done $0x0  }
0x128: {  	s14 =	sadd.s32 $0x16900, s12;
	[sflag:s7] =	ssyncadd.s32 $0xFFFFE000  }
0x129: {  	[spmem:s1] =	stream.indirect.scatter.add.f32 [tilespmem:s31], [sflag:$0x6], $0x80, s14, s26, $0xb8;
	[tilespmem:$0x1F000] =	vst v63  }
0x12a: {  	_ =	swait.ge [sflag:s8], $0x2000  }
0x12b: {  	[sflag:s8] =	ssyncset.done $0x0  }
0x12c: {  	[sflag:s8] =	ssyncadd.s32 $0xFFFFE000  }
0x12d: {  	[tilespmem:s29], [sflag:$0x2] =	stream.indirect.gather [hbm4b:s4+s26], $0x80, s10, s26, $0xb8;
	[tilespmem:$0x1F000] =	vst v63  }
0x12e: {  	_ =	swait.ge [sflag:s22], $0x2000  }
0x12f: {  	[sflag:s22] =	ssyncset.done $0x0  }
0x130: {  	s12 =	sadd.s32 $0x16980, s12;
	[sflag:s22] =	ssyncadd.s32 $0xFFFFE000  }
0x131: {  	[spmem:s1] =	stream.indirect.scatter.add.f32 [tilespmem:s21], [sflag:$0x4], $0x80, s12, s26, $0xb8;
	[tilespmem:$0x1F000] =	vst v63  }
0x132: {  	_ =	swait.ge [sflag:s0], $0x2000  }
0x133: {  	[sflag:s0] =	ssyncset.done $0x0  }
0x134: {  	[sflag:s0] =	ssyncadd.s32 $0xFFFFE000  }
0x135: {  	[spmem:s1] =	stream.indirect.scatter.add.f32 [tilespmem:s29], [sflag:$0x5], $0x80, s11, s26, $0xb8;
	[tilespmem:$0x1F000] =	vst v63  }
0x136: {  	_ =	swait.ge [sflag:s6], $0x2000  }
0x137: {  	[sflag:s6] =	ssyncset.done $0x0  }
0x138: {  	[sflag:s6] =	ssyncadd.s32 $0xFFFFE000  }
0x139: {  	_ =	swait.ge [sflag:s8], $0x2000  }
0x13a: {  	[sflag:s8] =	ssyncset.done $0x0  }
0x13b: {  	[sflag:s8] =	ssyncadd.s32 $0xFFFFE000  }
0x13c: {  	_ =	swait.ge [sflag:s9], $0x2000  }
0x13d: {  	[sflag:s9] =	ssyncset.done $0x0  }
0x13e: {  	s13 =	stileid.u32;
	[sflag:s9] =	ssyncadd.s32 $0xFFFFE000  }
0x13f: {  	s12 =	sshll.u32 s13, $0x6;
	[bflag:$0x0] =	sbarrier.arrive $0xFFFF  }
0x140: {  	s13 =	sshrl.u32 s5, $0x3;
	s12 =	sor.u32 $0x1C07, s12;
	s14 =	rddreg [dreg:$0x7]  }
0x141: {  	[hbm:s14], [sflag:s12] =	dma.local [spmem:s13], $0x2800  }
0x142: {  	_ =	swait.ge [sflag:s24], $0x2800  }
0x143: {  	s3 =	sadd.s32 $0x1, s3;
	s14 =	rddreg [dreg:$0x8]  }
0x144: {  	p0 =	sne.s32 s3, s14  }
.Ltmp5:
0x145: {  	_ = 	snop;
	(pc) =	sbr.rel @p0 .LBB2_1-.Ltmp5, $3  }
0x146: {  	_ =	sdelay $0x1  }
0x147: {  	[sflag:s24] =	ssyncset.done $0x0  }
0x148: {  	[sflag:s24] =	ssyncadd.s32 $0xFFFFD800  }
0x149: {  	_ =	sfence.sel $0x180000  }
0x14a: {  	[bflag:$0x0] =	sbarrier.arrive $0xFFFF  }
0x14b: {  	_ =	strace $0x90000053  }
0x14c: {  	s0 =	stileid.u32;
	[bflag:$0x2] =	sbarrier.arrive $0xFFFF  }
0x14d: {  	p0 =	sne.s32 s0, $0x0;
	s0 =	rddreg [dreg:$0x2]  }
0x14e: {  	s0 =	sadd.s32 @!p0 $0x100000, s0  }
0x14f: {  	[sflag:s0] =	ssyncadd.tile.s32 @!p0 $0x1;
	_ =	shalt  }
.Lfunc_end2:
_tile_overlayer_lowered:
.L_overlay_start_2:
0x150: {  	(tag) =	ssettag $0x2  }
0x151: {  	s0 =	rddreg [dreg:$0x0];
	s2 =	stileid.u32  }
0x152: {  	s1 =	rddreg [dreg:$0x1];
	p0 =	sne.s32 s2, $0x0  }
0x153: {  	s3 =	rddreg [dreg:$0x2];
	[bflag:$0x3] =	sbarrier.arrive $0xFFFF;
	s2 =	simm.s32 @!p0 $0x1C07  }
0x154: {  	[timem:s3], [sflag:s2] =	dma.local @!p0 [hbm:s0], s1  }
0x155: {  	s0 =	simm.s32 @!p0 $0x7  }
0x156: {  	_ =	swait.ge @!p0 [sflag:s0], s1  }
0x157: {  	s1 =	ssub.s32 @!p0 $0x0, s1;
	[sflag:s0] =	ssyncset.done @!p0 $0x0  }
0x158: {  	[sflag:s0] =	ssyncadd.s32 @!p0 s1  }
0x159: {  	[bflag:$0x3] =	sbarrier.arrive $0xFFFF  }
0x15a: {  	_ =	shalt  }

</sc_bundles>
